<compile_context>
chip_gen: v7x
topology: tpu7x:2x2x1
jax: 0.10.2.dev20260603
libtpu: 0.0.44.dev20260713+nightly
codegen_flags: <defaults>
</compile_context>

<pallas_src>
import jax
import jax.numpy as jnp
from jax import lax
from jax.experimental import pallas as pl
from jax.experimental.pallas import tpu as pltpu
from jax.experimental.pallas import tpu_sc as plsc

_EMB = 128
_BATCH = 512
_NC, _NS = 2, 16
_NW = _NC * _NS
_BPW = _BATCH // _NW
_L = 16
_NCH = _EMB // _L
_NTERM = 9
_NG = 6

_GATHERS = (
    ("cls", 0, 0, 0), ("cls", 1, 1, 0),
    ("cls", 2, 2, 1), ("cls", 3, 3, 1), ("cls", 4, 4, 1),
    ("cls", 5, 5, 2), ("cls", 7, 6, 2), ("bmp", 5, 0, 2),
    ("bmp", 7, 1, 2), ("rh", 6, 0, 2), ("rt", 6, 0, 2),
    ("cls", 10, 7, 3), ("bmp", 9, 2, 3), ("rh", 8, 1, 3),
    ("cls", 11, 8, 4), ("cls", 12, 9, 4),
    ("cls", 13, 10, 5), ("cls", 15, 11, 5), ("bmp", 13, 3, 5),
    ("bmp", 15, 4, 5), ("rh", 14, 2, 5), ("rt", 14, 1, 5),
)


def _sc_body(idx_hbm, cls_hbm, bmp_hbm, rh_hbm, rt_hbm,
             out_hbm, idx_v, cls_v, bmp_v, rh_v, rt_v, out_v,
             ssem, gsem):
    wid = lax.axis_index("s") * _NC + lax.axis_index("c")
    base = wid * _BPW

    pltpu.async_copy(idx_hbm.at[:, pl.ds(wid, 1), :], idx_v, ssem).wait()

    tabs = {"cls": (cls_hbm, cls_v), "bmp": (bmp_hbm, bmp_v),
            "rh": (rh_hbm, rh_v), "rt": (rt_hbm, rt_v)}
    groups = [[] for _ in range(_NG)]
    for tab, row, slot, grp in _GATHERS:
        hbm, dst = tabs[tab]
        groups[grp].append(pltpu.async_copy(hbm.at[idx_v.at[row, 0]],
                                            dst.at[slot], gsem.at[grp]))

    def incl(c1, o1, c2, o2):
        r = jnp.maximum(jnp.abs(c1 - c2) + o1 - o2, 0.0)
        return r * r

    def disj(c1, o1, c2, o2):
        r = jnp.maximum(jnp.abs(c1 - c2) - o1 - o2, 0.0)
        return r * r

    def C(slot, i, lo):
        return cls_v[slot, i, pl.ds(lo, _L)]

    def O(slot, i, lo):
        return jnp.abs(cls_v[slot, i, pl.ds(_EMB + lo, _L)])

    def B(slot, i, lo):
        return bmp_v[slot, i, pl.ds(lo, _L)]

    def HC(slot, i, lo):
        return rh_v[slot, i, pl.ds(lo, _L)]

    def HO(slot, i, lo):
        return jnp.abs(rh_v[slot, i, pl.ds(_EMB + lo, _L)])

    def TC(slot, i, lo):
        return rt_v[slot, i, pl.ds(lo, _L)]

    def TO(slot, i, lo):
        return jnp.abs(rt_v[slot, i, pl.ds(_EMB + lo, _L)])

    def zeros():
        return jnp.zeros((_L,), jnp.float32)

    def g0(i):
        a = zeros()
        for j in range(_NCH):
            lo = j * _L
            a = a + incl(C(0, i, lo), O(0, i, lo), C(1, i, lo), O(1, i, lo))
        out_v[i, 0, :] = a

    def g1(i):
        aA, aB = zeros(), zeros()
        for j in range(_NCH):
            lo = j * _L
            cc, co = C(2, i, lo), O(2, i, lo)
            dc, do = C(3, i, lo), O(3, i, lo)
            lower = jnp.maximum(cc - co, dc - do)
            upper = jnp.minimum(cc + co, dc + do)
            ic = 0.5 * (lower + upper)
            io = 0.5 * (upper - lower)
            aA = aA + incl(ic, io, C(4, i, lo), O(4, i, lo))
            rlu = jnp.maximum(lower - upper, 0.0)
            aB = aB + rlu * rlu
        out_v[i, 1, :] = aA
        out_v[i, 2, :] = aB

    def g2(i):
        a3, a4 = zeros(), zeros()
        for j in range(_NCH):
            lo = j * _L
            a3 = a3 + incl(C(5, i, lo) + B(1, i, lo), O(5, i, lo),
                           HC(0, i, lo), HO(0, i, lo))
            a4 = a4 + incl(C(6, i, lo) + B(0, i, lo), O(6, i, lo),
                           TC(0, i, lo), TO(0, i, lo))
        out_v[i, 3, :] = a3
        out_v[i, 4, :] = a4

    def g3(i):
        a = zeros()
        for j in range(_NCH):
            lo = j * _L
            a = a + incl(HC(1, i, lo) - B(2, i, lo), HO(1, i, lo),
                         C(7, i, lo), O(7, i, lo))
        out_v[i, 5, :] = a

    def g4(i):
        a = zeros()
        for j in range(_NCH):
            lo = j * _L
            a = a + disj(C(8, i, lo), O(8, i, lo), C(9, i, lo), O(9, i, lo))
        out_v[i, 6, :] = a

    def g5(i):
        a7, a8 = zeros(), zeros()
        for j in range(_NCH):
            lo = j * _L
            a7 = a7 + disj(C(10, i, lo) + B(4, i, lo), O(10, i, lo),
                           HC(2, i, lo), HO(2, i, lo))
            a8 = a8 + disj(C(11, i, lo) + B(3, i, lo), O(11, i, lo),
                           TC(1, i, lo), TO(1, i, lo))
        out_v[i, 7, :] = a7
        out_v[i, 8, :] = a8

    def run_group(grp, compute_item):
        for dsc in groups[grp]:
            dsc.wait()

        def it(i, carry):
            compute_item(i)
            return carry

        lax.fori_loop(0, _BPW, it, 0)

    for grp, fn in enumerate((g0, g1, g2, g3, g4, g5)):
        with jax.named_scope(f"grp{grp}"):
            run_group(grp, fn)
    with jax.named_scope("outcopy"):
        pltpu.sync_copy(out_v, out_hbm.at[pl.ds(base, _BPW)])


def _tc_body(x_ref, b_ref, m_ref, o_ref):
    x = x_ref[...]
    s = jax.lax.dot_general(x, m_ref[...], (((1,), (0,)), ((), ())),
                            preferred_element_type=jnp.float32)
    rt = jnp.sqrt(s)
    u = jnp.concatenate([
        s[:, 0:1],
        s[:, 1:2], s[:, 2:3], rt[:, 1:2], rt[:, 2:3],
        s[:, 3:4] + s[:, 4:5],
        jnp.sqrt(s[:, 3:4] * s[:, 4:5]),
        s[:, 5:6],
        (2.0 - rt[:, 6:7]) ** 2,
        (2.0 - rt[:, 7:8]) ** 2, (2.0 - rt[:, 8:9]) ** 2,
        jnp.zeros((_BATCH, 5), jnp.float32),
    ], axis=1)
    m = jax.lax.dot_general(jnp.ones((1, _BATCH), jnp.float32), u,
                            (((1,), (0,)), ((), ())),
                            preferred_element_type=jnp.float32) / _BATCH
    loss1 = m[0, 0]
    loss2 = m[0, 1] + m[0, 2] + 2.0 * m[0, 3] * m[0, 4]
    loss3 = 0.25 * (m[0, 5] + 2.0 * m[0, 6])
    loss4 = m[0, 7]
    dloss = m[0, 8]
    nloss = m[0, 9] + m[0, 10]
    b = b_ref[...]
    rs = jax.lax.dot_general(b * b, jnp.ones((_EMB, 1), jnp.float32),
                             (((1,), (0,)), ((), ())),
                             preferred_element_type=jnp.float32)
    rn = jnp.sqrt(rs)
    reg = 0.05 * (jax.lax.dot_general(jnp.ones((1, rs.shape[0]), jnp.float32),
                                      rn, (((1,), (0,)), ((), ())),
                                      preferred_element_type=jnp.float32)
                  [0, 0] / rs.shape[0])
    total = loss1 + loss2 + dloss + loss3 + loss4 + nloss + reg
    o_ref[...] = jnp.reshape(total, (1, 1))


def kernel(nf1, nf2, nf3, nf4, disjoint, nf3_neg, class_embeds, bumps,
           relation_heads, relation_tails):
    sc = pl.kernel(
        _sc_body,
        out_type=jax.ShapeDtypeStruct((_BATCH, _NTERM, _L), jnp.float32),
        mesh=plsc.VectorSubcoreMesh(core_axis_name="c", subcore_axis_name="s",
                                    num_cores=_NC, num_subcores=_NS),
        scratch_types=[
            pltpu.VMEM((16, 1, _BPW), jnp.int32),
            pltpu.VMEM((12, _BPW, 2 * _EMB), jnp.float32),
            pltpu.VMEM((5, _BPW, _EMB), jnp.float32),
            pltpu.VMEM((3, _BPW, 2 * _EMB), jnp.float32),
            pltpu.VMEM((2, _BPW, 2 * _EMB), jnp.float32),
            pltpu.VMEM((_BPW, _NTERM, _L), jnp.float32),
            pltpu.SemaphoreType.DMA,
            pltpu.SemaphoreType.DMA((_NG,)),
        ],
    )
    idx = jnp.stack([
        nf1[:_BATCH, 0], nf1[:_BATCH, 1],
        nf2[:_BATCH, 0], nf2[:_BATCH, 1], nf2[:_BATCH, 2],
        nf3[:_BATCH, 0], nf3[:_BATCH, 1], nf3[:_BATCH, 2],
        nf4[:_BATCH, 0], nf4[:_BATCH, 1], nf4[:_BATCH, 2],
        disjoint[:_BATCH, 0], disjoint[:_BATCH, 1],
        nf3_neg[:_BATCH, 0], nf3_neg[:_BATCH, 1], nf3_neg[:_BATCH, 2],
    ], axis=0).astype(jnp.int32).reshape(16, _NW, _BPW)

    part = sc(idx, class_embeds, bumps, relation_heads, relation_tails)

    onehot = (jnp.arange(_NTERM * _L, dtype=jnp.int32)[:, None] // _L
              == jnp.arange(_L, dtype=jnp.int32)[None, :]).astype(jnp.float32)
    tot = pl.pallas_call(
        _tc_body,
        out_shape=jax.ShapeDtypeStruct((1, 1), jnp.float32),
    )(part.reshape(_BATCH, _NTERM * _L), bumps, onehot)
    return tot[0, 0]

# --- scband reference (transcript-rebuilt; emitter-appended) ---
"""Pipeline reference for scband-box-sq-el-45380624449823 (READ-ONLY COPY).

The authoritative reference and input builder live on the scoring server;
editing this copy changes nothing except your own understanding.
"""

import jax, jax.numpy as jnp
import numpy as np

EMB = 128
MARGIN = 0.0
DISJOINT_DIST = 2.0
REG = 0.05
BATCH = 512


def _boxes(emb):
    return emb[:, :EMB], jnp.abs(emb[:, EMB:])


def _incl(c1, o1, c2, o2):
    diffs = jnp.abs(c1 - c2)
    return jnp.linalg.norm(jax.nn.relu(diffs + o1 - o2 - MARGIN), axis=1).reshape(-1, 1)


def _disj(c1, o1, c2, o2):
    diffs = jnp.abs(c1 - c2)
    return jnp.linalg.norm(jax.nn.relu(diffs - o1 - o2 + MARGIN), axis=1).reshape(-1, 1)


def _forward(class_embeds, bumps, relation_heads, relation_tails, nf1, nf2, nf3, nf4, disjoint, nf3_neg):
    # deterministic stand-in for np.random.choice(len(.), size=512): take first 512 rows
    nf1 = nf1[:BATCH]
    nf2 = nf2[:BATCH]
    nf3 = nf3[:BATCH]
    nf4 = nf4[:BATCH]
    disjoint = disjoint[:BATCH]
    nf3_neg = nf3_neg[:BATCH]

    # nf1: C subclass D
    c = class_embeds[nf1[:, 0]]
    d = class_embeds[nf1[:, 1]]
    cc, co = _boxes(c)
    dc, do = _boxes(d)
    loss1 = jnp.mean(jnp.square(_incl(cc, co, dc, do)))

    # nf2: C and D subclass E (box intersection)
    c = class_embeds[nf2[:, 0]]
    d = class_embeds[nf2[:, 1]]
    e = class_embeds[nf2[:, 2]]
    cc, co = _boxes(c)
    dc, do = _boxes(d)
    ec, eo = _boxes(e)
    lower = jnp.maximum(cc - co, dc - do)
    upper = jnp.minimum(cc + co, dc + do)
    ic = 0.5 * (lower + upper)
    io = 0.5 * (upper - lower)
    l2 = _incl(ic, io, ec, eo) + jnp.linalg.norm(jax.nn.relu(lower - upper), axis=1)
    loss2 = jnp.mean(jnp.square(l2))

    # nf3: C subclass r some D (bumps + relation head/tail boxes)
    c = class_embeds[nf3[:, 0]]
    d = class_embeds[nf3[:, 2]]
    cb = bumps[nf3[:, 0]]
    db = bumps[nf3[:, 2]]
    rh = relation_heads[nf3[:, 1]]
    rt = relation_tails[nf3[:, 1]]
    cc, co = _boxes(c)
    dc, do = _boxes(d)
    hc, ho = _boxes(rh)
    tc, to = _boxes(rt)
    d1 = _incl(cc + db, co, hc, ho)
    d2 = _incl(dc + cb, do, tc, to)
    loss3 = jnp.mean(jnp.square((d1 + d2) / 2.0))

    # nf4: r some C subclass D
    d = class_embeds[nf4[:, 2]]
    cb = bumps[nf4[:, 1]]
    rh = relation_heads[nf4[:, 0]]
    dc, do = _boxes(d)
    hc, ho = _boxes(rh)
    loss4 = jnp.mean(jnp.square(_incl(hc - cb, ho, dc, do)))

    # disjointness
    c = class_embeds[disjoint[:, 0]]
    d = class_embeds[disjoint[:, 1]]
    cc, co = _boxes(c)
    dc, do = _boxes(d)
    dloss = jnp.mean(jnp.square(DISJOINT_DIST - _disj(cc, co, dc, do)))

    # nf3 negatives
    c = class_embeds[nf3_neg[:, 0]]
    d = class_embeds[nf3_neg[:, 2]]
    cb = bumps[nf3_neg[:, 0]]
    db = bumps[nf3_neg[:, 2]]
    rh = relation_heads[nf3_neg[:, 1]]
    rt = relation_tails[nf3_neg[:, 1]]
    cc, co = _boxes(c)
    dc, do = _boxes(d)
    hc, ho = _boxes(rh)
    tc, to = _boxes(rt)
    n1 = _disj(cc + db, co, hc, ho)
    n2 = _disj(dc + cb, do, tc, to)
    nloss = jnp.mean(jnp.square(DISJOINT_DIST - n1)) + jnp.mean(jnp.square(DISJOINT_DIST - n2))

    reg = REG * jnp.mean(jnp.linalg.norm(bumps, axis=1).reshape(-1, 1))
    return loss1 + loss2 + dloss + loss3 + loss4 + nloss + reg


def setup_inputs(seed: int = 0) -> dict:
    key = jax.random.key(seed)
    ks = jax.random.split(key, 10)
    C, R, D2, D, N = 1000, 200, 256, 128, 16384

    def init_emb(k, n, dim):
        w = jax.random.uniform(k, (n, dim), minval=-1.0, maxval=1.0, dtype=jnp.float32)
        return w / jnp.linalg.norm(w, axis=1, keepdims=True)

    return {
        "nf1": jax.random.randint(ks[0], (N, 2), 0, 950, dtype=jnp.int32),
        "nf2": jax.random.randint(ks[1], (N, 3), 0, 950, dtype=jnp.int32),
        "nf3": jax.random.randint(ks[2], (N, 3), 0, 150, dtype=jnp.int32),
        "nf4": jax.random.randint(ks[3], (N, 3), 0, 150, dtype=jnp.int32),
        "disjoint": jax.random.randint(ks[4], (N, 2), 0, 950, dtype=jnp.int32),
        "nf3_neg": jax.random.randint(ks[5], (N, 3), 0, 150, dtype=jnp.int32),
        "class_embeds": init_emb(ks[6], C, D2),
        "bumps": init_emb(ks[7], C, D),
        "relation_heads": init_emb(ks[8], R, D2),
        "relation_tails": init_emb(ks[9], R, D2),
    }


def reference(nf1, nf2, nf3, nf4, disjoint, nf3_neg, class_embeds, bumps, relation_heads, relation_tails):
    return _forward(class_embeds, bumps, relation_heads, relation_tails, nf1, nf2, nf3, nf4, disjoint, nf3_neg)

if __name__ == "__main__":
    import jax
    _d = setup_inputs()
    print(jax.jit(kernel)(*tuple(_d.values())))

</pallas_src>

<mosaic_0001>
#map = affine_map<(d0, d1) -> (0, 0, 0)>
#map1 = affine_map<(d0, d1) -> (0, 0)>
module attributes {stable_mosaic.version = 14 : i64} {
  func.func @_sc_body(%arg0: i32, %arg1: i32, %arg2: memref<16x32x16xi32, #tpu.memory_space<hbm>>, %arg3: memref<1000x256xf32, #tpu.memory_space<hbm>>, %arg4: memref<1000x128xf32, #tpu.memory_space<hbm>>, %arg5: memref<200x256xf32, #tpu.memory_space<hbm>>, %arg6: memref<200x256xf32, #tpu.memory_space<hbm>>, %arg7: memref<512x9x16xf32, #tpu.memory_space<hbm>>, %arg8: memref<16x1x16xi32, #tpu.memory_space<vmem>>, %arg9: memref<12x16x256xf32, #tpu.memory_space<vmem>>, %arg10: memref<5x16x128xf32, #tpu.memory_space<vmem>>, %arg11: memref<3x16x256xf32, #tpu.memory_space<vmem>>, %arg12: memref<2x16x256xf32, #tpu.memory_space<vmem>>, %arg13: memref<16x9x16xf32, #tpu.memory_space<vmem>>, %arg14: memref<!tpu.dma_semaphore, #tpu.memory_space<semaphore_mem>>, %arg15: memref<6x!tpu.dma_semaphore, #tpu.memory_space<semaphore_mem>>) attributes {dimension_semantics = [#tpu.dimension_semantics<core_parallel>, #tpu.dimension_semantics<subcore_parallel>], iteration_bounds = array<i64: 2, 16>, scalar_prefetch = 0 : i64, scratch_operands = 8 : i64, tpu.core_type = #tpu.core_type<sc_vector_subcore>, window_params = [{transform_indices = #map}, {transform_indices = #map1}, {transform_indices = #map1}, {transform_indices = #map1}, {transform_indices = #map1}, {transform_indices = #map}]} {
    %mul3A = arith.constant 2 : i32
    %mul3A_0 = arith.muli %arg1, %mul3A : i32
    %add3A = arith.addi %mul3A_0, %arg0 : i32
    %mul3A_1 = arith.constant 16 : i32
    %mul3A_2 = arith.muli %add3A, %mul3A_1 : i32
    %dma_start3A = arith.constant 0 : i32
    %dma_start3A_3 = arith.constant 0 : i32
    %dma_start3A_4 = tpu.memref_slice %arg2[%dma_start3A, %add3A, %dma_start3A_3] : memref<16x32x16xi32, #tpu.memory_space<hbm>> -> memref<16x1x16xi32, #tpu.memory_space<hbm>>
    %dma_start3A_5 = arith.constant 0 : i32
    %dma_start3A_6 = arith.constant 0 : i32
    %dma_start3A_7 = tpu.memref_slice %arg2[%dma_start3A_5, %add3A, %dma_start3A_6] : memref<16x32x16xi32, #tpu.memory_space<hbm>> -> memref<16x1x16xi32, #tpu.memory_space<hbm>>
    tpu.enqueue_dma source(%dma_start3A_7 : memref<16x1x16xi32, #tpu.memory_space<hbm>>) target(%arg8 : memref<16x1x16xi32, #tpu.memory_space<vmem>>) target_semaphore(%arg14 : memref<!tpu.dma_semaphore, #tpu.memory_space<semaphore_mem>>)
    %dma_wait3A = arith.constant 0 : i32
    %dma_wait3A_8 = arith.constant 0 : i32
    %dma_wait3A_9 = tpu.memref_slice %arg2[%dma_wait3A, %add3A, %dma_wait3A_8] : memref<16x32x16xi32, #tpu.memory_space<hbm>> -> memref<16x1x16xi32, #tpu.memory_space<hbm>>
    %dma_wait3A_10 = arith.constant 0 : i32
    %dma_wait3A_11 = arith.constant 0 : i32
    %dma_wait3A_12 = tpu.memref_slice %arg2[%dma_wait3A_10, %add3A, %dma_wait3A_11] : memref<16x32x16xi32, #tpu.memory_space<hbm>> -> memref<16x1x16xi32, #tpu.memory_space<hbm>>
    tpu.wait_dma2 semaphore(%arg14 : memref<!tpu.dma_semaphore, #tpu.memory_space<semaphore_mem>>) src(%dma_wait3A_12 : memref<16x1x16xi32, #tpu.memory_space<hbm>>) dst(%arg8 : memref<16x1x16xi32, #tpu.memory_space<vmem>>)
    %dma_start3A_13 = arith.constant 0 : i32
    %dma_start3A_14 = arith.constant 0 : i32
    %dma_start3A_15 = arith.constant 0 : i32
    %dma_start3A_16 = arith.constant 0 : i32
    %dma_start3A_17 = arith.constant 0 : i32
    %dma_start3A_18 = arith.constant 0 : i32
    %dma_start3A_19 = tpu.memref_slice %arg9[%dma_start3A_15, %dma_start3A_17, %dma_start3A_18] : memref<12x16x256xf32, #tpu.memory_space<vmem>> -> memref<1x16x256xf32, #tpu.memory_space<vmem>>
    %dma_start3A_20 = tpu.memref_squeeze %dma_start3A_19 : memref<1x16x256xf32, #tpu.memory_space<vmem>> -> memref<16x256xf32, #tpu.memory_space<vmem>>
    %dma_start3A_21 = arith.constant 0 : i32
    %dma_start3A_22 = tpu.memref_slice %arg8[%dma_start3A_13, %dma_start3A_14, %dma_start3A_21] : memref<16x1x16xi32, #tpu.memory_space<vmem>> -> memref<1x1x16xi32, #tpu.memory_space<vmem>>
    %dma_start3A_23 = tpu.memref_squeeze %dma_start3A_22 : memref<1x1x16xi32, #tpu.memory_space<vmem>> -> memref<16xi32, #tpu.memory_space<vmem>>
    %dma_start3A_24 = arith.constant 0 : i32
    %dma_start3A_25 = arith.constant 0 : i32
    %dma_start3A_26 = tpu.memref_slice %arg3[%dma_start3A_24, %dma_start3A_25] : memref<1000x256xf32, #tpu.memory_space<hbm>> -> memref<1000x256xf32, #tpu.memory_space<hbm>>
    %dma_start3A_27 = tpu.memref_slice %arg15[%dma_start3A_16] : memref<6x!tpu.dma_semaphore, #tpu.memory_space<semaphore_mem>> -> memref<1x!tpu.dma_semaphore, #tpu.memory_space<semaphore_mem>>
    %dma_start3A_28 = tpu.memref_squeeze %dma_start3A_27 : memref<1x!tpu.dma_semaphore, #tpu.memory_space<semaphore_mem>> -> memref<!tpu.dma_semaphore, #tpu.memory_space<semaphore_mem>>
    tpu.enqueue_indirect_dma source(%dma_start3A_26 : memref<1000x256xf32, #tpu.memory_space<hbm>>) target(%dma_start3A_20 : memref<16x256xf32, #tpu.memory_space<vmem>>) offsets(%dma_start3A_23 : memref<16xi32, #tpu.memory_space<vmem>>) semaphore(%dma_start3A_28 : memref<!tpu.dma_semaphore, #tpu.memory_space<semaphore_mem>>)
    %dma_start3A_29 = arith.constant 1 : i32
    %dma_start3A_30 = arith.constant 0 : i32
    %dma_start3A_31 = arith.constant 1 : i32
    %dma_start3A_32 = arith.constant 0 : i32
    %dma_start3A_33 = arith.constant 0 : i32
    %dma_start3A_34 = arith.constant 0 : i32
    %dma_start3A_35 = tpu.memref_slice %arg9[%dma_start3A_31, %dma_start3A_33, %dma_start3A_34] : memref<12x16x256xf32, #tpu.memory_space<vmem>> -> memref<1x16x256xf32, #tpu.memory_space<vmem>>
    %dma_start3A_36 = tpu.memref_squeeze %dma_start3A_35 : memref<1x16x256xf32, #tpu.memory_space<vmem>> -> memref<16x256xf32, #tpu.memory_space<vmem>>
    %dma_start3A_37 = arith.constant 0 : i32
    %dma_start3A_38 = tpu.memref_slice %arg8[%dma_start3A_29, %dma_start3A_30, %dma_start3A_37] : memref<16x1x16xi32, #tpu.memory_space<vmem>> -> memref<1x1x16xi32, #tpu.memory_space<vmem>>
    %dma_start3A_39 = tpu.memref_squeeze %dma_start3A_38 : memref<1x1x16xi32, #tpu.memory_space<vmem>> -> memref<16xi32, #tpu.memory_space<vmem>>
    %dma_start3A_40 = arith.constant 0 : i32
    %dma_start3A_41 = arith.constant 0 : i32
    %dma_start3A_42 = tpu.memref_slice %arg3[%dma_start3A_40, %dma_start3A_41] : memref<1000x256xf32, #tpu.memory_space<hbm>> -> memref<1000x256xf32, #tpu.memory_space<hbm>>
    %dma_start3A_43 = tpu.memref_slice %arg15[%dma_start3A_32] : memref<6x!tpu.dma_semaphore, #tpu.memory_space<semaphore_mem>> -> memref<1x!tpu.dma_semaphore, #tpu.memory_space<semaphore_mem>>
    %dma_start3A_44 = tpu.memref_squeeze %dma_start3A_43 : memref<1x!tpu.dma_semaphore, #tpu.memory_space<semaphore_mem>> -> memref<!tpu.dma_semaphore, #tpu.memory_space<semaphore_mem>>
    tpu.enqueue_indirect_dma source(%dma_start3A_42 : memref<1000x256xf32, #tpu.memory_space<hbm>>) target(%dma_start3A_36 : memref<16x256xf32, #tpu.memory_space<vmem>>) offsets(%dma_start3A_39 : memref<16xi32, #tpu.memory_space<vmem>>) semaphore(%dma_start3A_44 : memref<!tpu.dma_semaphore, #tpu.memory_space<semaphore_mem>>)
    %dma_start3A_45 = arith.constant 2 : i32
    %dma_start3A_46 = arith.constant 0 : i32
    %dma_start3A_47 = arith.constant 2 : i32
    %dma_start3A_48 = arith.constant 1 : i32
    %dma_start3A_49 = arith.constant 0 : i32
    %dma_start3A_50 = arith.constant 0 : i32
    %dma_start3A_51 = tpu.memref_slice %arg9[%dma_start3A_47, %dma_start3A_49, %dma_start3A_50] : memref<12x16x256xf32, #tpu.memory_space<vmem>> -> memref<1x16x256xf32, #tpu.memory_space<vmem>>
    %dma_start3A_52 = tpu.memref_squeeze %dma_start3A_51 : memref<1x16x256xf32, #tpu.memory_space<vmem>> -> memref<16x256xf32, #tpu.memory_space<vmem>>
    %dma_start3A_53 = arith.constant 0 : i32
    %dma_start3A_54 = tpu.memref_slice %arg8[%dma_start3A_45, %dma_start3A_46, %dma_start3A_53] : memref<16x1x16xi32, #tpu.memory_space<vmem>> -> memref<1x1x16xi32, #tpu.memory_space<vmem>>
    %dma_start3A_55 = tpu.memref_squeeze %dma_start3A_54 : memref<1x1x16xi32, #tpu.memory_space<vmem>> -> memref<16xi32, #tpu.memory_space<vmem>>
    %dma_start3A_56 = arith.constant 0 : i32
    %dma_start3A_57 = arith.constant 0 : i32
    %dma_start3A_58 = tpu.memref_slice %arg3[%dma_start3A_56, %dma_start3A_57] : memref<1000x256xf32, #tpu.memory_space<hbm>> -> memref<1000x256xf32, #tpu.memory_space<hbm>>
    %dma_start3A_59 = tpu.memref_slice %arg15[%dma_start3A_48] : memref<6x!tpu.dma_semaphore, #tpu.memory_space<semaphore_mem>> -> memref<1x!tpu.dma_semaphore, #tpu.memory_space<semaphore_mem>>
    %dma_start3A_60 = tpu.memref_squeeze %dma_start3A_59 : memref<1x!tpu.dma_semaphore, #tpu.memory_space<semaphore_mem>> -> memref<!tpu.dma_semaphore, #tpu.memory_space<semaphore_mem>>
    tpu.enqueue_indirect_dma source(%dma_start3A_58 : memref<1000x256xf32, #tpu.memory_space<hbm>>) target(%dma_start3A_52 : memref<16x256xf32, #tpu.memory_space<vmem>>) offsets(%dma_start3A_55 : memref<16xi32, #tpu.memory_space<vmem>>) semaphore(%dma_start3A_60 : memref<!tpu.dma_semaphore, #tpu.memory_space<semaphore_mem>>)
    %dma_start3A_61 = arith.constant 3 : i32
    %dma_start3A_62 = arith.constant 0 : i32
    %dma_start3A_63 = arith.constant 3 : i32
    %dma_start3A_64 = arith.constant 1 : i32
    %dma_start3A_65 = arith.constant 0 : i32
    %dma_start3A_66 = arith.constant 0 : i32
    %dma_start3A_67 = tpu.memref_slice %arg9[%dma_start3A_63, %dma_start3A_65, %dma_start3A_66] : memref<12x16x256xf32, #tpu.memory_space<vmem>> -> memref<1x16x256xf32, #tpu.memory_space<vmem>>
    %dma_start3A_68 = tpu.memref_squeeze %dma_start3A_67 : memref<1x16x256xf32, #tpu.memory_space<vmem>> -> memref<16x256xf32, #tpu.memory_space<vmem>>
    %dma_start3A_69 = arith.constant 0 : i32
    %dma_start3A_70 = tpu.memref_slice %arg8[%dma_start3A_61, %dma_start3A_62, %dma_start3A_69] : memref<16x1x16xi32, #tpu.memory_space<vmem>> -> memref<1x1x16xi32, #tpu.memory_space<vmem>>
    %dma_start3A_71 = tpu.memref_squeeze %dma_start3A_70 : memref<1x1x16xi32, #tpu.memory_space<vmem>> -> memref<16xi32, #tpu.memory_space<vmem>>
    %dma_start3A_72 = arith.constant 0 : i32
    %dma_start3A_73 = arith.constant 0 : i32
    %dma_start3A_74 = tpu.memref_slice %arg3[%dma_start3A_72, %dma_start3A_73] : memref<1000x256xf32, #tpu.memory_space<hbm>> -> memref<1000x256xf32, #tpu.memory_space<hbm>>
    %dma_start3A_75 = tpu.memref_slice %arg15[%dma_start3A_64] : memref<6x!tpu.dma_semaphore, #tpu.memory_space<semaphore_mem>> -> memref<1x!tpu.dma_semaphore, #tpu.memory_space<semaphore_mem>>
    %dma_start3A_76 = tpu.memref_squeeze %dma_start3A_75 : memref<1x!tpu.dma_semaphore, #tpu.memory_space<semaphore_mem>> -> memref<!tpu.dma_semaphore, #tpu.memory_space<semaphore_mem>>
    tpu.enqueue_indirect_dma source(%dma_start3A_74 : memref<1000x256xf32, #tpu.memory_space<hbm>>) target(%dma_start3A_68 : memref<16x256xf32, #tpu.memory_space<vmem>>) offsets(%dma_start3A_71 : memref<16xi32, #tpu.memory_space<vmem>>) semaphore(%dma_start3A_76 : memref<!tpu.dma_semaphore, #tpu.memory_space<semaphore_mem>>)
    %dma_start3A_77 = arith.constant 4 : i32
    %dma_start3A_78 = arith.constant 0 : i32
    %dma_start3A_79 = arith.constant 4 : i32
    %dma_start3A_80 = arith.constant 1 : i32
    %dma_start3A_81 = arith.constant 0 : i32
    %dma_start3A_82 = arith.constant 0 : i32
    %dma_start3A_83 = tpu.memref_slice %arg9[%dma_start3A_79, %dma_start3A_81, %dma_start3A_82] : memref<12x16x256xf32, #tpu.memory_space<vmem>> -> memref<1x16x256xf32, #tpu.memory_space<vmem>>
    %dma_start3A_84 = tpu.memref_squeeze %dma_start3A_83 : memref<1x16x256xf32, #tpu.memory_space<vmem>> -> memref<16x256xf32, #tpu.memory_space<vmem>>
    %dma_start3A_85 = arith.constant 0 : i32
    %dma_start3A_86 = tpu.memref_slice %arg8[%dma_start3A_77, %dma_start3A_78, %dma_start3A_85] : memref<16x1x16xi32, #tpu.memory_space<vmem>> -> memref<1x1x16xi32, #tpu.memory_space<vmem>>
    %dma_start3A_87 = tpu.memref_squeeze %dma_start3A_86 : memref<1x1x16xi32, #tpu.memory_space<vmem>> -> memref<16xi32, #tpu.memory_space<vmem>>
    %dma_start3A_88 = arith.constant 0 : i32
    %dma_start3A_89 = arith.constant 0 : i32
    %dma_start3A_90 = tpu.memref_slice %arg3[%dma_start3A_88, %dma_start3A_89] : memref<1000x256xf32, #tpu.memory_space<hbm>> -> memref<1000x256xf32, #tpu.memory_space<hbm>>
    %dma_start3A_91 = tpu.memref_slice %arg15[%dma_start3A_80] : memref<6x!tpu.dma_semaphore, #tpu.memory_space<semaphore_mem>> -> memref<1x!tpu.dma_semaphore, #tpu.memory_space<semaphore_mem>>
    %dma_start3A_92 = tpu.memref_squeeze %dma_start3A_91 : memref<1x!tpu.dma_semaphore, #tpu.memory_space<semaphore_mem>> -> memref<!tpu.dma_semaphore, #tpu.memory_space<semaphore_mem>>
    tpu.enqueue_indirect_dma source(%dma_start3A_90 : memref<1000x256xf32, #tpu.memory_space<hbm>>) target(%dma_start3A_84 : memref<16x256xf32, #tpu.memory_space<vmem>>) offsets(%dma_start3A_87 : memref<16xi32, #tpu.memory_space<vmem>>) semaphore(%dma_start3A_92 : memref<!tpu.dma_semaphore, #tpu.memory_space<semaphore_mem>>)
    %dma_start3A_93 = arith.constant 5 : i32
    %dma_start3A_94 = arith.constant 0 : i32
    %dma_start3A_95 = arith.constant 5 : i32
    %dma_start3A_96 = arith.constant 2 : i32
    %dma_start3A_97 = arith.constant 0 : i32
    %dma_start3A_98 = arith.constant 0 : i32
    %dma_start3A_99 = tpu.memref_slice %arg9[%dma_start3A_95, %dma_start3A_97, %dma_start3A_98] : memref<12x16x256xf32, #tpu.memory_space<vmem>> -> memref<1x16x256xf32, #tpu.memory_space<vmem>>
    %dma_start3A_100 = tpu.memref_squeeze %dma_start3A_99 : memref<1x16x256xf32, #tpu.memory_space<vmem>> -> memref<16x256xf32, #tpu.memory_space<vmem>>
    %dma_start3A_101 = arith.constant 0 : i32
    %dma_start3A_102 = tpu.memref_slice %arg8[%dma_start3A_93, %dma_start3A_94, %dma_start3A_101] : memref<16x1x16xi32, #tpu.memory_space<vmem>> -> memref<1x1x16xi32, #tpu.memory_space<vmem>>
    %dma_start3A_103 = tpu.memref_squeeze %dma_start3A_102 : memref<1x1x16xi32, #tpu.memory_space<vmem>> -> memref<16xi32, #tpu.memory_space<vmem>>
    %dma_start3A_104 = arith.constant 0 : i32
    %dma_start3A_105 = arith.constant 0 : i32
    %dma_start3A_106 = tpu.memref_slice %arg3[%dma_start3A_104, %dma_start3A_105] : memref<1000x256xf32, #tpu.memory_space<hbm>> -> memref<1000x256xf32, #tpu.memory_space<hbm>>
    %dma_start3A_107 = tpu.memref_slice %arg15[%dma_start3A_96] : memref<6x!tpu.dma_semaphore, #tpu.memory_space<semaphore_mem>> -> memref<1x!tpu.dma_semaphore, #tpu.memory_space<semaphore_mem>>
    %dma_start3A_108 = tpu.memref_squeeze %dma_start3A_107 : memref<1x!tpu.dma_semaphore, #tpu.memory_space<semaphore_mem>> -> memref<!tpu.dma_semaphore, #tpu.memory_space<semaphore_mem>>
    tpu.enqueue_indirect_dma source(%dma_start3A_106 : memref<1000x256xf32, #tpu.memory_space<hbm>>) target(%dma_start3A_100 : memref<16x256xf32, #tpu.memory_space<vmem>>) offsets(%dma_start3A_103 : memref<16xi32, #tpu.memory_space<vmem>>) semaphore(%dma_start3A_108 : memref<!tpu.dma_semaphore, #tpu.memory_space<semaphore_mem>>)
    %dma_start3A_109 = arith.constant 7 : i32
    %dma_start3A_110 = arith.constant 0 : i32
    %dma_start3A_111 = arith.constant 6 : i32
    %dma_start3A_112 = arith.constant 2 : i32
    %dma_start3A_113 = arith.constant 0 : i32
    %dma_start3A_114 = arith.constant 0 : i32
    %dma_start3A_115 = tpu.memref_slice %arg9[%dma_start3A_111, %dma_start3A_113, %dma_start3A_114] : memref<12x16x256xf32, #tpu.memory_space<vmem>> -> memref<1x16x256xf32, #tpu.memory_space<vmem>>
    %dma_start3A_116 = tpu.memref_squeeze %dma_start3A_115 : memref<1x16x256xf32, #tpu.memory_space<vmem>> -> memref<16x256xf32, #tpu.memory_space<vmem>>
    %dma_start3A_117 = arith.constant 0 : i32
    %dma_start3A_118 = tpu.memref_slice %arg8[%dma_start3A_109, %dma_start3A_110, %dma_start3A_117] : memref<16x1x16xi32, #tpu.memory_space<vmem>> -> memref<1x1x16xi32, #tpu.memory_space<vmem>>
    %dma_start3A_119 = tpu.memref_squeeze %dma_start3A_118 : memref<1x1x16xi32, #tpu.memory_space<vmem>> -> memref<16xi32, #tpu.memory_space<vmem>>
    %dma_start3A_120 = arith.constant 0 : i32
    %dma_start3A_121 = arith.constant 0 : i32
    %dma_start3A_122 = tpu.memref_slice %arg3[%dma_start3A_120, %dma_start3A_121] : memref<1000x256xf32, #tpu.memory_space<hbm>> -> memref<1000x256xf32, #tpu.memory_space<hbm>>
    %dma_start3A_123 = tpu.memref_slice %arg15[%dma_start3A_112] : memref<6x!tpu.dma_semaphore, #tpu.memory_space<semaphore_mem>> -> memref<1x!tpu.dma_semaphore, #tpu.memory_space<semaphore_mem>>
    %dma_start3A_124 = tpu.memref_squeeze %dma_start3A_123 : memref<1x!tpu.dma_semaphore, #tpu.memory_space<semaphore_mem>> -> memref<!tpu.dma_semaphore, #tpu.memory_space<semaphore_mem>>
    tpu.enqueue_indirect_dma source(%dma_start3A_122 : memref<1000x256xf32, #tpu.memory_space<hbm>>) target(%dma_start3A_116 : memref<16x256xf32, #tpu.memory_space<vmem>>) offsets(%dma_start3A_119 : memref<16xi32, #tpu.memory_space<vmem>>) semaphore(%dma_start3A_124 : memref<!tpu.dma_semaphore, #tpu.memory_space<semaphore_mem>>)
    %dma_start3A_125 = arith.constant 5 : i32
    %dma_start3A_126 = arith.constant 0 : i32
    %dma_start3A_127 = arith.constant 0 : i32
    %dma_start3A_128 = arith.constant 2 : i32
    %dma_start3A_129 = arith.constant 0 : i32
    %dma_start3A_130 = arith.constant 0 : i32
    %dma_start3A_131 = tpu.memref_slice %arg10[%dma_start3A_127, %dma_start3A_129, %dma_start3A_130] : memref<5x16x128xf32, #tpu.memory_space<vmem>> -> memref<1x16x128xf32, #tpu.memory_space<vmem>>
    %dma_start3A_132 = tpu.memref_squeeze %dma_start3A_131 : memref<1x16x128xf32, #tpu.memory_space<vmem>> -> memref<16x128xf32, #tpu.memory_space<vmem>>
    %dma_start3A_133 = arith.constant 0 : i32
    %dma_start3A_134 = tpu.memref_slice %arg8[%dma_start3A_125, %dma_start3A_126, %dma_start3A_133] : memref<16x1x16xi32, #tpu.memory_space<vmem>> -> memref<1x1x16xi32, #tpu.memory_space<vmem>>
    %dma_start3A_135 = tpu.memref_squeeze %dma_start3A_134 : memref<1x1x16xi32, #tpu.memory_space<vmem>> -> memref<16xi32, #tpu.memory_space<vmem>>
    %dma_start3A_136 = arith.constant 0 : i32
    %dma_start3A_137 = arith.constant 0 : i32
    %dma_start3A_138 = tpu.memref_slice %arg4[%dma_start3A_136, %dma_start3A_137] : memref<1000x128xf32, #tpu.memory_space<hbm>> -> memref<1000x128xf32, #tpu.memory_space<hbm>>
    %dma_start3A_139 = tpu.memref_slice %arg15[%dma_start3A_128] : memref<6x!tpu.dma_semaphore, #tpu.memory_space<semaphore_mem>> -> memref<1x!tpu.dma_semaphore, #tpu.memory_space<semaphore_mem>>
    %dma_start3A_140 = tpu.memref_squeeze %dma_start3A_139 : memref<1x!tpu.dma_semaphore, #tpu.memory_space<semaphore_mem>> -> memref<!tpu.dma_semaphore, #tpu.memory_space<semaphore_mem>>
    tpu.enqueue_indirect_dma source(%dma_start3A_138 : memref<1000x128xf32, #tpu.memory_space<hbm>>) target(%dma_start3A_132 : memref<16x128xf32, #tpu.memory_space<vmem>>) offsets(%dma_start3A_135 : memref<16xi32, #tpu.memory_space<vmem>>) semaphore(%dma_start3A_140 : memref<!tpu.dma_semaphore, #tpu.memory_space<semaphore_mem>>)
    %dma_start3A_141 = arith.constant 7 : i32
    %dma_start3A_142 = arith.constant 0 : i32
    %dma_start3A_143 = arith.constant 1 : i32
    %dma_start3A_144 = arith.constant 2 : i32
    %dma_start3A_145 = arith.constant 0 : i32
    %dma_start3A_146 = arith.constant 0 : i32
    %dma_start3A_147 = tpu.memref_slice %arg10[%dma_start3A_143, %dma_start3A_145, %dma_start3A_146] : memref<5x16x128xf32, #tpu.memory_space<vmem>> -> memref<1x16x128xf32, #tpu.memory_space<vmem>>
    %dma_start3A_148 = tpu.memref_squeeze %dma_start3A_147 : memref<1x16x128xf32, #tpu.memory_space<vmem>> -> memref<16x128xf32, #tpu.memory_space<vmem>>
    %dma_start3A_149 = arith.constant 0 : i32
    %dma_start3A_150 = tpu.memref_slice %arg8[%dma_start3A_141, %dma_start3A_142, %dma_start3A_149] : memref<16x1x16xi32, #tpu.memory_space<vmem>> -> memref<1x1x16xi32, #tpu.memory_space<vmem>>
    %dma_start3A_151 = tpu.memref_squeeze %dma_start3A_150 : memref<1x1x16xi32, #tpu.memory_space<vmem>> -> memref<16xi32, #tpu.memory_space<vmem>>
    %dma_start3A_152 = arith.constant 0 : i32
    %dma_start3A_153 = arith.constant 0 : i32
    %dma_start3A_154 = tpu.memref_slice %arg4[%dma_start3A_152, %dma_start3A_153] : memref<1000x128xf32, #tpu.memory_space<hbm>> -> memref<1000x128xf32, #tpu.memory_space<hbm>>
    %dma_start3A_155 = tpu.memref_slice %arg15[%dma_start3A_144] : memref<6x!tpu.dma_semaphore, #tpu.memory_space<semaphore_mem>> -> memref<1x!tpu.dma_semaphore, #tpu.memory_space<semaphore_mem>>
    %dma_start3A_156 = tpu.memref_squeeze %dma_start3A_155 : memref<1x!tpu.dma_semaphore, #tpu.memory_space<semaphore_mem>> -> memref<!tpu.dma_semaphore, #tpu.memory_space<semaphore_mem>>
    tpu.enqueue_indirect_dma source(%dma_start3A_154 : memref<1000x128xf32, #tpu.memory_space<hbm>>) target(%dma_start3A_148 : memref<16x128xf32, #tpu.memory_space<vmem>>) offsets(%dma_start3A_151 : memref<16xi32, #tpu.memory_space<vmem>>) semaphore(%dma_start3A_156 : memref<!tpu.dma_semaphore, #tpu.memory_space<semaphore_mem>>)
    %dma_start3A_157 = arith.constant 6 : i32
    %dma_start3A_158 = arith.constant 0 : i32
    %dma_start3A_159 = arith.constant 0 : i32
    %dma_start3A_160 = arith.constant 2 : i32
    %dma_start3A_161 = arith.constant 0 : i32
    %dma_start3A_162 = arith.constant 0 : i32
    %dma_start3A_163 = tpu.memref_slice %arg11[%dma_start3A_159, %dma_start3A_161, %dma_start3A_162] : memref<3x16x256xf32, #tpu.memory_space<vmem>> -> memref<1x16x256xf32, #tpu.memory_space<vmem>>
    %dma_start3A_164 = tpu.memref_squeeze %dma_start3A_163 : memref<1x16x256xf32, #tpu.memory_space<vmem>> -> memref<16x256xf32, #tpu.memory_space<vmem>>
    %dma_start3A_165 = arith.constant 0 : i32
    %dma_start3A_166 = tpu.memref_slice %arg8[%dma_start3A_157, %dma_start3A_158, %dma_start3A_165] : memref<16x1x16xi32, #tpu.memory_space<vmem>> -> memref<1x1x16xi32, #tpu.memory_space<vmem>>
    %dma_start3A_167 = tpu.memref_squeeze %dma_start3A_166 : memref<1x1x16xi32, #tpu.memory_space<vmem>> -> memref<16xi32, #tpu.memory_space<vmem>>
    %dma_start3A_168 = arith.constant 0 : i32
    %dma_start3A_169 = arith.constant 0 : i32
    %dma_start3A_170 = tpu.memref_slice %arg5[%dma_start3A_168, %dma_start3A_169] : memref<200x256xf32, #tpu.memory_space<hbm>> -> memref<200x256xf32, #tpu.memory_space<hbm>>
    %dma_start3A_171 = tpu.memref_slice %arg15[%dma_start3A_160] : memref<6x!tpu.dma_semaphore, #tpu.memory_space<semaphore_mem>> -> memref<1x!tpu.dma_semaphore, #tpu.memory_space<semaphore_mem>>
    %dma_start3A_172 = tpu.memref_squeeze %dma_start3A_171 : memref<1x!tpu.dma_semaphore, #tpu.memory_space<semaphore_mem>> -> memref<!tpu.dma_semaphore, #tpu.memory_space<semaphore_mem>>
    tpu.enqueue_indirect_dma source(%dma_start3A_170 : memref<200x256xf32, #tpu.memory_space<hbm>>) target(%dma_start3A_164 : memref<16x256xf32, #tpu.memory_space<vmem>>) offsets(%dma_start3A_167 : memref<16xi32, #tpu.memory_space<vmem>>) semaphore(%dma_start3A_172 : memref<!tpu.dma_semaphore, #tpu.memory_space<semaphore_mem>>)
    %dma_start3A_173 = arith.constant 6 : i32
    %dma_start3A_174 = arith.constant 0 : i32
    %dma_start3A_175 = arith.constant 0 : i32
    %dma_start3A_176 = arith.constant 2 : i32
    %dma_start3A_177 = arith.constant 0 : i32
    %dma_start3A_178 = arith.constant 0 : i32
    %dma_start3A_179 = tpu.memref_slice %arg12[%dma_start3A_175, %dma_start3A_177, %dma_start3A_178] : memref<2x16x256xf32, #tpu.memory_space<vmem>> -> memref<1x16x256xf32, #tpu.memory_space<vmem>>
    %dma_start3A_180 = tpu.memref_squeeze %dma_start3A_179 : memref<1x16x256xf32, #tpu.memory_space<vmem>> -> memref<16x256xf32, #tpu.memory_space<vmem>>
    %dma_start3A_181 = arith.constant 0 : i32
    %dma_start3A_182 = tpu.memref_slice %arg8[%dma_start3A_173, %dma_start3A_174, %dma_start3A_181] : memref<16x1x16xi32, #tpu.memory_space<vmem>> -> memref<1x1x16xi32, #tpu.memory_space<vmem>>
    %dma_start3A_183 = tpu.memref_squeeze %dma_start3A_182 : memref<1x1x16xi32, #tpu.memory_space<vmem>> -> memref<16xi32, #tpu.memory_space<vmem>>
    %dma_start3A_184 = arith.constant 0 : i32
    %dma_start3A_185 = arith.constant 0 : i32
    %dma_start3A_186 = tpu.memref_slice %arg6[%dma_start3A_184, %dma_start3A_185] : memref<200x256xf32, #tpu.memory_space<hbm>> -> memref<200x256xf32, #tpu.memory_space<hbm>>
    %dma_start3A_187 = tpu.memref_slice %arg15[%dma_start3A_176] : memref<6x!tpu.dma_semaphore, #tpu.memory_space<semaphore_mem>> -> memref<1x!tpu.dma_semaphore, #tpu.memory_space<semaphore_mem>>
    %dma_start3A_188 = tpu.memref_squeeze %dma_start3A_187 : memref<1x!tpu.dma_semaphore, #tpu.memory_space<semaphore_mem>> -> memref<!tpu.dma_semaphore, #tpu.memory_space<semaphore_mem>>
    tpu.enqueue_indirect_dma source(%dma_start3A_186 : memref<200x256xf32, #tpu.memory_space<hbm>>) target(%dma_start3A_180 : memref<16x256xf32, #tpu.memory_space<vmem>>) offsets(%dma_start3A_183 : memref<16xi32, #tpu.memory_space<vmem>>) semaphore(%dma_start3A_188 : memref<!tpu.dma_semaphore, #tpu.memory_space<semaphore_mem>>)
    %dma_start3A_189 = arith.constant 10 : i32
    %dma_start3A_190 = arith.constant 0 : i32
    %dma_start3A_191 = arith.constant 7 : i32
    %dma_start3A_192 = arith.constant 3 : i32
    %dma_start3A_193 = arith.constant 0 : i32
    %dma_start3A_194 = arith.constant 0 : i32
    %dma_start3A_195 = tpu.memref_slice %arg9[%dma_start3A_191, %dma_start3A_193, %dma_start3A_194] : memref<12x16x256xf32, #tpu.memory_space<vmem>> -> memref<1x16x256xf32, #tpu.memory_space<vmem>>
    %dma_start3A_196 = tpu.memref_squeeze %dma_start3A_195 : memref<1x16x256xf32, #tpu.memory_space<vmem>> -> memref<16x256xf32, #tpu.memory_space<vmem>>
    %dma_start3A_197 = arith.constant 0 : i32
    %dma_start3A_198 = tpu.memref_slice %arg8[%dma_start3A_189, %dma_start3A_190, %dma_start3A_197] : memref<16x1x16xi32, #tpu.memory_space<vmem>> -> memref<1x1x16xi32, #tpu.memory_space<vmem>>
    %dma_start3A_199 = tpu.memref_squeeze %dma_start3A_198 : memref<1x1x16xi32, #tpu.memory_space<vmem>> -> memref<16xi32, #tpu.memory_space<vmem>>
    %dma_start3A_200 = arith.constant 0 : i32
    %dma_start3A_201 = arith.constant 0 : i32
    %dma_start3A_202 = tpu.memref_slice %arg3[%dma_start3A_200, %dma_start3A_201] : memref<1000x256xf32, #tpu.memory_space<hbm>> -> memref<1000x256xf32, #tpu.memory_space<hbm>>
    %dma_start3A_203 = tpu.memref_slice %arg15[%dma_start3A_192] : memref<6x!tpu.dma_semaphore, #tpu.memory_space<semaphore_mem>> -> memref<1x!tpu.dma_semaphore, #tpu.memory_space<semaphore_mem>>
    %dma_start3A_204 = tpu.memref_squeeze %dma_start3A_203 : memref<1x!tpu.dma_semaphore, #tpu.memory_space<semaphore_mem>> -> memref<!tpu.dma_semaphore, #tpu.memory_space<semaphore_mem>>
    tpu.enqueue_indirect_dma source(%dma_start3A_202 : memref<1000x256xf32, #tpu.memory_space<hbm>>) target(%dma_start3A_196 : memref<16x256xf32, #tpu.memory_space<vmem>>) offsets(%dma_start3A_199 : memref<16xi32, #tpu.memory_space<vmem>>) semaphore(%dma_start3A_204 : memref<!tpu.dma_semaphore, #tpu.memory_space<semaphore_mem>>)
    %dma_start3A_205 = arith.constant 9 : i32
    %dma_start3A_206 = arith.constant 0 : i32
    %dma_start3A_207 = arith.constant 2 : i32
    %dma_start3A_208 = arith.constant 3 : i32
    %dma_start3A_209 = arith.constant 0 : i32
    %dma_start3A_210 = arith.constant 0 : i32
    %dma_start3A_211 = tpu.memref_slice %arg10[%dma_start3A_207, %dma_start3A_209, %dma_start3A_210] : memref<5x16x128xf32, #tpu.memory_space<vmem>> -> memref<1x16x128xf32, #tpu.memory_space<vmem>>
    %dma_start3A_212 = tpu.memref_squeeze %dma_start3A_211 : memref<1x16x128xf32, #tpu.memory_space<vmem>> -> memref<16x128xf32, #tpu.memory_space<vmem>>
    %dma_start3A_213 = arith.constant 0 : i32
    %dma_start3A_214 = tpu.memref_slice %arg8[%dma_start3A_205, %dma_start3A_206, %dma_start3A_213] : memref<16x1x16xi32, #tpu.memory_space<vmem>> -> memref<1x1x16xi32, #tpu.memory_space<vmem>>
    %dma_start3A_215 = tpu.memref_squeeze %dma_start3A_214 : memref<1x1x16xi32, #tpu.memory_space<vmem>> -> memref<16xi32, #tpu.memory_space<vmem>>
    %dma_start3A_216 = arith.constant 0 : i32
    %dma_start3A_217 = arith.constant 0 : i32
    %dma_start3A_218 = tpu.memref_slice %arg4[%dma_start3A_216, %dma_start3A_217] : memref<1000x128xf32, #tpu.memory_space<hbm>> -> memref<1000x128xf32, #tpu.memory_space<hbm>>
    %dma_start3A_219 = tpu.memref_slice %arg15[%dma_start3A_208] : memref<6x!tpu.dma_semaphore, #tpu.memory_space<semaphore_mem>> -> memref<1x!tpu.dma_semaphore, #tpu.memory_space<semaphore_mem>>
    %dma_start3A_220 = tpu.memref_squeeze %dma_start3A_219 : memref<1x!tpu.dma_semaphore, #tpu.memory_space<semaphore_mem>> -> memref<!tpu.dma_semaphore, #tpu.memory_space<semaphore_mem>>
    tpu.enqueue_indirect_dma source(%dma_start3A_218 : memref<1000x128xf32, #tpu.memory_space<hbm>>) target(%dma_start3A_212 : memref<16x128xf32, #tpu.memory_space<vmem>>) offsets(%dma_start3A_215 : memref<16xi32, #tpu.memory_space<vmem>>) semaphore(%dma_start3A_220 : memref<!tpu.dma_semaphore, #tpu.memory_space<semaphore_mem>>)
    %dma_start3A_221 = arith.constant 8 : i32
    %dma_start3A_222 = arith.constant 0 : i32
    %dma_start3A_223 = arith.constant 1 : i32
    %dma_start3A_224 = arith.constant 3 : i32
    %dma_start3A_225 = arith.constant 0 : i32
    %dma_start3A_226 = arith.constant 0 : i32
    %dma_start3A_227 = tpu.memref_slice %arg11[%dma_start3A_223, %dma_start3A_225, %dma_start3A_226] : memref<3x16x256xf32, #tpu.memory_space<vmem>> -> memref<1x16x256xf32, #tpu.memory_space<vmem>>
    %dma_start3A_228 = tpu.memref_squeeze %dma_start3A_227 : memref<1x16x256xf32, #tpu.memory_space<vmem>> -> memref<16x256xf32, #tpu.memory_space<vmem>>
    %dma_start3A_229 = arith.constant 0 : i32
    %dma_start3A_230 = tpu.memref_slice %arg8[%dma_start3A_221, %dma_start3A_222, %dma_start3A_229] : memref<16x1x16xi32, #tpu.memory_space<vmem>> -> memref<1x1x16xi32, #tpu.memory_space<vmem>>
    %dma_start3A_231 = tpu.memref_squeeze %dma_start3A_230 : memref<1x1x16xi32, #tpu.memory_space<vmem>> -> memref<16xi32, #tpu.memory_space<vmem>>
    %dma_start3A_232 = arith.constant 0 : i32
    %dma_start3A_233 = arith.constant 0 : i32
    %dma_start3A_234 = tpu.memref_slice %arg5[%dma_start3A_232, %dma_start3A_233] : memref<200x256xf32, #tpu.memory_space<hbm>> -> memref<200x256xf32, #tpu.memory_space<hbm>>
    %dma_start3A_235 = tpu.memref_slice %arg15[%dma_start3A_224] : memref<6x!tpu.dma_semaphore, #tpu.memory_space<semaphore_mem>> -> memref<1x!tpu.dma_semaphore, #tpu.memory_space<semaphore_mem>>
    %dma_start3A_236 = tpu.memref_squeeze %dma_start3A_235 : memref<1x!tpu.dma_semaphore, #tpu.memory_space<semaphore_mem>> -> memref<!tpu.dma_semaphore, #tpu.memory_space<semaphore_mem>>
    tpu.enqueue_indirect_dma source(%dma_start3A_234 : memref<200x256xf32, #tpu.memory_space<hbm>>) target(%dma_start3A_228 : memref<16x256xf32, #tpu.memory_space<vmem>>) offsets(%dma_start3A_231 : memref<16xi32, #tpu.memory_space<vmem>>) semaphore(%dma_start3A_236 : memref<!tpu.dma_semaphore, #tpu.memory_space<semaphore_mem>>)
    %dma_start3A_237 = arith.constant 11 : i32
    %dma_start3A_238 = arith.constant 0 : i32
    %dma_start3A_239 = arith.constant 8 : i32
    %dma_start3A_240 = arith.constant 4 : i32
    %dma_start3A_241 = arith.constant 0 : i32
    %dma_start3A_242 = arith.constant 0 : i32
    %dma_start3A_243 = tpu.memref_slice %arg9[%dma_start3A_239, %dma_start3A_241, %dma_start3A_242] : memref<12x16x256xf32, #tpu.memory_space<vmem>> -> memref<1x16x256xf32, #tpu.memory_space<vmem>>
    %dma_start3A_244 = tpu.memref_squeeze %dma_start3A_243 : memref<1x16x256xf32, #tpu.memory_space<vmem>> -> memref<16x256xf32, #tpu.memory_space<vmem>>
    %dma_start3A_245 = arith.constant 0 : i32
    %dma_start3A_246 = tpu.memref_slice %arg8[%dma_start3A_237, %dma_start3A_238, %dma_start3A_245] : memref<16x1x16xi32, #tpu.memory_space<vmem>> -> memref<1x1x16xi32, #tpu.memory_space<vmem>>
    %dma_start3A_247 = tpu.memref_squeeze %dma_start3A_246 : memref<1x1x16xi32, #tpu.memory_space<vmem>> -> memref<16xi32, #tpu.memory_space<vmem>>
    %dma_start3A_248 = arith.constant 0 : i32
    %dma_start3A_249 = arith.constant 0 : i32
    %dma_start3A_250 = tpu.memref_slice %arg3[%dma_start3A_248, %dma_start3A_249] : memref<1000x256xf32, #tpu.memory_space<hbm>> -> memref<1000x256xf32, #tpu.memory_space<hbm>>
    %dma_start3A_251 = tpu.memref_slice %arg15[%dma_start3A_240] : memref<6x!tpu.dma_semaphore, #tpu.memory_space<semaphore_mem>> -> memref<1x!tpu.dma_semaphore, #tpu.memory_space<semaphore_mem>>
    %dma_start3A_252 = tpu.memref_squeeze %dma_start3A_251 : memref<1x!tpu.dma_semaphore, #tpu.memory_space<semaphore_mem>> -> memref<!tpu.dma_semaphore, #tpu.memory_space<semaphore_mem>>
    tpu.enqueue_indirect_dma source(%dma_start3A_250 : memref<1000x256xf32, #tpu.memory_space<hbm>>) target(%dma_start3A_244 : memref<16x256xf32, #tpu.memory_space<vmem>>) offsets(%dma_start3A_247 : memref<16xi32, #tpu.memory_space<vmem>>) semaphore(%dma_start3A_252 : memref<!tpu.dma_semaphore, #tpu.memory_space<semaphore_mem>>)
    %dma_start3A_253 = arith.constant 12 : i32
    %dma_start3A_254 = arith.constant 0 : i32
    %dma_start3A_255 = arith.constant 9 : i32
    %dma_start3A_256 = arith.constant 4 : i32
    %dma_start3A_257 = arith.constant 0 : i32
    %dma_start3A_258 = arith.constant 0 : i32
    %dma_start3A_259 = tpu.memref_slice %arg9[%dma_start3A_255, %dma_start3A_257, %dma_start3A_258] : memref<12x16x256xf32, #tpu.memory_space<vmem>> -> memref<1x16x256xf32, #tpu.memory_space<vmem>>
    %dma_start3A_260 = tpu.memref_squeeze %dma_start3A_259 : memref<1x16x256xf32, #tpu.memory_space<vmem>> -> memref<16x256xf32, #tpu.memory_space<vmem>>
    %dma_start3A_261 = arith.constant 0 : i32
    %dma_start3A_262 = tpu.memref_slice %arg8[%dma_start3A_253, %dma_start3A_254, %dma_start3A_261] : memref<16x1x16xi32, #tpu.memory_space<vmem>> -> memref<1x1x16xi32, #tpu.memory_space<vmem>>
    %dma_start3A_263 = tpu.memref_squeeze %dma_start3A_262 : memref<1x1x16xi32, #tpu.memory_space<vmem>> -> memref<16xi32, #tpu.memory_space<vmem>>
    %dma_start3A_264 = arith.constant 0 : i32
    %dma_start3A_265 = arith.constant 0 : i32
    %dma_start3A_266 = tpu.memref_slice %arg3[%dma_start3A_264, %dma_start3A_265] : memref<1000x256xf32, #tpu.memory_space<hbm>> -> memref<1000x256xf32, #tpu.memory_space<hbm>>
    %dma_start3A_267 = tpu.memref_slice %arg15[%dma_start3A_256] : memref<6x!tpu.dma_semaphore, #tpu.memory_space<semaphore_mem>> -> memref<1x!tpu.dma_semaphore, #tpu.memory_space<semaphore_mem>>
    %dma_start3A_268 = tpu.memref_squeeze %dma_start3A_267 : memref<1x!tpu.dma_semaphore, #tpu.memory_space<semaphore_mem>> -> memref<!tpu.dma_semaphore, #tpu.memory_space<semaphore_mem>>
    tpu.enqueue_indirect_dma source(%dma_start3A_266 : memref<1000x256xf32, #tpu.memory_space<hbm>>) target(%dma_start3A_260 : memref<16x256xf32, #tpu.memory_space<vmem>>) offsets(%dma_start3A_263 : memref<16xi32, #tpu.memory_space<vmem>>) semaphore(%dma_start3A_268 : memref<!tpu.dma_semaphore, #tpu.memory_space<semaphore_mem>>)
    %dma_start3A_269 = arith.constant 13 : i32
    %dma_start3A_270 = arith.constant 0 : i32
    %dma_start3A_271 = arith.constant 10 : i32
    %dma_start3A_272 = arith.constant 5 : i32
    %dma_start3A_273 = arith.constant 0 : i32
    %dma_start3A_274 = arith.constant 0 : i32
    %dma_start3A_275 = tpu.memref_slice %arg9[%dma_start3A_271, %dma_start3A_273, %dma_start3A_274] : memref<12x16x256xf32, #tpu.memory_space<vmem>> -> memref<1x16x256xf32, #tpu.memory_space<vmem>>
    %dma_start3A_276 = tpu.memref_squeeze %dma_start3A_275 : memref<1x16x256xf32, #tpu.memory_space<vmem>> -> memref<16x256xf32, #tpu.memory_space<vmem>>
    %dma_start3A_277 = arith.constant 0 : i32
    %dma_start3A_278 = tpu.memref_slice %arg8[%dma_start3A_269, %dma_start3A_270, %dma_start3A_277] : memref<16x1x16xi32, #tpu.memory_space<vmem>> -> memref<1x1x16xi32, #tpu.memory_space<vmem>>
    %dma_start3A_279 = tpu.memref_squeeze %dma_start3A_278 : memref<1x1x16xi32, #tpu.memory_space<vmem>> -> memref<16xi32, #tpu.memory_space<vmem>>
    %dma_start3A_280 = arith.constant 0 : i32
    %dma_start3A_281 = arith.constant 0 : i32
    %dma_start3A_282 = tpu.memref_slice %arg3[%dma_start3A_280, %dma_start3A_281] : memref<1000x256xf32, #tpu.memory_space<hbm>> -> memref<1000x256xf32, #tpu.memory_space<hbm>>
    %dma_start3A_283 = tpu.memref_slice %arg15[%dma_start3A_272] : memref<6x!tpu.dma_semaphore, #tpu.memory_space<semaphore_mem>> -> memref<1x!tpu.dma_semaphore, #tpu.memory_space<semaphore_mem>>
    %dma_start3A_284 = tpu.memref_squeeze %dma_start3A_283 : memref<1x!tpu.dma_semaphore, #tpu.memory_space<semaphore_mem>> -> memref<!tpu.dma_semaphore, #tpu.memory_space<semaphore_mem>>
    tpu.enqueue_indirect_dma source(%dma_start3A_282 : memref<1000x256xf32, #tpu.memory_space<hbm>>) target(%dma_start3A_276 : memref<16x256xf32, #tpu.memory_space<vmem>>) offsets(%dma_start3A_279 : memref<16xi32, #tpu.memory_space<vmem>>) semaphore(%dma_start3A_284 : memref<!tpu.dma_semaphore, #tpu.memory_space<semaphore_mem>>)
    %dma_start3A_285 = arith.constant 15 : i32
    %dma_start3A_286 = arith.constant 0 : i32
    %dma_start3A_287 = arith.constant 11 : i32
    %dma_start3A_288 = arith.constant 5 : i32
    %dma_start3A_289 = arith.constant 0 : i32
    %dma_start3A_290 = arith.constant 0 : i32
    %dma_start3A_291 = tpu.memref_slice %arg9[%dma_start3A_287, %dma_start3A_289, %dma_start3A_290] : memref<12x16x256xf32, #tpu.memory_space<vmem>> -> memref<1x16x256xf32, #tpu.memory_space<vmem>>
    %dma_start3A_292 = tpu.memref_squeeze %dma_start3A_291 : memref<1x16x256xf32, #tpu.memory_space<vmem>> -> memref<16x256xf32, #tpu.memory_space<vmem>>
    %dma_start3A_293 = arith.constant 0 : i32
    %dma_start3A_294 = tpu.memref_slice %arg8[%dma_start3A_285, %dma_start3A_286, %dma_start3A_293] : memref<16x1x16xi32, #tpu.memory_space<vmem>> -> memref<1x1x16xi32, #tpu.memory_space<vmem>>
    %dma_start3A_295 = tpu.memref_squeeze %dma_start3A_294 : memref<1x1x16xi32, #tpu.memory_space<vmem>> -> memref<16xi32, #tpu.memory_space<vmem>>
    %dma_start3A_296 = arith.constant 0 : i32
    %dma_start3A_297 = arith.constant 0 : i32
    %dma_start3A_298 = tpu.memref_slice %arg3[%dma_start3A_296, %dma_start3A_297] : memref<1000x256xf32, #tpu.memory_space<hbm>> -> memref<1000x256xf32, #tpu.memory_space<hbm>>
    %dma_start3A_299 = tpu.memref_slice %arg15[%dma_start3A_288] : memref<6x!tpu.dma_semaphore, #tpu.memory_space<semaphore_mem>> -> memref<1x!tpu.dma_semaphore, #tpu.memory_space<semaphore_mem>>
    %dma_start3A_300 = tpu.memref_squeeze %dma_start3A_299 : memref<1x!tpu.dma_semaphore, #tpu.memory_space<semaphore_mem>> -> memref<!tpu.dma_semaphore, #tpu.memory_space<semaphore_mem>>
    tpu.enqueue_indirect_dma source(%dma_start3A_298 : memref<1000x256xf32, #tpu.memory_space<hbm>>) target(%dma_start3A_292 : memref<16x256xf32, #tpu.memory_space<vmem>>) offsets(%dma_start3A_295 : memref<16xi32, #tpu.memory_space<vmem>>) semaphore(%dma_start3A_300 : memref<!tpu.dma_semaphore, #tpu.memory_space<semaphore_mem>>)
    %dma_start3A_301 = arith.constant 13 : i32
    %dma_start3A_302 = arith.constant 0 : i32
    %dma_start3A_303 = arith.constant 3 : i32
    %dma_start3A_304 = arith.constant 5 : i32
    %dma_start3A_305 = arith.constant 0 : i32
    %dma_start3A_306 = arith.constant 0 : i32
    %dma_start3A_307 = tpu.memref_slice %arg10[%dma_start3A_303, %dma_start3A_305, %dma_start3A_306] : memref<5x16x128xf32, #tpu.memory_space<vmem>> -> memref<1x16x128xf32, #tpu.memory_space<vmem>>
    %dma_start3A_308 = tpu.memref_squeeze %dma_start3A_307 : memref<1x16x128xf32, #tpu.memory_space<vmem>> -> memref<16x128xf32, #tpu.memory_space<vmem>>
    %dma_start3A_309 = arith.constant 0 : i32
    %dma_start3A_310 = tpu.memref_slice %arg8[%dma_start3A_301, %dma_start3A_302, %dma_start3A_309] : memref<16x1x16xi32, #tpu.memory_space<vmem>> -> memref<1x1x16xi32, #tpu.memory_space<vmem>>
    %dma_start3A_311 = tpu.memref_squeeze %dma_start3A_310 : memref<1x1x16xi32, #tpu.memory_space<vmem>> -> memref<16xi32, #tpu.memory_space<vmem>>
    %dma_start3A_312 = arith.constant 0 : i32
    %dma_start3A_313 = arith.constant 0 : i32
    %dma_start3A_314 = tpu.memref_slice %arg4[%dma_start3A_312, %dma_start3A_313] : memref<1000x128xf32, #tpu.memory_space<hbm>> -> memref<1000x128xf32, #tpu.memory_space<hbm>>
    %dma_start3A_315 = tpu.memref_slice %arg15[%dma_start3A_304] : memref<6x!tpu.dma_semaphore, #tpu.memory_space<semaphore_mem>> -> memref<1x!tpu.dma_semaphore, #tpu.memory_space<semaphore_mem>>
    %dma_start3A_316 = tpu.memref_squeeze %dma_start3A_315 : memref<1x!tpu.dma_semaphore, #tpu.memory_space<semaphore_mem>> -> memref<!tpu.dma_semaphore, #tpu.memory_space<semaphore_mem>>
    tpu.enqueue_indirect_dma source(%dma_start3A_314 : memref<1000x128xf32, #tpu.memory_space<hbm>>) target(%dma_start3A_308 : memref<16x128xf32, #tpu.memory_space<vmem>>) offsets(%dma_start3A_311 : memref<16xi32, #tpu.memory_space<vmem>>) semaphore(%dma_start3A_316 : memref<!tpu.dma_semaphore, #tpu.memory_space<semaphore_mem>>)
    %dma_start3A_317 = arith.constant 15 : i32
    %dma_start3A_318 = arith.constant 0 : i32
    %dma_start3A_319 = arith.constant 4 : i32
    %dma_start3A_320 = arith.constant 5 : i32
    %dma_start3A_321 = arith.constant 0 : i32
    %dma_start3A_322 = arith.constant 0 : i32
    %dma_start3A_323 = tpu.memref_slice %arg10[%dma_start3A_319, %dma_start3A_321, %dma_start3A_322] : memref<5x16x128xf32, #tpu.memory_space<vmem>> -> memref<1x16x128xf32, #tpu.memory_space<vmem>>
    %dma_start3A_324 = tpu.memref_squeeze %dma_start3A_323 : memref<1x16x128xf32, #tpu.memory_space<vmem>> -> memref<16x128xf32, #tpu.memory_space<vmem>>
    %dma_start3A_325 = arith.constant 0 : i32
    %dma_start3A_326 = tpu.memref_slice %arg8[%dma_start3A_317, %dma_start3A_318, %dma_start3A_325] : memref<16x1x16xi32, #tpu.memory_space<vmem>> -> memref<1x1x16xi32, #tpu.memory_space<vmem>>
    %dma_start3A_327 = tpu.memref_squeeze %dma_start3A_326 : memref<1x1x16xi32, #tpu.memory_space<vmem>> -> memref<16xi32, #tpu.memory_space<vmem>>
    %dma_start3A_328 = arith.constant 0 : i32
    %dma_start3A_329 = arith.constant 0 : i32
    %dma_start3A_330 = tpu.memref_slice %arg4[%dma_start3A_328, %dma_start3A_329] : memref<1000x128xf32, #tpu.memory_space<hbm>> -> memref<1000x128xf32, #tpu.memory_space<hbm>>
    %dma_start3A_331 = tpu.memref_slice %arg15[%dma_start3A_320] : memref<6x!tpu.dma_semaphore, #tpu.memory_space<semaphore_mem>> -> memref<1x!tpu.dma_semaphore, #tpu.memory_space<semaphore_mem>>
    %dma_start3A_332 = tpu.memref_squeeze %dma_start3A_331 : memref<1x!tpu.dma_semaphore, #tpu.memory_space<semaphore_mem>> -> memref<!tpu.dma_semaphore, #tpu.memory_space<semaphore_mem>>
    tpu.enqueue_indirect_dma source(%dma_start3A_330 : memref<1000x128xf32, #tpu.memory_space<hbm>>) target(%dma_start3A_324 : memref<16x128xf32, #tpu.memory_space<vmem>>) offsets(%dma_start3A_327 : memref<16xi32, #tpu.memory_space<vmem>>) semaphore(%dma_start3A_332 : memref<!tpu.dma_semaphore, #tpu.memory_space<semaphore_mem>>)
    %dma_start3A_333 = arith.constant 14 : i32
    %dma_start3A_334 = arith.constant 0 : i32
    %dma_start3A_335 = arith.constant 2 : i32
    %dma_start3A_336 = arith.constant 5 : i32
    %dma_start3A_337 = arith.constant 0 : i32
    %dma_start3A_338 = arith.constant 0 : i32
    %dma_start3A_339 = tpu.memref_slice %arg11[%dma_start3A_335, %dma_start3A_337, %dma_start3A_338] : memref<3x16x256xf32, #tpu.memory_space<vmem>> -> memref<1x16x256xf32, #tpu.memory_space<vmem>>
    %dma_start3A_340 = tpu.memref_squeeze %dma_start3A_339 : memref<1x16x256xf32, #tpu.memory_space<vmem>> -> memref<16x256xf32, #tpu.memory_space<vmem>>
    %dma_start3A_341 = arith.constant 0 : i32
    %dma_start3A_342 = tpu.memref_slice %arg8[%dma_start3A_333, %dma_start3A_334, %dma_start3A_341] : memref<16x1x16xi32, #tpu.memory_space<vmem>> -> memref<1x1x16xi32, #tpu.memory_space<vmem>>
    %dma_start3A_343 = tpu.memref_squeeze %dma_start3A_342 : memref<1x1x16xi32, #tpu.memory_space<vmem>> -> memref<16xi32, #tpu.memory_space<vmem>>
    %dma_start3A_344 = arith.constant 0 : i32
    %dma_start3A_345 = arith.constant 0 : i32
    %dma_start3A_346 = tpu.memref_slice %arg5[%dma_start3A_344, %dma_start3A_345] : memref<200x256xf32, #tpu.memory_space<hbm>> -> memref<200x256xf32, #tpu.memory_space<hbm>>
    %dma_start3A_347 = tpu.memref_slice %arg15[%dma_start3A_336] : memref<6x!tpu.dma_semaphore, #tpu.memory_space<semaphore_mem>> -> memref<1x!tpu.dma_semaphore, #tpu.memory_space<semaphore_mem>>
    %dma_start3A_348 = tpu.memref_squeeze %dma_start3A_347 : memref<1x!tpu.dma_semaphore, #tpu.memory_space<semaphore_mem>> -> memref<!tpu.dma_semaphore, #tpu.memory_space<semaphore_mem>>
    tpu.enqueue_indirect_dma source(%dma_start3A_346 : memref<200x256xf32, #tpu.memory_space<hbm>>) target(%dma_start3A_340 : memref<16x256xf32, #tpu.memory_space<vmem>>) offsets(%dma_start3A_343 : memref<16xi32, #tpu.memory_space<vmem>>) semaphore(%dma_start3A_348 : memref<!tpu.dma_semaphore, #tpu.memory_space<semaphore_mem>>)
    %dma_start3A_349 = arith.constant 14 : i32
    %dma_start3A_350 = arith.constant 0 : i32
    %dma_start3A_351 = arith.constant 1 : i32
    %dma_start3A_352 = arith.constant 5 : i32
    %dma_start3A_353 = arith.constant 0 : i32
    %dma_start3A_354 = arith.constant 0 : i32
    %dma_start3A_355 = tpu.memref_slice %arg12[%dma_start3A_351, %dma_start3A_353, %dma_start3A_354] : memref<2x16x256xf32, #tpu.memory_space<vmem>> -> memref<1x16x256xf32, #tpu.memory_space<vmem>>
    %dma_start3A_356 = tpu.memref_squeeze %dma_start3A_355 : memref<1x16x256xf32, #tpu.memory_space<vmem>> -> memref<16x256xf32, #tpu.memory_space<vmem>>
    %dma_start3A_357 = arith.constant 0 : i32
    %dma_start3A_358 = tpu.memref_slice %arg8[%dma_start3A_349, %dma_start3A_350, %dma_start3A_357] : memref<16x1x16xi32, #tpu.memory_space<vmem>> -> memref<1x1x16xi32, #tpu.memory_space<vmem>>
    %dma_start3A_359 = tpu.memref_squeeze %dma_start3A_358 : memref<1x1x16xi32, #tpu.memory_space<vmem>> -> memref<16xi32, #tpu.memory_space<vmem>>
    %dma_start3A_360 = arith.constant 0 : i32
    %dma_start3A_361 = arith.constant 0 : i32
    %dma_start3A_362 = tpu.memref_slice %arg6[%dma_start3A_360, %dma_start3A_361] : memref<200x256xf32, #tpu.memory_space<hbm>> -> memref<200x256xf32, #tpu.memory_space<hbm>>
    %dma_start3A_363 = tpu.memref_slice %arg15[%dma_start3A_352] : memref<6x!tpu.dma_semaphore, #tpu.memory_space<semaphore_mem>> -> memref<1x!tpu.dma_semaphore, #tpu.memory_space<semaphore_mem>>
    %dma_start3A_364 = tpu.memref_squeeze %dma_start3A_363 : memref<1x!tpu.dma_semaphore, #tpu.memory_space<semaphore_mem>> -> memref<!tpu.dma_semaphore, #tpu.memory_space<semaphore_mem>>
    tpu.enqueue_indirect_dma source(%dma_start3A_362 : memref<200x256xf32, #tpu.memory_space<hbm>>) target(%dma_start3A_356 : memref<16x256xf32, #tpu.memory_space<vmem>>) offsets(%dma_start3A_359 : memref<16xi32, #tpu.memory_space<vmem>>) semaphore(%dma_start3A_364 : memref<!tpu.dma_semaphore, #tpu.memory_space<semaphore_mem>>)
    %dma_wait3A_365 = arith.constant 0 : i32
    %dma_wait3A_366 = arith.constant 0 : i32
    %dma_wait3A_367 = arith.constant 0 : i32
    %dma_wait3A_368 = arith.constant 0 : i32
    "tpu.trace_start"() <{level = 10 : i32, message = "grp0"}> : () -> ()
    %dma_wait3A_369 = arith.constant 0 : i32
    %dma_wait3A_370 = arith.constant 0 : i32
    %dma_wait3A_371 = tpu.memref_slice %arg9[%dma_wait3A_367, %dma_wait3A_369, %dma_wait3A_370] : memref<12x16x256xf32, #tpu.memory_space<vmem>> -> memref<1x16x256xf32, #tpu.memory_space<vmem>>
    %dma_wait3A_372 = tpu.memref_squeeze %dma_wait3A_371 : memref<1x16x256xf32, #tpu.memory_space<vmem>> -> memref<16x256xf32, #tpu.memory_space<vmem>>
    %dma_wait3A_373 = arith.constant 0 : i32
    %dma_wait3A_374 = tpu.memref_slice %arg8[%dma_wait3A_365, %dma_wait3A_366, %dma_wait3A_373] : memref<16x1x16xi32, #tpu.memory_space<vmem>> -> memref<1x1x16xi32, #tpu.memory_space<vmem>>
    %dma_wait3A_375 = tpu.memref_squeeze %dma_wait3A_374 : memref<1x1x16xi32, #tpu.memory_space<vmem>> -> memref<16xi32, #tpu.memory_space<vmem>>
    %dma_wait3A_376 = arith.constant 0 : i32
    %dma_wait3A_377 = arith.constant 0 : i32
    %dma_wait3A_378 = tpu.memref_slice %arg3[%dma_wait3A_376, %dma_wait3A_377] : memref<1000x256xf32, #tpu.memory_space<hbm>> -> memref<1000x256xf32, #tpu.memory_space<hbm>>
    %dma_wait3A_379 = tpu.memref_slice %arg15[%dma_wait3A_368] : memref<6x!tpu.dma_semaphore, #tpu.memory_space<semaphore_mem>> -> memref<1x!tpu.dma_semaphore, #tpu.memory_space<semaphore_mem>>
    %dma_wait3A_380 = tpu.memref_squeeze %dma_wait3A_379 : memref<1x!tpu.dma_semaphore, #tpu.memory_space<semaphore_mem>> -> memref<!tpu.dma_semaphore, #tpu.memory_space<semaphore_mem>>
    tpu.wait_indirect_dma semaphore(%dma_wait3A_380 : memref<!tpu.dma_semaphore, #tpu.memory_space<semaphore_mem>>) src(%dma_wait3A_378 : memref<1000x256xf32, #tpu.memory_space<hbm>>) dst(%dma_wait3A_372 : memref<16x256xf32, #tpu.memory_space<vmem>>)
    %dma_wait3A_381 = arith.constant 1 : i32
    %dma_wait3A_382 = arith.constant 0 : i32
    %dma_wait3A_383 = arith.constant 1 : i32
    %dma_wait3A_384 = arith.constant 0 : i32
    %dma_wait3A_385 = arith.constant 0 : i32
    %dma_wait3A_386 = arith.constant 0 : i32
    %dma_wait3A_387 = tpu.memref_slice %arg9[%dma_wait3A_383, %dma_wait3A_385, %dma_wait3A_386] : memref<12x16x256xf32, #tpu.memory_space<vmem>> -> memref<1x16x256xf32, #tpu.memory_space<vmem>>
    %dma_wait3A_388 = tpu.memref_squeeze %dma_wait3A_387 : memref<1x16x256xf32, #tpu.memory_space<vmem>> -> memref<16x256xf32, #tpu.memory_space<vmem>>
    %dma_wait3A_389 = arith.constant 0 : i32
    %dma_wait3A_390 = tpu.memref_slice %arg8[%dma_wait3A_381, %dma_wait3A_382, %dma_wait3A_389] : memref<16x1x16xi32, #tpu.memory_space<vmem>> -> memref<1x1x16xi32, #tpu.memory_space<vmem>>
    %dma_wait3A_391 = tpu.memref_squeeze %dma_wait3A_390 : memref<1x1x16xi32, #tpu.memory_space<vmem>> -> memref<16xi32, #tpu.memory_space<vmem>>
    %dma_wait3A_392 = arith.constant 0 : i32
    %dma_wait3A_393 = arith.constant 0 : i32
    %dma_wait3A_394 = tpu.memref_slice %arg3[%dma_wait3A_392, %dma_wait3A_393] : memref<1000x256xf32, #tpu.memory_space<hbm>> -> memref<1000x256xf32, #tpu.memory_space<hbm>>
    %dma_wait3A_395 = tpu.memref_slice %arg15[%dma_wait3A_384] : memref<6x!tpu.dma_semaphore, #tpu.memory_space<semaphore_mem>> -> memref<1x!tpu.dma_semaphore, #tpu.memory_space<semaphore_mem>>
    %dma_wait3A_396 = tpu.memref_squeeze %dma_wait3A_395 : memref<1x!tpu.dma_semaphore, #tpu.memory_space<semaphore_mem>> -> memref<!tpu.dma_semaphore, #tpu.memory_space<semaphore_mem>>
    tpu.wait_indirect_dma semaphore(%dma_wait3A_396 : memref<!tpu.dma_semaphore, #tpu.memory_space<semaphore_mem>>) src(%dma_wait3A_394 : memref<1000x256xf32, #tpu.memory_space<hbm>>) dst(%dma_wait3A_388 : memref<16x256xf32, #tpu.memory_space<vmem>>)
    %scan3A = arith.constant 0 : i32
    %scan3A_397 = arith.constant 0 : i32
    %scan3A_398 = arith.constant 16 : i32
    %scan3A_399 = arith.addi %scan3A_397, %scan3A_398 : i32
    %scan3A_400 = arith.constant 1 : i32
    scf.for %scan3A_752 = %scan3A_397 to %scan3A_399 step %scan3A_400  : i32 {
      %broadcast_in_dim3A = arith.constant 0.000000e+00 : f32
      %broadcast_in_dim3A_753 = vector.broadcast %broadcast_in_dim3A : f32 to vector<16xf32>
      %get3A = arith.constant 0 : i32
      %get3A_754 = arith.index_cast %get3A : i32 to index
      %get3A_755 = arith.index_cast %scan3A_752 : i32 to index
      %get3A_756 = arith.constant 0 : index
      %get3A_757 = tpu.vector_load %arg9[%get3A_754, %get3A_755, %get3A_756] {strides = array<i32>} : memref<12x16x256xf32, #tpu.memory_space<vmem>>, vector<1x1x16xf32>,
      %get3A_758 = vector.shape_cast %get3A_757 : vector<1x1x16xf32> to vector<16xf32>
      %get3A_759 = arith.constant 0 : i32
      %get3A_760 = arith.index_cast %get3A_759 : i32 to index
      %get3A_761 = arith.index_cast %scan3A_752 : i32 to index
      %get3A_762 = arith.constant 128 : index
      %get3A_763 = tpu.vector_load %arg9[%get3A_760, %get3A_761, %get3A_762] {strides = array<i32>} : memref<12x16x256xf32, #tpu.memory_space<vmem>>, vector<1x1x16xf32>,
      %get3A_764 = vector.shape_cast %get3A_763 : vector<1x1x16xf32> to vector<16xf32>
      %abs3A = math.absf %get3A_764 : vector<16xf32>
      %get3A_765 = arith.constant 1 : i32
      %get3A_766 = arith.index_cast %get3A_765 : i32 to index
      %get3A_767 = arith.index_cast %scan3A_752 : i32 to index
      %get3A_768 = arith.constant 0 : index
      %get3A_769 = tpu.vector_load %arg9[%get3A_766, %get3A_767, %get3A_768] {strides = array<i32>} : memref<12x16x256xf32, #tpu.memory_space<vmem>>, vector<1x1x16xf32>,
      %get3A_770 = vector.shape_cast %get3A_769 : vector<1x1x16xf32> to vector<16xf32>
      %get3A_771 = arith.constant 1 : i32
      %get3A_772 = arith.index_cast %get3A_771 : i32 to index
      %get3A_773 = arith.index_cast %scan3A_752 : i32 to index
      %get3A_774 = arith.constant 128 : index
      %get3A_775 = tpu.vector_load %arg9[%get3A_772, %get3A_773, %get3A_774] {strides = array<i32>} : memref<12x16x256xf32, #tpu.memory_space<vmem>>, vector<1x1x16xf32>,
      %get3A_776 = vector.shape_cast %get3A_775 : vector<1x1x16xf32> to vector<16xf32>
      %abs3A_777 = math.absf %get3A_776 : vector<16xf32>
      %sub3A = arith.subf %get3A_758, %get3A_770 : vector<16xf32>
      %abs3A_778 = math.absf %sub3A : vector<16xf32>
      %add3A_779 = arith.addf %abs3A_778, %abs3A : vector<16xf32>
      %sub3A_780 = arith.subf %add3A_779, %abs3A_777 : vector<16xf32>
      %max3A = arith.constant 0.000000e+00 : f32
      %max3A_781 = vector.broadcast %max3A : f32 to vector<16xf32>
      %max3A_782 = arith.maximumf %sub3A_780, %max3A_781 : vector<16xf32>
      %mul3A_783 = arith.mulf %max3A_782, %max3A_782 : vector<16xf32>
      %add3A_784 = arith.addf %broadcast_in_dim3A_753, %mul3A_783 : vector<16xf32>
      %get3A_785 = arith.constant 0 : i32
      %get3A_786 = arith.index_cast %get3A_785 : i32 to index
      %get3A_787 = arith.index_cast %scan3A_752 : i32 to index
      %get3A_788 = arith.constant 16 : index
      %get3A_789 = tpu.vector_load %arg9[%get3A_786, %get3A_787, %get3A_788] {strides = array<i32>} : memref<12x16x256xf32, #tpu.memory_space<vmem>>, vector<1x1x16xf32>,
      %get3A_790 = vector.shape_cast %get3A_789 : vector<1x1x16xf32> to vector<16xf32>
      %get3A_791 = arith.constant 0 : i32
      %get3A_792 = arith.index_cast %get3A_791 : i32 to index
      %get3A_793 = arith.index_cast %scan3A_752 : i32 to index
      %get3A_794 = arith.constant 144 : index
      %get3A_795 = tpu.vector_load %arg9[%get3A_792, %get3A_793, %get3A_794] {strides = array<i32>} : memref<12x16x256xf32, #tpu.memory_space<vmem>>, vector<1x1x16xf32>,
      %get3A_796 = vector.shape_cast %get3A_795 : vector<1x1x16xf32> to vector<16xf32>
      %abs3A_797 = math.absf %get3A_796 : vector<16xf32>
      %get3A_798 = arith.constant 1 : i32
      %get3A_799 = arith.index_cast %get3A_798 : i32 to index
      %get3A_800 = arith.index_cast %scan3A_752 : i32 to index
      %get3A_801 = arith.constant 16 : index
      %get3A_802 = tpu.vector_load %arg9[%get3A_799, %get3A_800, %get3A_801] {strides = array<i32>} : memref<12x16x256xf32, #tpu.memory_space<vmem>>, vector<1x1x16xf32>,
      %get3A_803 = vector.shape_cast %get3A_802 : vector<1x1x16xf32> to vector<16xf32>
      %get3A_804 = arith.constant 1 : i32
      %get3A_805 = arith.index_cast %get3A_804 : i32 to index
      %get3A_806 = arith.index_cast %scan3A_752 : i32 to index
      %get3A_807 = arith.constant 144 : index
      %get3A_808 = tpu.vector_load %arg9[%get3A_805, %get3A_806, %get3A_807] {strides = array<i32>} : memref<12x16x256xf32, #tpu.memory_space<vmem>>, vector<1x1x16xf32>,
      %get3A_809 = vector.shape_cast %get3A_808 : vector<1x1x16xf32> to vector<16xf32>
      %abs3A_810 = math.absf %get3A_809 : vector<16xf32>
      %sub3A_811 = arith.subf %get3A_790, %get3A_803 : vector<16xf32>
      %abs3A_812 = math.absf %sub3A_811 : vector<16xf32>
      %add3A_813 = arith.addf %abs3A_812, %abs3A_797 : vector<16xf32>
      %sub3A_814 = arith.subf %add3A_813, %abs3A_810 : vector<16xf32>
      %max3A_815 = arith.constant 0.000000e+00 : f32
      %max3A_816 = vector.broadcast %max3A_815 : f32 to vector<16xf32>
      %max3A_817 = arith.maximumf %sub3A_814, %max3A_816 : vector<16xf32>
      %mul3A_818 = arith.mulf %max3A_817, %max3A_817 : vector<16xf32>
      %add3A_819 = arith.addf %add3A_784, %mul3A_818 : vector<16xf32>
      %get3A_820 = arith.constant 0 : i32
      %get3A_821 = arith.index_cast %get3A_820 : i32 to index
      %get3A_822 = arith.index_cast %scan3A_752 : i32 to index
      %get3A_823 = arith.constant 32 : index
      %get3A_824 = tpu.vector_load %arg9[%get3A_821, %get3A_822, %get3A_823] {strides = array<i32>} : memref<12x16x256xf32, #tpu.memory_space<vmem>>, vector<1x1x16xf32>,
      %get3A_825 = vector.shape_cast %get3A_824 : vector<1x1x16xf32> to vector<16xf32>
      %get3A_826 = arith.constant 0 : i32
      %get3A_827 = arith.index_cast %get3A_826 : i32 to index
      %get3A_828 = arith.index_cast %scan3A_752 : i32 to index
      %get3A_829 = arith.constant 160 : index
      %get3A_830 = tpu.vector_load %arg9[%get3A_827, %get3A_828, %get3A_829] {strides = array<i32>} : memref<12x16x256xf32, #tpu.memory_space<vmem>>, vector<1x1x16xf32>,
      %get3A_831 = vector.shape_cast %get3A_830 : vector<1x1x16xf32> to vector<16xf32>
      %abs3A_832 = math.absf %get3A_831 : vector<16xf32>
      %get3A_833 = arith.constant 1 : i32
      %get3A_834 = arith.index_cast %get3A_833 : i32 to index
      %get3A_835 = arith.index_cast %scan3A_752 : i32 to index
      %get3A_836 = arith.constant 32 : index
      %get3A_837 = tpu.vector_load %arg9[%get3A_834, %get3A_835, %get3A_836] {strides = array<i32>} : memref<12x16x256xf32, #tpu.memory_space<vmem>>, vector<1x1x16xf32>,
      %get3A_838 = vector.shape_cast %get3A_837 : vector<1x1x16xf32> to vector<16xf32>
      %get3A_839 = arith.constant 1 : i32
      %get3A_840 = arith.index_cast %get3A_839 : i32 to index
      %get3A_841 = arith.index_cast %scan3A_752 : i32 to index
      %get3A_842 = arith.constant 160 : index
      %get3A_843 = tpu.vector_load %arg9[%get3A_840, %get3A_841, %get3A_842] {strides = array<i32>} : memref<12x16x256xf32, #tpu.memory_space<vmem>>, vector<1x1x16xf32>,
      %get3A_844 = vector.shape_cast %get3A_843 : vector<1x1x16xf32> to vector<16xf32>
      %abs3A_845 = math.absf %get3A_844 : vector<16xf32>
      %sub3A_846 = arith.subf %get3A_825, %get3A_838 : vector<16xf32>
      %abs3A_847 = math.absf %sub3A_846 : vector<16xf32>
      %add3A_848 = arith.addf %abs3A_847, %abs3A_832 : vector<16xf32>
      %sub3A_849 = arith.subf %add3A_848, %abs3A_845 : vector<16xf32>
      %max3A_850 = arith.constant 0.000000e+00 : f32
      %max3A_851 = vector.broadcast %max3A_850 : f32 to vector<16xf32>
      %max3A_852 = arith.maximumf %sub3A_849, %max3A_851 : vector<16xf32>
      %mul3A_853 = arith.mulf %max3A_852, %max3A_852 : vector<16xf32>
      %add3A_854 = arith.addf %add3A_819, %mul3A_853 : vector<16xf32>
      %get3A_855 = arith.constant 0 : i32
      %get3A_856 = arith.index_cast %get3A_855 : i32 to index
      %get3A_857 = arith.index_cast %scan3A_752 : i32 to index
      %get3A_858 = arith.constant 48 : index
      %get3A_859 = tpu.vector_load %arg9[%get3A_856, %get3A_857, %get3A_858] {strides = array<i32>} : memref<12x16x256xf32, #tpu.memory_space<vmem>>, vector<1x1x16xf32>,
      %get3A_860 = vector.shape_cast %get3A_859 : vector<1x1x16xf32> to vector<16xf32>
      %get3A_861 = arith.constant 0 : i32
      %get3A_862 = arith.index_cast %get3A_861 : i32 to index
      %get3A_863 = arith.index_cast %scan3A_752 : i32 to index
      %get3A_864 = arith.constant 176 : index
      %get3A_865 = tpu.vector_load %arg9[%get3A_862, %get3A_863, %get3A_864] {strides = array<i32>} : memref<12x16x256xf32, #tpu.memory_space<vmem>>, vector<1x1x16xf32>,
      %get3A_866 = vector.shape_cast %get3A_865 : vector<1x1x16xf32> to vector<16xf32>
      %abs3A_867 = math.absf %get3A_866 : vector<16xf32>
      %get3A_868 = arith.constant 1 : i32
      %get3A_869 = arith.index_cast %get3A_868 : i32 to index
      %get3A_870 = arith.index_cast %scan3A_752 : i32 to index
      %get3A_871 = arith.constant 48 : index
      %get3A_872 = tpu.vector_load %arg9[%get3A_869, %get3A_870, %get3A_871] {strides = array<i32>} : memref<12x16x256xf32, #tpu.memory_space<vmem>>, vector<1x1x16xf32>,
      %get3A_873 = vector.shape_cast %get3A_872 : vector<1x1x16xf32> to vector<16xf32>
      %get3A_874 = arith.constant 1 : i32
      %get3A_875 = arith.index_cast %get3A_874 : i32 to index
      %get3A_876 = arith.index_cast %scan3A_752 : i32 to index
      %get3A_877 = arith.constant 176 : index
      %get3A_878 = tpu.vector_load %arg9[%get3A_875, %get3A_876, %get3A_877] {strides = array<i32>} : memref<12x16x256xf32, #tpu.memory_space<vmem>>, vector<1x1x16xf32>,
      %get3A_879 = vector.shape_cast %get3A_878 : vector<1x1x16xf32> to vector<16xf32>
      %abs3A_880 = math.absf %get3A_879 : vector<16xf32>
      %sub3A_881 = arith.subf %get3A_860, %get3A_873 : vector<16xf32>
      %abs3A_882 = math.absf %sub3A_881 : vector<16xf32>
      %add3A_883 = arith.addf %abs3A_882, %abs3A_867 : vector<16xf32>
      %sub3A_884 = arith.subf %add3A_883, %abs3A_880 : vector<16xf32>
      %max3A_885 = arith.constant 0.000000e+00 : f32
      %max3A_886 = vector.broadcast %max3A_885 : f32 to vector<16xf32>
      %max3A_887 = arith.maximumf %sub3A_884, %max3A_886 : vector<16xf32>
      %mul3A_888 = arith.mulf %max3A_887, %max3A_887 : vector<16xf32>
      %add3A_889 = arith.addf %add3A_854, %mul3A_888 : vector<16xf32>
      %get3A_890 = arith.constant 0 : i32
      %get3A_891 = arith.index_cast %get3A_890 : i32 to index
      %get3A_892 = arith.index_cast %scan3A_752 : i32 to index
      %get3A_893 = arith.constant 64 : index
      %get3A_894 = tpu.vector_load %arg9[%get3A_891, %get3A_892, %get3A_893] {strides = array<i32>} : memref<12x16x256xf32, #tpu.memory_space<vmem>>, vector<1x1x16xf32>,
      %get3A_895 = vector.shape_cast %get3A_894 : vector<1x1x16xf32> to vector<16xf32>
      %get3A_896 = arith.constant 0 : i32
      %get3A_897 = arith.index_cast %get3A_896 : i32 to index
      %get3A_898 = arith.index_cast %scan3A_752 : i32 to index
      %get3A_899 = arith.constant 192 : index
      %get3A_900 = tpu.vector_load %arg9[%get3A_897, %get3A_898, %get3A_899] {strides = array<i32>} : memref<12x16x256xf32, #tpu.memory_space<vmem>>, vector<1x1x16xf32>,
      %get3A_901 = vector.shape_cast %get3A_900 : vector<1x1x16xf32> to vector<16xf32>
      %abs3A_902 = math.absf %get3A_901 : vector<16xf32>
      %get3A_903 = arith.constant 1 : i32
      %get3A_904 = arith.index_cast %get3A_903 : i32 to index
      %get3A_905 = arith.index_cast %scan3A_752 : i32 to index
      %get3A_906 = arith.constant 64 : index
      %get3A_907 = tpu.vector_load %arg9[%get3A_904, %get3A_905, %get3A_906] {strides = array<i32>} : memref<12x16x256xf32, #tpu.memory_space<vmem>>, vector<1x1x16xf32>,
      %get3A_908 = vector.shape_cast %get3A_907 : vector<1x1x16xf32> to vector<16xf32>
      %get3A_909 = arith.constant 1 : i32
      %get3A_910 = arith.index_cast %get3A_909 : i32 to index
      %get3A_911 = arith.index_cast %scan3A_752 : i32 to index
      %get3A_912 = arith.constant 192 : index
      %get3A_913 = tpu.vector_load %arg9[%get3A_910, %get3A_911, %get3A_912] {strides = array<i32>} : memref<12x16x256xf32, #tpu.memory_space<vmem>>, vector<1x1x16xf32>,
      %get3A_914 = vector.shape_cast %get3A_913 : vector<1x1x16xf32> to vector<16xf32>
      %abs3A_915 = math.absf %get3A_914 : vector<16xf32>
      %sub3A_916 = arith.subf %get3A_895, %get3A_908 : vector<16xf32>
      %abs3A_917 = math.absf %sub3A_916 : vector<16xf32>
      %add3A_918 = arith.addf %abs3A_917, %abs3A_902 : vector<16xf32>
      %sub3A_919 = arith.subf %add3A_918, %abs3A_915 : vector<16xf32>
      %max3A_920 = arith.constant 0.000000e+00 : f32
      %max3A_921 = vector.broadcast %max3A_920 : f32 to vector<16xf32>
      %max3A_922 = arith.maximumf %sub3A_919, %max3A_921 : vector<16xf32>
      %mul3A_923 = arith.mulf %max3A_922, %max3A_922 : vector<16xf32>
      %add3A_924 = arith.addf %add3A_889, %mul3A_923 : vector<16xf32>
      %get3A_925 = arith.constant 0 : i32
      %get3A_926 = arith.index_cast %get3A_925 : i32 to index
      %get3A_927 = arith.index_cast %scan3A_752 : i32 to index
      %get3A_928 = arith.constant 80 : index
      %get3A_929 = tpu.vector_load %arg9[%get3A_926, %get3A_927, %get3A_928] {strides = array<i32>} : memref<12x16x256xf32, #tpu.memory_space<vmem>>, vector<1x1x16xf32>,
      %get3A_930 = vector.shape_cast %get3A_929 : vector<1x1x16xf32> to vector<16xf32>
      %get3A_931 = arith.constant 0 : i32
      %get3A_932 = arith.index_cast %get3A_931 : i32 to index
      %get3A_933 = arith.index_cast %scan3A_752 : i32 to index
      %get3A_934 = arith.constant 208 : index
      %get3A_935 = tpu.vector_load %arg9[%get3A_932, %get3A_933, %get3A_934] {strides = array<i32>} : memref<12x16x256xf32, #tpu.memory_space<vmem>>, vector<1x1x16xf32>,
      %get3A_936 = vector.shape_cast %get3A_935 : vector<1x1x16xf32> to vector<16xf32>
      %abs3A_937 = math.absf %get3A_936 : vector<16xf32>
      %get3A_938 = arith.constant 1 : i32
      %get3A_939 = arith.index_cast %get3A_938 : i32 to index
      %get3A_940 = arith.index_cast %scan3A_752 : i32 to index
      %get3A_941 = arith.constant 80 : index
      %get3A_942 = tpu.vector_load %arg9[%get3A_939, %get3A_940, %get3A_941] {strides = array<i32>} : memref<12x16x256xf32, #tpu.memory_space<vmem>>, vector<1x1x16xf32>,
      %get3A_943 = vector.shape_cast %get3A_942 : vector<1x1x16xf32> to vector<16xf32>
      %get3A_944 = arith.constant 1 : i32
      %get3A_945 = arith.index_cast %get3A_944 : i32 to index
      %get3A_946 = arith.index_cast %scan3A_752 : i32 to index
      %get3A_947 = arith.constant 208 : index
      %get3A_948 = tpu.vector_load %arg9[%get3A_945, %get3A_946, %get3A_947] {strides = array<i32>} : memref<12x16x256xf32, #tpu.memory_space<vmem>>, vector<1x1x16xf32>,
      %get3A_949 = vector.shape_cast %get3A_948 : vector<1x1x16xf32> to vector<16xf32>
      %abs3A_950 = math.absf %get3A_949 : vector<16xf32>
      %sub3A_951 = arith.subf %get3A_930, %get3A_943 : vector<16xf32>
      %abs3A_952 = math.absf %sub3A_951 : vector<16xf32>
      %add3A_953 = arith.addf %abs3A_952, %abs3A_937 : vector<16xf32>
      %sub3A_954 = arith.subf %add3A_953, %abs3A_950 : vector<16xf32>
      %max3A_955 = arith.constant 0.000000e+00 : f32
      %max3A_956 = vector.broadcast %max3A_955 : f32 to vector<16xf32>
      %max3A_957 = arith.maximumf %sub3A_954, %max3A_956 : vector<16xf32>
      %mul3A_958 = arith.mulf %max3A_957, %max3A_957 : vector<16xf32>
      %add3A_959 = arith.addf %add3A_924, %mul3A_958 : vector<16xf32>
      %get3A_960 = arith.constant 0 : i32
      %get3A_961 = arith.index_cast %get3A_960 : i32 to index
      %get3A_962 = arith.index_cast %scan3A_752 : i32 to index
      %get3A_963 = arith.constant 96 : index
      %get3A_964 = tpu.vector_load %arg9[%get3A_961, %get3A_962, %get3A_963] {strides = array<i32>} : memref<12x16x256xf32, #tpu.memory_space<vmem>>, vector<1x1x16xf32>,
      %get3A_965 = vector.shape_cast %get3A_964 : vector<1x1x16xf32> to vector<16xf32>
      %get3A_966 = arith.constant 0 : i32
      %get3A_967 = arith.index_cast %get3A_966 : i32 to index
      %get3A_968 = arith.index_cast %scan3A_752 : i32 to index
      %get3A_969 = arith.constant 224 : index
      %get3A_970 = tpu.vector_load %arg9[%get3A_967, %get3A_968, %get3A_969] {strides = array<i32>} : memref<12x16x256xf32, #tpu.memory_space<vmem>>, vector<1x1x16xf32>,
      %get3A_971 = vector.shape_cast %get3A_970 : vector<1x1x16xf32> to vector<16xf32>
      %abs3A_972 = math.absf %get3A_971 : vector<16xf32>
      %get3A_973 = arith.constant 1 : i32
      %get3A_974 = arith.index_cast %get3A_973 : i32 to index
      %get3A_975 = arith.index_cast %scan3A_752 : i32 to index
      %get3A_976 = arith.constant 96 : index
      %get3A_977 = tpu.vector_load %arg9[%get3A_974, %get3A_975, %get3A_976] {strides = array<i32>} : memref<12x16x256xf32, #tpu.memory_space<vmem>>, vector<1x1x16xf32>,
      %get3A_978 = vector.shape_cast %get3A_977 : vector<1x1x16xf32> to vector<16xf32>
      %get3A_979 = arith.constant 1 : i32
      %get3A_980 = arith.index_cast %get3A_979 : i32 to index
      %get3A_981 = arith.index_cast %scan3A_752 : i32 to index
      %get3A_982 = arith.constant 224 : index
      %get3A_983 = tpu.vector_load %arg9[%get3A_980, %get3A_981, %get3A_982] {strides = array<i32>} : memref<12x16x256xf32, #tpu.memory_space<vmem>>, vector<1x1x16xf32>,
      %get3A_984 = vector.shape_cast %get3A_983 : vector<1x1x16xf32> to vector<16xf32>
      %abs3A_985 = math.absf %get3A_984 : vector<16xf32>
      %sub3A_986 = arith.subf %get3A_965, %get3A_978 : vector<16xf32>
      %abs3A_987 = math.absf %sub3A_986 : vector<16xf32>
      %add3A_988 = arith.addf %abs3A_987, %abs3A_972 : vector<16xf32>
      %sub3A_989 = arith.subf %add3A_988, %abs3A_985 : vector<16xf32>
      %max3A_990 = arith.constant 0.000000e+00 : f32
      %max3A_991 = vector.broadcast %max3A_990 : f32 to vector<16xf32>
      %max3A_992 = arith.maximumf %sub3A_989, %max3A_991 : vector<16xf32>
      %mul3A_993 = arith.mulf %max3A_992, %max3A_992 : vector<16xf32>
      %add3A_994 = arith.addf %add3A_959, %mul3A_993 : vector<16xf32>
      %get3A_995 = arith.constant 0 : i32
      %get3A_996 = arith.index_cast %get3A_995 : i32 to index
      %get3A_997 = arith.index_cast %scan3A_752 : i32 to index
      %get3A_998 = arith.constant 112 : index
      %get3A_999 = tpu.vector_load %arg9[%get3A_996, %get3A_997, %get3A_998] {strides = array<i32>} : memref<12x16x256xf32, #tpu.memory_space<vmem>>, vector<1x1x16xf32>,
      %get3A_1000 = vector.shape_cast %get3A_999 : vector<1x1x16xf32> to vector<16xf32>
      %get3A_1001 = arith.constant 0 : i32
      %get3A_1002 = arith.index_cast %get3A_1001 : i32 to index
      %get3A_1003 = arith.index_cast %scan3A_752 : i32 to index
      %get3A_1004 = arith.constant 240 : index
      %get3A_1005 = tpu.vector_load %arg9[%get3A_1002, %get3A_1003, %get3A_1004] {strides = array<i32>} : memref<12x16x256xf32, #tpu.memory_space<vmem>>, vector<1x1x16xf32>,
      %get3A_1006 = vector.shape_cast %get3A_1005 : vector<1x1x16xf32> to vector<16xf32>
      %abs3A_1007 = math.absf %get3A_1006 : vector<16xf32>
      %get3A_1008 = arith.constant 1 : i32
      %get3A_1009 = arith.index_cast %get3A_1008 : i32 to index
      %get3A_1010 = arith.index_cast %scan3A_752 : i32 to index
      %get3A_1011 = arith.constant 112 : index
      %get3A_1012 = tpu.vector_load %arg9[%get3A_1009, %get3A_1010, %get3A_1011] {strides = array<i32>} : memref<12x16x256xf32, #tpu.memory_space<vmem>>, vector<1x1x16xf32>,
      %get3A_1013 = vector.shape_cast %get3A_1012 : vector<1x1x16xf32> to vector<16xf32>
      %get3A_1014 = arith.constant 1 : i32
      %get3A_1015 = arith.index_cast %get3A_1014 : i32 to index
      %get3A_1016 = arith.index_cast %scan3A_752 : i32 to index
      %get3A_1017 = arith.constant 240 : index
      %get3A_1018 = tpu.vector_load %arg9[%get3A_1015, %get3A_1016, %get3A_1017] {strides = array<i32>} : memref<12x16x256xf32, #tpu.memory_space<vmem>>, vector<1x1x16xf32>,
      %get3A_1019 = vector.shape_cast %get3A_1018 : vector<1x1x16xf32> to vector<16xf32>
      %abs3A_1020 = math.absf %get3A_1019 : vector<16xf32>
      %sub3A_1021 = arith.subf %get3A_1000, %get3A_1013 : vector<16xf32>
      %abs3A_1022 = math.absf %sub3A_1021 : vector<16xf32>
      %add3A_1023 = arith.addf %abs3A_1022, %abs3A_1007 : vector<16xf32>
      %sub3A_1024 = arith.subf %add3A_1023, %abs3A_1020 : vector<16xf32>
      %max3A_1025 = arith.constant 0.000000e+00 : f32
      %max3A_1026 = vector.broadcast %max3A_1025 : f32 to vector<16xf32>
      %max3A_1027 = arith.maximumf %sub3A_1024, %max3A_1026 : vector<16xf32>
      %mul3A_1028 = arith.mulf %max3A_1027, %max3A_1027 : vector<16xf32>
      %add3A_1029 = arith.addf %add3A_994, %mul3A_1028 : vector<16xf32>
      %swap3A = arith.constant 0 : i32
      %swap3A_1030 = arith.index_cast %scan3A_752 : i32 to index
      %swap3A_1031 = arith.index_cast %swap3A : i32 to index
      %swap3A_1032 = arith.constant 0 : index
      %swap3A_1033 = tpu.vector_load %arg13[%swap3A_1030, %swap3A_1031, %swap3A_1032] {strides = array<i32>} : memref<16x9x16xf32, #tpu.memory_space<vmem>>, vector<1x1x16xf32>,
      %swap3A_1034 = vector.shape_cast %swap3A_1033 : vector<1x1x16xf32> to vector<16xf32>
      %swap3A_1035 = vector.shape_cast %add3A_1029 : vector<16xf32> to vector<1x1x16xf32>
      tpu.vector_store %arg13[%swap3A_1030, %swap3A_1031, %swap3A_1032], %swap3A_1035 {strides = array<i32>} : memref<16x9x16xf32, #tpu.memory_space<vmem>>, vector<1x1x16xf32>,
    }
    %scan3A_401 = arith.constant 16 : i32
    %dma_wait3A_402 = arith.constant 2 : i32
    %dma_wait3A_403 = arith.constant 0 : i32
    %dma_wait3A_404 = arith.constant 2 : i32
    %dma_wait3A_405 = arith.constant 1 : i32
    "tpu.trace_stop"() : () -> ()
    "tpu.trace_start"() <{level = 10 : i32, message = "grp1"}> : () -> ()
    %dma_wait3A_406 = arith.constant 0 : i32
    %dma_wait3A_407 = arith.constant 0 : i32
    %dma_wait3A_408 = tpu.memref_slice %arg9[%dma_wait3A_404, %dma_wait3A_406, %dma_wait3A_407] : memref<12x16x256xf32, #tpu.memory_space<vmem>> -> memref<1x16x256xf32, #tpu.memory_space<vmem>>
    %dma_wait3A_409 = tpu.memref_squeeze %dma_wait3A_408 : memref<1x16x256xf32, #tpu.memory_space<vmem>> -> memref<16x256xf32, #tpu.memory_space<vmem>>
    %dma_wait3A_410 = arith.constant 0 : i32
    %dma_wait3A_411 = tpu.memref_slice %arg8[%dma_wait3A_402, %dma_wait3A_403, %dma_wait3A_410] : memref<16x1x16xi32, #tpu.memory_space<vmem>> -> memref<1x1x16xi32, #tpu.memory_space<vmem>>
    %dma_wait3A_412 = tpu.memref_squeeze %dma_wait3A_411 : memref<1x1x16xi32, #tpu.memory_space<vmem>> -> memref<16xi32, #tpu.memory_space<vmem>>
    %dma_wait3A_413 = arith.constant 0 : i32
    %dma_wait3A_414 = arith.constant 0 : i32
    %dma_wait3A_415 = tpu.memref_slice %arg3[%dma_wait3A_413, %dma_wait3A_414] : memref<1000x256xf32, #tpu.memory_space<hbm>> -> memref<1000x256xf32, #tpu.memory_space<hbm>>
    %dma_wait3A_416 = tpu.memref_slice %arg15[%dma_wait3A_405] : memref<6x!tpu.dma_semaphore, #tpu.memory_space<semaphore_mem>> -> memref<1x!tpu.dma_semaphore, #tpu.memory_space<semaphore_mem>>
    %dma_wait3A_417 = tpu.memref_squeeze %dma_wait3A_416 : memref<1x!tpu.dma_semaphore, #tpu.memory_space<semaphore_mem>> -> memref<!tpu.dma_semaphore, #tpu.memory_space<semaphore_mem>>
    tpu.wait_indirect_dma semaphore(%dma_wait3A_417 : memref<!tpu.dma_semaphore, #tpu.memory_space<semaphore_mem>>) src(%dma_wait3A_415 : memref<1000x256xf32, #tpu.memory_space<hbm>>) dst(%dma_wait3A_409 : memref<16x256xf32, #tpu.memory_space<vmem>>)
    %dma_wait3A_418 = arith.constant 3 : i32
    %dma_wait3A_419 = arith.constant 0 : i32
    %dma_wait3A_420 = arith.constant 3 : i32
    %dma_wait3A_421 = arith.constant 1 : i32
    %dma_wait3A_422 = arith.constant 0 : i32
    %dma_wait3A_423 = arith.constant 0 : i32
    %dma_wait3A_424 = tpu.memref_slice %arg9[%dma_wait3A_420, %dma_wait3A_422, %dma_wait3A_423] : memref<12x16x256xf32, #tpu.memory_space<vmem>> -> memref<1x16x256xf32, #tpu.memory_space<vmem>>
    %dma_wait3A_425 = tpu.memref_squeeze %dma_wait3A_424 : memref<1x16x256xf32, #tpu.memory_space<vmem>> -> memref<16x256xf32, #tpu.memory_space<vmem>>
    %dma_wait3A_426 = arith.constant 0 : i32
    %dma_wait3A_427 = tpu.memref_slice %arg8[%dma_wait3A_418, %dma_wait3A_419, %dma_wait3A_426] : memref<16x1x16xi32, #tpu.memory_space<vmem>> -> memref<1x1x16xi32, #tpu.memory_space<vmem>>
    %dma_wait3A_428 = tpu.memref_squeeze %dma_wait3A_427 : memref<1x1x16xi32, #tpu.memory_space<vmem>> -> memref<16xi32, #tpu.memory_space<vmem>>
    %dma_wait3A_429 = arith.constant 0 : i32
    %dma_wait3A_430 = arith.constant 0 : i32
    %dma_wait3A_431 = tpu.memref_slice %arg3[%dma_wait3A_429, %dma_wait3A_430] : memref<1000x256xf32, #tpu.memory_space<hbm>> -> memref<1000x256xf32, #tpu.memory_space<hbm>>
    %dma_wait3A_432 = tpu.memref_slice %arg15[%dma_wait3A_421] : memref<6x!tpu.dma_semaphore, #tpu.memory_space<semaphore_mem>> -> memref<1x!tpu.dma_semaphore, #tpu.memory_space<semaphore_mem>>
    %dma_wait3A_433 = tpu.memref_squeeze %dma_wait3A_432 : memref<1x!tpu.dma_semaphore, #tpu.memory_space<semaphore_mem>> -> memref<!tpu.dma_semaphore, #tpu.memory_space<semaphore_mem>>
    tpu.wait_indirect_dma semaphore(%dma_wait3A_433 : memref<!tpu.dma_semaphore, #tpu.memory_space<semaphore_mem>>) src(%dma_wait3A_431 : memref<1000x256xf32, #tpu.memory_space<hbm>>) dst(%dma_wait3A_425 : memref<16x256xf32, #tpu.memory_space<vmem>>)
    %dma_wait3A_434 = arith.constant 4 : i32
    %dma_wait3A_435 = arith.constant 0 : i32
    %dma_wait3A_436 = arith.constant 4 : i32
    %dma_wait3A_437 = arith.constant 1 : i32
    %dma_wait3A_438 = arith.constant 0 : i32
    %dma_wait3A_439 = arith.constant 0 : i32
    %dma_wait3A_440 = tpu.memref_slice %arg9[%dma_wait3A_436, %dma_wait3A_438, %dma_wait3A_439] : memref<12x16x256xf32, #tpu.memory_space<vmem>> -> memref<1x16x256xf32, #tpu.memory_space<vmem>>
    %dma_wait3A_441 = tpu.memref_squeeze %dma_wait3A_440 : memref<1x16x256xf32, #tpu.memory_space<vmem>> -> memref<16x256xf32, #tpu.memory_space<vmem>>
    %dma_wait3A_442 = arith.constant 0 : i32
    %dma_wait3A_443 = tpu.memref_slice %arg8[%dma_wait3A_434, %dma_wait3A_435, %dma_wait3A_442] : memref<16x1x16xi32, #tpu.memory_space<vmem>> -> memref<1x1x16xi32, #tpu.memory_space<vmem>>
    %dma_wait3A_444 = tpu.memref_squeeze %dma_wait3A_443 : memref<1x1x16xi32, #tpu.memory_space<vmem>> -> memref<16xi32, #tpu.memory_space<vmem>>
    %dma_wait3A_445 = arith.constant 0 : i32
    %dma_wait3A_446 = arith.constant 0 : i32
    %dma_wait3A_447 = tpu.memref_slice %arg3[%dma_wait3A_445, %dma_wait3A_446] : memref<1000x256xf32, #tpu.memory_space<hbm>> -> memref<1000x256xf32, #tpu.memory_space<hbm>>
    %dma_wait3A_448 = tpu.memref_slice %arg15[%dma_wait3A_437] : memref<6x!tpu.dma_semaphore, #tpu.memory_space<semaphore_mem>> -> memref<1x!tpu.dma_semaphore, #tpu.memory_space<semaphore_mem>>
    %dma_wait3A_449 = tpu.memref_squeeze %dma_wait3A_448 : memref<1x!tpu.dma_semaphore, #tpu.memory_space<semaphore_mem>> -> memref<!tpu.dma_semaphore, #tpu.memory_space<semaphore_mem>>
    tpu.wait_indirect_dma semaphore(%dma_wait3A_449 : memref<!tpu.dma_semaphore, #tpu.memory_space<semaphore_mem>>) src(%dma_wait3A_447 : memref<1000x256xf32, #tpu.memory_space<hbm>>) dst(%dma_wait3A_441 : memref<16x256xf32, #tpu.memory_space<vmem>>)
    %scan3A_450 = arith.constant 0 : i32
    %scan3A_451 = arith.constant 0 : i32
    %scan3A_452 = arith.constant 16 : i32
    %scan3A_453 = arith.addi %scan3A_451, %scan3A_452 : i32
    %scan3A_454 = arith.constant 1 : i32
    scf.for %scan3A_752 = %scan3A_451 to %scan3A_453 step %scan3A_454  : i32 {
      %broadcast_in_dim3A = arith.constant 0.000000e+00 : f32
      %broadcast_in_dim3A_753 = vector.broadcast %broadcast_in_dim3A : f32 to vector<16xf32>
      %broadcast_in_dim3A_754 = arith.constant 0.000000e+00 : f32
      %broadcast_in_dim3A_755 = vector.broadcast %broadcast_in_dim3A_754 : f32 to vector<16xf32>
      %get3A = arith.constant 2 : i32
      %get3A_756 = arith.index_cast %get3A : i32 to index
      %get3A_757 = arith.index_cast %scan3A_752 : i32 to index
      %get3A_758 = arith.constant 0 : index
      %get3A_759 = tpu.vector_load %arg9[%get3A_756, %get3A_757, %get3A_758] {strides = array<i32>} : memref<12x16x256xf32, #tpu.memory_space<vmem>>, vector<1x1x16xf32>,
      %get3A_760 = vector.shape_cast %get3A_759 : vector<1x1x16xf32> to vector<16xf32>
      %get3A_761 = arith.constant 2 : i32
      %get3A_762 = arith.index_cast %get3A_761 : i32 to index
      %get3A_763 = arith.index_cast %scan3A_752 : i32 to index
      %get3A_764 = arith.constant 128 : index
      %get3A_765 = tpu.vector_load %arg9[%get3A_762, %get3A_763, %get3A_764] {strides = array<i32>} : memref<12x16x256xf32, #tpu.memory_space<vmem>>, vector<1x1x16xf32>,
      %get3A_766 = vector.shape_cast %get3A_765 : vector<1x1x16xf32> to vector<16xf32>
      %abs3A = math.absf %get3A_766 : vector<16xf32>
      %get3A_767 = arith.constant 3 : i32
      %get3A_768 = arith.index_cast %get3A_767 : i32 to index
      %get3A_769 = arith.index_cast %scan3A_752 : i32 to index
      %get3A_770 = arith.constant 0 : index
      %get3A_771 = tpu.vector_load %arg9[%get3A_768, %get3A_769, %get3A_770] {strides = array<i32>} : memref<12x16x256xf32, #tpu.memory_space<vmem>>, vector<1x1x16xf32>,
      %get3A_772 = vector.shape_cast %get3A_771 : vector<1x1x16xf32> to vector<16xf32>
      %get3A_773 = arith.constant 3 : i32
      %get3A_774 = arith.index_cast %get3A_773 : i32 to index
      %get3A_775 = arith.index_cast %scan3A_752 : i32 to index
      %get3A_776 = arith.constant 128 : index
      %get3A_777 = tpu.vector_load %arg9[%get3A_774, %get3A_775, %get3A_776] {strides = array<i32>} : memref<12x16x256xf32, #tpu.memory_space<vmem>>, vector<1x1x16xf32>,
      %get3A_778 = vector.shape_cast %get3A_777 : vector<1x1x16xf32> to vector<16xf32>
      %abs3A_779 = math.absf %get3A_778 : vector<16xf32>
      %sub3A = arith.subf %get3A_760, %abs3A : vector<16xf32>
      %sub3A_780 = arith.subf %get3A_772, %abs3A_779 : vector<16xf32>
      %max3A = arith.maximumf %sub3A, %sub3A_780 : vector<16xf32>
      %add3A_781 = arith.addf %get3A_760, %abs3A : vector<16xf32>
      %add3A_782 = arith.addf %get3A_772, %abs3A_779 : vector<16xf32>
      %min3A = arith.minimumf %add3A_781, %add3A_782 : vector<16xf32>
      %add3A_783 = arith.addf %max3A, %min3A : vector<16xf32>
      %mul3A_784 = arith.constant 5.000000e-01 : f32
      %mul3A_785 = vector.broadcast %mul3A_784 : f32 to vector<16xf32>
      %mul3A_786 = arith.mulf %mul3A_785, %add3A_783 : vector<16xf32>
      %sub3A_787 = arith.subf %min3A, %max3A : vector<16xf32>
      %mul3A_788 = arith.constant 5.000000e-01 : f32
      %mul3A_789 = vector.broadcast %mul3A_788 : f32 to vector<16xf32>
      %mul3A_790 = arith.mulf %mul3A_789, %sub3A_787 : vector<16xf32>
      %get3A_791 = arith.constant 4 : i32
      %get3A_792 = arith.index_cast %get3A_791 : i32 to index
      %get3A_793 = arith.index_cast %scan3A_752 : i32 to index
      %get3A_794 = arith.constant 0 : index
      %get3A_795 = tpu.vector_load %arg9[%get3A_792, %get3A_793, %get3A_794] {strides = array<i32>} : memref<12x16x256xf32, #tpu.memory_space<vmem>>, vector<1x1x16xf32>,
      %get3A_796 = vector.shape_cast %get3A_795 : vector<1x1x16xf32> to vector<16xf32>
      %get3A_797 = arith.constant 4 : i32
      %get3A_798 = arith.index_cast %get3A_797 : i32 to index
      %get3A_799 = arith.index_cast %scan3A_752 : i32 to index
      %get3A_800 = arith.constant 128 : index
      %get3A_801 = tpu.vector_load %arg9[%get3A_798, %get3A_799, %get3A_800] {strides = array<i32>} : memref<12x16x256xf32, #tpu.memory_space<vmem>>, vector<1x1x16xf32>,
      %get3A_802 = vector.shape_cast %get3A_801 : vector<1x1x16xf32> to vector<16xf32>
      %abs3A_803 = math.absf %get3A_802 : vector<16xf32>
      %sub3A_804 = arith.subf %mul3A_786, %get3A_796 : vector<16xf32>
      %abs3A_805 = math.absf %sub3A_804 : vector<16xf32>
      %add3A_806 = arith.addf %abs3A_805, %mul3A_790 : vector<16xf32>
      %sub3A_807 = arith.subf %add3A_806, %abs3A_803 : vector<16xf32>
      %max3A_808 = arith.constant 0.000000e+00 : f32
      %max3A_809 = vector.broadcast %max3A_808 : f32 to vector<16xf32>
      %max3A_810 = arith.maximumf %sub3A_807, %max3A_809 : vector<16xf32>
      %mul3A_811 = arith.mulf %max3A_810, %max3A_810 : vector<16xf32>
      %add3A_812 = arith.addf %broadcast_in_dim3A_753, %mul3A_811 : vector<16xf32>
      %sub3A_813 = arith.subf %max3A, %min3A : vector<16xf32>
      %max3A_814 = arith.constant 0.000000e+00 : f32
      %max3A_815 = vector.broadcast %max3A_814 : f32 to vector<16xf32>
      %max3A_816 = arith.maximumf %sub3A_813, %max3A_815 : vector<16xf32>
      %mul3A_817 = arith.mulf %max3A_816, %max3A_816 : vector<16xf32>
      %add3A_818 = arith.addf %broadcast_in_dim3A_755, %mul3A_817 : vector<16xf32>
      %get3A_819 = arith.constant 2 : i32
      %get3A_820 = arith.index_cast %get3A_819 : i32 to index
      %get3A_821 = arith.index_cast %scan3A_752 : i32 to index
      %get3A_822 = arith.constant 16 : index
      %get3A_823 = tpu.vector_load %arg9[%get3A_820, %get3A_821, %get3A_822] {strides = array<i32>} : memref<12x16x256xf32, #tpu.memory_space<vmem>>, vector<1x1x16xf32>,
      %get3A_824 = vector.shape_cast %get3A_823 : vector<1x1x16xf32> to vector<16xf32>
      %get3A_825 = arith.constant 2 : i32
      %get3A_826 = arith.index_cast %get3A_825 : i32 to index
      %get3A_827 = arith.index_cast %scan3A_752 : i32 to index
      %get3A_828 = arith.constant 144 : index
      %get3A_829 = tpu.vector_load %arg9[%get3A_826, %get3A_827, %get3A_828] {strides = array<i32>} : memref<12x16x256xf32, #tpu.memory_space<vmem>>, vector<1x1x16xf32>,
      %get3A_830 = vector.shape_cast %get3A_829 : vector<1x1x16xf32> to vector<16xf32>
      %abs3A_831 = math.absf %get3A_830 : vector<16xf32>
      %get3A_832 = arith.constant 3 : i32
      %get3A_833 = arith.index_cast %get3A_832 : i32 to index
      %get3A_834 = arith.index_cast %scan3A_752 : i32 to index
      %get3A_835 = arith.constant 16 : index
      %get3A_836 = tpu.vector_load %arg9[%get3A_833, %get3A_834, %get3A_835] {strides = array<i32>} : memref<12x16x256xf32, #tpu.memory_space<vmem>>, vector<1x1x16xf32>,
      %get3A_837 = vector.shape_cast %get3A_836 : vector<1x1x16xf32> to vector<16xf32>
      %get3A_838 = arith.constant 3 : i32
      %get3A_839 = arith.index_cast %get3A_838 : i32 to index
      %get3A_840 = arith.index_cast %scan3A_752 : i32 to index
      %get3A_841 = arith.constant 144 : index
      %get3A_842 = tpu.vector_load %arg9[%get3A_839, %get3A_840, %get3A_841] {strides = array<i32>} : memref<12x16x256xf32, #tpu.memory_space<vmem>>, vector<1x1x16xf32>,
      %get3A_843 = vector.shape_cast %get3A_842 : vector<1x1x16xf32> to vector<16xf32>
      %abs3A_844 = math.absf %get3A_843 : vector<16xf32>
      %sub3A_845 = arith.subf %get3A_824, %abs3A_831 : vector<16xf32>
      %sub3A_846 = arith.subf %get3A_837, %abs3A_844 : vector<16xf32>
      %max3A_847 = arith.maximumf %sub3A_845, %sub3A_846 : vector<16xf32>
      %add3A_848 = arith.addf %get3A_824, %abs3A_831 : vector<16xf32>
      %add3A_849 = arith.addf %get3A_837, %abs3A_844 : vector<16xf32>
      %min3A_850 = arith.minimumf %add3A_848, %add3A_849 : vector<16xf32>
      %add3A_851 = arith.addf %max3A_847, %min3A_850 : vector<16xf32>
      %mul3A_852 = arith.constant 5.000000e-01 : f32
      %mul3A_853 = vector.broadcast %mul3A_852 : f32 to vector<16xf32>
      %mul3A_854 = arith.mulf %mul3A_853, %add3A_851 : vector<16xf32>
      %sub3A_855 = arith.subf %min3A_850, %max3A_847 : vector<16xf32>
      %mul3A_856 = arith.constant 5.000000e-01 : f32
      %mul3A_857 = vector.broadcast %mul3A_856 : f32 to vector<16xf32>
      %mul3A_858 = arith.mulf %mul3A_857, %sub3A_855 : vector<16xf32>
      %get3A_859 = arith.constant 4 : i32
      %get3A_860 = arith.index_cast %get3A_859 : i32 to index
      %get3A_861 = arith.index_cast %scan3A_752 : i32 to index
      %get3A_862 = arith.constant 16 : index
      %get3A_863 = tpu.vector_load %arg9[%get3A_860, %get3A_861, %get3A_862] {strides = array<i32>} : memref<12x16x256xf32, #tpu.memory_space<vmem>>, vector<1x1x16xf32>,
      %get3A_864 = vector.shape_cast %get3A_863 : vector<1x1x16xf32> to vector<16xf32>
      %get3A_865 = arith.constant 4 : i32
      %get3A_866 = arith.index_cast %get3A_865 : i32 to index
      %get3A_867 = arith.index_cast %scan3A_752 : i32 to index
      %get3A_868 = arith.constant 144 : index
      %get3A_869 = tpu.vector_load %arg9[%get3A_866, %get3A_867, %get3A_868] {strides = array<i32>} : memref<12x16x256xf32, #tpu.memory_space<vmem>>, vector<1x1x16xf32>,
      %get3A_870 = vector.shape_cast %get3A_869 : vector<1x1x16xf32> to vector<16xf32>
      %abs3A_871 = math.absf %get3A_870 : vector<16xf32>
      %sub3A_872 = arith.subf %mul3A_854, %get3A_864 : vector<16xf32>
      %abs3A_873 = math.absf %sub3A_872 : vector<16xf32>
      %add3A_874 = arith.addf %abs3A_873, %mul3A_858 : vector<16xf32>
      %sub3A_875 = arith.subf %add3A_874, %abs3A_871 : vector<16xf32>
      %max3A_876 = arith.constant 0.000000e+00 : f32
      %max3A_877 = vector.broadcast %max3A_876 : f32 to vector<16xf32>
      %max3A_878 = arith.maximumf %sub3A_875, %max3A_877 : vector<16xf32>
      %mul3A_879 = arith.mulf %max3A_878, %max3A_878 : vector<16xf32>
      %add3A_880 = arith.addf %add3A_812, %mul3A_879 : vector<16xf32>
      %sub3A_881 = arith.subf %max3A_847, %min3A_850 : vector<16xf32>
      %max3A_882 = arith.constant 0.000000e+00 : f32
      %max3A_883 = vector.broadcast %max3A_882 : f32 to vector<16xf32>
      %max3A_884 = arith.maximumf %sub3A_881, %max3A_883 : vector<16xf32>
      %mul3A_885 = arith.mulf %max3A_884, %max3A_884 : vector<16xf32>
      %add3A_886 = arith.addf %add3A_818, %mul3A_885 : vector<16xf32>
      %get3A_887 = arith.constant 2 : i32
      %get3A_888 = arith.index_cast %get3A_887 : i32 to index
      %get3A_889 = arith.index_cast %scan3A_752 : i32 to index
      %get3A_890 = arith.constant 32 : index
      %get3A_891 = tpu.vector_load %arg9[%get3A_888, %get3A_889, %get3A_890] {strides = array<i32>} : memref<12x16x256xf32, #tpu.memory_space<vmem>>, vector<1x1x16xf32>,
      %get3A_892 = vector.shape_cast %get3A_891 : vector<1x1x16xf32> to vector<16xf32>
      %get3A_893 = arith.constant 2 : i32
      %get3A_894 = arith.index_cast %get3A_893 : i32 to index
      %get3A_895 = arith.index_cast %scan3A_752 : i32 to index
      %get3A_896 = arith.constant 160 : index
      %get3A_897 = tpu.vector_load %arg9[%get3A_894, %get3A_895, %get3A_896] {strides = array<i32>} : memref<12x16x256xf32, #tpu.memory_space<vmem>>, vector<1x1x16xf32>,
      %get3A_898 = vector.shape_cast %get3A_897 : vector<1x1x16xf32> to vector<16xf32>
      %abs3A_899 = math.absf %get3A_898 : vector<16xf32>
      %get3A_900 = arith.constant 3 : i32
      %get3A_901 = arith.index_cast %get3A_900 : i32 to index
      %get3A_902 = arith.index_cast %scan3A_752 : i32 to index
      %get3A_903 = arith.constant 32 : index
      %get3A_904 = tpu.vector_load %arg9[%get3A_901, %get3A_902, %get3A_903] {strides = array<i32>} : memref<12x16x256xf32, #tpu.memory_space<vmem>>, vector<1x1x16xf32>,
      %get3A_905 = vector.shape_cast %get3A_904 : vector<1x1x16xf32> to vector<16xf32>
      %get3A_906 = arith.constant 3 : i32
      %get3A_907 = arith.index_cast %get3A_906 : i32 to index
      %get3A_908 = arith.index_cast %scan3A_752 : i32 to index
      %get3A_909 = arith.constant 160 : index
      %get3A_910 = tpu.vector_load %arg9[%get3A_907, %get3A_908, %get3A_909] {strides = array<i32>} : memref<12x16x256xf32, #tpu.memory_space<vmem>>, vector<1x1x16xf32>,
      %get3A_911 = vector.shape_cast %get3A_910 : vector<1x1x16xf32> to vector<16xf32>
      %abs3A_912 = math.absf %get3A_911 : vector<16xf32>
      %sub3A_913 = arith.subf %get3A_892, %abs3A_899 : vector<16xf32>
      %sub3A_914 = arith.subf %get3A_905, %abs3A_912 : vector<16xf32>
      %max3A_915 = arith.maximumf %sub3A_913, %sub3A_914 : vector<16xf32>
      %add3A_916 = arith.addf %get3A_892, %abs3A_899 : vector<16xf32>
      %add3A_917 = arith.addf %get3A_905, %abs3A_912 : vector<16xf32>
      %min3A_918 = arith.minimumf %add3A_916, %add3A_917 : vector<16xf32>
      %add3A_919 = arith.addf %max3A_915, %min3A_918 : vector<16xf32>
      %mul3A_920 = arith.constant 5.000000e-01 : f32
      %mul3A_921 = vector.broadcast %mul3A_920 : f32 to vector<16xf32>
      %mul3A_922 = arith.mulf %mul3A_921, %add3A_919 : vector<16xf32>
      %sub3A_923 = arith.subf %min3A_918, %max3A_915 : vector<16xf32>
      %mul3A_924 = arith.constant 5.000000e-01 : f32
      %mul3A_925 = vector.broadcast %mul3A_924 : f32 to vector<16xf32>
      %mul3A_926 = arith.mulf %mul3A_925, %sub3A_923 : vector<16xf32>
      %get3A_927 = arith.constant 4 : i32
      %get3A_928 = arith.index_cast %get3A_927 : i32 to index
      %get3A_929 = arith.index_cast %scan3A_752 : i32 to index
      %get3A_930 = arith.constant 32 : index
      %get3A_931 = tpu.vector_load %arg9[%get3A_928, %get3A_929, %get3A_930] {strides = array<i32>} : memref<12x16x256xf32, #tpu.memory_space<vmem>>, vector<1x1x16xf32>,
      %get3A_932 = vector.shape_cast %get3A_931 : vector<1x1x16xf32> to vector<16xf32>
      %get3A_933 = arith.constant 4 : i32
      %get3A_934 = arith.index_cast %get3A_933 : i32 to index
      %get3A_935 = arith.index_cast %scan3A_752 : i32 to index
      %get3A_936 = arith.constant 160 : index
      %get3A_937 = tpu.vector_load %arg9[%get3A_934, %get3A_935, %get3A_936] {strides = array<i32>} : memref<12x16x256xf32, #tpu.memory_space<vmem>>, vector<1x1x16xf32>,
      %get3A_938 = vector.shape_cast %get3A_937 : vector<1x1x16xf32> to vector<16xf32>
      %abs3A_939 = math.absf %get3A_938 : vector<16xf32>
      %sub3A_940 = arith.subf %mul3A_922, %get3A_932 : vector<16xf32>
      %abs3A_941 = math.absf %sub3A_940 : vector<16xf32>
      %add3A_942 = arith.addf %abs3A_941, %mul3A_926 : vector<16xf32>
      %sub3A_943 = arith.subf %add3A_942, %abs3A_939 : vector<16xf32>
      %max3A_944 = arith.constant 0.000000e+00 : f32
      %max3A_945 = vector.broadcast %max3A_944 : f32 to vector<16xf32>
      %max3A_946 = arith.maximumf %sub3A_943, %max3A_945 : vector<16xf32>
      %mul3A_947 = arith.mulf %max3A_946, %max3A_946 : vector<16xf32>
      %add3A_948 = arith.addf %add3A_880, %mul3A_947 : vector<16xf32>
      %sub3A_949 = arith.subf %max3A_915, %min3A_918 : vector<16xf32>
      %max3A_950 = arith.constant 0.000000e+00 : f32
      %max3A_951 = vector.broadcast %max3A_950 : f32 to vector<16xf32>
      %max3A_952 = arith.maximumf %sub3A_949, %max3A_951 : vector<16xf32>
      %mul3A_953 = arith.mulf %max3A_952, %max3A_952 : vector<16xf32>
      %add3A_954 = arith.addf %add3A_886, %mul3A_953 : vector<16xf32>
      %get3A_955 = arith.constant 2 : i32
      %get3A_956 = arith.index_cast %get3A_955 : i32 to index
      %get3A_957 = arith.index_cast %scan3A_752 : i32 to index
      %get3A_958 = arith.constant 48 : index
      %get3A_959 = tpu.vector_load %arg9[%get3A_956, %get3A_957, %get3A_958] {strides = array<i32>} : memref<12x16x256xf32, #tpu.memory_space<vmem>>, vector<1x1x16xf32>,
      %get3A_960 = vector.shape_cast %get3A_959 : vector<1x1x16xf32> to vector<16xf32>
      %get3A_961 = arith.constant 2 : i32
      %get3A_962 = arith.index_cast %get3A_961 : i32 to index
      %get3A_963 = arith.index_cast %scan3A_752 : i32 to index
      %get3A_964 = arith.constant 176 : index
      %get3A_965 = tpu.vector_load %arg9[%get3A_962, %get3A_963, %get3A_964] {strides = array<i32>} : memref<12x16x256xf32, #tpu.memory_space<vmem>>, vector<1x1x16xf32>,
      %get3A_966 = vector.shape_cast %get3A_965 : vector<1x1x16xf32> to vector<16xf32>
      %abs3A_967 = math.absf %get3A_966 : vector<16xf32>
      %get3A_968 = arith.constant 3 : i32
      %get3A_969 = arith.index_cast %get3A_968 : i32 to index
      %get3A_970 = arith.index_cast %scan3A_752 : i32 to index
      %get3A_971 = arith.constant 48 : index
      %get3A_972 = tpu.vector_load %arg9[%get3A_969, %get3A_970, %get3A_971] {strides = array<i32>} : memref<12x16x256xf32, #tpu.memory_space<vmem>>, vector<1x1x16xf32>,
      %get3A_973 = vector.shape_cast %get3A_972 : vector<1x1x16xf32> to vector<16xf32>
      %get3A_974 = arith.constant 3 : i32
      %get3A_975 = arith.index_cast %get3A_974 : i32 to index
      %get3A_976 = arith.index_cast %scan3A_752 : i32 to index
      %get3A_977 = arith.constant 176 : index
      %get3A_978 = tpu.vector_load %arg9[%get3A_975, %get3A_976, %get3A_977] {strides = array<i32>} : memref<12x16x256xf32, #tpu.memory_space<vmem>>, vector<1x1x16xf32>,
      %get3A_979 = vector.shape_cast %get3A_978 : vector<1x1x16xf32> to vector<16xf32>
      %abs3A_980 = math.absf %get3A_979 : vector<16xf32>
      %sub3A_981 = arith.subf %get3A_960, %abs3A_967 : vector<16xf32>
      %sub3A_982 = arith.subf %get3A_973, %abs3A_980 : vector<16xf32>
      %max3A_983 = arith.maximumf %sub3A_981, %sub3A_982 : vector<16xf32>
      %add3A_984 = arith.addf %get3A_960, %abs3A_967 : vector<16xf32>
      %add3A_985 = arith.addf %get3A_973, %abs3A_980 : vector<16xf32>
      %min3A_986 = arith.minimumf %add3A_984, %add3A_985 : vector<16xf32>
      %add3A_987 = arith.addf %max3A_983, %min3A_986 : vector<16xf32>
      %mul3A_988 = arith.constant 5.000000e-01 : f32
      %mul3A_989 = vector.broadcast %mul3A_988 : f32 to vector<16xf32>
      %mul3A_990 = arith.mulf %mul3A_989, %add3A_987 : vector<16xf32>
      %sub3A_991 = arith.subf %min3A_986, %max3A_983 : vector<16xf32>
      %mul3A_992 = arith.constant 5.000000e-01 : f32
      %mul3A_993 = vector.broadcast %mul3A_992 : f32 to vector<16xf32>
      %mul3A_994 = arith.mulf %mul3A_993, %sub3A_991 : vector<16xf32>
      %get3A_995 = arith.constant 4 : i32
      %get3A_996 = arith.index_cast %get3A_995 : i32 to index
      %get3A_997 = arith.index_cast %scan3A_752 : i32 to index
      %get3A_998 = arith.constant 48 : index
      %get3A_999 = tpu.vector_load %arg9[%get3A_996, %get3A_997, %get3A_998] {strides = array<i32>} : memref<12x16x256xf32, #tpu.memory_space<vmem>>, vector<1x1x16xf32>,
      %get3A_1000 = vector.shape_cast %get3A_999 : vector<1x1x16xf32> to vector<16xf32>
      %get3A_1001 = arith.constant 4 : i32
      %get3A_1002 = arith.index_cast %get3A_1001 : i32 to index
      %get3A_1003 = arith.index_cast %scan3A_752 : i32 to index
      %get3A_1004 = arith.constant 176 : index
      %get3A_1005 = tpu.vector_load %arg9[%get3A_1002, %get3A_1003, %get3A_1004] {strides = array<i32>} : memref<12x16x256xf32, #tpu.memory_space<vmem>>, vector<1x1x16xf32>,
      %get3A_1006 = vector.shape_cast %get3A_1005 : vector<1x1x16xf32> to vector<16xf32>
      %abs3A_1007 = math.absf %get3A_1006 : vector<16xf32>
      %sub3A_1008 = arith.subf %mul3A_990, %get3A_1000 : vector<16xf32>
      %abs3A_1009 = math.absf %sub3A_1008 : vector<16xf32>
      %add3A_1010 = arith.addf %abs3A_1009, %mul3A_994 : vector<16xf32>
      %sub3A_1011 = arith.subf %add3A_1010, %abs3A_1007 : vector<16xf32>
      %max3A_1012 = arith.constant 0.000000e+00 : f32
      %max3A_1013 = vector.broadcast %max3A_1012 : f32 to vector<16xf32>
      %max3A_1014 = arith.maximumf %sub3A_1011, %max3A_1013 : vector<16xf32>
      %mul3A_1015 = arith.mulf %max3A_1014, %max3A_1014 : vector<16xf32>
      %add3A_1016 = arith.addf %add3A_948, %mul3A_1015 : vector<16xf32>
      %sub3A_1017 = arith.subf %max3A_983, %min3A_986 : vector<16xf32>
      %max3A_1018 = arith.constant 0.000000e+00 : f32
      %max3A_1019 = vector.broadcast %max3A_1018 : f32 to vector<16xf32>
      %max3A_1020 = arith.maximumf %sub3A_1017, %max3A_1019 : vector<16xf32>
      %mul3A_1021 = arith.mulf %max3A_1020, %max3A_1020 : vector<16xf32>
      %add3A_1022 = arith.addf %add3A_954, %mul3A_1021 : vector<16xf32>
      %get3A_1023 = arith.constant 2 : i32
      %get3A_1024 = arith.index_cast %get3A_1023 : i32 to index
      %get3A_1025 = arith.index_cast %scan3A_752 : i32 to index
      %get3A_1026 = arith.constant 64 : index
      %get3A_1027 = tpu.vector_load %arg9[%get3A_1024, %get3A_1025, %get3A_1026] {strides = array<i32>} : memref<12x16x256xf32, #tpu.memory_space<vmem>>, vector<1x1x16xf32>,
      %get3A_1028 = vector.shape_cast %get3A_1027 : vector<1x1x16xf32> to vector<16xf32>
      %get3A_1029 = arith.constant 2 : i32
      %get3A_1030 = arith.index_cast %get3A_1029 : i32 to index
      %get3A_1031 = arith.index_cast %scan3A_752 : i32 to index
      %get3A_1032 = arith.constant 192 : index
      %get3A_1033 = tpu.vector_load %arg9[%get3A_1030, %get3A_1031, %get3A_1032] {strides = array<i32>} : memref<12x16x256xf32, #tpu.memory_space<vmem>>, vector<1x1x16xf32>,
      %get3A_1034 = vector.shape_cast %get3A_1033 : vector<1x1x16xf32> to vector<16xf32>
      %abs3A_1035 = math.absf %get3A_1034 : vector<16xf32>
      %get3A_1036 = arith.constant 3 : i32
      %get3A_1037 = arith.index_cast %get3A_1036 : i32 to index
      %get3A_1038 = arith.index_cast %scan3A_752 : i32 to index
      %get3A_1039 = arith.constant 64 : index
      %get3A_1040 = tpu.vector_load %arg9[%get3A_1037, %get3A_1038, %get3A_1039] {strides = array<i32>} : memref<12x16x256xf32, #tpu.memory_space<vmem>>, vector<1x1x16xf32>,
      %get3A_1041 = vector.shape_cast %get3A_1040 : vector<1x1x16xf32> to vector<16xf32>
      %get3A_1042 = arith.constant 3 : i32
      %get3A_1043 = arith.index_cast %get3A_1042 : i32 to index
      %get3A_1044 = arith.index_cast %scan3A_752 : i32 to index
      %get3A_1045 = arith.constant 192 : index
      %get3A_1046 = tpu.vector_load %arg9[%get3A_1043, %get3A_1044, %get3A_1045] {strides = array<i32>} : memref<12x16x256xf32, #tpu.memory_space<vmem>>, vector<1x1x16xf32>,
      %get3A_1047 = vector.shape_cast %get3A_1046 : vector<1x1x16xf32> to vector<16xf32>
      %abs3A_1048 = math.absf %get3A_1047 : vector<16xf32>
      %sub3A_1049 = arith.subf %get3A_1028, %abs3A_1035 : vector<16xf32>
      %sub3A_1050 = arith.subf %get3A_1041, %abs3A_1048 : vector<16xf32>
      %max3A_1051 = arith.maximumf %sub3A_1049, %sub3A_1050 : vector<16xf32>
      %add3A_1052 = arith.addf %get3A_1028, %abs3A_1035 : vector<16xf32>
      %add3A_1053 = arith.addf %get3A_1041, %abs3A_1048 : vector<16xf32>
      %min3A_1054 = arith.minimumf %add3A_1052, %add3A_1053 : vector<16xf32>
      %add3A_1055 = arith.addf %max3A_1051, %min3A_1054 : vector<16xf32>
      %mul3A_1056 = arith.constant 5.000000e-01 : f32
      %mul3A_1057 = vector.broadcast %mul3A_1056 : f32 to vector<16xf32>
      %mul3A_1058 = arith.mulf %mul3A_1057, %add3A_1055 : vector<16xf32>
      %sub3A_1059 = arith.subf %min3A_1054, %max3A_1051 : vector<16xf32>
      %mul3A_1060 = arith.constant 5.000000e-01 : f32
      %mul3A_1061 = vector.broadcast %mul3A_1060 : f32 to vector<16xf32>
      %mul3A_1062 = arith.mulf %mul3A_1061, %sub3A_1059 : vector<16xf32>
      %get3A_1063 = arith.constant 4 : i32
      %get3A_1064 = arith.index_cast %get3A_1063 : i32 to index
      %get3A_1065 = arith.index_cast %scan3A_752 : i32 to index
      %get3A_1066 = arith.constant 64 : index
      %get3A_1067 = tpu.vector_load %arg9[%get3A_1064, %get3A_1065, %get3A_1066] {strides = array<i32>} : memref<12x16x256xf32, #tpu.memory_space<vmem>>, vector<1x1x16xf32>,
      %get3A_1068 = vector.shape_cast %get3A_1067 : vector<1x1x16xf32> to vector<16xf32>
      %get3A_1069 = arith.constant 4 : i32
      %get3A_1070 = arith.index_cast %get3A_1069 : i32 to index
      %get3A_1071 = arith.index_cast %scan3A_752 : i32 to index
      %get3A_1072 = arith.constant 192 : index
      %get3A_1073 = tpu.vector_load %arg9[%get3A_1070, %get3A_1071, %get3A_1072] {strides = array<i32>} : memref<12x16x256xf32, #tpu.memory_space<vmem>>, vector<1x1x16xf32>,
      %get3A_1074 = vector.shape_cast %get3A_1073 : vector<1x1x16xf32> to vector<16xf32>
      %abs3A_1075 = math.absf %get3A_1074 : vector<16xf32>
      %sub3A_1076 = arith.subf %mul3A_1058, %get3A_1068 : vector<16xf32>
      %abs3A_1077 = math.absf %sub3A_1076 : vector<16xf32>
      %add3A_1078 = arith.addf %abs3A_1077, %mul3A_1062 : vector<16xf32>
      %sub3A_1079 = arith.subf %add3A_1078, %abs3A_1075 : vector<16xf32>
      %max3A_1080 = arith.constant 0.000000e+00 : f32
      %max3A_1081 = vector.broadcast %max3A_1080 : f32 to vector<16xf32>
      %max3A_1082 = arith.maximumf %sub3A_1079, %max3A_1081 : vector<16xf32>
      %mul3A_1083 = arith.mulf %max3A_1082, %max3A_1082 : vector<16xf32>
      %add3A_1084 = arith.addf %add3A_1016, %mul3A_1083 : vector<16xf32>
      %sub3A_1085 = arith.subf %max3A_1051, %min3A_1054 : vector<16xf32>
      %max3A_1086 = arith.constant 0.000000e+00 : f32
      %max3A_1087 = vector.broadcast %max3A_1086 : f32 to vector<16xf32>
      %max3A_1088 = arith.maximumf %sub3A_1085, %max3A_1087 : vector<16xf32>
      %mul3A_1089 = arith.mulf %max3A_1088, %max3A_1088 : vector<16xf32>
      %add3A_1090 = arith.addf %add3A_1022, %mul3A_1089 : vector<16xf32>
      %get3A_1091 = arith.constant 2 : i32
      %get3A_1092 = arith.index_cast %get3A_1091 : i32 to index
      %get3A_1093 = arith.index_cast %scan3A_752 : i32 to index
      %get3A_1094 = arith.constant 80 : index
      %get3A_1095 = tpu.vector_load %arg9[%get3A_1092, %get3A_1093, %get3A_1094] {strides = array<i32>} : memref<12x16x256xf32, #tpu.memory_space<vmem>>, vector<1x1x16xf32>,
      %get3A_1096 = vector.shape_cast %get3A_1095 : vector<1x1x16xf32> to vector<16xf32>
      %get3A_1097 = arith.constant 2 : i32
      %get3A_1098 = arith.index_cast %get3A_1097 : i32 to index
      %get3A_1099 = arith.index_cast %scan3A_752 : i32 to index
      %get3A_1100 = arith.constant 208 : index
      %get3A_1101 = tpu.vector_load %arg9[%get3A_1098, %get3A_1099, %get3A_1100] {strides = array<i32>} : memref<12x16x256xf32, #tpu.memory_space<vmem>>, vector<1x1x16xf32>,
      %get3A_1102 = vector.shape_cast %get3A_1101 : vector<1x1x16xf32> to vector<16xf32>
      %abs3A_1103 = math.absf %get3A_1102 : vector<16xf32>
      %get3A_1104 = arith.constant 3 : i32
      %get3A_1105 = arith.index_cast %get3A_1104 : i32 to index
      %get3A_1106 = arith.index_cast %scan3A_752 : i32 to index
      %get3A_1107 = arith.constant 80 : index
      %get3A_1108 = tpu.vector_load %arg9[%get3A_1105, %get3A_1106, %get3A_1107] {strides = array<i32>} : memref<12x16x256xf32, #tpu.memory_space<vmem>>, vector<1x1x16xf32>,
      %get3A_1109 = vector.shape_cast %get3A_1108 : vector<1x1x16xf32> to vector<16xf32>
      %get3A_1110 = arith.constant 3 : i32
      %get3A_1111 = arith.index_cast %get3A_1110 : i32 to index
      %get3A_1112 = arith.index_cast %scan3A_752 : i32 to index
      %get3A_1113 = arith.constant 208 : index
      %get3A_1114 = tpu.vector_load %arg9[%get3A_1111, %get3A_1112, %get3A_1113] {strides = array<i32>} : memref<12x16x256xf32, #tpu.memory_space<vmem>>, vector<1x1x16xf32>,
      %get3A_1115 = vector.shape_cast %get3A_1114 : vector<1x1x16xf32> to vector<16xf32>
      %abs3A_1116 = math.absf %get3A_1115 : vector<16xf32>
      %sub3A_1117 = arith.subf %get3A_1096, %abs3A_1103 : vector<16xf32>
      %sub3A_1118 = arith.subf %get3A_1109, %abs3A_1116 : vector<16xf32>
      %max3A_1119 = arith.maximumf %sub3A_1117, %sub3A_1118 : vector<16xf32>
      %add3A_1120 = arith.addf %get3A_1096, %abs3A_1103 : vector<16xf32>
      %add3A_1121 = arith.addf %get3A_1109, %abs3A_1116 : vector<16xf32>
      %min3A_1122 = arith.minimumf %add3A_1120, %add3A_1121 : vector<16xf32>
      %add3A_1123 = arith.addf %max3A_1119, %min3A_1122 : vector<16xf32>
      %mul3A_1124 = arith.constant 5.000000e-01 : f32
      %mul3A_1125 = vector.broadcast %mul3A_1124 : f32 to vector<16xf32>
      %mul3A_1126 = arith.mulf %mul3A_1125, %add3A_1123 : vector<16xf32>
      %sub3A_1127 = arith.subf %min3A_1122, %max3A_1119 : vector<16xf32>
      %mul3A_1128 = arith.constant 5.000000e-01 : f32
      %mul3A_1129 = vector.broadcast %mul3A_1128 : f32 to vector<16xf32>
      %mul3A_1130 = arith.mulf %mul3A_1129, %sub3A_1127 : vector<16xf32>
      %get3A_1131 = arith.constant 4 : i32
      %get3A_1132 = arith.index_cast %get3A_1131 : i32 to index
      %get3A_1133 = arith.index_cast %scan3A_752 : i32 to index
      %get3A_1134 = arith.constant 80 : index
      %get3A_1135 = tpu.vector_load %arg9[%get3A_1132, %get3A_1133, %get3A_1134] {strides = array<i32>} : memref<12x16x256xf32, #tpu.memory_space<vmem>>, vector<1x1x16xf32>,
      %get3A_1136 = vector.shape_cast %get3A_1135 : vector<1x1x16xf32> to vector<16xf32>
      %get3A_1137 = arith.constant 4 : i32
      %get3A_1138 = arith.index_cast %get3A_1137 : i32 to index
      %get3A_1139 = arith.index_cast %scan3A_752 : i32 to index
      %get3A_1140 = arith.constant 208 : index
      %get3A_1141 = tpu.vector_load %arg9[%get3A_1138, %get3A_1139, %get3A_1140] {strides = array<i32>} : memref<12x16x256xf32, #tpu.memory_space<vmem>>, vector<1x1x16xf32>,
      %get3A_1142 = vector.shape_cast %get3A_1141 : vector<1x1x16xf32> to vector<16xf32>
      %abs3A_1143 = math.absf %get3A_1142 : vector<16xf32>
      %sub3A_1144 = arith.subf %mul3A_1126, %get3A_1136 : vector<16xf32>
      %abs3A_1145 = math.absf %sub3A_1144 : vector<16xf32>
      %add3A_1146 = arith.addf %abs3A_1145, %mul3A_1130 : vector<16xf32>
      %sub3A_1147 = arith.subf %add3A_1146, %abs3A_1143 : vector<16xf32>
      %max3A_1148 = arith.constant 0.000000e+00 : f32
      %max3A_1149 = vector.broadcast %max3A_1148 : f32 to vector<16xf32>
      %max3A_1150 = arith.maximumf %sub3A_1147, %max3A_1149 : vector<16xf32>
      %mul3A_1151 = arith.mulf %max3A_1150, %max3A_1150 : vector<16xf32>
      %add3A_1152 = arith.addf %add3A_1084, %mul3A_1151 : vector<16xf32>
      %sub3A_1153 = arith.subf %max3A_1119, %min3A_1122 : vector<16xf32>
      %max3A_1154 = arith.constant 0.000000e+00 : f32
      %max3A_1155 = vector.broadcast %max3A_1154 : f32 to vector<16xf32>
      %max3A_1156 = arith.maximumf %sub3A_1153, %max3A_1155 : vector<16xf32>
      %mul3A_1157 = arith.mulf %max3A_1156, %max3A_1156 : vector<16xf32>
      %add3A_1158 = arith.addf %add3A_1090, %mul3A_1157 : vector<16xf32>
      %get3A_1159 = arith.constant 2 : i32
      %get3A_1160 = arith.index_cast %get3A_1159 : i32 to index
      %get3A_1161 = arith.index_cast %scan3A_752 : i32 to index
      %get3A_1162 = arith.constant 96 : index
      %get3A_1163 = tpu.vector_load %arg9[%get3A_1160, %get3A_1161, %get3A_1162] {strides = array<i32>} : memref<12x16x256xf32, #tpu.memory_space<vmem>>, vector<1x1x16xf32>,
      %get3A_1164 = vector.shape_cast %get3A_1163 : vector<1x1x16xf32> to vector<16xf32>
      %get3A_1165 = arith.constant 2 : i32
      %get3A_1166 = arith.index_cast %get3A_1165 : i32 to index
      %get3A_1167 = arith.index_cast %scan3A_752 : i32 to index
      %get3A_1168 = arith.constant 224 : index
      %get3A_1169 = tpu.vector_load %arg9[%get3A_1166, %get3A_1167, %get3A_1168] {strides = array<i32>} : memref<12x16x256xf32, #tpu.memory_space<vmem>>, vector<1x1x16xf32>,
      %get3A_1170 = vector.shape_cast %get3A_1169 : vector<1x1x16xf32> to vector<16xf32>
      %abs3A_1171 = math.absf %get3A_1170 : vector<16xf32>
      %get3A_1172 = arith.constant 3 : i32
      %get3A_1173 = arith.index_cast %get3A_1172 : i32 to index
      %get3A_1174 = arith.index_cast %scan3A_752 : i32 to index
      %get3A_1175 = arith.constant 96 : index
      %get3A_1176 = tpu.vector_load %arg9[%get3A_1173, %get3A_1174, %get3A_1175] {strides = array<i32>} : memref<12x16x256xf32, #tpu.memory_space<vmem>>, vector<1x1x16xf32>,
      %get3A_1177 = vector.shape_cast %get3A_1176 : vector<1x1x16xf32> to vector<16xf32>
      %get3A_1178 = arith.constant 3 : i32
      %get3A_1179 = arith.index_cast %get3A_1178 : i32 to index
      %get3A_1180 = arith.index_cast %scan3A_752 : i32 to index
      %get3A_1181 = arith.constant 224 : index
      %get3A_1182 = tpu.vector_load %arg9[%get3A_1179, %get3A_1180, %get3A_1181] {strides = array<i32>} : memref<12x16x256xf32, #tpu.memory_space<vmem>>, vector<1x1x16xf32>,
      %get3A_1183 = vector.shape_cast %get3A_1182 : vector<1x1x16xf32> to vector<16xf32>
      %abs3A_1184 = math.absf %get3A_1183 : vector<16xf32>
      %sub3A_1185 = arith.subf %get3A_1164, %abs3A_1171 : vector<16xf32>
      %sub3A_1186 = arith.subf %get3A_1177, %abs3A_1184 : vector<16xf32>
      %max3A_1187 = arith.maximumf %sub3A_1185, %sub3A_1186 : vector<16xf32>
      %add3A_1188 = arith.addf %get3A_1164, %abs3A_1171 : vector<16xf32>
      %add3A_1189 = arith.addf %get3A_1177, %abs3A_1184 : vector<16xf32>
      %min3A_1190 = arith.minimumf %add3A_1188, %add3A_1189 : vector<16xf32>
      %add3A_1191 = arith.addf %max3A_1187, %min3A_1190 : vector<16xf32>
      %mul3A_1192 = arith.constant 5.000000e-01 : f32
      %mul3A_1193 = vector.broadcast %mul3A_1192 : f32 to vector<16xf32>
      %mul3A_1194 = arith.mulf %mul3A_1193, %add3A_1191 : vector<16xf32>
      %sub3A_1195 = arith.subf %min3A_1190, %max3A_1187 : vector<16xf32>
      %mul3A_1196 = arith.constant 5.000000e-01 : f32
      %mul3A_1197 = vector.broadcast %mul3A_1196 : f32 to vector<16xf32>
      %mul3A_1198 = arith.mulf %mul3A_1197, %sub3A_1195 : vector<16xf32>
      %get3A_1199 = arith.constant 4 : i32
      %get3A_1200 = arith.index_cast %get3A_1199 : i32 to index
      %get3A_1201 = arith.index_cast %scan3A_752 : i32 to index
      %get3A_1202 = arith.constant 96 : index
      %get3A_1203 = tpu.vector_load %arg9[%get3A_1200, %get3A_1201, %get3A_1202] {strides = array<i32>} : memref<12x16x256xf32, #tpu.memory_space<vmem>>, vector<1x1x16xf32>,
      %get3A_1204 = vector.shape_cast %get3A_1203 : vector<1x1x16xf32> to vector<16xf32>
      %get3A_1205 = arith.constant 4 : i32
      %get3A_1206 = arith.index_cast %get3A_1205 : i32 to index
      %get3A_1207 = arith.index_cast %scan3A_752 : i32 to index
      %get3A_1208 = arith.constant 224 : index
      %get3A_1209 = tpu.vector_load %arg9[%get3A_1206, %get3A_1207, %get3A_1208] {strides = array<i32>} : memref<12x16x256xf32, #tpu.memory_space<vmem>>, vector<1x1x16xf32>,
      %get3A_1210 = vector.shape_cast %get3A_1209 : vector<1x1x16xf32> to vector<16xf32>
      %abs3A_1211 = math.absf %get3A_1210 : vector<16xf32>
      %sub3A_1212 = arith.subf %mul3A_1194, %get3A_1204 : vector<16xf32>
      %abs3A_1213 = math.absf %sub3A_1212 : vector<16xf32>
      %add3A_1214 = arith.addf %abs3A_1213, %mul3A_1198 : vector<16xf32>
      %sub3A_1215 = arith.subf %add3A_1214, %abs3A_1211 : vector<16xf32>
      %max3A_1216 = arith.constant 0.000000e+00 : f32
      %max3A_1217 = vector.broadcast %max3A_1216 : f32 to vector<16xf32>
      %max3A_1218 = arith.maximumf %sub3A_1215, %max3A_1217 : vector<16xf32>
      %mul3A_1219 = arith.mulf %max3A_1218, %max3A_1218 : vector<16xf32>
      %add3A_1220 = arith.addf %add3A_1152, %mul3A_1219 : vector<16xf32>
      %sub3A_1221 = arith.subf %max3A_1187, %min3A_1190 : vector<16xf32>
      %max3A_1222 = arith.constant 0.000000e+00 : f32
      %max3A_1223 = vector.broadcast %max3A_1222 : f32 to vector<16xf32>
      %max3A_1224 = arith.maximumf %sub3A_1221, %max3A_1223 : vector<16xf32>
      %mul3A_1225 = arith.mulf %max3A_1224, %max3A_1224 : vector<16xf32>
      %add3A_1226 = arith.addf %add3A_1158, %mul3A_1225 : vector<16xf32>
      %get3A_1227 = arith.constant 2 : i32
      %get3A_1228 = arith.index_cast %get3A_1227 : i32 to index
      %get3A_1229 = arith.index_cast %scan3A_752 : i32 to index
      %get3A_1230 = arith.constant 112 : index
      %get3A_1231 = tpu.vector_load %arg9[%get3A_1228, %get3A_1229, %get3A_1230] {strides = array<i32>} : memref<12x16x256xf32, #tpu.memory_space<vmem>>, vector<1x1x16xf32>,
      %get3A_1232 = vector.shape_cast %get3A_1231 : vector<1x1x16xf32> to vector<16xf32>
      %get3A_1233 = arith.constant 2 : i32
      %get3A_1234 = arith.index_cast %get3A_1233 : i32 to index
      %get3A_1235 = arith.index_cast %scan3A_752 : i32 to index
      %get3A_1236 = arith.constant 240 : index
      %get3A_1237 = tpu.vector_load %arg9[%get3A_1234, %get3A_1235, %get3A_1236] {strides = array<i32>} : memref<12x16x256xf32, #tpu.memory_space<vmem>>, vector<1x1x16xf32>,
      %get3A_1238 = vector.shape_cast %get3A_1237 : vector<1x1x16xf32> to vector<16xf32>
      %abs3A_1239 = math.absf %get3A_1238 : vector<16xf32>
      %get3A_1240 = arith.constant 3 : i32
      %get3A_1241 = arith.index_cast %get3A_1240 : i32 to index
      %get3A_1242 = arith.index_cast %scan3A_752 : i32 to index
      %get3A_1243 = arith.constant 112 : index
      %get3A_1244 = tpu.vector_load %arg9[%get3A_1241, %get3A_1242, %get3A_1243] {strides = array<i32>} : memref<12x16x256xf32, #tpu.memory_space<vmem>>, vector<1x1x16xf32>,
      %get3A_1245 = vector.shape_cast %get3A_1244 : vector<1x1x16xf32> to vector<16xf32>
      %get3A_1246 = arith.constant 3 : i32
      %get3A_1247 = arith.index_cast %get3A_1246 : i32 to index
      %get3A_1248 = arith.index_cast %scan3A_752 : i32 to index
      %get3A_1249 = arith.constant 240 : index
      %get3A_1250 = tpu.vector_load %arg9[%get3A_1247, %get3A_1248, %get3A_1249] {strides = array<i32>} : memref<12x16x256xf32, #tpu.memory_space<vmem>>, vector<1x1x16xf32>,
      %get3A_1251 = vector.shape_cast %get3A_1250 : vector<1x1x16xf32> to vector<16xf32>
      %abs3A_1252 = math.absf %get3A_1251 : vector<16xf32>
      %sub3A_1253 = arith.subf %get3A_1232, %abs3A_1239 : vector<16xf32>
      %sub3A_1254 = arith.subf %get3A_1245, %abs3A_1252 : vector<16xf32>
      %max3A_1255 = arith.maximumf %sub3A_1253, %sub3A_1254 : vector<16xf32>
      %add3A_1256 = arith.addf %get3A_1232, %abs3A_1239 : vector<16xf32>
      %add3A_1257 = arith.addf %get3A_1245, %abs3A_1252 : vector<16xf32>
      %min3A_1258 = arith.minimumf %add3A_1256, %add3A_1257 : vector<16xf32>
      %add3A_1259 = arith.addf %max3A_1255, %min3A_1258 : vector<16xf32>
      %mul3A_1260 = arith.constant 5.000000e-01 : f32
      %mul3A_1261 = vector.broadcast %mul3A_1260 : f32 to vector<16xf32>
      %mul3A_1262 = arith.mulf %mul3A_1261, %add3A_1259 : vector<16xf32>
      %sub3A_1263 = arith.subf %min3A_1258, %max3A_1255 : vector<16xf32>
      %mul3A_1264 = arith.constant 5.000000e-01 : f32
      %mul3A_1265 = vector.broadcast %mul3A_1264 : f32 to vector<16xf32>
      %mul3A_1266 = arith.mulf %mul3A_1265, %sub3A_1263 : vector<16xf32>
      %get3A_1267 = arith.constant 4 : i32
      %get3A_1268 = arith.index_cast %get3A_1267 : i32 to index
      %get3A_1269 = arith.index_cast %scan3A_752 : i32 to index
      %get3A_1270 = arith.constant 112 : index
      %get3A_1271 = tpu.vector_load %arg9[%get3A_1268, %get3A_1269, %get3A_1270] {strides = array<i32>} : memref<12x16x256xf32, #tpu.memory_space<vmem>>, vector<1x1x16xf32>,
      %get3A_1272 = vector.shape_cast %get3A_1271 : vector<1x1x16xf32> to vector<16xf32>
      %get3A_1273 = arith.constant 4 : i32
      %get3A_1274 = arith.index_cast %get3A_1273 : i32 to index
      %get3A_1275 = arith.index_cast %scan3A_752 : i32 to index
      %get3A_1276 = arith.constant 240 : index
      %get3A_1277 = tpu.vector_load %arg9[%get3A_1274, %get3A_1275, %get3A_1276] {strides = array<i32>} : memref<12x16x256xf32, #tpu.memory_space<vmem>>, vector<1x1x16xf32>,
      %get3A_1278 = vector.shape_cast %get3A_1277 : vector<1x1x16xf32> to vector<16xf32>
      %abs3A_1279 = math.absf %get3A_1278 : vector<16xf32>
      %sub3A_1280 = arith.subf %mul3A_1262, %get3A_1272 : vector<16xf32>
      %abs3A_1281 = math.absf %sub3A_1280 : vector<16xf32>
      %add3A_1282 = arith.addf %abs3A_1281, %mul3A_1266 : vector<16xf32>
      %sub3A_1283 = arith.subf %add3A_1282, %abs3A_1279 : vector<16xf32>
      %max3A_1284 = arith.constant 0.000000e+00 : f32
      %max3A_1285 = vector.broadcast %max3A_1284 : f32 to vector<16xf32>
      %max3A_1286 = arith.maximumf %sub3A_1283, %max3A_1285 : vector<16xf32>
      %mul3A_1287 = arith.mulf %max3A_1286, %max3A_1286 : vector<16xf32>
      %add3A_1288 = arith.addf %add3A_1220, %mul3A_1287 : vector<16xf32>
      %sub3A_1289 = arith.subf %max3A_1255, %min3A_1258 : vector<16xf32>
      %max3A_1290 = arith.constant 0.000000e+00 : f32
      %max3A_1291 = vector.broadcast %max3A_1290 : f32 to vector<16xf32>
      %max3A_1292 = arith.maximumf %sub3A_1289, %max3A_1291 : vector<16xf32>
      %mul3A_1293 = arith.mulf %max3A_1292, %max3A_1292 : vector<16xf32>
      %add3A_1294 = arith.addf %add3A_1226, %mul3A_1293 : vector<16xf32>
      %swap3A = arith.constant 1 : i32
      %swap3A_1295 = arith.index_cast %scan3A_752 : i32 to index
      %swap3A_1296 = arith.index_cast %swap3A : i32 to index
      %swap3A_1297 = arith.constant 0 : index
      %swap3A_1298 = tpu.vector_load %arg13[%swap3A_1295, %swap3A_1296, %swap3A_1297] {strides = array<i32>} : memref<16x9x16xf32, #tpu.memory_space<vmem>>, vector<1x1x16xf32>,
      %swap3A_1299 = vector.shape_cast %swap3A_1298 : vector<1x1x16xf32> to vector<16xf32>
      %swap3A_1300 = vector.shape_cast %add3A_1288 : vector<16xf32> to vector<1x1x16xf32>
      tpu.vector_store %arg13[%swap3A_1295, %swap3A_1296, %swap3A_1297], %swap3A_1300 {strides = array<i32>} : memref<16x9x16xf32, #tpu.memory_space<vmem>>, vector<1x1x16xf32>,
      %swap3A_1301 = arith.constant 2 : i32
      %swap3A_1302 = arith.index_cast %scan3A_752 : i32 to index
      %swap3A_1303 = arith.index_cast %swap3A_1301 : i32 to index
      %swap3A_1304 = arith.constant 0 : index
      %swap3A_1305 = tpu.vector_load %arg13[%swap3A_1302, %swap3A_1303, %swap3A_1304] {strides = array<i32>} : memref<16x9x16xf32, #tpu.memory_space<vmem>>, vector<1x1x16xf32>,
      %swap3A_1306 = vector.shape_cast %swap3A_1305 : vector<1x1x16xf32> to vector<16xf32>
      %swap3A_1307 = vector.shape_cast %add3A_1294 : vector<16xf32> to vector<1x1x16xf32>
      tpu.vector_store %arg13[%swap3A_1302, %swap3A_1303, %swap3A_1304], %swap3A_1307 {strides = array<i32>} : memref<16x9x16xf32, #tpu.memory_space<vmem>>, vector<1x1x16xf32>,
    }
    %scan3A_455 = arith.constant 16 : i32
    %dma_wait3A_456 = arith.constant 5 : i32
    %dma_wait3A_457 = arith.constant 0 : i32
    %dma_wait3A_458 = arith.constant 5 : i32
    %dma_wait3A_459 = arith.constant 2 : i32
    "tpu.trace_stop"() : () -> ()
    "tpu.trace_start"() <{level = 10 : i32, message = "grp2"}> : () -> ()
    %dma_wait3A_460 = arith.constant 0 : i32
    %dma_wait3A_461 = arith.constant 0 : i32
    %dma_wait3A_462 = tpu.memref_slice %arg9[%dma_wait3A_458, %dma_wait3A_460, %dma_wait3A_461] : memref<12x16x256xf32, #tpu.memory_space<vmem>> -> memref<1x16x256xf32, #tpu.memory_space<vmem>>
    %dma_wait3A_463 = tpu.memref_squeeze %dma_wait3A_462 : memref<1x16x256xf32, #tpu.memory_space<vmem>> -> memref<16x256xf32, #tpu.memory_space<vmem>>
    %dma_wait3A_464 = arith.constant 0 : i32
    %dma_wait3A_465 = tpu.memref_slice %arg8[%dma_wait3A_456, %dma_wait3A_457, %dma_wait3A_464] : memref<16x1x16xi32, #tpu.memory_space<vmem>> -> memref<1x1x16xi32, #tpu.memory_space<vmem>>
    %dma_wait3A_466 = tpu.memref_squeeze %dma_wait3A_465 : memref<1x1x16xi32, #tpu.memory_space<vmem>> -> memref<16xi32, #tpu.memory_space<vmem>>
    %dma_wait3A_467 = arith.constant 0 : i32
    %dma_wait3A_468 = arith.constant 0 : i32
    %dma_wait3A_469 = tpu.memref_slice %arg3[%dma_wait3A_467, %dma_wait3A_468] : memref<1000x256xf32, #tpu.memory_space<hbm>> -> memref<1000x256xf32, #tpu.memory_space<hbm>>
    %dma_wait3A_470 = tpu.memref_slice %arg15[%dma_wait3A_459] : memref<6x!tpu.dma_semaphore, #tpu.memory_space<semaphore_mem>> -> memref<1x!tpu.dma_semaphore, #tpu.memory_space<semaphore_mem>>
    %dma_wait3A_471 = tpu.memref_squeeze %dma_wait3A_470 : memref<1x!tpu.dma_semaphore, #tpu.memory_space<semaphore_mem>> -> memref<!tpu.dma_semaphore, #tpu.memory_space<semaphore_mem>>
    tpu.wait_indirect_dma semaphore(%dma_wait3A_471 : memref<!tpu.dma_semaphore, #tpu.memory_space<semaphore_mem>>) src(%dma_wait3A_469 : memref<1000x256xf32, #tpu.memory_space<hbm>>) dst(%dma_wait3A_463 : memref<16x256xf32, #tpu.memory_space<vmem>>)
    %dma_wait3A_472 = arith.constant 7 : i32
    %dma_wait3A_473 = arith.constant 0 : i32
    %dma_wait3A_474 = arith.constant 6 : i32
    %dma_wait3A_475 = arith.constant 2 : i32
    %dma_wait3A_476 = arith.constant 0 : i32
    %dma_wait3A_477 = arith.constant 0 : i32
    %dma_wait3A_478 = tpu.memref_slice %arg9[%dma_wait3A_474, %dma_wait3A_476, %dma_wait3A_477] : memref<12x16x256xf32, #tpu.memory_space<vmem>> -> memref<1x16x256xf32, #tpu.memory_space<vmem>>
    %dma_wait3A_479 = tpu.memref_squeeze %dma_wait3A_478 : memref<1x16x256xf32, #tpu.memory_space<vmem>> -> memref<16x256xf32, #tpu.memory_space<vmem>>
    %dma_wait3A_480 = arith.constant 0 : i32
    %dma_wait3A_481 = tpu.memref_slice %arg8[%dma_wait3A_472, %dma_wait3A_473, %dma_wait3A_480] : memref<16x1x16xi32, #tpu.memory_space<vmem>> -> memref<1x1x16xi32, #tpu.memory_space<vmem>>
    %dma_wait3A_482 = tpu.memref_squeeze %dma_wait3A_481 : memref<1x1x16xi32, #tpu.memory_space<vmem>> -> memref<16xi32, #tpu.memory_space<vmem>>
    %dma_wait3A_483 = arith.constant 0 : i32
    %dma_wait3A_484 = arith.constant 0 : i32
    %dma_wait3A_485 = tpu.memref_slice %arg3[%dma_wait3A_483, %dma_wait3A_484] : memref<1000x256xf32, #tpu.memory_space<hbm>> -> memref<1000x256xf32, #tpu.memory_space<hbm>>
    %dma_wait3A_486 = tpu.memref_slice %arg15[%dma_wait3A_475] : memref<6x!tpu.dma_semaphore, #tpu.memory_space<semaphore_mem>> -> memref<1x!tpu.dma_semaphore, #tpu.memory_space<semaphore_mem>>
    %dma_wait3A_487 = tpu.memref_squeeze %dma_wait3A_486 : memref<1x!tpu.dma_semaphore, #tpu.memory_space<semaphore_mem>> -> memref<!tpu.dma_semaphore, #tpu.memory_space<semaphore_mem>>
    tpu.wait_indirect_dma semaphore(%dma_wait3A_487 : memref<!tpu.dma_semaphore, #tpu.memory_space<semaphore_mem>>) src(%dma_wait3A_485 : memref<1000x256xf32, #tpu.memory_space<hbm>>) dst(%dma_wait3A_479 : memref<16x256xf32, #tpu.memory_space<vmem>>)
    %dma_wait3A_488 = arith.constant 5 : i32
    %dma_wait3A_489 = arith.constant 0 : i32
    %dma_wait3A_490 = arith.constant 0 : i32
    %dma_wait3A_491 = arith.constant 2 : i32
    %dma_wait3A_492 = arith.constant 0 : i32
    %dma_wait3A_493 = arith.constant 0 : i32
    %dma_wait3A_494 = tpu.memref_slice %arg10[%dma_wait3A_490, %dma_wait3A_492, %dma_wait3A_493] : memref<5x16x128xf32, #tpu.memory_space<vmem>> -> memref<1x16x128xf32, #tpu.memory_space<vmem>>
    %dma_wait3A_495 = tpu.memref_squeeze %dma_wait3A_494 : memref<1x16x128xf32, #tpu.memory_space<vmem>> -> memref<16x128xf32, #tpu.memory_space<vmem>>
    %dma_wait3A_496 = arith.constant 0 : i32
    %dma_wait3A_497 = tpu.memref_slice %arg8[%dma_wait3A_488, %dma_wait3A_489, %dma_wait3A_496] : memref<16x1x16xi32, #tpu.memory_space<vmem>> -> memref<1x1x16xi32, #tpu.memory_space<vmem>>
    %dma_wait3A_498 = tpu.memref_squeeze %dma_wait3A_497 : memref<1x1x16xi32, #tpu.memory_space<vmem>> -> memref<16xi32, #tpu.memory_space<vmem>>
    %dma_wait3A_499 = arith.constant 0 : i32
    %dma_wait3A_500 = arith.constant 0 : i32
    %dma_wait3A_501 = tpu.memref_slice %arg4[%dma_wait3A_499, %dma_wait3A_500] : memref<1000x128xf32, #tpu.memory_space<hbm>> -> memref<1000x128xf32, #tpu.memory_space<hbm>>
    %dma_wait3A_502 = tpu.memref_slice %arg15[%dma_wait3A_491] : memref<6x!tpu.dma_semaphore, #tpu.memory_space<semaphore_mem>> -> memref<1x!tpu.dma_semaphore, #tpu.memory_space<semaphore_mem>>
    %dma_wait3A_503 = tpu.memref_squeeze %dma_wait3A_502 : memref<1x!tpu.dma_semaphore, #tpu.memory_space<semaphore_mem>> -> memref<!tpu.dma_semaphore, #tpu.memory_space<semaphore_mem>>
    tpu.wait_indirect_dma semaphore(%dma_wait3A_503 : memref<!tpu.dma_semaphore, #tpu.memory_space<semaphore_mem>>) src(%dma_wait3A_501 : memref<1000x128xf32, #tpu.memory_space<hbm>>) dst(%dma_wait3A_495 : memref<16x128xf32, #tpu.memory_space<vmem>>)
    %dma_wait3A_504 = arith.constant 7 : i32
    %dma_wait3A_505 = arith.constant 0 : i32
    %dma_wait3A_506 = arith.constant 1 : i32
    %dma_wait3A_507 = arith.constant 2 : i32
    %dma_wait3A_508 = arith.constant 0 : i32
    %dma_wait3A_509 = arith.constant 0 : i32
    %dma_wait3A_510 = tpu.memref_slice %arg10[%dma_wait3A_506, %dma_wait3A_508, %dma_wait3A_509] : memref<5x16x128xf32, #tpu.memory_space<vmem>> -> memref<1x16x128xf32, #tpu.memory_space<vmem>>
    %dma_wait3A_511 = tpu.memref_squeeze %dma_wait3A_510 : memref<1x16x128xf32, #tpu.memory_space<vmem>> -> memref<16x128xf32, #tpu.memory_space<vmem>>
    %dma_wait3A_512 = arith.constant 0 : i32
    %dma_wait3A_513 = tpu.memref_slice %arg8[%dma_wait3A_504, %dma_wait3A_505, %dma_wait3A_512] : memref<16x1x16xi32, #tpu.memory_space<vmem>> -> memref<1x1x16xi32, #tpu.memory_space<vmem>>
    %dma_wait3A_514 = tpu.memref_squeeze %dma_wait3A_513 : memref<1x1x16xi32, #tpu.memory_space<vmem>> -> memref<16xi32, #tpu.memory_space<vmem>>
    %dma_wait3A_515 = arith.constant 0 : i32
    %dma_wait3A_516 = arith.constant 0 : i32
    %dma_wait3A_517 = tpu.memref_slice %arg4[%dma_wait3A_515, %dma_wait3A_516] : memref<1000x128xf32, #tpu.memory_space<hbm>> -> memref<1000x128xf32, #tpu.memory_space<hbm>>
    %dma_wait3A_518 = tpu.memref_slice %arg15[%dma_wait3A_507] : memref<6x!tpu.dma_semaphore, #tpu.memory_space<semaphore_mem>> -> memref<1x!tpu.dma_semaphore, #tpu.memory_space<semaphore_mem>>
    %dma_wait3A_519 = tpu.memref_squeeze %dma_wait3A_518 : memref<1x!tpu.dma_semaphore, #tpu.memory_space<semaphore_mem>> -> memref<!tpu.dma_semaphore, #tpu.memory_space<semaphore_mem>>
    tpu.wait_indirect_dma semaphore(%dma_wait3A_519 : memref<!tpu.dma_semaphore, #tpu.memory_space<semaphore_mem>>) src(%dma_wait3A_517 : memref<1000x128xf32, #tpu.memory_space<hbm>>) dst(%dma_wait3A_511 : memref<16x128xf32, #tpu.memory_space<vmem>>)
    %dma_wait3A_520 = arith.constant 6 : i32
    %dma_wait3A_521 = arith.constant 0 : i32
    %dma_wait3A_522 = arith.constant 0 : i32
    %dma_wait3A_523 = arith.constant 2 : i32
    %dma_wait3A_524 = arith.constant 0 : i32
    %dma_wait3A_525 = arith.constant 0 : i32
    %dma_wait3A_526 = tpu.memref_slice %arg11[%dma_wait3A_522, %dma_wait3A_524, %dma_wait3A_525] : memref<3x16x256xf32, #tpu.memory_space<vmem>> -> memref<1x16x256xf32, #tpu.memory_space<vmem>>
    %dma_wait3A_527 = tpu.memref_squeeze %dma_wait3A_526 : memref<1x16x256xf32, #tpu.memory_space<vmem>> -> memref<16x256xf32, #tpu.memory_space<vmem>>
    %dma_wait3A_528 = arith.constant 0 : i32
    %dma_wait3A_529 = tpu.memref_slice %arg8[%dma_wait3A_520, %dma_wait3A_521, %dma_wait3A_528] : memref<16x1x16xi32, #tpu.memory_space<vmem>> -> memref<1x1x16xi32, #tpu.memory_space<vmem>>
    %dma_wait3A_530 = tpu.memref_squeeze %dma_wait3A_529 : memref<1x1x16xi32, #tpu.memory_space<vmem>> -> memref<16xi32, #tpu.memory_space<vmem>>
    %dma_wait3A_531 = arith.constant 0 : i32
    %dma_wait3A_532 = arith.constant 0 : i32
    %dma_wait3A_533 = tpu.memref_slice %arg5[%dma_wait3A_531, %dma_wait3A_532] : memref<200x256xf32, #tpu.memory_space<hbm>> -> memref<200x256xf32, #tpu.memory_space<hbm>>
    %dma_wait3A_534 = tpu.memref_slice %arg15[%dma_wait3A_523] : memref<6x!tpu.dma_semaphore, #tpu.memory_space<semaphore_mem>> -> memref<1x!tpu.dma_semaphore, #tpu.memory_space<semaphore_mem>>
    %dma_wait3A_535 = tpu.memref_squeeze %dma_wait3A_534 : memref<1x!tpu.dma_semaphore, #tpu.memory_space<semaphore_mem>> -> memref<!tpu.dma_semaphore, #tpu.memory_space<semaphore_mem>>
    tpu.wait_indirect_dma semaphore(%dma_wait3A_535 : memref<!tpu.dma_semaphore, #tpu.memory_space<semaphore_mem>>) src(%dma_wait3A_533 : memref<200x256xf32, #tpu.memory_space<hbm>>) dst(%dma_wait3A_527 : memref<16x256xf32, #tpu.memory_space<vmem>>)
    %dma_wait3A_536 = arith.constant 6 : i32
    %dma_wait3A_537 = arith.constant 0 : i32
    %dma_wait3A_538 = arith.constant 0 : i32
    %dma_wait3A_539 = arith.constant 2 : i32
    %dma_wait3A_540 = arith.constant 0 : i32
    %dma_wait3A_541 = arith.constant 0 : i32
    %dma_wait3A_542 = tpu.memref_slice %arg12[%dma_wait3A_538, %dma_wait3A_540, %dma_wait3A_541] : memref<2x16x256xf32, #tpu.memory_space<vmem>> -> memref<1x16x256xf32, #tpu.memory_space<vmem>>
    %dma_wait3A_543 = tpu.memref_squeeze %dma_wait3A_542 : memref<1x16x256xf32, #tpu.memory_space<vmem>> -> memref<16x256xf32, #tpu.memory_space<vmem>>
    %dma_wait3A_544 = arith.constant 0 : i32
    %dma_wait3A_545 = tpu.memref_slice %arg8[%dma_wait3A_536, %dma_wait3A_537, %dma_wait3A_544] : memref<16x1x16xi32, #tpu.memory_space<vmem>> -> memref<1x1x16xi32, #tpu.memory_space<vmem>>
    %dma_wait3A_546 = tpu.memref_squeeze %dma_wait3A_545 : memref<1x1x16xi32, #tpu.memory_space<vmem>> -> memref<16xi32, #tpu.memory_space<vmem>>
    %dma_wait3A_547 = arith.constant 0 : i32
    %dma_wait3A_548 = arith.constant 0 : i32
    %dma_wait3A_549 = tpu.memref_slice %arg6[%dma_wait3A_547, %dma_wait3A_548] : memref<200x256xf32, #tpu.memory_space<hbm>> -> memref<200x256xf32, #tpu.memory_space<hbm>>
    %dma_wait3A_550 = tpu.memref_slice %arg15[%dma_wait3A_539] : memref<6x!tpu.dma_semaphore, #tpu.memory_space<semaphore_mem>> -> memref<1x!tpu.dma_semaphore, #tpu.memory_space<semaphore_mem>>
    %dma_wait3A_551 = tpu.memref_squeeze %dma_wait3A_550 : memref<1x!tpu.dma_semaphore, #tpu.memory_space<semaphore_mem>> -> memref<!tpu.dma_semaphore, #tpu.memory_space<semaphore_mem>>
    tpu.wait_indirect_dma semaphore(%dma_wait3A_551 : memref<!tpu.dma_semaphore, #tpu.memory_space<semaphore_mem>>) src(%dma_wait3A_549 : memref<200x256xf32, #tpu.memory_space<hbm>>) dst(%dma_wait3A_543 : memref<16x256xf32, #tpu.memory_space<vmem>>)
    %scan3A_552 = arith.constant 0 : i32
    %scan3A_553 = arith.constant 0 : i32
    %scan3A_554 = arith.constant 16 : i32
    %scan3A_555 = arith.addi %scan3A_553, %scan3A_554 : i32
    %scan3A_556 = arith.constant 1 : i32
    scf.for %scan3A_752 = %scan3A_553 to %scan3A_555 step %scan3A_556  : i32 {
      %broadcast_in_dim3A = arith.constant 0.000000e+00 : f32
      %broadcast_in_dim3A_753 = vector.broadcast %broadcast_in_dim3A : f32 to vector<16xf32>
      %broadcast_in_dim3A_754 = arith.constant 0.000000e+00 : f32
      %broadcast_in_dim3A_755 = vector.broadcast %broadcast_in_dim3A_754 : f32 to vector<16xf32>
      %get3A = arith.constant 5 : i32
      %get3A_756 = arith.index_cast %get3A : i32 to index
      %get3A_757 = arith.index_cast %scan3A_752 : i32 to index
      %get3A_758 = arith.constant 0 : index
      %get3A_759 = tpu.vector_load %arg9[%get3A_756, %get3A_757, %get3A_758] {strides = array<i32>} : memref<12x16x256xf32, #tpu.memory_space<vmem>>, vector<1x1x16xf32>,
      %get3A_760 = vector.shape_cast %get3A_759 : vector<1x1x16xf32> to vector<16xf32>
      %get3A_761 = arith.constant 1 : i32
      %get3A_762 = arith.index_cast %get3A_761 : i32 to index
      %get3A_763 = arith.index_cast %scan3A_752 : i32 to index
      %get3A_764 = arith.constant 0 : index
      %get3A_765 = tpu.vector_load %arg10[%get3A_762, %get3A_763, %get3A_764] {strides = array<i32>} : memref<5x16x128xf32, #tpu.memory_space<vmem>>, vector<1x1x16xf32>,
      %get3A_766 = vector.shape_cast %get3A_765 : vector<1x1x16xf32> to vector<16xf32>
      %add3A_767 = arith.addf %get3A_760, %get3A_766 : vector<16xf32>
      %get3A_768 = arith.constant 5 : i32
      %get3A_769 = arith.index_cast %get3A_768 : i32 to index
      %get3A_770 = arith.index_cast %scan3A_752 : i32 to index
      %get3A_771 = arith.constant 128 : index
      %get3A_772 = tpu.vector_load %arg9[%get3A_769, %get3A_770, %get3A_771] {strides = array<i32>} : memref<12x16x256xf32, #tpu.memory_space<vmem>>, vector<1x1x16xf32>,
      %get3A_773 = vector.shape_cast %get3A_772 : vector<1x1x16xf32> to vector<16xf32>
      %abs3A = math.absf %get3A_773 : vector<16xf32>
      %get3A_774 = arith.constant 0 : i32
      %get3A_775 = arith.index_cast %get3A_774 : i32 to index
      %get3A_776 = arith.index_cast %scan3A_752 : i32 to index
      %get3A_777 = arith.constant 0 : index
      %get3A_778 = tpu.vector_load %arg11[%get3A_775, %get3A_776, %get3A_777] {strides = array<i32>} : memref<3x16x256xf32, #tpu.memory_space<vmem>>, vector<1x1x16xf32>,
      %get3A_779 = vector.shape_cast %get3A_778 : vector<1x1x16xf32> to vector<16xf32>
      %get3A_780 = arith.constant 0 : i32
      %get3A_781 = arith.index_cast %get3A_780 : i32 to index
      %get3A_782 = arith.index_cast %scan3A_752 : i32 to index
      %get3A_783 = arith.constant 128 : index
      %get3A_784 = tpu.vector_load %arg11[%get3A_781, %get3A_782, %get3A_783] {strides = array<i32>} : memref<3x16x256xf32, #tpu.memory_space<vmem>>, vector<1x1x16xf32>,
      %get3A_785 = vector.shape_cast %get3A_784 : vector<1x1x16xf32> to vector<16xf32>
      %abs3A_786 = math.absf %get3A_785 : vector<16xf32>
      %sub3A = arith.subf %add3A_767, %get3A_779 : vector<16xf32>
      %abs3A_787 = math.absf %sub3A : vector<16xf32>
      %add3A_788 = arith.addf %abs3A_787, %abs3A : vector<16xf32>
      %sub3A_789 = arith.subf %add3A_788, %abs3A_786 : vector<16xf32>
      %max3A = arith.constant 0.000000e+00 : f32
      %max3A_790 = vector.broadcast %max3A : f32 to vector<16xf32>
      %max3A_791 = arith.maximumf %sub3A_789, %max3A_790 : vector<16xf32>
      %mul3A_792 = arith.mulf %max3A_791, %max3A_791 : vector<16xf32>
      %add3A_793 = arith.addf %broadcast_in_dim3A_753, %mul3A_792 : vector<16xf32>
      %get3A_794 = arith.constant 6 : i32
      %get3A_795 = arith.index_cast %get3A_794 : i32 to index
      %get3A_796 = arith.index_cast %scan3A_752 : i32 to index
      %get3A_797 = arith.constant 0 : index
      %get3A_798 = tpu.vector_load %arg9[%get3A_795, %get3A_796, %get3A_797] {strides = array<i32>} : memref<12x16x256xf32, #tpu.memory_space<vmem>>, vector<1x1x16xf32>,
      %get3A_799 = vector.shape_cast %get3A_798 : vector<1x1x16xf32> to vector<16xf32>
      %get3A_800 = arith.constant 0 : i32
      %get3A_801 = arith.index_cast %get3A_800 : i32 to index
      %get3A_802 = arith.index_cast %scan3A_752 : i32 to index
      %get3A_803 = arith.constant 0 : index
      %get3A_804 = tpu.vector_load %arg10[%get3A_801, %get3A_802, %get3A_803] {strides = array<i32>} : memref<5x16x128xf32, #tpu.memory_space<vmem>>, vector<1x1x16xf32>,
      %get3A_805 = vector.shape_cast %get3A_804 : vector<1x1x16xf32> to vector<16xf32>
      %add3A_806 = arith.addf %get3A_799, %get3A_805 : vector<16xf32>
      %get3A_807 = arith.constant 6 : i32
      %get3A_808 = arith.index_cast %get3A_807 : i32 to index
      %get3A_809 = arith.index_cast %scan3A_752 : i32 to index
      %get3A_810 = arith.constant 128 : index
      %get3A_811 = tpu.vector_load %arg9[%get3A_808, %get3A_809, %get3A_810] {strides = array<i32>} : memref<12x16x256xf32, #tpu.memory_space<vmem>>, vector<1x1x16xf32>,
      %get3A_812 = vector.shape_cast %get3A_811 : vector<1x1x16xf32> to vector<16xf32>
      %abs3A_813 = math.absf %get3A_812 : vector<16xf32>
      %get3A_814 = arith.constant 0 : i32
      %get3A_815 = arith.index_cast %get3A_814 : i32 to index
      %get3A_816 = arith.index_cast %scan3A_752 : i32 to index
      %get3A_817 = arith.constant 0 : index
      %get3A_818 = tpu.vector_load %arg12[%get3A_815, %get3A_816, %get3A_817] {strides = array<i32>} : memref<2x16x256xf32, #tpu.memory_space<vmem>>, vector<1x1x16xf32>,
      %get3A_819 = vector.shape_cast %get3A_818 : vector<1x1x16xf32> to vector<16xf32>
      %get3A_820 = arith.constant 0 : i32
      %get3A_821 = arith.index_cast %get3A_820 : i32 to index
      %get3A_822 = arith.index_cast %scan3A_752 : i32 to index
      %get3A_823 = arith.constant 128 : index
      %get3A_824 = tpu.vector_load %arg12[%get3A_821, %get3A_822, %get3A_823] {strides = array<i32>} : memref<2x16x256xf32, #tpu.memory_space<vmem>>, vector<1x1x16xf32>,
      %get3A_825 = vector.shape_cast %get3A_824 : vector<1x1x16xf32> to vector<16xf32>
      %abs3A_826 = math.absf %get3A_825 : vector<16xf32>
      %sub3A_827 = arith.subf %add3A_806, %get3A_819 : vector<16xf32>
      %abs3A_828 = math.absf %sub3A_827 : vector<16xf32>
      %add3A_829 = arith.addf %abs3A_828, %abs3A_813 : vector<16xf32>
      %sub3A_830 = arith.subf %add3A_829, %abs3A_826 : vector<16xf32>
      %max3A_831 = arith.constant 0.000000e+00 : f32
      %max3A_832 = vector.broadcast %max3A_831 : f32 to vector<16xf32>
      %max3A_833 = arith.maximumf %sub3A_830, %max3A_832 : vector<16xf32>
      %mul3A_834 = arith.mulf %max3A_833, %max3A_833 : vector<16xf32>
      %add3A_835 = arith.addf %broadcast_in_dim3A_755, %mul3A_834 : vector<16xf32>
      %get3A_836 = arith.constant 5 : i32
      %get3A_837 = arith.index_cast %get3A_836 : i32 to index
      %get3A_838 = arith.index_cast %scan3A_752 : i32 to index
      %get3A_839 = arith.constant 16 : index
      %get3A_840 = tpu.vector_load %arg9[%get3A_837, %get3A_838, %get3A_839] {strides = array<i32>} : memref<12x16x256xf32, #tpu.memory_space<vmem>>, vector<1x1x16xf32>,
      %get3A_841 = vector.shape_cast %get3A_840 : vector<1x1x16xf32> to vector<16xf32>
      %get3A_842 = arith.constant 1 : i32
      %get3A_843 = arith.index_cast %get3A_842 : i32 to index
      %get3A_844 = arith.index_cast %scan3A_752 : i32 to index
      %get3A_845 = arith.constant 16 : index
      %get3A_846 = tpu.vector_load %arg10[%get3A_843, %get3A_844, %get3A_845] {strides = array<i32>} : memref<5x16x128xf32, #tpu.memory_space<vmem>>, vector<1x1x16xf32>,
      %get3A_847 = vector.shape_cast %get3A_846 : vector<1x1x16xf32> to vector<16xf32>
      %add3A_848 = arith.addf %get3A_841, %get3A_847 : vector<16xf32>
      %get3A_849 = arith.constant 5 : i32
      %get3A_850 = arith.index_cast %get3A_849 : i32 to index
      %get3A_851 = arith.index_cast %scan3A_752 : i32 to index
      %get3A_852 = arith.constant 144 : index
      %get3A_853 = tpu.vector_load %arg9[%get3A_850, %get3A_851, %get3A_852] {strides = array<i32>} : memref<12x16x256xf32, #tpu.memory_space<vmem>>, vector<1x1x16xf32>,
      %get3A_854 = vector.shape_cast %get3A_853 : vector<1x1x16xf32> to vector<16xf32>
      %abs3A_855 = math.absf %get3A_854 : vector<16xf32>
      %get3A_856 = arith.constant 0 : i32
      %get3A_857 = arith.index_cast %get3A_856 : i32 to index
      %get3A_858 = arith.index_cast %scan3A_752 : i32 to index
      %get3A_859 = arith.constant 16 : index
      %get3A_860 = tpu.vector_load %arg11[%get3A_857, %get3A_858, %get3A_859] {strides = array<i32>} : memref<3x16x256xf32, #tpu.memory_space<vmem>>, vector<1x1x16xf32>,
      %get3A_861 = vector.shape_cast %get3A_860 : vector<1x1x16xf32> to vector<16xf32>
      %get3A_862 = arith.constant 0 : i32
      %get3A_863 = arith.index_cast %get3A_862 : i32 to index
      %get3A_864 = arith.index_cast %scan3A_752 : i32 to index
      %get3A_865 = arith.constant 144 : index
      %get3A_866 = tpu.vector_load %arg11[%get3A_863, %get3A_864, %get3A_865] {strides = array<i32>} : memref<3x16x256xf32, #tpu.memory_space<vmem>>, vector<1x1x16xf32>,
      %get3A_867 = vector.shape_cast %get3A_866 : vector<1x1x16xf32> to vector<16xf32>
      %abs3A_868 = math.absf %get3A_867 : vector<16xf32>
      %sub3A_869 = arith.subf %add3A_848, %get3A_861 : vector<16xf32>
      %abs3A_870 = math.absf %sub3A_869 : vector<16xf32>
      %add3A_871 = arith.addf %abs3A_870, %abs3A_855 : vector<16xf32>
      %sub3A_872 = arith.subf %add3A_871, %abs3A_868 : vector<16xf32>
      %max3A_873 = arith.constant 0.000000e+00 : f32
      %max3A_874 = vector.broadcast %max3A_873 : f32 to vector<16xf32>
      %max3A_875 = arith.maximumf %sub3A_872, %max3A_874 : vector<16xf32>
      %mul3A_876 = arith.mulf %max3A_875, %max3A_875 : vector<16xf32>
      %add3A_877 = arith.addf %add3A_793, %mul3A_876 : vector<16xf32>
      %get3A_878 = arith.constant 6 : i32
      %get3A_879 = arith.index_cast %get3A_878 : i32 to index
      %get3A_880 = arith.index_cast %scan3A_752 : i32 to index
      %get3A_881 = arith.constant 16 : index
      %get3A_882 = tpu.vector_load %arg9[%get3A_879, %get3A_880, %get3A_881] {strides = array<i32>} : memref<12x16x256xf32, #tpu.memory_space<vmem>>, vector<1x1x16xf32>,
      %get3A_883 = vector.shape_cast %get3A_882 : vector<1x1x16xf32> to vector<16xf32>
      %get3A_884 = arith.constant 0 : i32
      %get3A_885 = arith.index_cast %get3A_884 : i32 to index
      %get3A_886 = arith.index_cast %scan3A_752 : i32 to index
      %get3A_887 = arith.constant 16 : index
      %get3A_888 = tpu.vector_load %arg10[%get3A_885, %get3A_886, %get3A_887] {strides = array<i32>} : memref<5x16x128xf32, #tpu.memory_space<vmem>>, vector<1x1x16xf32>,
      %get3A_889 = vector.shape_cast %get3A_888 : vector<1x1x16xf32> to vector<16xf32>
      %add3A_890 = arith.addf %get3A_883, %get3A_889 : vector<16xf32>
      %get3A_891 = arith.constant 6 : i32
      %get3A_892 = arith.index_cast %get3A_891 : i32 to index
      %get3A_893 = arith.index_cast %scan3A_752 : i32 to index
      %get3A_894 = arith.constant 144 : index
      %get3A_895 = tpu.vector_load %arg9[%get3A_892, %get3A_893, %get3A_894] {strides = array<i32>} : memref<12x16x256xf32, #tpu.memory_space<vmem>>, vector<1x1x16xf32>,
      %get3A_896 = vector.shape_cast %get3A_895 : vector<1x1x16xf32> to vector<16xf32>
      %abs3A_897 = math.absf %get3A_896 : vector<16xf32>
      %get3A_898 = arith.constant 0 : i32
      %get3A_899 = arith.index_cast %get3A_898 : i32 to index
      %get3A_900 = arith.index_cast %scan3A_752 : i32 to index
      %get3A_901 = arith.constant 16 : index
      %get3A_902 = tpu.vector_load %arg12[%get3A_899, %get3A_900, %get3A_901] {strides = array<i32>} : memref<2x16x256xf32, #tpu.memory_space<vmem>>, vector<1x1x16xf32>,
      %get3A_903 = vector.shape_cast %get3A_902 : vector<1x1x16xf32> to vector<16xf32>
      %get3A_904 = arith.constant 0 : i32
      %get3A_905 = arith.index_cast %get3A_904 : i32 to index
      %get3A_906 = arith.index_cast %scan3A_752 : i32 to index
      %get3A_907 = arith.constant 144 : index
      %get3A_908 = tpu.vector_load %arg12[%get3A_905, %get3A_906, %get3A_907] {strides = array<i32>} : memref<2x16x256xf32, #tpu.memory_space<vmem>>, vector<1x1x16xf32>,
      %get3A_909 = vector.shape_cast %get3A_908 : vector<1x1x16xf32> to vector<16xf32>
      %abs3A_910 = math.absf %get3A_909 : vector<16xf32>
      %sub3A_911 = arith.subf %add3A_890, %get3A_903 : vector<16xf32>
      %abs3A_912 = math.absf %sub3A_911 : vector<16xf32>
      %add3A_913 = arith.addf %abs3A_912, %abs3A_897 : vector<16xf32>
      %sub3A_914 = arith.subf %add3A_913, %abs3A_910 : vector<16xf32>
      %max3A_915 = arith.constant 0.000000e+00 : f32
      %max3A_916 = vector.broadcast %max3A_915 : f32 to vector<16xf32>
      %max3A_917 = arith.maximumf %sub3A_914, %max3A_916 : vector<16xf32>
      %mul3A_918 = arith.mulf %max3A_917, %max3A_917 : vector<16xf32>
      %add3A_919 = arith.addf %add3A_835, %mul3A_918 : vector<16xf32>
      %get3A_920 = arith.constant 5 : i32
      %get3A_921 = arith.index_cast %get3A_920 : i32 to index
      %get3A_922 = arith.index_cast %scan3A_752 : i32 to index
      %get3A_923 = arith.constant 32 : index
      %get3A_924 = tpu.vector_load %arg9[%get3A_921, %get3A_922, %get3A_923] {strides = array<i32>} : memref<12x16x256xf32, #tpu.memory_space<vmem>>, vector<1x1x16xf32>,
      %get3A_925 = vector.shape_cast %get3A_924 : vector<1x1x16xf32> to vector<16xf32>
      %get3A_926 = arith.constant 1 : i32
      %get3A_927 = arith.index_cast %get3A_926 : i32 to index
      %get3A_928 = arith.index_cast %scan3A_752 : i32 to index
      %get3A_929 = arith.constant 32 : index
      %get3A_930 = tpu.vector_load %arg10[%get3A_927, %get3A_928, %get3A_929] {strides = array<i32>} : memref<5x16x128xf32, #tpu.memory_space<vmem>>, vector<1x1x16xf32>,
      %get3A_931 = vector.shape_cast %get3A_930 : vector<1x1x16xf32> to vector<16xf32>
      %add3A_932 = arith.addf %get3A_925, %get3A_931 : vector<16xf32>
      %get3A_933 = arith.constant 5 : i32
      %get3A_934 = arith.index_cast %get3A_933 : i32 to index
      %get3A_935 = arith.index_cast %scan3A_752 : i32 to index
      %get3A_936 = arith.constant 160 : index
      %get3A_937 = tpu.vector_load %arg9[%get3A_934, %get3A_935, %get3A_936] {strides = array<i32>} : memref<12x16x256xf32, #tpu.memory_space<vmem>>, vector<1x1x16xf32>,
      %get3A_938 = vector.shape_cast %get3A_937 : vector<1x1x16xf32> to vector<16xf32>
      %abs3A_939 = math.absf %get3A_938 : vector<16xf32>
      %get3A_940 = arith.constant 0 : i32
      %get3A_941 = arith.index_cast %get3A_940 : i32 to index
      %get3A_942 = arith.index_cast %scan3A_752 : i32 to index
      %get3A_943 = arith.constant 32 : index
      %get3A_944 = tpu.vector_load %arg11[%get3A_941, %get3A_942, %get3A_943] {strides = array<i32>} : memref<3x16x256xf32, #tpu.memory_space<vmem>>, vector<1x1x16xf32>,
      %get3A_945 = vector.shape_cast %get3A_944 : vector<1x1x16xf32> to vector<16xf32>
      %get3A_946 = arith.constant 0 : i32
      %get3A_947 = arith.index_cast %get3A_946 : i32 to index
      %get3A_948 = arith.index_cast %scan3A_752 : i32 to index
      %get3A_949 = arith.constant 160 : index
      %get3A_950 = tpu.vector_load %arg11[%get3A_947, %get3A_948, %get3A_949] {strides = array<i32>} : memref<3x16x256xf32, #tpu.memory_space<vmem>>, vector<1x1x16xf32>,
      %get3A_951 = vector.shape_cast %get3A_950 : vector<1x1x16xf32> to vector<16xf32>
      %abs3A_952 = math.absf %get3A_951 : vector<16xf32>
      %sub3A_953 = arith.subf %add3A_932, %get3A_945 : vector<16xf32>
      %abs3A_954 = math.absf %sub3A_953 : vector<16xf32>
      %add3A_955 = arith.addf %abs3A_954, %abs3A_939 : vector<16xf32>
      %sub3A_956 = arith.subf %add3A_955, %abs3A_952 : vector<16xf32>
      %max3A_957 = arith.constant 0.000000e+00 : f32
      %max3A_958 = vector.broadcast %max3A_957 : f32 to vector<16xf32>
      %max3A_959 = arith.maximumf %sub3A_956, %max3A_958 : vector<16xf32>
      %mul3A_960 = arith.mulf %max3A_959, %max3A_959 : vector<16xf32>
      %add3A_961 = arith.addf %add3A_877, %mul3A_960 : vector<16xf32>
      %get3A_962 = arith.constant 6 : i32
      %get3A_963 = arith.index_cast %get3A_962 : i32 to index
      %get3A_964 = arith.index_cast %scan3A_752 : i32 to index
      %get3A_965 = arith.constant 32 : index
      %get3A_966 = tpu.vector_load %arg9[%get3A_963, %get3A_964, %get3A_965] {strides = array<i32>} : memref<12x16x256xf32, #tpu.memory_space<vmem>>, vector<1x1x16xf32>,
      %get3A_967 = vector.shape_cast %get3A_966 : vector<1x1x16xf32> to vector<16xf32>
      %get3A_968 = arith.constant 0 : i32
      %get3A_969 = arith.index_cast %get3A_968 : i32 to index
      %get3A_970 = arith.index_cast %scan3A_752 : i32 to index
      %get3A_971 = arith.constant 32 : index
      %get3A_972 = tpu.vector_load %arg10[%get3A_969, %get3A_970, %get3A_971] {strides = array<i32>} : memref<5x16x128xf32, #tpu.memory_space<vmem>>, vector<1x1x16xf32>,
      %get3A_973 = vector.shape_cast %get3A_972 : vector<1x1x16xf32> to vector<16xf32>
      %add3A_974 = arith.addf %get3A_967, %get3A_973 : vector<16xf32>
      %get3A_975 = arith.constant 6 : i32
      %get3A_976 = arith.index_cast %get3A_975 : i32 to index
      %get3A_977 = arith.index_cast %scan3A_752 : i32 to index
      %get3A_978 = arith.constant 160 : index
      %get3A_979 = tpu.vector_load %arg9[%get3A_976, %get3A_977, %get3A_978] {strides = array<i32>} : memref<12x16x256xf32, #tpu.memory_space<vmem>>, vector<1x1x16xf32>,
      %get3A_980 = vector.shape_cast %get3A_979 : vector<1x1x16xf32> to vector<16xf32>
      %abs3A_981 = math.absf %get3A_980 : vector<16xf32>
      %get3A_982 = arith.constant 0 : i32
      %get3A_983 = arith.index_cast %get3A_982 : i32 to index
      %get3A_984 = arith.index_cast %scan3A_752 : i32 to index
      %get3A_985 = arith.constant 32 : index
      %get3A_986 = tpu.vector_load %arg12[%get3A_983, %get3A_984, %get3A_985] {strides = array<i32>} : memref<2x16x256xf32, #tpu.memory_space<vmem>>, vector<1x1x16xf32>,
      %get3A_987 = vector.shape_cast %get3A_986 : vector<1x1x16xf32> to vector<16xf32>
      %get3A_988 = arith.constant 0 : i32
      %get3A_989 = arith.index_cast %get3A_988 : i32 to index
      %get3A_990 = arith.index_cast %scan3A_752 : i32 to index
      %get3A_991 = arith.constant 160 : index
      %get3A_992 = tpu.vector_load %arg12[%get3A_989, %get3A_990, %get3A_991] {strides = array<i32>} : memref<2x16x256xf32, #tpu.memory_space<vmem>>, vector<1x1x16xf32>,
      %get3A_993 = vector.shape_cast %get3A_992 : vector<1x1x16xf32> to vector<16xf32>
      %abs3A_994 = math.absf %get3A_993 : vector<16xf32>
      %sub3A_995 = arith.subf %add3A_974, %get3A_987 : vector<16xf32>
      %abs3A_996 = math.absf %sub3A_995 : vector<16xf32>
      %add3A_997 = arith.addf %abs3A_996, %abs3A_981 : vector<16xf32>
      %sub3A_998 = arith.subf %add3A_997, %abs3A_994 : vector<16xf32>
      %max3A_999 = arith.constant 0.000000e+00 : f32
      %max3A_1000 = vector.broadcast %max3A_999 : f32 to vector<16xf32>
      %max3A_1001 = arith.maximumf %sub3A_998, %max3A_1000 : vector<16xf32>
      %mul3A_1002 = arith.mulf %max3A_1001, %max3A_1001 : vector<16xf32>
      %add3A_1003 = arith.addf %add3A_919, %mul3A_1002 : vector<16xf32>
      %get3A_1004 = arith.constant 5 : i32
      %get3A_1005 = arith.index_cast %get3A_1004 : i32 to index
      %get3A_1006 = arith.index_cast %scan3A_752 : i32 to index
      %get3A_1007 = arith.constant 48 : index
      %get3A_1008 = tpu.vector_load %arg9[%get3A_1005, %get3A_1006, %get3A_1007] {strides = array<i32>} : memref<12x16x256xf32, #tpu.memory_space<vmem>>, vector<1x1x16xf32>,
      %get3A_1009 = vector.shape_cast %get3A_1008 : vector<1x1x16xf32> to vector<16xf32>
      %get3A_1010 = arith.constant 1 : i32
      %get3A_1011 = arith.index_cast %get3A_1010 : i32 to index
      %get3A_1012 = arith.index_cast %scan3A_752 : i32 to index
      %get3A_1013 = arith.constant 48 : index
      %get3A_1014 = tpu.vector_load %arg10[%get3A_1011, %get3A_1012, %get3A_1013] {strides = array<i32>} : memref<5x16x128xf32, #tpu.memory_space<vmem>>, vector<1x1x16xf32>,
      %get3A_1015 = vector.shape_cast %get3A_1014 : vector<1x1x16xf32> to vector<16xf32>
      %add3A_1016 = arith.addf %get3A_1009, %get3A_1015 : vector<16xf32>
      %get3A_1017 = arith.constant 5 : i32
      %get3A_1018 = arith.index_cast %get3A_1017 : i32 to index
      %get3A_1019 = arith.index_cast %scan3A_752 : i32 to index
      %get3A_1020 = arith.constant 176 : index
      %get3A_1021 = tpu.vector_load %arg9[%get3A_1018, %get3A_1019, %get3A_1020] {strides = array<i32>} : memref<12x16x256xf32, #tpu.memory_space<vmem>>, vector<1x1x16xf32>,
      %get3A_1022 = vector.shape_cast %get3A_1021 : vector<1x1x16xf32> to vector<16xf32>
      %abs3A_1023 = math.absf %get3A_1022 : vector<16xf32>
      %get3A_1024 = arith.constant 0 : i32
      %get3A_1025 = arith.index_cast %get3A_1024 : i32 to index
      %get3A_1026 = arith.index_cast %scan3A_752 : i32 to index
      %get3A_1027 = arith.constant 48 : index
      %get3A_1028 = tpu.vector_load %arg11[%get3A_1025, %get3A_1026, %get3A_1027] {strides = array<i32>} : memref<3x16x256xf32, #tpu.memory_space<vmem>>, vector<1x1x16xf32>,
      %get3A_1029 = vector.shape_cast %get3A_1028 : vector<1x1x16xf32> to vector<16xf32>
      %get3A_1030 = arith.constant 0 : i32
      %get3A_1031 = arith.index_cast %get3A_1030 : i32 to index
      %get3A_1032 = arith.index_cast %scan3A_752 : i32 to index
      %get3A_1033 = arith.constant 176 : index
      %get3A_1034 = tpu.vector_load %arg11[%get3A_1031, %get3A_1032, %get3A_1033] {strides = array<i32>} : memref<3x16x256xf32, #tpu.memory_space<vmem>>, vector<1x1x16xf32>,
      %get3A_1035 = vector.shape_cast %get3A_1034 : vector<1x1x16xf32> to vector<16xf32>
      %abs3A_1036 = math.absf %get3A_1035 : vector<16xf32>
      %sub3A_1037 = arith.subf %add3A_1016, %get3A_1029 : vector<16xf32>
      %abs3A_1038 = math.absf %sub3A_1037 : vector<16xf32>
      %add3A_1039 = arith.addf %abs3A_1038, %abs3A_1023 : vector<16xf32>
      %sub3A_1040 = arith.subf %add3A_1039, %abs3A_1036 : vector<16xf32>
      %max3A_1041 = arith.constant 0.000000e+00 : f32
      %max3A_1042 = vector.broadcast %max3A_1041 : f32 to vector<16xf32>
      %max3A_1043 = arith.maximumf %sub3A_1040, %max3A_1042 : vector<16xf32>
      %mul3A_1044 = arith.mulf %max3A_1043, %max3A_1043 : vector<16xf32>
      %add3A_1045 = arith.addf %add3A_961, %mul3A_1044 : vector<16xf32>
      %get3A_1046 = arith.constant 6 : i32
      %get3A_1047 = arith.index_cast %get3A_1046 : i32 to index
      %get3A_1048 = arith.index_cast %scan3A_752 : i32 to index
      %get3A_1049 = arith.constant 48 : index
      %get3A_1050 = tpu.vector_load %arg9[%get3A_1047, %get3A_1048, %get3A_1049] {strides = array<i32>} : memref<12x16x256xf32, #tpu.memory_space<vmem>>, vector<1x1x16xf32>,
      %get3A_1051 = vector.shape_cast %get3A_1050 : vector<1x1x16xf32> to vector<16xf32>
      %get3A_1052 = arith.constant 0 : i32
      %get3A_1053 = arith.index_cast %get3A_1052 : i32 to index
      %get3A_1054 = arith.index_cast %scan3A_752 : i32 to index
      %get3A_1055 = arith.constant 48 : index
      %get3A_1056 = tpu.vector_load %arg10[%get3A_1053, %get3A_1054, %get3A_1055] {strides = array<i32>} : memref<5x16x128xf32, #tpu.memory_space<vmem>>, vector<1x1x16xf32>,
      %get3A_1057 = vector.shape_cast %get3A_1056 : vector<1x1x16xf32> to vector<16xf32>
      %add3A_1058 = arith.addf %get3A_1051, %get3A_1057 : vector<16xf32>
      %get3A_1059 = arith.constant 6 : i32
      %get3A_1060 = arith.index_cast %get3A_1059 : i32 to index
      %get3A_1061 = arith.index_cast %scan3A_752 : i32 to index
      %get3A_1062 = arith.constant 176 : index
      %get3A_1063 = tpu.vector_load %arg9[%get3A_1060, %get3A_1061, %get3A_1062] {strides = array<i32>} : memref<12x16x256xf32, #tpu.memory_space<vmem>>, vector<1x1x16xf32>,
      %get3A_1064 = vector.shape_cast %get3A_1063 : vector<1x1x16xf32> to vector<16xf32>
      %abs3A_1065 = math.absf %get3A_1064 : vector<16xf32>
      %get3A_1066 = arith.constant 0 : i32
      %get3A_1067 = arith.index_cast %get3A_1066 : i32 to index
      %get3A_1068 = arith.index_cast %scan3A_752 : i32 to index
      %get3A_1069 = arith.constant 48 : index
      %get3A_1070 = tpu.vector_load %arg12[%get3A_1067, %get3A_1068, %get3A_1069] {strides = array<i32>} : memref<2x16x256xf32, #tpu.memory_space<vmem>>, vector<1x1x16xf32>,
      %get3A_1071 = vector.shape_cast %get3A_1070 : vector<1x1x16xf32> to vector<16xf32>
      %get3A_1072 = arith.constant 0 : i32
      %get3A_1073 = arith.index_cast %get3A_1072 : i32 to index
      %get3A_1074 = arith.index_cast %scan3A_752 : i32 to index
      %get3A_1075 = arith.constant 176 : index
      %get3A_1076 = tpu.vector_load %arg12[%get3A_1073, %get3A_1074, %get3A_1075] {strides = array<i32>} : memref<2x16x256xf32, #tpu.memory_space<vmem>>, vector<1x1x16xf32>,
      %get3A_1077 = vector.shape_cast %get3A_1076 : vector<1x1x16xf32> to vector<16xf32>
      %abs3A_1078 = math.absf %get3A_1077 : vector<16xf32>
      %sub3A_1079 = arith.subf %add3A_1058, %get3A_1071 : vector<16xf32>
      %abs3A_1080 = math.absf %sub3A_1079 : vector<16xf32>
      %add3A_1081 = arith.addf %abs3A_1080, %abs3A_1065 : vector<16xf32>
      %sub3A_1082 = arith.subf %add3A_1081, %abs3A_1078 : vector<16xf32>
      %max3A_1083 = arith.constant 0.000000e+00 : f32
      %max3A_1084 = vector.broadcast %max3A_1083 : f32 to vector<16xf32>
      %max3A_1085 = arith.maximumf %sub3A_1082, %max3A_1084 : vector<16xf32>
      %mul3A_1086 = arith.mulf %max3A_1085, %max3A_1085 : vector<16xf32>
      %add3A_1087 = arith.addf %add3A_1003, %mul3A_1086 : vector<16xf32>
      %get3A_1088 = arith.constant 5 : i32
      %get3A_1089 = arith.index_cast %get3A_1088 : i32 to index
      %get3A_1090 = arith.index_cast %scan3A_752 : i32 to index
      %get3A_1091 = arith.constant 64 : index
      %get3A_1092 = tpu.vector_load %arg9[%get3A_1089, %get3A_1090, %get3A_1091] {strides = array<i32>} : memref<12x16x256xf32, #tpu.memory_space<vmem>>, vector<1x1x16xf32>,
      %get3A_1093 = vector.shape_cast %get3A_1092 : vector<1x1x16xf32> to vector<16xf32>
      %get3A_1094 = arith.constant 1 : i32
      %get3A_1095 = arith.index_cast %get3A_1094 : i32 to index
      %get3A_1096 = arith.index_cast %scan3A_752 : i32 to index
      %get3A_1097 = arith.constant 64 : index
      %get3A_1098 = tpu.vector_load %arg10[%get3A_1095, %get3A_1096, %get3A_1097] {strides = array<i32>} : memref<5x16x128xf32, #tpu.memory_space<vmem>>, vector<1x1x16xf32>,
      %get3A_1099 = vector.shape_cast %get3A_1098 : vector<1x1x16xf32> to vector<16xf32>
      %add3A_1100 = arith.addf %get3A_1093, %get3A_1099 : vector<16xf32>
      %get3A_1101 = arith.constant 5 : i32
      %get3A_1102 = arith.index_cast %get3A_1101 : i32 to index
      %get3A_1103 = arith.index_cast %scan3A_752 : i32 to index
      %get3A_1104 = arith.constant 192 : index
      %get3A_1105 = tpu.vector_load %arg9[%get3A_1102, %get3A_1103, %get3A_1104] {strides = array<i32>} : memref<12x16x256xf32, #tpu.memory_space<vmem>>, vector<1x1x16xf32>,
      %get3A_1106 = vector.shape_cast %get3A_1105 : vector<1x1x16xf32> to vector<16xf32>
      %abs3A_1107 = math.absf %get3A_1106 : vector<16xf32>
      %get3A_1108 = arith.constant 0 : i32
      %get3A_1109 = arith.index_cast %get3A_1108 : i32 to index
      %get3A_1110 = arith.index_cast %scan3A_752 : i32 to index
      %get3A_1111 = arith.constant 64 : index
      %get3A_1112 = tpu.vector_load %arg11[%get3A_1109, %get3A_1110, %get3A_1111] {strides = array<i32>} : memref<3x16x256xf32, #tpu.memory_space<vmem>>, vector<1x1x16xf32>,
      %get3A_1113 = vector.shape_cast %get3A_1112 : vector<1x1x16xf32> to vector<16xf32>
      %get3A_1114 = arith.constant 0 : i32
      %get3A_1115 = arith.index_cast %get3A_1114 : i32 to index
      %get3A_1116 = arith.index_cast %scan3A_752 : i32 to index
      %get3A_1117 = arith.constant 192 : index
      %get3A_1118 = tpu.vector_load %arg11[%get3A_1115, %get3A_1116, %get3A_1117] {strides = array<i32>} : memref<3x16x256xf32, #tpu.memory_space<vmem>>, vector<1x1x16xf32>,
      %get3A_1119 = vector.shape_cast %get3A_1118 : vector<1x1x16xf32> to vector<16xf32>
      %abs3A_1120 = math.absf %get3A_1119 : vector<16xf32>
      %sub3A_1121 = arith.subf %add3A_1100, %get3A_1113 : vector<16xf32>
      %abs3A_1122 = math.absf %sub3A_1121 : vector<16xf32>
      %add3A_1123 = arith.addf %abs3A_1122, %abs3A_1107 : vector<16xf32>
      %sub3A_1124 = arith.subf %add3A_1123, %abs3A_1120 : vector<16xf32>
      %max3A_1125 = arith.constant 0.000000e+00 : f32
      %max3A_1126 = vector.broadcast %max3A_1125 : f32 to vector<16xf32>
      %max3A_1127 = arith.maximumf %sub3A_1124, %max3A_1126 : vector<16xf32>
      %mul3A_1128 = arith.mulf %max3A_1127, %max3A_1127 : vector<16xf32>
      %add3A_1129 = arith.addf %add3A_1045, %mul3A_1128 : vector<16xf32>
      %get3A_1130 = arith.constant 6 : i32
      %get3A_1131 = arith.index_cast %get3A_1130 : i32 to index
      %get3A_1132 = arith.index_cast %scan3A_752 : i32 to index
      %get3A_1133 = arith.constant 64 : index
      %get3A_1134 = tpu.vector_load %arg9[%get3A_1131, %get3A_1132, %get3A_1133] {strides = array<i32>} : memref<12x16x256xf32, #tpu.memory_space<vmem>>, vector<1x1x16xf32>,
      %get3A_1135 = vector.shape_cast %get3A_1134 : vector<1x1x16xf32> to vector<16xf32>
      %get3A_1136 = arith.constant 0 : i32
      %get3A_1137 = arith.index_cast %get3A_1136 : i32 to index
      %get3A_1138 = arith.index_cast %scan3A_752 : i32 to index
      %get3A_1139 = arith.constant 64 : index
      %get3A_1140 = tpu.vector_load %arg10[%get3A_1137, %get3A_1138, %get3A_1139] {strides = array<i32>} : memref<5x16x128xf32, #tpu.memory_space<vmem>>, vector<1x1x16xf32>,
      %get3A_1141 = vector.shape_cast %get3A_1140 : vector<1x1x16xf32> to vector<16xf32>
      %add3A_1142 = arith.addf %get3A_1135, %get3A_1141 : vector<16xf32>
      %get3A_1143 = arith.constant 6 : i32
      %get3A_1144 = arith.index_cast %get3A_1143 : i32 to index
      %get3A_1145 = arith.index_cast %scan3A_752 : i32 to index
      %get3A_1146 = arith.constant 192 : index
      %get3A_1147 = tpu.vector_load %arg9[%get3A_1144, %get3A_1145, %get3A_1146] {strides = array<i32>} : memref<12x16x256xf32, #tpu.memory_space<vmem>>, vector<1x1x16xf32>,
      %get3A_1148 = vector.shape_cast %get3A_1147 : vector<1x1x16xf32> to vector<16xf32>
      %abs3A_1149 = math.absf %get3A_1148 : vector<16xf32>
      %get3A_1150 = arith.constant 0 : i32
      %get3A_1151 = arith.index_cast %get3A_1150 : i32 to index
      %get3A_1152 = arith.index_cast %scan3A_752 : i32 to index
      %get3A_1153 = arith.constant 64 : index
      %get3A_1154 = tpu.vector_load %arg12[%get3A_1151, %get3A_1152, %get3A_1153] {strides = array<i32>} : memref<2x16x256xf32, #tpu.memory_space<vmem>>, vector<1x1x16xf32>,
      %get3A_1155 = vector.shape_cast %get3A_1154 : vector<1x1x16xf32> to vector<16xf32>
      %get3A_1156 = arith.constant 0 : i32
      %get3A_1157 = arith.index_cast %get3A_1156 : i32 to index
      %get3A_1158 = arith.index_cast %scan3A_752 : i32 to index
      %get3A_1159 = arith.constant 192 : index
      %get3A_1160 = tpu.vector_load %arg12[%get3A_1157, %get3A_1158, %get3A_1159] {strides = array<i32>} : memref<2x16x256xf32, #tpu.memory_space<vmem>>, vector<1x1x16xf32>,
      %get3A_1161 = vector.shape_cast %get3A_1160 : vector<1x1x16xf32> to vector<16xf32>
      %abs3A_1162 = math.absf %get3A_1161 : vector<16xf32>
      %sub3A_1163 = arith.subf %add3A_1142, %get3A_1155 : vector<16xf32>
      %abs3A_1164 = math.absf %sub3A_1163 : vector<16xf32>
      %add3A_1165 = arith.addf %abs3A_1164, %abs3A_1149 : vector<16xf32>
      %sub3A_1166 = arith.subf %add3A_1165, %abs3A_1162 : vector<16xf32>
      %max3A_1167 = arith.constant 0.000000e+00 : f32
      %max3A_1168 = vector.broadcast %max3A_1167 : f32 to vector<16xf32>
      %max3A_1169 = arith.maximumf %sub3A_1166, %max3A_1168 : vector<16xf32>
      %mul3A_1170 = arith.mulf %max3A_1169, %max3A_1169 : vector<16xf32>
      %add3A_1171 = arith.addf %add3A_1087, %mul3A_1170 : vector<16xf32>
      %get3A_1172 = arith.constant 5 : i32
      %get3A_1173 = arith.index_cast %get3A_1172 : i32 to index
      %get3A_1174 = arith.index_cast %scan3A_752 : i32 to index
      %get3A_1175 = arith.constant 80 : index
      %get3A_1176 = tpu.vector_load %arg9[%get3A_1173, %get3A_1174, %get3A_1175] {strides = array<i32>} : memref<12x16x256xf32, #tpu.memory_space<vmem>>, vector<1x1x16xf32>,
      %get3A_1177 = vector.shape_cast %get3A_1176 : vector<1x1x16xf32> to vector<16xf32>
      %get3A_1178 = arith.constant 1 : i32
      %get3A_1179 = arith.index_cast %get3A_1178 : i32 to index
      %get3A_1180 = arith.index_cast %scan3A_752 : i32 to index
      %get3A_1181 = arith.constant 80 : index
      %get3A_1182 = tpu.vector_load %arg10[%get3A_1179, %get3A_1180, %get3A_1181] {strides = array<i32>} : memref<5x16x128xf32, #tpu.memory_space<vmem>>, vector<1x1x16xf32>,
      %get3A_1183 = vector.shape_cast %get3A_1182 : vector<1x1x16xf32> to vector<16xf32>
      %add3A_1184 = arith.addf %get3A_1177, %get3A_1183 : vector<16xf32>
      %get3A_1185 = arith.constant 5 : i32
      %get3A_1186 = arith.index_cast %get3A_1185 : i32 to index
      %get3A_1187 = arith.index_cast %scan3A_752 : i32 to index
      %get3A_1188 = arith.constant 208 : index
      %get3A_1189 = tpu.vector_load %arg9[%get3A_1186, %get3A_1187, %get3A_1188] {strides = array<i32>} : memref<12x16x256xf32, #tpu.memory_space<vmem>>, vector<1x1x16xf32>,
      %get3A_1190 = vector.shape_cast %get3A_1189 : vector<1x1x16xf32> to vector<16xf32>
      %abs3A_1191 = math.absf %get3A_1190 : vector<16xf32>
      %get3A_1192 = arith.constant 0 : i32
      %get3A_1193 = arith.index_cast %get3A_1192 : i32 to index
      %get3A_1194 = arith.index_cast %scan3A_752 : i32 to index
      %get3A_1195 = arith.constant 80 : index
      %get3A_1196 = tpu.vector_load %arg11[%get3A_1193, %get3A_1194, %get3A_1195] {strides = array<i32>} : memref<3x16x256xf32, #tpu.memory_space<vmem>>, vector<1x1x16xf32>,
      %get3A_1197 = vector.shape_cast %get3A_1196 : vector<1x1x16xf32> to vector<16xf32>
      %get3A_1198 = arith.constant 0 : i32
      %get3A_1199 = arith.index_cast %get3A_1198 : i32 to index
      %get3A_1200 = arith.index_cast %scan3A_752 : i32 to index
      %get3A_1201 = arith.constant 208 : index
      %get3A_1202 = tpu.vector_load %arg11[%get3A_1199, %get3A_1200, %get3A_1201] {strides = array<i32>} : memref<3x16x256xf32, #tpu.memory_space<vmem>>, vector<1x1x16xf32>,
      %get3A_1203 = vector.shape_cast %get3A_1202 : vector<1x1x16xf32> to vector<16xf32>
      %abs3A_1204 = math.absf %get3A_1203 : vector<16xf32>
      %sub3A_1205 = arith.subf %add3A_1184, %get3A_1197 : vector<16xf32>
      %abs3A_1206 = math.absf %sub3A_1205 : vector<16xf32>
      %add3A_1207 = arith.addf %abs3A_1206, %abs3A_1191 : vector<16xf32>
      %sub3A_1208 = arith.subf %add3A_1207, %abs3A_1204 : vector<16xf32>
      %max3A_1209 = arith.constant 0.000000e+00 : f32
      %max3A_1210 = vector.broadcast %max3A_1209 : f32 to vector<16xf32>
      %max3A_1211 = arith.maximumf %sub3A_1208, %max3A_1210 : vector<16xf32>
      %mul3A_1212 = arith.mulf %max3A_1211, %max3A_1211 : vector<16xf32>
      %add3A_1213 = arith.addf %add3A_1129, %mul3A_1212 : vector<16xf32>
      %get3A_1214 = arith.constant 6 : i32
      %get3A_1215 = arith.index_cast %get3A_1214 : i32 to index
      %get3A_1216 = arith.index_cast %scan3A_752 : i32 to index
      %get3A_1217 = arith.constant 80 : index
      %get3A_1218 = tpu.vector_load %arg9[%get3A_1215, %get3A_1216, %get3A_1217] {strides = array<i32>} : memref<12x16x256xf32, #tpu.memory_space<vmem>>, vector<1x1x16xf32>,
      %get3A_1219 = vector.shape_cast %get3A_1218 : vector<1x1x16xf32> to vector<16xf32>
      %get3A_1220 = arith.constant 0 : i32
      %get3A_1221 = arith.index_cast %get3A_1220 : i32 to index
      %get3A_1222 = arith.index_cast %scan3A_752 : i32 to index
      %get3A_1223 = arith.constant 80 : index
      %get3A_1224 = tpu.vector_load %arg10[%get3A_1221, %get3A_1222, %get3A_1223] {strides = array<i32>} : memref<5x16x128xf32, #tpu.memory_space<vmem>>, vector<1x1x16xf32>,
      %get3A_1225 = vector.shape_cast %get3A_1224 : vector<1x1x16xf32> to vector<16xf32>
      %add3A_1226 = arith.addf %get3A_1219, %get3A_1225 : vector<16xf32>
      %get3A_1227 = arith.constant 6 : i32
      %get3A_1228 = arith.index_cast %get3A_1227 : i32 to index
      %get3A_1229 = arith.index_cast %scan3A_752 : i32 to index
      %get3A_1230 = arith.constant 208 : index
      %get3A_1231 = tpu.vector_load %arg9[%get3A_1228, %get3A_1229, %get3A_1230] {strides = array<i32>} : memref<12x16x256xf32, #tpu.memory_space<vmem>>, vector<1x1x16xf32>,
      %get3A_1232 = vector.shape_cast %get3A_1231 : vector<1x1x16xf32> to vector<16xf32>
      %abs3A_1233 = math.absf %get3A_1232 : vector<16xf32>
      %get3A_1234 = arith.constant 0 : i32
      %get3A_1235 = arith.index_cast %get3A_1234 : i32 to index
      %get3A_1236 = arith.index_cast %scan3A_752 : i32 to index
      %get3A_1237 = arith.constant 80 : index
      %get3A_1238 = tpu.vector_load %arg12[%get3A_1235, %get3A_1236, %get3A_1237] {strides = array<i32>} : memref<2x16x256xf32, #tpu.memory_space<vmem>>, vector<1x1x16xf32>,
      %get3A_1239 = vector.shape_cast %get3A_1238 : vector<1x1x16xf32> to vector<16xf32>
      %get3A_1240 = arith.constant 0 : i32
      %get3A_1241 = arith.index_cast %get3A_1240 : i32 to index
      %get3A_1242 = arith.index_cast %scan3A_752 : i32 to index
      %get3A_1243 = arith.constant 208 : index
      %get3A_1244 = tpu.vector_load %arg12[%get3A_1241, %get3A_1242, %get3A_1243] {strides = array<i32>} : memref<2x16x256xf32, #tpu.memory_space<vmem>>, vector<1x1x16xf32>,
      %get3A_1245 = vector.shape_cast %get3A_1244 : vector<1x1x16xf32> to vector<16xf32>
      %abs3A_1246 = math.absf %get3A_1245 : vector<16xf32>
      %sub3A_1247 = arith.subf %add3A_1226, %get3A_1239 : vector<16xf32>
      %abs3A_1248 = math.absf %sub3A_1247 : vector<16xf32>
      %add3A_1249 = arith.addf %abs3A_1248, %abs3A_1233 : vector<16xf32>
      %sub3A_1250 = arith.subf %add3A_1249, %abs3A_1246 : vector<16xf32>
      %max3A_1251 = arith.constant 0.000000e+00 : f32
      %max3A_1252 = vector.broadcast %max3A_1251 : f32 to vector<16xf32>
      %max3A_1253 = arith.maximumf %sub3A_1250, %max3A_1252 : vector<16xf32>
      %mul3A_1254 = arith.mulf %max3A_1253, %max3A_1253 : vector<16xf32>
      %add3A_1255 = arith.addf %add3A_1171, %mul3A_1254 : vector<16xf32>
      %get3A_1256 = arith.constant 5 : i32
      %get3A_1257 = arith.index_cast %get3A_1256 : i32 to index
      %get3A_1258 = arith.index_cast %scan3A_752 : i32 to index
      %get3A_1259 = arith.constant 96 : index
      %get3A_1260 = tpu.vector_load %arg9[%get3A_1257, %get3A_1258, %get3A_1259] {strides = array<i32>} : memref<12x16x256xf32, #tpu.memory_space<vmem>>, vector<1x1x16xf32>,
      %get3A_1261 = vector.shape_cast %get3A_1260 : vector<1x1x16xf32> to vector<16xf32>
      %get3A_1262 = arith.constant 1 : i32
      %get3A_1263 = arith.index_cast %get3A_1262 : i32 to index
      %get3A_1264 = arith.index_cast %scan3A_752 : i32 to index
      %get3A_1265 = arith.constant 96 : index
      %get3A_1266 = tpu.vector_load %arg10[%get3A_1263, %get3A_1264, %get3A_1265] {strides = array<i32>} : memref<5x16x128xf32, #tpu.memory_space<vmem>>, vector<1x1x16xf32>,
      %get3A_1267 = vector.shape_cast %get3A_1266 : vector<1x1x16xf32> to vector<16xf32>
      %add3A_1268 = arith.addf %get3A_1261, %get3A_1267 : vector<16xf32>
      %get3A_1269 = arith.constant 5 : i32
      %get3A_1270 = arith.index_cast %get3A_1269 : i32 to index
      %get3A_1271 = arith.index_cast %scan3A_752 : i32 to index
      %get3A_1272 = arith.constant 224 : index
      %get3A_1273 = tpu.vector_load %arg9[%get3A_1270, %get3A_1271, %get3A_1272] {strides = array<i32>} : memref<12x16x256xf32, #tpu.memory_space<vmem>>, vector<1x1x16xf32>,
      %get3A_1274 = vector.shape_cast %get3A_1273 : vector<1x1x16xf32> to vector<16xf32>
      %abs3A_1275 = math.absf %get3A_1274 : vector<16xf32>
      %get3A_1276 = arith.constant 0 : i32
      %get3A_1277 = arith.index_cast %get3A_1276 : i32 to index
      %get3A_1278 = arith.index_cast %scan3A_752 : i32 to index
      %get3A_1279 = arith.constant 96 : index
      %get3A_1280 = tpu.vector_load %arg11[%get3A_1277, %get3A_1278, %get3A_1279] {strides = array<i32>} : memref<3x16x256xf32, #tpu.memory_space<vmem>>, vector<1x1x16xf32>,
      %get3A_1281 = vector.shape_cast %get3A_1280 : vector<1x1x16xf32> to vector<16xf32>
      %get3A_1282 = arith.constant 0 : i32
      %get3A_1283 = arith.index_cast %get3A_1282 : i32 to index
      %get3A_1284 = arith.index_cast %scan3A_752 : i32 to index
      %get3A_1285 = arith.constant 224 : index
      %get3A_1286 = tpu.vector_load %arg11[%get3A_1283, %get3A_1284, %get3A_1285] {strides = array<i32>} : memref<3x16x256xf32, #tpu.memory_space<vmem>>, vector<1x1x16xf32>,
      %get3A_1287 = vector.shape_cast %get3A_1286 : vector<1x1x16xf32> to vector<16xf32>
      %abs3A_1288 = math.absf %get3A_1287 : vector<16xf32>
      %sub3A_1289 = arith.subf %add3A_1268, %get3A_1281 : vector<16xf32>
      %abs3A_1290 = math.absf %sub3A_1289 : vector<16xf32>
      %add3A_1291 = arith.addf %abs3A_1290, %abs3A_1275 : vector<16xf32>
      %sub3A_1292 = arith.subf %add3A_1291, %abs3A_1288 : vector<16xf32>
      %max3A_1293 = arith.constant 0.000000e+00 : f32
      %max3A_1294 = vector.broadcast %max3A_1293 : f32 to vector<16xf32>
      %max3A_1295 = arith.maximumf %sub3A_1292, %max3A_1294 : vector<16xf32>
      %mul3A_1296 = arith.mulf %max3A_1295, %max3A_1295 : vector<16xf32>
      %add3A_1297 = arith.addf %add3A_1213, %mul3A_1296 : vector<16xf32>
      %get3A_1298 = arith.constant 6 : i32
      %get3A_1299 = arith.index_cast %get3A_1298 : i32 to index
      %get3A_1300 = arith.index_cast %scan3A_752 : i32 to index
      %get3A_1301 = arith.constant 96 : index
      %get3A_1302 = tpu.vector_load %arg9[%get3A_1299, %get3A_1300, %get3A_1301] {strides = array<i32>} : memref<12x16x256xf32, #tpu.memory_space<vmem>>, vector<1x1x16xf32>,
      %get3A_1303 = vector.shape_cast %get3A_1302 : vector<1x1x16xf32> to vector<16xf32>
      %get3A_1304 = arith.constant 0 : i32
      %get3A_1305 = arith.index_cast %get3A_1304 : i32 to index
      %get3A_1306 = arith.index_cast %scan3A_752 : i32 to index
      %get3A_1307 = arith.constant 96 : index
      %get3A_1308 = tpu.vector_load %arg10[%get3A_1305, %get3A_1306, %get3A_1307] {strides = array<i32>} : memref<5x16x128xf32, #tpu.memory_space<vmem>>, vector<1x1x16xf32>,
      %get3A_1309 = vector.shape_cast %get3A_1308 : vector<1x1x16xf32> to vector<16xf32>
      %add3A_1310 = arith.addf %get3A_1303, %get3A_1309 : vector<16xf32>
      %get3A_1311 = arith.constant 6 : i32
      %get3A_1312 = arith.index_cast %get3A_1311 : i32 to index
      %get3A_1313 = arith.index_cast %scan3A_752 : i32 to index
      %get3A_1314 = arith.constant 224 : index
      %get3A_1315 = tpu.vector_load %arg9[%get3A_1312, %get3A_1313, %get3A_1314] {strides = array<i32>} : memref<12x16x256xf32, #tpu.memory_space<vmem>>, vector<1x1x16xf32>,
      %get3A_1316 = vector.shape_cast %get3A_1315 : vector<1x1x16xf32> to vector<16xf32>
      %abs3A_1317 = math.absf %get3A_1316 : vector<16xf32>
      %get3A_1318 = arith.constant 0 : i32
      %get3A_1319 = arith.index_cast %get3A_1318 : i32 to index
      %get3A_1320 = arith.index_cast %scan3A_752 : i32 to index
      %get3A_1321 = arith.constant 96 : index
      %get3A_1322 = tpu.vector_load %arg12[%get3A_1319, %get3A_1320, %get3A_1321] {strides = array<i32>} : memref<2x16x256xf32, #tpu.memory_space<vmem>>, vector<1x1x16xf32>,
      %get3A_1323 = vector.shape_cast %get3A_1322 : vector<1x1x16xf32> to vector<16xf32>
      %get3A_1324 = arith.constant 0 : i32
      %get3A_1325 = arith.index_cast %get3A_1324 : i32 to index
      %get3A_1326 = arith.index_cast %scan3A_752 : i32 to index
      %get3A_1327 = arith.constant 224 : index
      %get3A_1328 = tpu.vector_load %arg12[%get3A_1325, %get3A_1326, %get3A_1327] {strides = array<i32>} : memref<2x16x256xf32, #tpu.memory_space<vmem>>, vector<1x1x16xf32>,
      %get3A_1329 = vector.shape_cast %get3A_1328 : vector<1x1x16xf32> to vector<16xf32>
      %abs3A_1330 = math.absf %get3A_1329 : vector<16xf32>
      %sub3A_1331 = arith.subf %add3A_1310, %get3A_1323 : vector<16xf32>
      %abs3A_1332 = math.absf %sub3A_1331 : vector<16xf32>
      %add3A_1333 = arith.addf %abs3A_1332, %abs3A_1317 : vector<16xf32>
      %sub3A_1334 = arith.subf %add3A_1333, %abs3A_1330 : vector<16xf32>
      %max3A_1335 = arith.constant 0.000000e+00 : f32
      %max3A_1336 = vector.broadcast %max3A_1335 : f32 to vector<16xf32>
      %max3A_1337 = arith.maximumf %sub3A_1334, %max3A_1336 : vector<16xf32>
      %mul3A_1338 = arith.mulf %max3A_1337, %max3A_1337 : vector<16xf32>
      %add3A_1339 = arith.addf %add3A_1255, %mul3A_1338 : vector<16xf32>
      %get3A_1340 = arith.constant 5 : i32
      %get3A_1341 = arith.index_cast %get3A_1340 : i32 to index
      %get3A_1342 = arith.index_cast %scan3A_752 : i32 to index
      %get3A_1343 = arith.constant 112 : index
      %get3A_1344 = tpu.vector_load %arg9[%get3A_1341, %get3A_1342, %get3A_1343] {strides = array<i32>} : memref<12x16x256xf32, #tpu.memory_space<vmem>>, vector<1x1x16xf32>,
      %get3A_1345 = vector.shape_cast %get3A_1344 : vector<1x1x16xf32> to vector<16xf32>
      %get3A_1346 = arith.constant 1 : i32
      %get3A_1347 = arith.index_cast %get3A_1346 : i32 to index
      %get3A_1348 = arith.index_cast %scan3A_752 : i32 to index
      %get3A_1349 = arith.constant 112 : index
      %get3A_1350 = tpu.vector_load %arg10[%get3A_1347, %get3A_1348, %get3A_1349] {strides = array<i32>} : memref<5x16x128xf32, #tpu.memory_space<vmem>>, vector<1x1x16xf32>,
      %get3A_1351 = vector.shape_cast %get3A_1350 : vector<1x1x16xf32> to vector<16xf32>
      %add3A_1352 = arith.addf %get3A_1345, %get3A_1351 : vector<16xf32>
      %get3A_1353 = arith.constant 5 : i32
      %get3A_1354 = arith.index_cast %get3A_1353 : i32 to index
      %get3A_1355 = arith.index_cast %scan3A_752 : i32 to index
      %get3A_1356 = arith.constant 240 : index
      %get3A_1357 = tpu.vector_load %arg9[%get3A_1354, %get3A_1355, %get3A_1356] {strides = array<i32>} : memref<12x16x256xf32, #tpu.memory_space<vmem>>, vector<1x1x16xf32>,
      %get3A_1358 = vector.shape_cast %get3A_1357 : vector<1x1x16xf32> to vector<16xf32>
      %abs3A_1359 = math.absf %get3A_1358 : vector<16xf32>
      %get3A_1360 = arith.constant 0 : i32
      %get3A_1361 = arith.index_cast %get3A_1360 : i32 to index
      %get3A_1362 = arith.index_cast %scan3A_752 : i32 to index
      %get3A_1363 = arith.constant 112 : index
      %get3A_1364 = tpu.vector_load %arg11[%get3A_1361, %get3A_1362, %get3A_1363] {strides = array<i32>} : memref<3x16x256xf32, #tpu.memory_space<vmem>>, vector<1x1x16xf32>,
      %get3A_1365 = vector.shape_cast %get3A_1364 : vector<1x1x16xf32> to vector<16xf32>
      %get3A_1366 = arith.constant 0 : i32
      %get3A_1367 = arith.index_cast %get3A_1366 : i32 to index
      %get3A_1368 = arith.index_cast %scan3A_752 : i32 to index
      %get3A_1369 = arith.constant 240 : index
      %get3A_1370 = tpu.vector_load %arg11[%get3A_1367, %get3A_1368, %get3A_1369] {strides = array<i32>} : memref<3x16x256xf32, #tpu.memory_space<vmem>>, vector<1x1x16xf32>,
      %get3A_1371 = vector.shape_cast %get3A_1370 : vector<1x1x16xf32> to vector<16xf32>
      %abs3A_1372 = math.absf %get3A_1371 : vector<16xf32>
      %sub3A_1373 = arith.subf %add3A_1352, %get3A_1365 : vector<16xf32>
      %abs3A_1374 = math.absf %sub3A_1373 : vector<16xf32>
      %add3A_1375 = arith.addf %abs3A_1374, %abs3A_1359 : vector<16xf32>
      %sub3A_1376 = arith.subf %add3A_1375, %abs3A_1372 : vector<16xf32>
      %max3A_1377 = arith.constant 0.000000e+00 : f32
      %max3A_1378 = vector.broadcast %max3A_1377 : f32 to vector<16xf32>
      %max3A_1379 = arith.maximumf %sub3A_1376, %max3A_1378 : vector<16xf32>
      %mul3A_1380 = arith.mulf %max3A_1379, %max3A_1379 : vector<16xf32>
      %add3A_1381 = arith.addf %add3A_1297, %mul3A_1380 : vector<16xf32>
      %get3A_1382 = arith.constant 6 : i32
      %get3A_1383 = arith.index_cast %get3A_1382 : i32 to index
      %get3A_1384 = arith.index_cast %scan3A_752 : i32 to index
      %get3A_1385 = arith.constant 112 : index
      %get3A_1386 = tpu.vector_load %arg9[%get3A_1383, %get3A_1384, %get3A_1385] {strides = array<i32>} : memref<12x16x256xf32, #tpu.memory_space<vmem>>, vector<1x1x16xf32>,
      %get3A_1387 = vector.shape_cast %get3A_1386 : vector<1x1x16xf32> to vector<16xf32>
      %get3A_1388 = arith.constant 0 : i32
      %get3A_1389 = arith.index_cast %get3A_1388 : i32 to index
      %get3A_1390 = arith.index_cast %scan3A_752 : i32 to index
      %get3A_1391 = arith.constant 112 : index
      %get3A_1392 = tpu.vector_load %arg10[%get3A_1389, %get3A_1390, %get3A_1391] {strides = array<i32>} : memref<5x16x128xf32, #tpu.memory_space<vmem>>, vector<1x1x16xf32>,
      %get3A_1393 = vector.shape_cast %get3A_1392 : vector<1x1x16xf32> to vector<16xf32>
      %add3A_1394 = arith.addf %get3A_1387, %get3A_1393 : vector<16xf32>
      %get3A_1395 = arith.constant 6 : i32
      %get3A_1396 = arith.index_cast %get3A_1395 : i32 to index
      %get3A_1397 = arith.index_cast %scan3A_752 : i32 to index
      %get3A_1398 = arith.constant 240 : index
      %get3A_1399 = tpu.vector_load %arg9[%get3A_1396, %get3A_1397, %get3A_1398] {strides = array<i32>} : memref<12x16x256xf32, #tpu.memory_space<vmem>>, vector<1x1x16xf32>,
      %get3A_1400 = vector.shape_cast %get3A_1399 : vector<1x1x16xf32> to vector<16xf32>
      %abs3A_1401 = math.absf %get3A_1400 : vector<16xf32>
      %get3A_1402 = arith.constant 0 : i32
      %get3A_1403 = arith.index_cast %get3A_1402 : i32 to index
      %get3A_1404 = arith.index_cast %scan3A_752 : i32 to index
      %get3A_1405 = arith.constant 112 : index
      %get3A_1406 = tpu.vector_load %arg12[%get3A_1403, %get3A_1404, %get3A_1405] {strides = array<i32>} : memref<2x16x256xf32, #tpu.memory_space<vmem>>, vector<1x1x16xf32>,
      %get3A_1407 = vector.shape_cast %get3A_1406 : vector<1x1x16xf32> to vector<16xf32>
      %get3A_1408 = arith.constant 0 : i32
      %get3A_1409 = arith.index_cast %get3A_1408 : i32 to index
      %get3A_1410 = arith.index_cast %scan3A_752 : i32 to index
      %get3A_1411 = arith.constant 240 : index
      %get3A_1412 = tpu.vector_load %arg12[%get3A_1409, %get3A_1410, %get3A_1411] {strides = array<i32>} : memref<2x16x256xf32, #tpu.memory_space<vmem>>, vector<1x1x16xf32>,
      %get3A_1413 = vector.shape_cast %get3A_1412 : vector<1x1x16xf32> to vector<16xf32>
      %abs3A_1414 = math.absf %get3A_1413 : vector<16xf32>
      %sub3A_1415 = arith.subf %add3A_1394, %get3A_1407 : vector<16xf32>
      %abs3A_1416 = math.absf %sub3A_1415 : vector<16xf32>
      %add3A_1417 = arith.addf %abs3A_1416, %abs3A_1401 : vector<16xf32>
      %sub3A_1418 = arith.subf %add3A_1417, %abs3A_1414 : vector<16xf32>
      %max3A_1419 = arith.constant 0.000000e+00 : f32
      %max3A_1420 = vector.broadcast %max3A_1419 : f32 to vector<16xf32>
      %max3A_1421 = arith.maximumf %sub3A_1418, %max3A_1420 : vector<16xf32>
      %mul3A_1422 = arith.mulf %max3A_1421, %max3A_1421 : vector<16xf32>
      %add3A_1423 = arith.addf %add3A_1339, %mul3A_1422 : vector<16xf32>
      %swap3A = arith.constant 3 : i32
      %swap3A_1424 = arith.index_cast %scan3A_752 : i32 to index
      %swap3A_1425 = arith.index_cast %swap3A : i32 to index
      %swap3A_1426 = arith.constant 0 : index
      %swap3A_1427 = tpu.vector_load %arg13[%swap3A_1424, %swap3A_1425, %swap3A_1426] {strides = array<i32>} : memref<16x9x16xf32, #tpu.memory_space<vmem>>, vector<1x1x16xf32>,
      %swap3A_1428 = vector.shape_cast %swap3A_1427 : vector<1x1x16xf32> to vector<16xf32>
      %swap3A_1429 = vector.shape_cast %add3A_1381 : vector<16xf32> to vector<1x1x16xf32>
      tpu.vector_store %arg13[%swap3A_1424, %swap3A_1425, %swap3A_1426], %swap3A_1429 {strides = array<i32>} : memref<16x9x16xf32, #tpu.memory_space<vmem>>, vector<1x1x16xf32>,
      %swap3A_1430 = arith.constant 4 : i32
      %swap3A_1431 = arith.index_cast %scan3A_752 : i32 to index
      %swap3A_1432 = arith.index_cast %swap3A_1430 : i32 to index
      %swap3A_1433 = arith.constant 0 : index
      %swap3A_1434 = tpu.vector_load %arg13[%swap3A_1431, %swap3A_1432, %swap3A_1433] {strides = array<i32>} : memref<16x9x16xf32, #tpu.memory_space<vmem>>, vector<1x1x16xf32>,
      %swap3A_1435 = vector.shape_cast %swap3A_1434 : vector<1x1x16xf32> to vector<16xf32>
      %swap3A_1436 = vector.shape_cast %add3A_1423 : vector<16xf32> to vector<1x1x16xf32>
      tpu.vector_store %arg13[%swap3A_1431, %swap3A_1432, %swap3A_1433], %swap3A_1436 {strides = array<i32>} : memref<16x9x16xf32, #tpu.memory_space<vmem>>, vector<1x1x16xf32>,
    }
    %scan3A_557 = arith.constant 16 : i32
    %dma_wait3A_558 = arith.constant 10 : i32
    %dma_wait3A_559 = arith.constant 0 : i32
    %dma_wait3A_560 = arith.constant 7 : i32
    %dma_wait3A_561 = arith.constant 3 : i32
    "tpu.trace_stop"() : () -> ()
    "tpu.trace_start"() <{level = 10 : i32, message = "grp3"}> : () -> ()
    %dma_wait3A_562 = arith.constant 0 : i32
    %dma_wait3A_563 = arith.constant 0 : i32
    %dma_wait3A_564 = tpu.memref_slice %arg9[%dma_wait3A_560, %dma_wait3A_562, %dma_wait3A_563] : memref<12x16x256xf32, #tpu.memory_space<vmem>> -> memref<1x16x256xf32, #tpu.memory_space<vmem>>
    %dma_wait3A_565 = tpu.memref_squeeze %dma_wait3A_564 : memref<1x16x256xf32, #tpu.memory_space<vmem>> -> memref<16x256xf32, #tpu.memory_space<vmem>>
    %dma_wait3A_566 = arith.constant 0 : i32
    %dma_wait3A_567 = tpu.memref_slice %arg8[%dma_wait3A_558, %dma_wait3A_559, %dma_wait3A_566] : memref<16x1x16xi32, #tpu.memory_space<vmem>> -> memref<1x1x16xi32, #tpu.memory_space<vmem>>
    %dma_wait3A_568 = tpu.memref_squeeze %dma_wait3A_567 : memref<1x1x16xi32, #tpu.memory_space<vmem>> -> memref<16xi32, #tpu.memory_space<vmem>>
    %dma_wait3A_569 = arith.constant 0 : i32
    %dma_wait3A_570 = arith.constant 0 : i32
    %dma_wait3A_571 = tpu.memref_slice %arg3[%dma_wait3A_569, %dma_wait3A_570] : memref<1000x256xf32, #tpu.memory_space<hbm>> -> memref<1000x256xf32, #tpu.memory_space<hbm>>
    %dma_wait3A_572 = tpu.memref_slice %arg15[%dma_wait3A_561] : memref<6x!tpu.dma_semaphore, #tpu.memory_space<semaphore_mem>> -> memref<1x!tpu.dma_semaphore, #tpu.memory_space<semaphore_mem>>
    %dma_wait3A_573 = tpu.memref_squeeze %dma_wait3A_572 : memref<1x!tpu.dma_semaphore, #tpu.memory_space<semaphore_mem>> -> memref<!tpu.dma_semaphore, #tpu.memory_space<semaphore_mem>>
    tpu.wait_indirect_dma semaphore(%dma_wait3A_573 : memref<!tpu.dma_semaphore, #tpu.memory_space<semaphore_mem>>) src(%dma_wait3A_571 : memref<1000x256xf32, #tpu.memory_space<hbm>>) dst(%dma_wait3A_565 : memref<16x256xf32, #tpu.memory_space<vmem>>)
    %dma_wait3A_574 = arith.constant 9 : i32
    %dma_wait3A_575 = arith.constant 0 : i32
    %dma_wait3A_576 = arith.constant 2 : i32
    %dma_wait3A_577 = arith.constant 3 : i32
    %dma_wait3A_578 = arith.constant 0 : i32
    %dma_wait3A_579 = arith.constant 0 : i32
    %dma_wait3A_580 = tpu.memref_slice %arg10[%dma_wait3A_576, %dma_wait3A_578, %dma_wait3A_579] : memref<5x16x128xf32, #tpu.memory_space<vmem>> -> memref<1x16x128xf32, #tpu.memory_space<vmem>>
    %dma_wait3A_581 = tpu.memref_squeeze %dma_wait3A_580 : memref<1x16x128xf32, #tpu.memory_space<vmem>> -> memref<16x128xf32, #tpu.memory_space<vmem>>
    %dma_wait3A_582 = arith.constant 0 : i32
    %dma_wait3A_583 = tpu.memref_slice %arg8[%dma_wait3A_574, %dma_wait3A_575, %dma_wait3A_582] : memref<16x1x16xi32, #tpu.memory_space<vmem>> -> memref<1x1x16xi32, #tpu.memory_space<vmem>>
    %dma_wait3A_584 = tpu.memref_squeeze %dma_wait3A_583 : memref<1x1x16xi32, #tpu.memory_space<vmem>> -> memref<16xi32, #tpu.memory_space<vmem>>
    %dma_wait3A_585 = arith.constant 0 : i32
    %dma_wait3A_586 = arith.constant 0 : i32
    %dma_wait3A_587 = tpu.memref_slice %arg4[%dma_wait3A_585, %dma_wait3A_586] : memref<1000x128xf32, #tpu.memory_space<hbm>> -> memref<1000x128xf32, #tpu.memory_space<hbm>>
    %dma_wait3A_588 = tpu.memref_slice %arg15[%dma_wait3A_577] : memref<6x!tpu.dma_semaphore, #tpu.memory_space<semaphore_mem>> -> memref<1x!tpu.dma_semaphore, #tpu.memory_space<semaphore_mem>>
    %dma_wait3A_589 = tpu.memref_squeeze %dma_wait3A_588 : memref<1x!tpu.dma_semaphore, #tpu.memory_space<semaphore_mem>> -> memref<!tpu.dma_semaphore, #tpu.memory_space<semaphore_mem>>
    tpu.wait_indirect_dma semaphore(%dma_wait3A_589 : memref<!tpu.dma_semaphore, #tpu.memory_space<semaphore_mem>>) src(%dma_wait3A_587 : memref<1000x128xf32, #tpu.memory_space<hbm>>) dst(%dma_wait3A_581 : memref<16x128xf32, #tpu.memory_space<vmem>>)
    %dma_wait3A_590 = arith.constant 8 : i32
    %dma_wait3A_591 = arith.constant 0 : i32
    %dma_wait3A_592 = arith.constant 1 : i32
    %dma_wait3A_593 = arith.constant 3 : i32
    %dma_wait3A_594 = arith.constant 0 : i32
    %dma_wait3A_595 = arith.constant 0 : i32
    %dma_wait3A_596 = tpu.memref_slice %arg11[%dma_wait3A_592, %dma_wait3A_594, %dma_wait3A_595] : memref<3x16x256xf32, #tpu.memory_space<vmem>> -> memref<1x16x256xf32, #tpu.memory_space<vmem>>
    %dma_wait3A_597 = tpu.memref_squeeze %dma_wait3A_596 : memref<1x16x256xf32, #tpu.memory_space<vmem>> -> memref<16x256xf32, #tpu.memory_space<vmem>>
    %dma_wait3A_598 = arith.constant 0 : i32
    %dma_wait3A_599 = tpu.memref_slice %arg8[%dma_wait3A_590, %dma_wait3A_591, %dma_wait3A_598] : memref<16x1x16xi32, #tpu.memory_space<vmem>> -> memref<1x1x16xi32, #tpu.memory_space<vmem>>
    %dma_wait3A_600 = tpu.memref_squeeze %dma_wait3A_599 : memref<1x1x16xi32, #tpu.memory_space<vmem>> -> memref<16xi32, #tpu.memory_space<vmem>>
    %dma_wait3A_601 = arith.constant 0 : i32
    %dma_wait3A_602 = arith.constant 0 : i32
    %dma_wait3A_603 = tpu.memref_slice %arg5[%dma_wait3A_601, %dma_wait3A_602] : memref<200x256xf32, #tpu.memory_space<hbm>> -> memref<200x256xf32, #tpu.memory_space<hbm>>
    %dma_wait3A_604 = tpu.memref_slice %arg15[%dma_wait3A_593] : memref<6x!tpu.dma_semaphore, #tpu.memory_space<semaphore_mem>> -> memref<1x!tpu.dma_semaphore, #tpu.memory_space<semaphore_mem>>
    %dma_wait3A_605 = tpu.memref_squeeze %dma_wait3A_604 : memref<1x!tpu.dma_semaphore, #tpu.memory_space<semaphore_mem>> -> memref<!tpu.dma_semaphore, #tpu.memory_space<semaphore_mem>>
    tpu.wait_indirect_dma semaphore(%dma_wait3A_605 : memref<!tpu.dma_semaphore, #tpu.memory_space<semaphore_mem>>) src(%dma_wait3A_603 : memref<200x256xf32, #tpu.memory_space<hbm>>) dst(%dma_wait3A_597 : memref<16x256xf32, #tpu.memory_space<vmem>>)
    %scan3A_606 = arith.constant 0 : i32
    %scan3A_607 = arith.constant 0 : i32
    %scan3A_608 = arith.constant 16 : i32
    %scan3A_609 = arith.addi %scan3A_607, %scan3A_608 : i32
    %scan3A_610 = arith.constant 1 : i32
    scf.for %scan3A_752 = %scan3A_607 to %scan3A_609 step %scan3A_610  : i32 {
      %broadcast_in_dim3A = arith.constant 0.000000e+00 : f32
      %broadcast_in_dim3A_753 = vector.broadcast %broadcast_in_dim3A : f32 to vector<16xf32>
      %get3A = arith.constant 1 : i32
      %get3A_754 = arith.index_cast %get3A : i32 to index
      %get3A_755 = arith.index_cast %scan3A_752 : i32 to index
      %get3A_756 = arith.constant 0 : index
      %get3A_757 = tpu.vector_load %arg11[%get3A_754, %get3A_755, %get3A_756] {strides = array<i32>} : memref<3x16x256xf32, #tpu.memory_space<vmem>>, vector<1x1x16xf32>,
      %get3A_758 = vector.shape_cast %get3A_757 : vector<1x1x16xf32> to vector<16xf32>
      %get3A_759 = arith.constant 2 : i32
      %get3A_760 = arith.index_cast %get3A_759 : i32 to index
      %get3A_761 = arith.index_cast %scan3A_752 : i32 to index
      %get3A_762 = arith.constant 0 : index
      %get3A_763 = tpu.vector_load %arg10[%get3A_760, %get3A_761, %get3A_762] {strides = array<i32>} : memref<5x16x128xf32, #tpu.memory_space<vmem>>, vector<1x1x16xf32>,
      %get3A_764 = vector.shape_cast %get3A_763 : vector<1x1x16xf32> to vector<16xf32>
      %sub3A = arith.subf %get3A_758, %get3A_764 : vector<16xf32>
      %get3A_765 = arith.constant 1 : i32
      %get3A_766 = arith.index_cast %get3A_765 : i32 to index
      %get3A_767 = arith.index_cast %scan3A_752 : i32 to index
      %get3A_768 = arith.constant 128 : index
      %get3A_769 = tpu.vector_load %arg11[%get3A_766, %get3A_767, %get3A_768] {strides = array<i32>} : memref<3x16x256xf32, #tpu.memory_space<vmem>>, vector<1x1x16xf32>,
      %get3A_770 = vector.shape_cast %get3A_769 : vector<1x1x16xf32> to vector<16xf32>
      %abs3A = math.absf %get3A_770 : vector<16xf32>
      %get3A_771 = arith.constant 7 : i32
      %get3A_772 = arith.index_cast %get3A_771 : i32 to index
      %get3A_773 = arith.index_cast %scan3A_752 : i32 to index
      %get3A_774 = arith.constant 0 : index
      %get3A_775 = tpu.vector_load %arg9[%get3A_772, %get3A_773, %get3A_774] {strides = array<i32>} : memref<12x16x256xf32, #tpu.memory_space<vmem>>, vector<1x1x16xf32>,
      %get3A_776 = vector.shape_cast %get3A_775 : vector<1x1x16xf32> to vector<16xf32>
      %get3A_777 = arith.constant 7 : i32
      %get3A_778 = arith.index_cast %get3A_777 : i32 to index
      %get3A_779 = arith.index_cast %scan3A_752 : i32 to index
      %get3A_780 = arith.constant 128 : index
      %get3A_781 = tpu.vector_load %arg9[%get3A_778, %get3A_779, %get3A_780] {strides = array<i32>} : memref<12x16x256xf32, #tpu.memory_space<vmem>>, vector<1x1x16xf32>,
      %get3A_782 = vector.shape_cast %get3A_781 : vector<1x1x16xf32> to vector<16xf32>
      %abs3A_783 = math.absf %get3A_782 : vector<16xf32>
      %sub3A_784 = arith.subf %sub3A, %get3A_776 : vector<16xf32>
      %abs3A_785 = math.absf %sub3A_784 : vector<16xf32>
      %add3A_786 = arith.addf %abs3A_785, %abs3A : vector<16xf32>
      %sub3A_787 = arith.subf %add3A_786, %abs3A_783 : vector<16xf32>
      %max3A = arith.constant 0.000000e+00 : f32
      %max3A_788 = vector.broadcast %max3A : f32 to vector<16xf32>
      %max3A_789 = arith.maximumf %sub3A_787, %max3A_788 : vector<16xf32>
      %mul3A_790 = arith.mulf %max3A_789, %max3A_789 : vector<16xf32>
      %add3A_791 = arith.addf %broadcast_in_dim3A_753, %mul3A_790 : vector<16xf32>
      %get3A_792 = arith.constant 1 : i32
      %get3A_793 = arith.index_cast %get3A_792 : i32 to index
      %get3A_794 = arith.index_cast %scan3A_752 : i32 to index
      %get3A_795 = arith.constant 16 : index
      %get3A_796 = tpu.vector_load %arg11[%get3A_793, %get3A_794, %get3A_795] {strides = array<i32>} : memref<3x16x256xf32, #tpu.memory_space<vmem>>, vector<1x1x16xf32>,
      %get3A_797 = vector.shape_cast %get3A_796 : vector<1x1x16xf32> to vector<16xf32>
      %get3A_798 = arith.constant 2 : i32
      %get3A_799 = arith.index_cast %get3A_798 : i32 to index
      %get3A_800 = arith.index_cast %scan3A_752 : i32 to index
      %get3A_801 = arith.constant 16 : index
      %get3A_802 = tpu.vector_load %arg10[%get3A_799, %get3A_800, %get3A_801] {strides = array<i32>} : memref<5x16x128xf32, #tpu.memory_space<vmem>>, vector<1x1x16xf32>,
      %get3A_803 = vector.shape_cast %get3A_802 : vector<1x1x16xf32> to vector<16xf32>
      %sub3A_804 = arith.subf %get3A_797, %get3A_803 : vector<16xf32>
      %get3A_805 = arith.constant 1 : i32
      %get3A_806 = arith.index_cast %get3A_805 : i32 to index
      %get3A_807 = arith.index_cast %scan3A_752 : i32 to index
      %get3A_808 = arith.constant 144 : index
      %get3A_809 = tpu.vector_load %arg11[%get3A_806, %get3A_807, %get3A_808] {strides = array<i32>} : memref<3x16x256xf32, #tpu.memory_space<vmem>>, vector<1x1x16xf32>,
      %get3A_810 = vector.shape_cast %get3A_809 : vector<1x1x16xf32> to vector<16xf32>
      %abs3A_811 = math.absf %get3A_810 : vector<16xf32>
      %get3A_812 = arith.constant 7 : i32
      %get3A_813 = arith.index_cast %get3A_812 : i32 to index
      %get3A_814 = arith.index_cast %scan3A_752 : i32 to index
      %get3A_815 = arith.constant 16 : index
      %get3A_816 = tpu.vector_load %arg9[%get3A_813, %get3A_814, %get3A_815] {strides = array<i32>} : memref<12x16x256xf32, #tpu.memory_space<vmem>>, vector<1x1x16xf32>,
      %get3A_817 = vector.shape_cast %get3A_816 : vector<1x1x16xf32> to vector<16xf32>
      %get3A_818 = arith.constant 7 : i32
      %get3A_819 = arith.index_cast %get3A_818 : i32 to index
      %get3A_820 = arith.index_cast %scan3A_752 : i32 to index
      %get3A_821 = arith.constant 144 : index
      %get3A_822 = tpu.vector_load %arg9[%get3A_819, %get3A_820, %get3A_821] {strides = array<i32>} : memref<12x16x256xf32, #tpu.memory_space<vmem>>, vector<1x1x16xf32>,
      %get3A_823 = vector.shape_cast %get3A_822 : vector<1x1x16xf32> to vector<16xf32>
      %abs3A_824 = math.absf %get3A_823 : vector<16xf32>
      %sub3A_825 = arith.subf %sub3A_804, %get3A_817 : vector<16xf32>
      %abs3A_826 = math.absf %sub3A_825 : vector<16xf32>
      %add3A_827 = arith.addf %abs3A_826, %abs3A_811 : vector<16xf32>
      %sub3A_828 = arith.subf %add3A_827, %abs3A_824 : vector<16xf32>
      %max3A_829 = arith.constant 0.000000e+00 : f32
      %max3A_830 = vector.broadcast %max3A_829 : f32 to vector<16xf32>
      %max3A_831 = arith.maximumf %sub3A_828, %max3A_830 : vector<16xf32>
      %mul3A_832 = arith.mulf %max3A_831, %max3A_831 : vector<16xf32>
      %add3A_833 = arith.addf %add3A_791, %mul3A_832 : vector<16xf32>
      %get3A_834 = arith.constant 1 : i32
      %get3A_835 = arith.index_cast %get3A_834 : i32 to index
      %get3A_836 = arith.index_cast %scan3A_752 : i32 to index
      %get3A_837 = arith.constant 32 : index
      %get3A_838 = tpu.vector_load %arg11[%get3A_835, %get3A_836, %get3A_837] {strides = array<i32>} : memref<3x16x256xf32, #tpu.memory_space<vmem>>, vector<1x1x16xf32>,
      %get3A_839 = vector.shape_cast %get3A_838 : vector<1x1x16xf32> to vector<16xf32>
      %get3A_840 = arith.constant 2 : i32
      %get3A_841 = arith.index_cast %get3A_840 : i32 to index
      %get3A_842 = arith.index_cast %scan3A_752 : i32 to index
      %get3A_843 = arith.constant 32 : index
      %get3A_844 = tpu.vector_load %arg10[%get3A_841, %get3A_842, %get3A_843] {strides = array<i32>} : memref<5x16x128xf32, #tpu.memory_space<vmem>>, vector<1x1x16xf32>,
      %get3A_845 = vector.shape_cast %get3A_844 : vector<1x1x16xf32> to vector<16xf32>
      %sub3A_846 = arith.subf %get3A_839, %get3A_845 : vector<16xf32>
      %get3A_847 = arith.constant 1 : i32
      %get3A_848 = arith.index_cast %get3A_847 : i32 to index
      %get3A_849 = arith.index_cast %scan3A_752 : i32 to index
      %get3A_850 = arith.constant 160 : index
      %get3A_851 = tpu.vector_load %arg11[%get3A_848, %get3A_849, %get3A_850] {strides = array<i32>} : memref<3x16x256xf32, #tpu.memory_space<vmem>>, vector<1x1x16xf32>,
      %get3A_852 = vector.shape_cast %get3A_851 : vector<1x1x16xf32> to vector<16xf32>
      %abs3A_853 = math.absf %get3A_852 : vector<16xf32>
      %get3A_854 = arith.constant 7 : i32
      %get3A_855 = arith.index_cast %get3A_854 : i32 to index
      %get3A_856 = arith.index_cast %scan3A_752 : i32 to index
      %get3A_857 = arith.constant 32 : index
      %get3A_858 = tpu.vector_load %arg9[%get3A_855, %get3A_856, %get3A_857] {strides = array<i32>} : memref<12x16x256xf32, #tpu.memory_space<vmem>>, vector<1x1x16xf32>,
      %get3A_859 = vector.shape_cast %get3A_858 : vector<1x1x16xf32> to vector<16xf32>
      %get3A_860 = arith.constant 7 : i32
      %get3A_861 = arith.index_cast %get3A_860 : i32 to index
      %get3A_862 = arith.index_cast %scan3A_752 : i32 to index
      %get3A_863 = arith.constant 160 : index
      %get3A_864 = tpu.vector_load %arg9[%get3A_861, %get3A_862, %get3A_863] {strides = array<i32>} : memref<12x16x256xf32, #tpu.memory_space<vmem>>, vector<1x1x16xf32>,
      %get3A_865 = vector.shape_cast %get3A_864 : vector<1x1x16xf32> to vector<16xf32>
      %abs3A_866 = math.absf %get3A_865 : vector<16xf32>
      %sub3A_867 = arith.subf %sub3A_846, %get3A_859 : vector<16xf32>
      %abs3A_868 = math.absf %sub3A_867 : vector<16xf32>
      %add3A_869 = arith.addf %abs3A_868, %abs3A_853 : vector<16xf32>
      %sub3A_870 = arith.subf %add3A_869, %abs3A_866 : vector<16xf32>
      %max3A_871 = arith.constant 0.000000e+00 : f32
      %max3A_872 = vector.broadcast %max3A_871 : f32 to vector<16xf32>
      %max3A_873 = arith.maximumf %sub3A_870, %max3A_872 : vector<16xf32>
      %mul3A_874 = arith.mulf %max3A_873, %max3A_873 : vector<16xf32>
      %add3A_875 = arith.addf %add3A_833, %mul3A_874 : vector<16xf32>
      %get3A_876 = arith.constant 1 : i32
      %get3A_877 = arith.index_cast %get3A_876 : i32 to index
      %get3A_878 = arith.index_cast %scan3A_752 : i32 to index
      %get3A_879 = arith.constant 48 : index
      %get3A_880 = tpu.vector_load %arg11[%get3A_877, %get3A_878, %get3A_879] {strides = array<i32>} : memref<3x16x256xf32, #tpu.memory_space<vmem>>, vector<1x1x16xf32>,
      %get3A_881 = vector.shape_cast %get3A_880 : vector<1x1x16xf32> to vector<16xf32>
      %get3A_882 = arith.constant 2 : i32
      %get3A_883 = arith.index_cast %get3A_882 : i32 to index
      %get3A_884 = arith.index_cast %scan3A_752 : i32 to index
      %get3A_885 = arith.constant 48 : index
      %get3A_886 = tpu.vector_load %arg10[%get3A_883, %get3A_884, %get3A_885] {strides = array<i32>} : memref<5x16x128xf32, #tpu.memory_space<vmem>>, vector<1x1x16xf32>,
      %get3A_887 = vector.shape_cast %get3A_886 : vector<1x1x16xf32> to vector<16xf32>
      %sub3A_888 = arith.subf %get3A_881, %get3A_887 : vector<16xf32>
      %get3A_889 = arith.constant 1 : i32
      %get3A_890 = arith.index_cast %get3A_889 : i32 to index
      %get3A_891 = arith.index_cast %scan3A_752 : i32 to index
      %get3A_892 = arith.constant 176 : index
      %get3A_893 = tpu.vector_load %arg11[%get3A_890, %get3A_891, %get3A_892] {strides = array<i32>} : memref<3x16x256xf32, #tpu.memory_space<vmem>>, vector<1x1x16xf32>,
      %get3A_894 = vector.shape_cast %get3A_893 : vector<1x1x16xf32> to vector<16xf32>
      %abs3A_895 = math.absf %get3A_894 : vector<16xf32>
      %get3A_896 = arith.constant 7 : i32
      %get3A_897 = arith.index_cast %get3A_896 : i32 to index
      %get3A_898 = arith.index_cast %scan3A_752 : i32 to index
      %get3A_899 = arith.constant 48 : index
      %get3A_900 = tpu.vector_load %arg9[%get3A_897, %get3A_898, %get3A_899] {strides = array<i32>} : memref<12x16x256xf32, #tpu.memory_space<vmem>>, vector<1x1x16xf32>,
      %get3A_901 = vector.shape_cast %get3A_900 : vector<1x1x16xf32> to vector<16xf32>
      %get3A_902 = arith.constant 7 : i32
      %get3A_903 = arith.index_cast %get3A_902 : i32 to index
      %get3A_904 = arith.index_cast %scan3A_752 : i32 to index
      %get3A_905 = arith.constant 176 : index
      %get3A_906 = tpu.vector_load %arg9[%get3A_903, %get3A_904, %get3A_905] {strides = array<i32>} : memref<12x16x256xf32, #tpu.memory_space<vmem>>, vector<1x1x16xf32>,
      %get3A_907 = vector.shape_cast %get3A_906 : vector<1x1x16xf32> to vector<16xf32>
      %abs3A_908 = math.absf %get3A_907 : vector<16xf32>
      %sub3A_909 = arith.subf %sub3A_888, %get3A_901 : vector<16xf32>
      %abs3A_910 = math.absf %sub3A_909 : vector<16xf32>
      %add3A_911 = arith.addf %abs3A_910, %abs3A_895 : vector<16xf32>
      %sub3A_912 = arith.subf %add3A_911, %abs3A_908 : vector<16xf32>
      %max3A_913 = arith.constant 0.000000e+00 : f32
      %max3A_914 = vector.broadcast %max3A_913 : f32 to vector<16xf32>
      %max3A_915 = arith.maximumf %sub3A_912, %max3A_914 : vector<16xf32>
      %mul3A_916 = arith.mulf %max3A_915, %max3A_915 : vector<16xf32>
      %add3A_917 = arith.addf %add3A_875, %mul3A_916 : vector<16xf32>
      %get3A_918 = arith.constant 1 : i32
      %get3A_919 = arith.index_cast %get3A_918 : i32 to index
      %get3A_920 = arith.index_cast %scan3A_752 : i32 to index
      %get3A_921 = arith.constant 64 : index
      %get3A_922 = tpu.vector_load %arg11[%get3A_919, %get3A_920, %get3A_921] {strides = array<i32>} : memref<3x16x256xf32, #tpu.memory_space<vmem>>, vector<1x1x16xf32>,
      %get3A_923 = vector.shape_cast %get3A_922 : vector<1x1x16xf32> to vector<16xf32>
      %get3A_924 = arith.constant 2 : i32
      %get3A_925 = arith.index_cast %get3A_924 : i32 to index
      %get3A_926 = arith.index_cast %scan3A_752 : i32 to index
      %get3A_927 = arith.constant 64 : index
      %get3A_928 = tpu.vector_load %arg10[%get3A_925, %get3A_926, %get3A_927] {strides = array<i32>} : memref<5x16x128xf32, #tpu.memory_space<vmem>>, vector<1x1x16xf32>,
      %get3A_929 = vector.shape_cast %get3A_928 : vector<1x1x16xf32> to vector<16xf32>
      %sub3A_930 = arith.subf %get3A_923, %get3A_929 : vector<16xf32>
      %get3A_931 = arith.constant 1 : i32
      %get3A_932 = arith.index_cast %get3A_931 : i32 to index
      %get3A_933 = arith.index_cast %scan3A_752 : i32 to index
      %get3A_934 = arith.constant 192 : index
      %get3A_935 = tpu.vector_load %arg11[%get3A_932, %get3A_933, %get3A_934] {strides = array<i32>} : memref<3x16x256xf32, #tpu.memory_space<vmem>>, vector<1x1x16xf32>,
      %get3A_936 = vector.shape_cast %get3A_935 : vector<1x1x16xf32> to vector<16xf32>
      %abs3A_937 = math.absf %get3A_936 : vector<16xf32>
      %get3A_938 = arith.constant 7 : i32
      %get3A_939 = arith.index_cast %get3A_938 : i32 to index
      %get3A_940 = arith.index_cast %scan3A_752 : i32 to index
      %get3A_941 = arith.constant 64 : index
      %get3A_942 = tpu.vector_load %arg9[%get3A_939, %get3A_940, %get3A_941] {strides = array<i32>} : memref<12x16x256xf32, #tpu.memory_space<vmem>>, vector<1x1x16xf32>,
      %get3A_943 = vector.shape_cast %get3A_942 : vector<1x1x16xf32> to vector<16xf32>
      %get3A_944 = arith.constant 7 : i32
      %get3A_945 = arith.index_cast %get3A_944 : i32 to index
      %get3A_946 = arith.index_cast %scan3A_752 : i32 to index
      %get3A_947 = arith.constant 192 : index
      %get3A_948 = tpu.vector_load %arg9[%get3A_945, %get3A_946, %get3A_947] {strides = array<i32>} : memref<12x16x256xf32, #tpu.memory_space<vmem>>, vector<1x1x16xf32>,
      %get3A_949 = vector.shape_cast %get3A_948 : vector<1x1x16xf32> to vector<16xf32>
      %abs3A_950 = math.absf %get3A_949 : vector<16xf32>
      %sub3A_951 = arith.subf %sub3A_930, %get3A_943 : vector<16xf32>
      %abs3A_952 = math.absf %sub3A_951 : vector<16xf32>
      %add3A_953 = arith.addf %abs3A_952, %abs3A_937 : vector<16xf32>
      %sub3A_954 = arith.subf %add3A_953, %abs3A_950 : vector<16xf32>
      %max3A_955 = arith.constant 0.000000e+00 : f32
      %max3A_956 = vector.broadcast %max3A_955 : f32 to vector<16xf32>
      %max3A_957 = arith.maximumf %sub3A_954, %max3A_956 : vector<16xf32>
      %mul3A_958 = arith.mulf %max3A_957, %max3A_957 : vector<16xf32>
      %add3A_959 = arith.addf %add3A_917, %mul3A_958 : vector<16xf32>
      %get3A_960 = arith.constant 1 : i32
      %get3A_961 = arith.index_cast %get3A_960 : i32 to index
      %get3A_962 = arith.index_cast %scan3A_752 : i32 to index
      %get3A_963 = arith.constant 80 : index
      %get3A_964 = tpu.vector_load %arg11[%get3A_961, %get3A_962, %get3A_963] {strides = array<i32>} : memref<3x16x256xf32, #tpu.memory_space<vmem>>, vector<1x1x16xf32>,
      %get3A_965 = vector.shape_cast %get3A_964 : vector<1x1x16xf32> to vector<16xf32>
      %get3A_966 = arith.constant 2 : i32
      %get3A_967 = arith.index_cast %get3A_966 : i32 to index
      %get3A_968 = arith.index_cast %scan3A_752 : i32 to index
      %get3A_969 = arith.constant 80 : index
      %get3A_970 = tpu.vector_load %arg10[%get3A_967, %get3A_968, %get3A_969] {strides = array<i32>} : memref<5x16x128xf32, #tpu.memory_space<vmem>>, vector<1x1x16xf32>,
      %get3A_971 = vector.shape_cast %get3A_970 : vector<1x1x16xf32> to vector<16xf32>
      %sub3A_972 = arith.subf %get3A_965, %get3A_971 : vector<16xf32>
      %get3A_973 = arith.constant 1 : i32
      %get3A_974 = arith.index_cast %get3A_973 : i32 to index
      %get3A_975 = arith.index_cast %scan3A_752 : i32 to index
      %get3A_976 = arith.constant 208 : index
      %get3A_977 = tpu.vector_load %arg11[%get3A_974, %get3A_975, %get3A_976] {strides = array<i32>} : memref<3x16x256xf32, #tpu.memory_space<vmem>>, vector<1x1x16xf32>,
      %get3A_978 = vector.shape_cast %get3A_977 : vector<1x1x16xf32> to vector<16xf32>
      %abs3A_979 = math.absf %get3A_978 : vector<16xf32>
      %get3A_980 = arith.constant 7 : i32
      %get3A_981 = arith.index_cast %get3A_980 : i32 to index
      %get3A_982 = arith.index_cast %scan3A_752 : i32 to index
      %get3A_983 = arith.constant 80 : index
      %get3A_984 = tpu.vector_load %arg9[%get3A_981, %get3A_982, %get3A_983] {strides = array<i32>} : memref<12x16x256xf32, #tpu.memory_space<vmem>>, vector<1x1x16xf32>,
      %get3A_985 = vector.shape_cast %get3A_984 : vector<1x1x16xf32> to vector<16xf32>
      %get3A_986 = arith.constant 7 : i32
      %get3A_987 = arith.index_cast %get3A_986 : i32 to index
      %get3A_988 = arith.index_cast %scan3A_752 : i32 to index
      %get3A_989 = arith.constant 208 : index
      %get3A_990 = tpu.vector_load %arg9[%get3A_987, %get3A_988, %get3A_989] {strides = array<i32>} : memref<12x16x256xf32, #tpu.memory_space<vmem>>, vector<1x1x16xf32>,
      %get3A_991 = vector.shape_cast %get3A_990 : vector<1x1x16xf32> to vector<16xf32>
      %abs3A_992 = math.absf %get3A_991 : vector<16xf32>
      %sub3A_993 = arith.subf %sub3A_972, %get3A_985 : vector<16xf32>
      %abs3A_994 = math.absf %sub3A_993 : vector<16xf32>
      %add3A_995 = arith.addf %abs3A_994, %abs3A_979 : vector<16xf32>
      %sub3A_996 = arith.subf %add3A_995, %abs3A_992 : vector<16xf32>
      %max3A_997 = arith.constant 0.000000e+00 : f32
      %max3A_998 = vector.broadcast %max3A_997 : f32 to vector<16xf32>
      %max3A_999 = arith.maximumf %sub3A_996, %max3A_998 : vector<16xf32>
      %mul3A_1000 = arith.mulf %max3A_999, %max3A_999 : vector<16xf32>
      %add3A_1001 = arith.addf %add3A_959, %mul3A_1000 : vector<16xf32>
      %get3A_1002 = arith.constant 1 : i32
      %get3A_1003 = arith.index_cast %get3A_1002 : i32 to index
      %get3A_1004 = arith.index_cast %scan3A_752 : i32 to index
      %get3A_1005 = arith.constant 96 : index
      %get3A_1006 = tpu.vector_load %arg11[%get3A_1003, %get3A_1004, %get3A_1005] {strides = array<i32>} : memref<3x16x256xf32, #tpu.memory_space<vmem>>, vector<1x1x16xf32>,
      %get3A_1007 = vector.shape_cast %get3A_1006 : vector<1x1x16xf32> to vector<16xf32>
      %get3A_1008 = arith.constant 2 : i32
      %get3A_1009 = arith.index_cast %get3A_1008 : i32 to index
      %get3A_1010 = arith.index_cast %scan3A_752 : i32 to index
      %get3A_1011 = arith.constant 96 : index
      %get3A_1012 = tpu.vector_load %arg10[%get3A_1009, %get3A_1010, %get3A_1011] {strides = array<i32>} : memref<5x16x128xf32, #tpu.memory_space<vmem>>, vector<1x1x16xf32>,
      %get3A_1013 = vector.shape_cast %get3A_1012 : vector<1x1x16xf32> to vector<16xf32>
      %sub3A_1014 = arith.subf %get3A_1007, %get3A_1013 : vector<16xf32>
      %get3A_1015 = arith.constant 1 : i32
      %get3A_1016 = arith.index_cast %get3A_1015 : i32 to index
      %get3A_1017 = arith.index_cast %scan3A_752 : i32 to index
      %get3A_1018 = arith.constant 224 : index
      %get3A_1019 = tpu.vector_load %arg11[%get3A_1016, %get3A_1017, %get3A_1018] {strides = array<i32>} : memref<3x16x256xf32, #tpu.memory_space<vmem>>, vector<1x1x16xf32>,
      %get3A_1020 = vector.shape_cast %get3A_1019 : vector<1x1x16xf32> to vector<16xf32>
      %abs3A_1021 = math.absf %get3A_1020 : vector<16xf32>
      %get3A_1022 = arith.constant 7 : i32
      %get3A_1023 = arith.index_cast %get3A_1022 : i32 to index
      %get3A_1024 = arith.index_cast %scan3A_752 : i32 to index
      %get3A_1025 = arith.constant 96 : index
      %get3A_1026 = tpu.vector_load %arg9[%get3A_1023, %get3A_1024, %get3A_1025] {strides = array<i32>} : memref<12x16x256xf32, #tpu.memory_space<vmem>>, vector<1x1x16xf32>,
      %get3A_1027 = vector.shape_cast %get3A_1026 : vector<1x1x16xf32> to vector<16xf32>
      %get3A_1028 = arith.constant 7 : i32
      %get3A_1029 = arith.index_cast %get3A_1028 : i32 to index
      %get3A_1030 = arith.index_cast %scan3A_752 : i32 to index
      %get3A_1031 = arith.constant 224 : index
      %get3A_1032 = tpu.vector_load %arg9[%get3A_1029, %get3A_1030, %get3A_1031] {strides = array<i32>} : memref<12x16x256xf32, #tpu.memory_space<vmem>>, vector<1x1x16xf32>,
      %get3A_1033 = vector.shape_cast %get3A_1032 : vector<1x1x16xf32> to vector<16xf32>
      %abs3A_1034 = math.absf %get3A_1033 : vector<16xf32>
      %sub3A_1035 = arith.subf %sub3A_1014, %get3A_1027 : vector<16xf32>
      %abs3A_1036 = math.absf %sub3A_1035 : vector<16xf32>
      %add3A_1037 = arith.addf %abs3A_1036, %abs3A_1021 : vector<16xf32>
      %sub3A_1038 = arith.subf %add3A_1037, %abs3A_1034 : vector<16xf32>
      %max3A_1039 = arith.constant 0.000000e+00 : f32
      %max3A_1040 = vector.broadcast %max3A_1039 : f32 to vector<16xf32>
      %max3A_1041 = arith.maximumf %sub3A_1038, %max3A_1040 : vector<16xf32>
      %mul3A_1042 = arith.mulf %max3A_1041, %max3A_1041 : vector<16xf32>
      %add3A_1043 = arith.addf %add3A_1001, %mul3A_1042 : vector<16xf32>
      %get3A_1044 = arith.constant 1 : i32
      %get3A_1045 = arith.index_cast %get3A_1044 : i32 to index
      %get3A_1046 = arith.index_cast %scan3A_752 : i32 to index
      %get3A_1047 = arith.constant 112 : index
      %get3A_1048 = tpu.vector_load %arg11[%get3A_1045, %get3A_1046, %get3A_1047] {strides = array<i32>} : memref<3x16x256xf32, #tpu.memory_space<vmem>>, vector<1x1x16xf32>,
      %get3A_1049 = vector.shape_cast %get3A_1048 : vector<1x1x16xf32> to vector<16xf32>
      %get3A_1050 = arith.constant 2 : i32
      %get3A_1051 = arith.index_cast %get3A_1050 : i32 to index
      %get3A_1052 = arith.index_cast %scan3A_752 : i32 to index
      %get3A_1053 = arith.constant 112 : index
      %get3A_1054 = tpu.vector_load %arg10[%get3A_1051, %get3A_1052, %get3A_1053] {strides = array<i32>} : memref<5x16x128xf32, #tpu.memory_space<vmem>>, vector<1x1x16xf32>,
      %get3A_1055 = vector.shape_cast %get3A_1054 : vector<1x1x16xf32> to vector<16xf32>
      %sub3A_1056 = arith.subf %get3A_1049, %get3A_1055 : vector<16xf32>
      %get3A_1057 = arith.constant 1 : i32
      %get3A_1058 = arith.index_cast %get3A_1057 : i32 to index
      %get3A_1059 = arith.index_cast %scan3A_752 : i32 to index
      %get3A_1060 = arith.constant 240 : index
      %get3A_1061 = tpu.vector_load %arg11[%get3A_1058, %get3A_1059, %get3A_1060] {strides = array<i32>} : memref<3x16x256xf32, #tpu.memory_space<vmem>>, vector<1x1x16xf32>,
      %get3A_1062 = vector.shape_cast %get3A_1061 : vector<1x1x16xf32> to vector<16xf32>
      %abs3A_1063 = math.absf %get3A_1062 : vector<16xf32>
      %get3A_1064 = arith.constant 7 : i32
      %get3A_1065 = arith.index_cast %get3A_1064 : i32 to index
      %get3A_1066 = arith.index_cast %scan3A_752 : i32 to index
      %get3A_1067 = arith.constant 112 : index
      %get3A_1068 = tpu.vector_load %arg9[%get3A_1065, %get3A_1066, %get3A_1067] {strides = array<i32>} : memref<12x16x256xf32, #tpu.memory_space<vmem>>, vector<1x1x16xf32>,
      %get3A_1069 = vector.shape_cast %get3A_1068 : vector<1x1x16xf32> to vector<16xf32>
      %get3A_1070 = arith.constant 7 : i32
      %get3A_1071 = arith.index_cast %get3A_1070 : i32 to index
      %get3A_1072 = arith.index_cast %scan3A_752 : i32 to index
      %get3A_1073 = arith.constant 240 : index
      %get3A_1074 = tpu.vector_load %arg9[%get3A_1071, %get3A_1072, %get3A_1073] {strides = array<i32>} : memref<12x16x256xf32, #tpu.memory_space<vmem>>, vector<1x1x16xf32>,
      %get3A_1075 = vector.shape_cast %get3A_1074 : vector<1x1x16xf32> to vector<16xf32>
      %abs3A_1076 = math.absf %get3A_1075 : vector<16xf32>
      %sub3A_1077 = arith.subf %sub3A_1056, %get3A_1069 : vector<16xf32>
      %abs3A_1078 = math.absf %sub3A_1077 : vector<16xf32>
      %add3A_1079 = arith.addf %abs3A_1078, %abs3A_1063 : vector<16xf32>
      %sub3A_1080 = arith.subf %add3A_1079, %abs3A_1076 : vector<16xf32>
      %max3A_1081 = arith.constant 0.000000e+00 : f32
      %max3A_1082 = vector.broadcast %max3A_1081 : f32 to vector<16xf32>
      %max3A_1083 = arith.maximumf %sub3A_1080, %max3A_1082 : vector<16xf32>
      %mul3A_1084 = arith.mulf %max3A_1083, %max3A_1083 : vector<16xf32>
      %add3A_1085 = arith.addf %add3A_1043, %mul3A_1084 : vector<16xf32>
      %swap3A = arith.constant 5 : i32
      %swap3A_1086 = arith.index_cast %scan3A_752 : i32 to index
      %swap3A_1087 = arith.index_cast %swap3A : i32 to index
      %swap3A_1088 = arith.constant 0 : index
      %swap3A_1089 = tpu.vector_load %arg13[%swap3A_1086, %swap3A_1087, %swap3A_1088] {strides = array<i32>} : memref<16x9x16xf32, #tpu.memory_space<vmem>>, vector<1x1x16xf32>,
      %swap3A_1090 = vector.shape_cast %swap3A_1089 : vector<1x1x16xf32> to vector<16xf32>
      %swap3A_1091 = vector.shape_cast %add3A_1085 : vector<16xf32> to vector<1x1x16xf32>
      tpu.vector_store %arg13[%swap3A_1086, %swap3A_1087, %swap3A_1088], %swap3A_1091 {strides = array<i32>} : memref<16x9x16xf32, #tpu.memory_space<vmem>>, vector<1x1x16xf32>,
    }
    %scan3A_611 = arith.constant 16 : i32
    %dma_wait3A_612 = arith.constant 11 : i32
    %dma_wait3A_613 = arith.constant 0 : i32
    %dma_wait3A_614 = arith.constant 8 : i32
    %dma_wait3A_615 = arith.constant 4 : i32
    "tpu.trace_stop"() : () -> ()
    "tpu.trace_start"() <{level = 10 : i32, message = "grp4"}> : () -> ()
    %dma_wait3A_616 = arith.constant 0 : i32
    %dma_wait3A_617 = arith.constant 0 : i32
    %dma_wait3A_618 = tpu.memref_slice %arg9[%dma_wait3A_614, %dma_wait3A_616, %dma_wait3A_617] : memref<12x16x256xf32, #tpu.memory_space<vmem>> -> memref<1x16x256xf32, #tpu.memory_space<vmem>>
    %dma_wait3A_619 = tpu.memref_squeeze %dma_wait3A_618 : memref<1x16x256xf32, #tpu.memory_space<vmem>> -> memref<16x256xf32, #tpu.memory_space<vmem>>
    %dma_wait3A_620 = arith.constant 0 : i32
    %dma_wait3A_621 = tpu.memref_slice %arg8[%dma_wait3A_612, %dma_wait3A_613, %dma_wait3A_620] : memref<16x1x16xi32, #tpu.memory_space<vmem>> -> memref<1x1x16xi32, #tpu.memory_space<vmem>>
    %dma_wait3A_622 = tpu.memref_squeeze %dma_wait3A_621 : memref<1x1x16xi32, #tpu.memory_space<vmem>> -> memref<16xi32, #tpu.memory_space<vmem>>
    %dma_wait3A_623 = arith.constant 0 : i32
    %dma_wait3A_624 = arith.constant 0 : i32
    %dma_wait3A_625 = tpu.memref_slice %arg3[%dma_wait3A_623, %dma_wait3A_624] : memref<1000x256xf32, #tpu.memory_space<hbm>> -> memref<1000x256xf32, #tpu.memory_space<hbm>>
    %dma_wait3A_626 = tpu.memref_slice %arg15[%dma_wait3A_615] : memref<6x!tpu.dma_semaphore, #tpu.memory_space<semaphore_mem>> -> memref<1x!tpu.dma_semaphore, #tpu.memory_space<semaphore_mem>>
    %dma_wait3A_627 = tpu.memref_squeeze %dma_wait3A_626 : memref<1x!tpu.dma_semaphore, #tpu.memory_space<semaphore_mem>> -> memref<!tpu.dma_semaphore, #tpu.memory_space<semaphore_mem>>
    tpu.wait_indirect_dma semaphore(%dma_wait3A_627 : memref<!tpu.dma_semaphore, #tpu.memory_space<semaphore_mem>>) src(%dma_wait3A_625 : memref<1000x256xf32, #tpu.memory_space<hbm>>) dst(%dma_wait3A_619 : memref<16x256xf32, #tpu.memory_space<vmem>>)
    %dma_wait3A_628 = arith.constant 12 : i32
    %dma_wait3A_629 = arith.constant 0 : i32
    %dma_wait3A_630 = arith.constant 9 : i32
    %dma_wait3A_631 = arith.constant 4 : i32
    %dma_wait3A_632 = arith.constant 0 : i32
    %dma_wait3A_633 = arith.constant 0 : i32
    %dma_wait3A_634 = tpu.memref_slice %arg9[%dma_wait3A_630, %dma_wait3A_632, %dma_wait3A_633] : memref<12x16x256xf32, #tpu.memory_space<vmem>> -> memref<1x16x256xf32, #tpu.memory_space<vmem>>
    %dma_wait3A_635 = tpu.memref_squeeze %dma_wait3A_634 : memref<1x16x256xf32, #tpu.memory_space<vmem>> -> memref<16x256xf32, #tpu.memory_space<vmem>>
    %dma_wait3A_636 = arith.constant 0 : i32
    %dma_wait3A_637 = tpu.memref_slice %arg8[%dma_wait3A_628, %dma_wait3A_629, %dma_wait3A_636] : memref<16x1x16xi32, #tpu.memory_space<vmem>> -> memref<1x1x16xi32, #tpu.memory_space<vmem>>
    %dma_wait3A_638 = tpu.memref_squeeze %dma_wait3A_637 : memref<1x1x16xi32, #tpu.memory_space<vmem>> -> memref<16xi32, #tpu.memory_space<vmem>>
    %dma_wait3A_639 = arith.constant 0 : i32
    %dma_wait3A_640 = arith.constant 0 : i32
    %dma_wait3A_641 = tpu.memref_slice %arg3[%dma_wait3A_639, %dma_wait3A_640] : memref<1000x256xf32, #tpu.memory_space<hbm>> -> memref<1000x256xf32, #tpu.memory_space<hbm>>
    %dma_wait3A_642 = tpu.memref_slice %arg15[%dma_wait3A_631] : memref<6x!tpu.dma_semaphore, #tpu.memory_space<semaphore_mem>> -> memref<1x!tpu.dma_semaphore, #tpu.memory_space<semaphore_mem>>
    %dma_wait3A_643 = tpu.memref_squeeze %dma_wait3A_642 : memref<1x!tpu.dma_semaphore, #tpu.memory_space<semaphore_mem>> -> memref<!tpu.dma_semaphore, #tpu.memory_space<semaphore_mem>>
    tpu.wait_indirect_dma semaphore(%dma_wait3A_643 : memref<!tpu.dma_semaphore, #tpu.memory_space<semaphore_mem>>) src(%dma_wait3A_641 : memref<1000x256xf32, #tpu.memory_space<hbm>>) dst(%dma_wait3A_635 : memref<16x256xf32, #tpu.memory_space<vmem>>)
    %scan3A_644 = arith.constant 0 : i32
    %scan3A_645 = arith.constant 0 : i32
    %scan3A_646 = arith.constant 16 : i32
    %scan3A_647 = arith.addi %scan3A_645, %scan3A_646 : i32
    %scan3A_648 = arith.constant 1 : i32
    scf.for %scan3A_752 = %scan3A_645 to %scan3A_647 step %scan3A_648  : i32 {
      %broadcast_in_dim3A = arith.constant 0.000000e+00 : f32
      %broadcast_in_dim3A_753 = vector.broadcast %broadcast_in_dim3A : f32 to vector<16xf32>
      %get3A = arith.constant 8 : i32
      %get3A_754 = arith.index_cast %get3A : i32 to index
      %get3A_755 = arith.index_cast %scan3A_752 : i32 to index
      %get3A_756 = arith.constant 0 : index
      %get3A_757 = tpu.vector_load %arg9[%get3A_754, %get3A_755, %get3A_756] {strides = array<i32>} : memref<12x16x256xf32, #tpu.memory_space<vmem>>, vector<1x1x16xf32>,
      %get3A_758 = vector.shape_cast %get3A_757 : vector<1x1x16xf32> to vector<16xf32>
      %get3A_759 = arith.constant 8 : i32
      %get3A_760 = arith.index_cast %get3A_759 : i32 to index
      %get3A_761 = arith.index_cast %scan3A_752 : i32 to index
      %get3A_762 = arith.constant 128 : index
      %get3A_763 = tpu.vector_load %arg9[%get3A_760, %get3A_761, %get3A_762] {strides = array<i32>} : memref<12x16x256xf32, #tpu.memory_space<vmem>>, vector<1x1x16xf32>,
      %get3A_764 = vector.shape_cast %get3A_763 : vector<1x1x16xf32> to vector<16xf32>
      %abs3A = math.absf %get3A_764 : vector<16xf32>
      %get3A_765 = arith.constant 9 : i32
      %get3A_766 = arith.index_cast %get3A_765 : i32 to index
      %get3A_767 = arith.index_cast %scan3A_752 : i32 to index
      %get3A_768 = arith.constant 0 : index
      %get3A_769 = tpu.vector_load %arg9[%get3A_766, %get3A_767, %get3A_768] {strides = array<i32>} : memref<12x16x256xf32, #tpu.memory_space<vmem>>, vector<1x1x16xf32>,
      %get3A_770 = vector.shape_cast %get3A_769 : vector<1x1x16xf32> to vector<16xf32>
      %get3A_771 = arith.constant 9 : i32
      %get3A_772 = arith.index_cast %get3A_771 : i32 to index
      %get3A_773 = arith.index_cast %scan3A_752 : i32 to index
      %get3A_774 = arith.constant 128 : index
      %get3A_775 = tpu.vector_load %arg9[%get3A_772, %get3A_773, %get3A_774] {strides = array<i32>} : memref<12x16x256xf32, #tpu.memory_space<vmem>>, vector<1x1x16xf32>,
      %get3A_776 = vector.shape_cast %get3A_775 : vector<1x1x16xf32> to vector<16xf32>
      %abs3A_777 = math.absf %get3A_776 : vector<16xf32>
      %sub3A = arith.subf %get3A_758, %get3A_770 : vector<16xf32>
      %abs3A_778 = math.absf %sub3A : vector<16xf32>
      %sub3A_779 = arith.subf %abs3A_778, %abs3A : vector<16xf32>
      %sub3A_780 = arith.subf %sub3A_779, %abs3A_777 : vector<16xf32>
      %max3A = arith.constant 0.000000e+00 : f32
      %max3A_781 = vector.broadcast %max3A : f32 to vector<16xf32>
      %max3A_782 = arith.maximumf %sub3A_780, %max3A_781 : vector<16xf32>
      %mul3A_783 = arith.mulf %max3A_782, %max3A_782 : vector<16xf32>
      %add3A_784 = arith.addf %broadcast_in_dim3A_753, %mul3A_783 : vector<16xf32>
      %get3A_785 = arith.constant 8 : i32
      %get3A_786 = arith.index_cast %get3A_785 : i32 to index
      %get3A_787 = arith.index_cast %scan3A_752 : i32 to index
      %get3A_788 = arith.constant 16 : index
      %get3A_789 = tpu.vector_load %arg9[%get3A_786, %get3A_787, %get3A_788] {strides = array<i32>} : memref<12x16x256xf32, #tpu.memory_space<vmem>>, vector<1x1x16xf32>,
      %get3A_790 = vector.shape_cast %get3A_789 : vector<1x1x16xf32> to vector<16xf32>
      %get3A_791 = arith.constant 8 : i32
      %get3A_792 = arith.index_cast %get3A_791 : i32 to index
      %get3A_793 = arith.index_cast %scan3A_752 : i32 to index
      %get3A_794 = arith.constant 144 : index
      %get3A_795 = tpu.vector_load %arg9[%get3A_792, %get3A_793, %get3A_794] {strides = array<i32>} : memref<12x16x256xf32, #tpu.memory_space<vmem>>, vector<1x1x16xf32>,
      %get3A_796 = vector.shape_cast %get3A_795 : vector<1x1x16xf32> to vector<16xf32>
      %abs3A_797 = math.absf %get3A_796 : vector<16xf32>
      %get3A_798 = arith.constant 9 : i32
      %get3A_799 = arith.index_cast %get3A_798 : i32 to index
      %get3A_800 = arith.index_cast %scan3A_752 : i32 to index
      %get3A_801 = arith.constant 16 : index
      %get3A_802 = tpu.vector_load %arg9[%get3A_799, %get3A_800, %get3A_801] {strides = array<i32>} : memref<12x16x256xf32, #tpu.memory_space<vmem>>, vector<1x1x16xf32>,
      %get3A_803 = vector.shape_cast %get3A_802 : vector<1x1x16xf32> to vector<16xf32>
      %get3A_804 = arith.constant 9 : i32
      %get3A_805 = arith.index_cast %get3A_804 : i32 to index
      %get3A_806 = arith.index_cast %scan3A_752 : i32 to index
      %get3A_807 = arith.constant 144 : index
      %get3A_808 = tpu.vector_load %arg9[%get3A_805, %get3A_806, %get3A_807] {strides = array<i32>} : memref<12x16x256xf32, #tpu.memory_space<vmem>>, vector<1x1x16xf32>,
      %get3A_809 = vector.shape_cast %get3A_808 : vector<1x1x16xf32> to vector<16xf32>
      %abs3A_810 = math.absf %get3A_809 : vector<16xf32>
      %sub3A_811 = arith.subf %get3A_790, %get3A_803 : vector<16xf32>
      %abs3A_812 = math.absf %sub3A_811 : vector<16xf32>
      %sub3A_813 = arith.subf %abs3A_812, %abs3A_797 : vector<16xf32>
      %sub3A_814 = arith.subf %sub3A_813, %abs3A_810 : vector<16xf32>
      %max3A_815 = arith.constant 0.000000e+00 : f32
      %max3A_816 = vector.broadcast %max3A_815 : f32 to vector<16xf32>
      %max3A_817 = arith.maximumf %sub3A_814, %max3A_816 : vector<16xf32>
      %mul3A_818 = arith.mulf %max3A_817, %max3A_817 : vector<16xf32>
      %add3A_819 = arith.addf %add3A_784, %mul3A_818 : vector<16xf32>
      %get3A_820 = arith.constant 8 : i32
      %get3A_821 = arith.index_cast %get3A_820 : i32 to index
      %get3A_822 = arith.index_cast %scan3A_752 : i32 to index
      %get3A_823 = arith.constant 32 : index
      %get3A_824 = tpu.vector_load %arg9[%get3A_821, %get3A_822, %get3A_823] {strides = array<i32>} : memref<12x16x256xf32, #tpu.memory_space<vmem>>, vector<1x1x16xf32>,
      %get3A_825 = vector.shape_cast %get3A_824 : vector<1x1x16xf32> to vector<16xf32>
      %get3A_826 = arith.constant 8 : i32
      %get3A_827 = arith.index_cast %get3A_826 : i32 to index
      %get3A_828 = arith.index_cast %scan3A_752 : i32 to index
      %get3A_829 = arith.constant 160 : index
      %get3A_830 = tpu.vector_load %arg9[%get3A_827, %get3A_828, %get3A_829] {strides = array<i32>} : memref<12x16x256xf32, #tpu.memory_space<vmem>>, vector<1x1x16xf32>,
      %get3A_831 = vector.shape_cast %get3A_830 : vector<1x1x16xf32> to vector<16xf32>
      %abs3A_832 = math.absf %get3A_831 : vector<16xf32>
      %get3A_833 = arith.constant 9 : i32
      %get3A_834 = arith.index_cast %get3A_833 : i32 to index
      %get3A_835 = arith.index_cast %scan3A_752 : i32 to index
      %get3A_836 = arith.constant 32 : index
      %get3A_837 = tpu.vector_load %arg9[%get3A_834, %get3A_835, %get3A_836] {strides = array<i32>} : memref<12x16x256xf32, #tpu.memory_space<vmem>>, vector<1x1x16xf32>,
      %get3A_838 = vector.shape_cast %get3A_837 : vector<1x1x16xf32> to vector<16xf32>
      %get3A_839 = arith.constant 9 : i32
      %get3A_840 = arith.index_cast %get3A_839 : i32 to index
      %get3A_841 = arith.index_cast %scan3A_752 : i32 to index
      %get3A_842 = arith.constant 160 : index
      %get3A_843 = tpu.vector_load %arg9[%get3A_840, %get3A_841, %get3A_842] {strides = array<i32>} : memref<12x16x256xf32, #tpu.memory_space<vmem>>, vector<1x1x16xf32>,
      %get3A_844 = vector.shape_cast %get3A_843 : vector<1x1x16xf32> to vector<16xf32>
      %abs3A_845 = math.absf %get3A_844 : vector<16xf32>
      %sub3A_846 = arith.subf %get3A_825, %get3A_838 : vector<16xf32>
      %abs3A_847 = math.absf %sub3A_846 : vector<16xf32>
      %sub3A_848 = arith.subf %abs3A_847, %abs3A_832 : vector<16xf32>
      %sub3A_849 = arith.subf %sub3A_848, %abs3A_845 : vector<16xf32>
      %max3A_850 = arith.constant 0.000000e+00 : f32
      %max3A_851 = vector.broadcast %max3A_850 : f32 to vector<16xf32>
      %max3A_852 = arith.maximumf %sub3A_849, %max3A_851 : vector<16xf32>
      %mul3A_853 = arith.mulf %max3A_852, %max3A_852 : vector<16xf32>
      %add3A_854 = arith.addf %add3A_819, %mul3A_853 : vector<16xf32>
      %get3A_855 = arith.constant 8 : i32
      %get3A_856 = arith.index_cast %get3A_855 : i32 to index
      %get3A_857 = arith.index_cast %scan3A_752 : i32 to index
      %get3A_858 = arith.constant 48 : index
      %get3A_859 = tpu.vector_load %arg9[%get3A_856, %get3A_857, %get3A_858] {strides = array<i32>} : memref<12x16x256xf32, #tpu.memory_space<vmem>>, vector<1x1x16xf32>,
      %get3A_860 = vector.shape_cast %get3A_859 : vector<1x1x16xf32> to vector<16xf32>
      %get3A_861 = arith.constant 8 : i32
      %get3A_862 = arith.index_cast %get3A_861 : i32 to index
      %get3A_863 = arith.index_cast %scan3A_752 : i32 to index
      %get3A_864 = arith.constant 176 : index
      %get3A_865 = tpu.vector_load %arg9[%get3A_862, %get3A_863, %get3A_864] {strides = array<i32>} : memref<12x16x256xf32, #tpu.memory_space<vmem>>, vector<1x1x16xf32>,
      %get3A_866 = vector.shape_cast %get3A_865 : vector<1x1x16xf32> to vector<16xf32>
      %abs3A_867 = math.absf %get3A_866 : vector<16xf32>
      %get3A_868 = arith.constant 9 : i32
      %get3A_869 = arith.index_cast %get3A_868 : i32 to index
      %get3A_870 = arith.index_cast %scan3A_752 : i32 to index
      %get3A_871 = arith.constant 48 : index
      %get3A_872 = tpu.vector_load %arg9[%get3A_869, %get3A_870, %get3A_871] {strides = array<i32>} : memref<12x16x256xf32, #tpu.memory_space<vmem>>, vector<1x1x16xf32>,
      %get3A_873 = vector.shape_cast %get3A_872 : vector<1x1x16xf32> to vector<16xf32>
      %get3A_874 = arith.constant 9 : i32
      %get3A_875 = arith.index_cast %get3A_874 : i32 to index
      %get3A_876 = arith.index_cast %scan3A_752 : i32 to index
      %get3A_877 = arith.constant 176 : index
      %get3A_878 = tpu.vector_load %arg9[%get3A_875, %get3A_876, %get3A_877] {strides = array<i32>} : memref<12x16x256xf32, #tpu.memory_space<vmem>>, vector<1x1x16xf32>,
      %get3A_879 = vector.shape_cast %get3A_878 : vector<1x1x16xf32> to vector<16xf32>
      %abs3A_880 = math.absf %get3A_879 : vector<16xf32>
      %sub3A_881 = arith.subf %get3A_860, %get3A_873 : vector<16xf32>
      %abs3A_882 = math.absf %sub3A_881 : vector<16xf32>
      %sub3A_883 = arith.subf %abs3A_882, %abs3A_867 : vector<16xf32>
      %sub3A_884 = arith.subf %sub3A_883, %abs3A_880 : vector<16xf32>
      %max3A_885 = arith.constant 0.000000e+00 : f32
      %max3A_886 = vector.broadcast %max3A_885 : f32 to vector<16xf32>
      %max3A_887 = arith.maximumf %sub3A_884, %max3A_886 : vector<16xf32>
      %mul3A_888 = arith.mulf %max3A_887, %max3A_887 : vector<16xf32>
      %add3A_889 = arith.addf %add3A_854, %mul3A_888 : vector<16xf32>
      %get3A_890 = arith.constant 8 : i32
      %get3A_891 = arith.index_cast %get3A_890 : i32 to index
      %get3A_892 = arith.index_cast %scan3A_752 : i32 to index
      %get3A_893 = arith.constant 64 : index
      %get3A_894 = tpu.vector_load %arg9[%get3A_891, %get3A_892, %get3A_893] {strides = array<i32>} : memref<12x16x256xf32, #tpu.memory_space<vmem>>, vector<1x1x16xf32>,
      %get3A_895 = vector.shape_cast %get3A_894 : vector<1x1x16xf32> to vector<16xf32>
      %get3A_896 = arith.constant 8 : i32
      %get3A_897 = arith.index_cast %get3A_896 : i32 to index
      %get3A_898 = arith.index_cast %scan3A_752 : i32 to index
      %get3A_899 = arith.constant 192 : index
      %get3A_900 = tpu.vector_load %arg9[%get3A_897, %get3A_898, %get3A_899] {strides = array<i32>} : memref<12x16x256xf32, #tpu.memory_space<vmem>>, vector<1x1x16xf32>,
      %get3A_901 = vector.shape_cast %get3A_900 : vector<1x1x16xf32> to vector<16xf32>
      %abs3A_902 = math.absf %get3A_901 : vector<16xf32>
      %get3A_903 = arith.constant 9 : i32
      %get3A_904 = arith.index_cast %get3A_903 : i32 to index
      %get3A_905 = arith.index_cast %scan3A_752 : i32 to index
      %get3A_906 = arith.constant 64 : index
      %get3A_907 = tpu.vector_load %arg9[%get3A_904, %get3A_905, %get3A_906] {strides = array<i32>} : memref<12x16x256xf32, #tpu.memory_space<vmem>>, vector<1x1x16xf32>,
      %get3A_908 = vector.shape_cast %get3A_907 : vector<1x1x16xf32> to vector<16xf32>
      %get3A_909 = arith.constant 9 : i32
      %get3A_910 = arith.index_cast %get3A_909 : i32 to index
      %get3A_911 = arith.index_cast %scan3A_752 : i32 to index
      %get3A_912 = arith.constant 192 : index
      %get3A_913 = tpu.vector_load %arg9[%get3A_910, %get3A_911, %get3A_912] {strides = array<i32>} : memref<12x16x256xf32, #tpu.memory_space<vmem>>, vector<1x1x16xf32>,
      %get3A_914 = vector.shape_cast %get3A_913 : vector<1x1x16xf32> to vector<16xf32>
      %abs3A_915 = math.absf %get3A_914 : vector<16xf32>
      %sub3A_916 = arith.subf %get3A_895, %get3A_908 : vector<16xf32>
      %abs3A_917 = math.absf %sub3A_916 : vector<16xf32>
      %sub3A_918 = arith.subf %abs3A_917, %abs3A_902 : vector<16xf32>
      %sub3A_919 = arith.subf %sub3A_918, %abs3A_915 : vector<16xf32>
      %max3A_920 = arith.constant 0.000000e+00 : f32
      %max3A_921 = vector.broadcast %max3A_920 : f32 to vector<16xf32>
      %max3A_922 = arith.maximumf %sub3A_919, %max3A_921 : vector<16xf32>
      %mul3A_923 = arith.mulf %max3A_922, %max3A_922 : vector<16xf32>
      %add3A_924 = arith.addf %add3A_889, %mul3A_923 : vector<16xf32>
      %get3A_925 = arith.constant 8 : i32
      %get3A_926 = arith.index_cast %get3A_925 : i32 to index
      %get3A_927 = arith.index_cast %scan3A_752 : i32 to index
      %get3A_928 = arith.constant 80 : index
      %get3A_929 = tpu.vector_load %arg9[%get3A_926, %get3A_927, %get3A_928] {strides = array<i32>} : memref<12x16x256xf32, #tpu.memory_space<vmem>>, vector<1x1x16xf32>,
      %get3A_930 = vector.shape_cast %get3A_929 : vector<1x1x16xf32> to vector<16xf32>
      %get3A_931 = arith.constant 8 : i32
      %get3A_932 = arith.index_cast %get3A_931 : i32 to index
      %get3A_933 = arith.index_cast %scan3A_752 : i32 to index
      %get3A_934 = arith.constant 208 : index
      %get3A_935 = tpu.vector_load %arg9[%get3A_932, %get3A_933, %get3A_934] {strides = array<i32>} : memref<12x16x256xf32, #tpu.memory_space<vmem>>, vector<1x1x16xf32>,
      %get3A_936 = vector.shape_cast %get3A_935 : vector<1x1x16xf32> to vector<16xf32>
      %abs3A_937 = math.absf %get3A_936 : vector<16xf32>
      %get3A_938 = arith.constant 9 : i32
      %get3A_939 = arith.index_cast %get3A_938 : i32 to index
      %get3A_940 = arith.index_cast %scan3A_752 : i32 to index
      %get3A_941 = arith.constant 80 : index
      %get3A_942 = tpu.vector_load %arg9[%get3A_939, %get3A_940, %get3A_941] {strides = array<i32>} : memref<12x16x256xf32, #tpu.memory_space<vmem>>, vector<1x1x16xf32>,
      %get3A_943 = vector.shape_cast %get3A_942 : vector<1x1x16xf32> to vector<16xf32>
      %get3A_944 = arith.constant 9 : i32
      %get3A_945 = arith.index_cast %get3A_944 : i32 to index
      %get3A_946 = arith.index_cast %scan3A_752 : i32 to index
      %get3A_947 = arith.constant 208 : index
      %get3A_948 = tpu.vector_load %arg9[%get3A_945, %get3A_946, %get3A_947] {strides = array<i32>} : memref<12x16x256xf32, #tpu.memory_space<vmem>>, vector<1x1x16xf32>,
      %get3A_949 = vector.shape_cast %get3A_948 : vector<1x1x16xf32> to vector<16xf32>
      %abs3A_950 = math.absf %get3A_949 : vector<16xf32>
      %sub3A_951 = arith.subf %get3A_930, %get3A_943 : vector<16xf32>
      %abs3A_952 = math.absf %sub3A_951 : vector<16xf32>
      %sub3A_953 = arith.subf %abs3A_952, %abs3A_937 : vector<16xf32>
      %sub3A_954 = arith.subf %sub3A_953, %abs3A_950 : vector<16xf32>
      %max3A_955 = arith.constant 0.000000e+00 : f32
      %max3A_956 = vector.broadcast %max3A_955 : f32 to vector<16xf32>
      %max3A_957 = arith.maximumf %sub3A_954, %max3A_956 : vector<16xf32>
      %mul3A_958 = arith.mulf %max3A_957, %max3A_957 : vector<16xf32>
      %add3A_959 = arith.addf %add3A_924, %mul3A_958 : vector<16xf32>
      %get3A_960 = arith.constant 8 : i32
      %get3A_961 = arith.index_cast %get3A_960 : i32 to index
      %get3A_962 = arith.index_cast %scan3A_752 : i32 to index
      %get3A_963 = arith.constant 96 : index
      %get3A_964 = tpu.vector_load %arg9[%get3A_961, %get3A_962, %get3A_963] {strides = array<i32>} : memref<12x16x256xf32, #tpu.memory_space<vmem>>, vector<1x1x16xf32>,
      %get3A_965 = vector.shape_cast %get3A_964 : vector<1x1x16xf32> to vector<16xf32>
      %get3A_966 = arith.constant 8 : i32
      %get3A_967 = arith.index_cast %get3A_966 : i32 to index
      %get3A_968 = arith.index_cast %scan3A_752 : i32 to index
      %get3A_969 = arith.constant 224 : index
      %get3A_970 = tpu.vector_load %arg9[%get3A_967, %get3A_968, %get3A_969] {strides = array<i32>} : memref<12x16x256xf32, #tpu.memory_space<vmem>>, vector<1x1x16xf32>,
      %get3A_971 = vector.shape_cast %get3A_970 : vector<1x1x16xf32> to vector<16xf32>
      %abs3A_972 = math.absf %get3A_971 : vector<16xf32>
      %get3A_973 = arith.constant 9 : i32
      %get3A_974 = arith.index_cast %get3A_973 : i32 to index
      %get3A_975 = arith.index_cast %scan3A_752 : i32 to index
      %get3A_976 = arith.constant 96 : index
      %get3A_977 = tpu.vector_load %arg9[%get3A_974, %get3A_975, %get3A_976] {strides = array<i32>} : memref<12x16x256xf32, #tpu.memory_space<vmem>>, vector<1x1x16xf32>,
      %get3A_978 = vector.shape_cast %get3A_977 : vector<1x1x16xf32> to vector<16xf32>
      %get3A_979 = arith.constant 9 : i32
      %get3A_980 = arith.index_cast %get3A_979 : i32 to index
      %get3A_981 = arith.index_cast %scan3A_752 : i32 to index
      %get3A_982 = arith.constant 224 : index
      %get3A_983 = tpu.vector_load %arg9[%get3A_980, %get3A_981, %get3A_982] {strides = array<i32>} : memref<12x16x256xf32, #tpu.memory_space<vmem>>, vector<1x1x16xf32>,
      %get3A_984 = vector.shape_cast %get3A_983 : vector<1x1x16xf32> to vector<16xf32>
      %abs3A_985 = math.absf %get3A_984 : vector<16xf32>
      %sub3A_986 = arith.subf %get3A_965, %get3A_978 : vector<16xf32>
      %abs3A_987 = math.absf %sub3A_986 : vector<16xf32>
      %sub3A_988 = arith.subf %abs3A_987, %abs3A_972 : vector<16xf32>
      %sub3A_989 = arith.subf %sub3A_988, %abs3A_985 : vector<16xf32>
      %max3A_990 = arith.constant 0.000000e+00 : f32
      %max3A_991 = vector.broadcast %max3A_990 : f32 to vector<16xf32>
      %max3A_992 = arith.maximumf %sub3A_989, %max3A_991 : vector<16xf32>
      %mul3A_993 = arith.mulf %max3A_992, %max3A_992 : vector<16xf32>
      %add3A_994 = arith.addf %add3A_959, %mul3A_993 : vector<16xf32>
      %get3A_995 = arith.constant 8 : i32
      %get3A_996 = arith.index_cast %get3A_995 : i32 to index
      %get3A_997 = arith.index_cast %scan3A_752 : i32 to index
      %get3A_998 = arith.constant 112 : index
      %get3A_999 = tpu.vector_load %arg9[%get3A_996, %get3A_997, %get3A_998] {strides = array<i32>} : memref<12x16x256xf32, #tpu.memory_space<vmem>>, vector<1x1x16xf32>,
      %get3A_1000 = vector.shape_cast %get3A_999 : vector<1x1x16xf32> to vector<16xf32>
      %get3A_1001 = arith.constant 8 : i32
      %get3A_1002 = arith.index_cast %get3A_1001 : i32 to index
      %get3A_1003 = arith.index_cast %scan3A_752 : i32 to index
      %get3A_1004 = arith.constant 240 : index
      %get3A_1005 = tpu.vector_load %arg9[%get3A_1002, %get3A_1003, %get3A_1004] {strides = array<i32>} : memref<12x16x256xf32, #tpu.memory_space<vmem>>, vector<1x1x16xf32>,
      %get3A_1006 = vector.shape_cast %get3A_1005 : vector<1x1x16xf32> to vector<16xf32>
      %abs3A_1007 = math.absf %get3A_1006 : vector<16xf32>
      %get3A_1008 = arith.constant 9 : i32
      %get3A_1009 = arith.index_cast %get3A_1008 : i32 to index
      %get3A_1010 = arith.index_cast %scan3A_752 : i32 to index
      %get3A_1011 = arith.constant 112 : index
      %get3A_1012 = tpu.vector_load %arg9[%get3A_1009, %get3A_1010, %get3A_1011] {strides = array<i32>} : memref<12x16x256xf32, #tpu.memory_space<vmem>>, vector<1x1x16xf32>,
      %get3A_1013 = vector.shape_cast %get3A_1012 : vector<1x1x16xf32> to vector<16xf32>
      %get3A_1014 = arith.constant 9 : i32
      %get3A_1015 = arith.index_cast %get3A_1014 : i32 to index
      %get3A_1016 = arith.index_cast %scan3A_752 : i32 to index
      %get3A_1017 = arith.constant 240 : index
      %get3A_1018 = tpu.vector_load %arg9[%get3A_1015, %get3A_1016, %get3A_1017] {strides = array<i32>} : memref<12x16x256xf32, #tpu.memory_space<vmem>>, vector<1x1x16xf32>,
      %get3A_1019 = vector.shape_cast %get3A_1018 : vector<1x1x16xf32> to vector<16xf32>
      %abs3A_1020 = math.absf %get3A_1019 : vector<16xf32>
      %sub3A_1021 = arith.subf %get3A_1000, %get3A_1013 : vector<16xf32>
      %abs3A_1022 = math.absf %sub3A_1021 : vector<16xf32>
      %sub3A_1023 = arith.subf %abs3A_1022, %abs3A_1007 : vector<16xf32>
      %sub3A_1024 = arith.subf %sub3A_1023, %abs3A_1020 : vector<16xf32>
      %max3A_1025 = arith.constant 0.000000e+00 : f32
      %max3A_1026 = vector.broadcast %max3A_1025 : f32 to vector<16xf32>
      %max3A_1027 = arith.maximumf %sub3A_1024, %max3A_1026 : vector<16xf32>
      %mul3A_1028 = arith.mulf %max3A_1027, %max3A_1027 : vector<16xf32>
      %add3A_1029 = arith.addf %add3A_994, %mul3A_1028 : vector<16xf32>
      %swap3A = arith.constant 6 : i32
      %swap3A_1030 = arith.index_cast %scan3A_752 : i32 to index
      %swap3A_1031 = arith.index_cast %swap3A : i32 to index
      %swap3A_1032 = arith.constant 0 : index
      %swap3A_1033 = tpu.vector_load %arg13[%swap3A_1030, %swap3A_1031, %swap3A_1032] {strides = array<i32>} : memref<16x9x16xf32, #tpu.memory_space<vmem>>, vector<1x1x16xf32>,
      %swap3A_1034 = vector.shape_cast %swap3A_1033 : vector<1x1x16xf32> to vector<16xf32>
      %swap3A_1035 = vector.shape_cast %add3A_1029 : vector<16xf32> to vector<1x1x16xf32>
      tpu.vector_store %arg13[%swap3A_1030, %swap3A_1031, %swap3A_1032], %swap3A_1035 {strides = array<i32>} : memref<16x9x16xf32, #tpu.memory_space<vmem>>, vector<1x1x16xf32>,
    }
    %scan3A_649 = arith.constant 16 : i32
    %dma_wait3A_650 = arith.constant 13 : i32
    %dma_wait3A_651 = arith.constant 0 : i32
    %dma_wait3A_652 = arith.constant 10 : i32
    %dma_wait3A_653 = arith.constant 5 : i32
    "tpu.trace_stop"() : () -> ()
    "tpu.trace_start"() <{level = 10 : i32, message = "grp5"}> : () -> ()
    %dma_wait3A_654 = arith.constant 0 : i32
    %dma_wait3A_655 = arith.constant 0 : i32
    %dma_wait3A_656 = tpu.memref_slice %arg9[%dma_wait3A_652, %dma_wait3A_654, %dma_wait3A_655] : memref<12x16x256xf32, #tpu.memory_space<vmem>> -> memref<1x16x256xf32, #tpu.memory_space<vmem>>
    %dma_wait3A_657 = tpu.memref_squeeze %dma_wait3A_656 : memref<1x16x256xf32, #tpu.memory_space<vmem>> -> memref<16x256xf32, #tpu.memory_space<vmem>>
    %dma_wait3A_658 = arith.constant 0 : i32
    %dma_wait3A_659 = tpu.memref_slice %arg8[%dma_wait3A_650, %dma_wait3A_651, %dma_wait3A_658] : memref<16x1x16xi32, #tpu.memory_space<vmem>> -> memref<1x1x16xi32, #tpu.memory_space<vmem>>
    %dma_wait3A_660 = tpu.memref_squeeze %dma_wait3A_659 : memref<1x1x16xi32, #tpu.memory_space<vmem>> -> memref<16xi32, #tpu.memory_space<vmem>>
    %dma_wait3A_661 = arith.constant 0 : i32
    %dma_wait3A_662 = arith.constant 0 : i32
    %dma_wait3A_663 = tpu.memref_slice %arg3[%dma_wait3A_661, %dma_wait3A_662] : memref<1000x256xf32, #tpu.memory_space<hbm>> -> memref<1000x256xf32, #tpu.memory_space<hbm>>
    %dma_wait3A_664 = tpu.memref_slice %arg15[%dma_wait3A_653] : memref<6x!tpu.dma_semaphore, #tpu.memory_space<semaphore_mem>> -> memref<1x!tpu.dma_semaphore, #tpu.memory_space<semaphore_mem>>
    %dma_wait3A_665 = tpu.memref_squeeze %dma_wait3A_664 : memref<1x!tpu.dma_semaphore, #tpu.memory_space<semaphore_mem>> -> memref<!tpu.dma_semaphore, #tpu.memory_space<semaphore_mem>>
    tpu.wait_indirect_dma semaphore(%dma_wait3A_665 : memref<!tpu.dma_semaphore, #tpu.memory_space<semaphore_mem>>) src(%dma_wait3A_663 : memref<1000x256xf32, #tpu.memory_space<hbm>>) dst(%dma_wait3A_657 : memref<16x256xf32, #tpu.memory_space<vmem>>)
    %dma_wait3A_666 = arith.constant 15 : i32
    %dma_wait3A_667 = arith.constant 0 : i32
    %dma_wait3A_668 = arith.constant 11 : i32
    %dma_wait3A_669 = arith.constant 5 : i32
    %dma_wait3A_670 = arith.constant 0 : i32
    %dma_wait3A_671 = arith.constant 0 : i32
    %dma_wait3A_672 = tpu.memref_slice %arg9[%dma_wait3A_668, %dma_wait3A_670, %dma_wait3A_671] : memref<12x16x256xf32, #tpu.memory_space<vmem>> -> memref<1x16x256xf32, #tpu.memory_space<vmem>>
    %dma_wait3A_673 = tpu.memref_squeeze %dma_wait3A_672 : memref<1x16x256xf32, #tpu.memory_space<vmem>> -> memref<16x256xf32, #tpu.memory_space<vmem>>
    %dma_wait3A_674 = arith.constant 0 : i32
    %dma_wait3A_675 = tpu.memref_slice %arg8[%dma_wait3A_666, %dma_wait3A_667, %dma_wait3A_674] : memref<16x1x16xi32, #tpu.memory_space<vmem>> -> memref<1x1x16xi32, #tpu.memory_space<vmem>>
    %dma_wait3A_676 = tpu.memref_squeeze %dma_wait3A_675 : memref<1x1x16xi32, #tpu.memory_space<vmem>> -> memref<16xi32, #tpu.memory_space<vmem>>
    %dma_wait3A_677 = arith.constant 0 : i32
    %dma_wait3A_678 = arith.constant 0 : i32
    %dma_wait3A_679 = tpu.memref_slice %arg3[%dma_wait3A_677, %dma_wait3A_678] : memref<1000x256xf32, #tpu.memory_space<hbm>> -> memref<1000x256xf32, #tpu.memory_space<hbm>>
    %dma_wait3A_680 = tpu.memref_slice %arg15[%dma_wait3A_669] : memref<6x!tpu.dma_semaphore, #tpu.memory_space<semaphore_mem>> -> memref<1x!tpu.dma_semaphore, #tpu.memory_space<semaphore_mem>>
    %dma_wait3A_681 = tpu.memref_squeeze %dma_wait3A_680 : memref<1x!tpu.dma_semaphore, #tpu.memory_space<semaphore_mem>> -> memref<!tpu.dma_semaphore, #tpu.memory_space<semaphore_mem>>
    tpu.wait_indirect_dma semaphore(%dma_wait3A_681 : memref<!tpu.dma_semaphore, #tpu.memory_space<semaphore_mem>>) src(%dma_wait3A_679 : memref<1000x256xf32, #tpu.memory_space<hbm>>) dst(%dma_wait3A_673 : memref<16x256xf32, #tpu.memory_space<vmem>>)
    %dma_wait3A_682 = arith.constant 13 : i32
    %dma_wait3A_683 = arith.constant 0 : i32
    %dma_wait3A_684 = arith.constant 3 : i32
    %dma_wait3A_685 = arith.constant 5 : i32
    %dma_wait3A_686 = arith.constant 0 : i32
    %dma_wait3A_687 = arith.constant 0 : i32
    %dma_wait3A_688 = tpu.memref_slice %arg10[%dma_wait3A_684, %dma_wait3A_686, %dma_wait3A_687] : memref<5x16x128xf32, #tpu.memory_space<vmem>> -> memref<1x16x128xf32, #tpu.memory_space<vmem>>
    %dma_wait3A_689 = tpu.memref_squeeze %dma_wait3A_688 : memref<1x16x128xf32, #tpu.memory_space<vmem>> -> memref<16x128xf32, #tpu.memory_space<vmem>>
    %dma_wait3A_690 = arith.constant 0 : i32
    %dma_wait3A_691 = tpu.memref_slice %arg8[%dma_wait3A_682, %dma_wait3A_683, %dma_wait3A_690] : memref<16x1x16xi32, #tpu.memory_space<vmem>> -> memref<1x1x16xi32, #tpu.memory_space<vmem>>
    %dma_wait3A_692 = tpu.memref_squeeze %dma_wait3A_691 : memref<1x1x16xi32, #tpu.memory_space<vmem>> -> memref<16xi32, #tpu.memory_space<vmem>>
    %dma_wait3A_693 = arith.constant 0 : i32
    %dma_wait3A_694 = arith.constant 0 : i32
    %dma_wait3A_695 = tpu.memref_slice %arg4[%dma_wait3A_693, %dma_wait3A_694] : memref<1000x128xf32, #tpu.memory_space<hbm>> -> memref<1000x128xf32, #tpu.memory_space<hbm>>
    %dma_wait3A_696 = tpu.memref_slice %arg15[%dma_wait3A_685] : memref<6x!tpu.dma_semaphore, #tpu.memory_space<semaphore_mem>> -> memref<1x!tpu.dma_semaphore, #tpu.memory_space<semaphore_mem>>
    %dma_wait3A_697 = tpu.memref_squeeze %dma_wait3A_696 : memref<1x!tpu.dma_semaphore, #tpu.memory_space<semaphore_mem>> -> memref<!tpu.dma_semaphore, #tpu.memory_space<semaphore_mem>>
    tpu.wait_indirect_dma semaphore(%dma_wait3A_697 : memref<!tpu.dma_semaphore, #tpu.memory_space<semaphore_mem>>) src(%dma_wait3A_695 : memref<1000x128xf32, #tpu.memory_space<hbm>>) dst(%dma_wait3A_689 : memref<16x128xf32, #tpu.memory_space<vmem>>)
    %dma_wait3A_698 = arith.constant 15 : i32
    %dma_wait3A_699 = arith.constant 0 : i32
    %dma_wait3A_700 = arith.constant 4 : i32
    %dma_wait3A_701 = arith.constant 5 : i32
    %dma_wait3A_702 = arith.constant 0 : i32
    %dma_wait3A_703 = arith.constant 0 : i32
    %dma_wait3A_704 = tpu.memref_slice %arg10[%dma_wait3A_700, %dma_wait3A_702, %dma_wait3A_703] : memref<5x16x128xf32, #tpu.memory_space<vmem>> -> memref<1x16x128xf32, #tpu.memory_space<vmem>>
    %dma_wait3A_705 = tpu.memref_squeeze %dma_wait3A_704 : memref<1x16x128xf32, #tpu.memory_space<vmem>> -> memref<16x128xf32, #tpu.memory_space<vmem>>
    %dma_wait3A_706 = arith.constant 0 : i32
    %dma_wait3A_707 = tpu.memref_slice %arg8[%dma_wait3A_698, %dma_wait3A_699, %dma_wait3A_706] : memref<16x1x16xi32, #tpu.memory_space<vmem>> -> memref<1x1x16xi32, #tpu.memory_space<vmem>>
    %dma_wait3A_708 = tpu.memref_squeeze %dma_wait3A_707 : memref<1x1x16xi32, #tpu.memory_space<vmem>> -> memref<16xi32, #tpu.memory_space<vmem>>
    %dma_wait3A_709 = arith.constant 0 : i32
    %dma_wait3A_710 = arith.constant 0 : i32
    %dma_wait3A_711 = tpu.memref_slice %arg4[%dma_wait3A_709, %dma_wait3A_710] : memref<1000x128xf32, #tpu.memory_space<hbm>> -> memref<1000x128xf32, #tpu.memory_space<hbm>>
    %dma_wait3A_712 = tpu.memref_slice %arg15[%dma_wait3A_701] : memref<6x!tpu.dma_semaphore, #tpu.memory_space<semaphore_mem>> -> memref<1x!tpu.dma_semaphore, #tpu.memory_space<semaphore_mem>>
    %dma_wait3A_713 = tpu.memref_squeeze %dma_wait3A_712 : memref<1x!tpu.dma_semaphore, #tpu.memory_space<semaphore_mem>> -> memref<!tpu.dma_semaphore, #tpu.memory_space<semaphore_mem>>
    tpu.wait_indirect_dma semaphore(%dma_wait3A_713 : memref<!tpu.dma_semaphore, #tpu.memory_space<semaphore_mem>>) src(%dma_wait3A_711 : memref<1000x128xf32, #tpu.memory_space<hbm>>) dst(%dma_wait3A_705 : memref<16x128xf32, #tpu.memory_space<vmem>>)
    %dma_wait3A_714 = arith.constant 14 : i32
    %dma_wait3A_715 = arith.constant 0 : i32
    %dma_wait3A_716 = arith.constant 2 : i32
    %dma_wait3A_717 = arith.constant 5 : i32
    %dma_wait3A_718 = arith.constant 0 : i32
    %dma_wait3A_719 = arith.constant 0 : i32
    %dma_wait3A_720 = tpu.memref_slice %arg11[%dma_wait3A_716, %dma_wait3A_718, %dma_wait3A_719] : memref<3x16x256xf32, #tpu.memory_space<vmem>> -> memref<1x16x256xf32, #tpu.memory_space<vmem>>
    %dma_wait3A_721 = tpu.memref_squeeze %dma_wait3A_720 : memref<1x16x256xf32, #tpu.memory_space<vmem>> -> memref<16x256xf32, #tpu.memory_space<vmem>>
    %dma_wait3A_722 = arith.constant 0 : i32
    %dma_wait3A_723 = tpu.memref_slice %arg8[%dma_wait3A_714, %dma_wait3A_715, %dma_wait3A_722] : memref<16x1x16xi32, #tpu.memory_space<vmem>> -> memref<1x1x16xi32, #tpu.memory_space<vmem>>
    %dma_wait3A_724 = tpu.memref_squeeze %dma_wait3A_723 : memref<1x1x16xi32, #tpu.memory_space<vmem>> -> memref<16xi32, #tpu.memory_space<vmem>>
    %dma_wait3A_725 = arith.constant 0 : i32
    %dma_wait3A_726 = arith.constant 0 : i32
    %dma_wait3A_727 = tpu.memref_slice %arg5[%dma_wait3A_725, %dma_wait3A_726] : memref<200x256xf32, #tpu.memory_space<hbm>> -> memref<200x256xf32, #tpu.memory_space<hbm>>
    %dma_wait3A_728 = tpu.memref_slice %arg15[%dma_wait3A_717] : memref<6x!tpu.dma_semaphore, #tpu.memory_space<semaphore_mem>> -> memref<1x!tpu.dma_semaphore, #tpu.memory_space<semaphore_mem>>
    %dma_wait3A_729 = tpu.memref_squeeze %dma_wait3A_728 : memref<1x!tpu.dma_semaphore, #tpu.memory_space<semaphore_mem>> -> memref<!tpu.dma_semaphore, #tpu.memory_space<semaphore_mem>>
    tpu.wait_indirect_dma semaphore(%dma_wait3A_729 : memref<!tpu.dma_semaphore, #tpu.memory_space<semaphore_mem>>) src(%dma_wait3A_727 : memref<200x256xf32, #tpu.memory_space<hbm>>) dst(%dma_wait3A_721 : memref<16x256xf32, #tpu.memory_space<vmem>>)
    %dma_wait3A_730 = arith.constant 14 : i32
    %dma_wait3A_731 = arith.constant 0 : i32
    %dma_wait3A_732 = arith.constant 1 : i32
    %dma_wait3A_733 = arith.constant 5 : i32
    %dma_wait3A_734 = arith.constant 0 : i32
    %dma_wait3A_735 = arith.constant 0 : i32
    %dma_wait3A_736 = tpu.memref_slice %arg12[%dma_wait3A_732, %dma_wait3A_734, %dma_wait3A_735] : memref<2x16x256xf32, #tpu.memory_space<vmem>> -> memref<1x16x256xf32, #tpu.memory_space<vmem>>
    %dma_wait3A_737 = tpu.memref_squeeze %dma_wait3A_736 : memref<1x16x256xf32, #tpu.memory_space<vmem>> -> memref<16x256xf32, #tpu.memory_space<vmem>>
    %dma_wait3A_738 = arith.constant 0 : i32
    %dma_wait3A_739 = tpu.memref_slice %arg8[%dma_wait3A_730, %dma_wait3A_731, %dma_wait3A_738] : memref<16x1x16xi32, #tpu.memory_space<vmem>> -> memref<1x1x16xi32, #tpu.memory_space<vmem>>
    %dma_wait3A_740 = tpu.memref_squeeze %dma_wait3A_739 : memref<1x1x16xi32, #tpu.memory_space<vmem>> -> memref<16xi32, #tpu.memory_space<vmem>>
    %dma_wait3A_741 = arith.constant 0 : i32
    %dma_wait3A_742 = arith.constant 0 : i32
    %dma_wait3A_743 = tpu.memref_slice %arg6[%dma_wait3A_741, %dma_wait3A_742] : memref<200x256xf32, #tpu.memory_space<hbm>> -> memref<200x256xf32, #tpu.memory_space<hbm>>
    %dma_wait3A_744 = tpu.memref_slice %arg15[%dma_wait3A_733] : memref<6x!tpu.dma_semaphore, #tpu.memory_space<semaphore_mem>> -> memref<1x!tpu.dma_semaphore, #tpu.memory_space<semaphore_mem>>
    %dma_wait3A_745 = tpu.memref_squeeze %dma_wait3A_744 : memref<1x!tpu.dma_semaphore, #tpu.memory_space<semaphore_mem>> -> memref<!tpu.dma_semaphore, #tpu.memory_space<semaphore_mem>>
    tpu.wait_indirect_dma semaphore(%dma_wait3A_745 : memref<!tpu.dma_semaphore, #tpu.memory_space<semaphore_mem>>) src(%dma_wait3A_743 : memref<200x256xf32, #tpu.memory_space<hbm>>) dst(%dma_wait3A_737 : memref<16x256xf32, #tpu.memory_space<vmem>>)
    %scan3A_746 = arith.constant 0 : i32
    %scan3A_747 = arith.constant 0 : i32
    %scan3A_748 = arith.constant 16 : i32
    %scan3A_749 = arith.addi %scan3A_747, %scan3A_748 : i32
    %scan3A_750 = arith.constant 1 : i32
    scf.for %scan3A_752 = %scan3A_747 to %scan3A_749 step %scan3A_750  : i32 {
      %broadcast_in_dim3A = arith.constant 0.000000e+00 : f32
      %broadcast_in_dim3A_753 = vector.broadcast %broadcast_in_dim3A : f32 to vector<16xf32>
      %broadcast_in_dim3A_754 = arith.constant 0.000000e+00 : f32
      %broadcast_in_dim3A_755 = vector.broadcast %broadcast_in_dim3A_754 : f32 to vector<16xf32>
      %get3A = arith.constant 10 : i32
      %get3A_756 = arith.index_cast %get3A : i32 to index
      %get3A_757 = arith.index_cast %scan3A_752 : i32 to index
      %get3A_758 = arith.constant 0 : index
      %get3A_759 = tpu.vector_load %arg9[%get3A_756, %get3A_757, %get3A_758] {strides = array<i32>} : memref<12x16x256xf32, #tpu.memory_space<vmem>>, vector<1x1x16xf32>,
      %get3A_760 = vector.shape_cast %get3A_759 : vector<1x1x16xf32> to vector<16xf32>
      %get3A_761 = arith.constant 4 : i32
      %get3A_762 = arith.index_cast %get3A_761 : i32 to index
      %get3A_763 = arith.index_cast %scan3A_752 : i32 to index
      %get3A_764 = arith.constant 0 : index
      %get3A_765 = tpu.vector_load %arg10[%get3A_762, %get3A_763, %get3A_764] {strides = array<i32>} : memref<5x16x128xf32, #tpu.memory_space<vmem>>, vector<1x1x16xf32>,
      %get3A_766 = vector.shape_cast %get3A_765 : vector<1x1x16xf32> to vector<16xf32>
      %add3A_767 = arith.addf %get3A_760, %get3A_766 : vector<16xf32>
      %get3A_768 = arith.constant 10 : i32
      %get3A_769 = arith.index_cast %get3A_768 : i32 to index
      %get3A_770 = arith.index_cast %scan3A_752 : i32 to index
      %get3A_771 = arith.constant 128 : index
      %get3A_772 = tpu.vector_load %arg9[%get3A_769, %get3A_770, %get3A_771] {strides = array<i32>} : memref<12x16x256xf32, #tpu.memory_space<vmem>>, vector<1x1x16xf32>,
      %get3A_773 = vector.shape_cast %get3A_772 : vector<1x1x16xf32> to vector<16xf32>
      %abs3A = math.absf %get3A_773 : vector<16xf32>
      %get3A_774 = arith.constant 2 : i32
      %get3A_775 = arith.index_cast %get3A_774 : i32 to index
      %get3A_776 = arith.index_cast %scan3A_752 : i32 to index
      %get3A_777 = arith.constant 0 : index
      %get3A_778 = tpu.vector_load %arg11[%get3A_775, %get3A_776, %get3A_777] {strides = array<i32>} : memref<3x16x256xf32, #tpu.memory_space<vmem>>, vector<1x1x16xf32>,
      %get3A_779 = vector.shape_cast %get3A_778 : vector<1x1x16xf32> to vector<16xf32>
      %get3A_780 = arith.constant 2 : i32
      %get3A_781 = arith.index_cast %get3A_780 : i32 to index
      %get3A_782 = arith.index_cast %scan3A_752 : i32 to index
      %get3A_783 = arith.constant 128 : index
      %get3A_784 = tpu.vector_load %arg11[%get3A_781, %get3A_782, %get3A_783] {strides = array<i32>} : memref<3x16x256xf32, #tpu.memory_space<vmem>>, vector<1x1x16xf32>,
      %get3A_785 = vector.shape_cast %get3A_784 : vector<1x1x16xf32> to vector<16xf32>
      %abs3A_786 = math.absf %get3A_785 : vector<16xf32>
      %sub3A = arith.subf %add3A_767, %get3A_779 : vector<16xf32>
      %abs3A_787 = math.absf %sub3A : vector<16xf32>
      %sub3A_788 = arith.subf %abs3A_787, %abs3A : vector<16xf32>
      %sub3A_789 = arith.subf %sub3A_788, %abs3A_786 : vector<16xf32>
      %max3A = arith.constant 0.000000e+00 : f32
      %max3A_790 = vector.broadcast %max3A : f32 to vector<16xf32>
      %max3A_791 = arith.maximumf %sub3A_789, %max3A_790 : vector<16xf32>
      %mul3A_792 = arith.mulf %max3A_791, %max3A_791 : vector<16xf32>
      %add3A_793 = arith.addf %broadcast_in_dim3A_753, %mul3A_792 : vector<16xf32>
      %get3A_794 = arith.constant 11 : i32
      %get3A_795 = arith.index_cast %get3A_794 : i32 to index
      %get3A_796 = arith.index_cast %scan3A_752 : i32 to index
      %get3A_797 = arith.constant 0 : index
      %get3A_798 = tpu.vector_load %arg9[%get3A_795, %get3A_796, %get3A_797] {strides = array<i32>} : memref<12x16x256xf32, #tpu.memory_space<vmem>>, vector<1x1x16xf32>,
      %get3A_799 = vector.shape_cast %get3A_798 : vector<1x1x16xf32> to vector<16xf32>
      %get3A_800 = arith.constant 3 : i32
      %get3A_801 = arith.index_cast %get3A_800 : i32 to index
      %get3A_802 = arith.index_cast %scan3A_752 : i32 to index
      %get3A_803 = arith.constant 0 : index
      %get3A_804 = tpu.vector_load %arg10[%get3A_801, %get3A_802, %get3A_803] {strides = array<i32>} : memref<5x16x128xf32, #tpu.memory_space<vmem>>, vector<1x1x16xf32>,
      %get3A_805 = vector.shape_cast %get3A_804 : vector<1x1x16xf32> to vector<16xf32>
      %add3A_806 = arith.addf %get3A_799, %get3A_805 : vector<16xf32>
      %get3A_807 = arith.constant 11 : i32
      %get3A_808 = arith.index_cast %get3A_807 : i32 to index
      %get3A_809 = arith.index_cast %scan3A_752 : i32 to index
      %get3A_810 = arith.constant 128 : index
      %get3A_811 = tpu.vector_load %arg9[%get3A_808, %get3A_809, %get3A_810] {strides = array<i32>} : memref<12x16x256xf32, #tpu.memory_space<vmem>>, vector<1x1x16xf32>,
      %get3A_812 = vector.shape_cast %get3A_811 : vector<1x1x16xf32> to vector<16xf32>
      %abs3A_813 = math.absf %get3A_812 : vector<16xf32>
      %get3A_814 = arith.constant 1 : i32
      %get3A_815 = arith.index_cast %get3A_814 : i32 to index
      %get3A_816 = arith.index_cast %scan3A_752 : i32 to index
      %get3A_817 = arith.constant 0 : index
      %get3A_818 = tpu.vector_load %arg12[%get3A_815, %get3A_816, %get3A_817] {strides = array<i32>} : memref<2x16x256xf32, #tpu.memory_space<vmem>>, vector<1x1x16xf32>,
      %get3A_819 = vector.shape_cast %get3A_818 : vector<1x1x16xf32> to vector<16xf32>
      %get3A_820 = arith.constant 1 : i32
      %get3A_821 = arith.index_cast %get3A_820 : i32 to index
      %get3A_822 = arith.index_cast %scan3A_752 : i32 to index
      %get3A_823 = arith.constant 128 : index
      %get3A_824 = tpu.vector_load %arg12[%get3A_821, %get3A_822, %get3A_823] {strides = array<i32>} : memref<2x16x256xf32, #tpu.memory_space<vmem>>, vector<1x1x16xf32>,
      %get3A_825 = vector.shape_cast %get3A_824 : vector<1x1x16xf32> to vector<16xf32>
      %abs3A_826 = math.absf %get3A_825 : vector<16xf32>
      %sub3A_827 = arith.subf %add3A_806, %get3A_819 : vector<16xf32>
      %abs3A_828 = math.absf %sub3A_827 : vector<16xf32>
      %sub3A_829 = arith.subf %abs3A_828, %abs3A_813 : vector<16xf32>
      %sub3A_830 = arith.subf %sub3A_829, %abs3A_826 : vector<16xf32>
      %max3A_831 = arith.constant 0.000000e+00 : f32
      %max3A_832 = vector.broadcast %max3A_831 : f32 to vector<16xf32>
      %max3A_833 = arith.maximumf %sub3A_830, %max3A_832 : vector<16xf32>
      %mul3A_834 = arith.mulf %max3A_833, %max3A_833 : vector<16xf32>
      %add3A_835 = arith.addf %broadcast_in_dim3A_755, %mul3A_834 : vector<16xf32>
      %get3A_836 = arith.constant 10 : i32
      %get3A_837 = arith.index_cast %get3A_836 : i32 to index
      %get3A_838 = arith.index_cast %scan3A_752 : i32 to index
      %get3A_839 = arith.constant 16 : index
      %get3A_840 = tpu.vector_load %arg9[%get3A_837, %get3A_838, %get3A_839] {strides = array<i32>} : memref<12x16x256xf32, #tpu.memory_space<vmem>>, vector<1x1x16xf32>,
      %get3A_841 = vector.shape_cast %get3A_840 : vector<1x1x16xf32> to vector<16xf32>
      %get3A_842 = arith.constant 4 : i32
      %get3A_843 = arith.index_cast %get3A_842 : i32 to index
      %get3A_844 = arith.index_cast %scan3A_752 : i32 to index
      %get3A_845 = arith.constant 16 : index
      %get3A_846 = tpu.vector_load %arg10[%get3A_843, %get3A_844, %get3A_845] {strides = array<i32>} : memref<5x16x128xf32, #tpu.memory_space<vmem>>, vector<1x1x16xf32>,
      %get3A_847 = vector.shape_cast %get3A_846 : vector<1x1x16xf32> to vector<16xf32>
      %add3A_848 = arith.addf %get3A_841, %get3A_847 : vector<16xf32>
      %get3A_849 = arith.constant 10 : i32
      %get3A_850 = arith.index_cast %get3A_849 : i32 to index
      %get3A_851 = arith.index_cast %scan3A_752 : i32 to index
      %get3A_852 = arith.constant 144 : index
      %get3A_853 = tpu.vector_load %arg9[%get3A_850, %get3A_851, %get3A_852] {strides = array<i32>} : memref<12x16x256xf32, #tpu.memory_space<vmem>>, vector<1x1x16xf32>,
      %get3A_854 = vector.shape_cast %get3A_853 : vector<1x1x16xf32> to vector<16xf32>
      %abs3A_855 = math.absf %get3A_854 : vector<16xf32>
      %get3A_856 = arith.constant 2 : i32
      %get3A_857 = arith.index_cast %get3A_856 : i32 to index
      %get3A_858 = arith.index_cast %scan3A_752 : i32 to index
      %get3A_859 = arith.constant 16 : index
      %get3A_860 = tpu.vector_load %arg11[%get3A_857, %get3A_858, %get3A_859] {strides = array<i32>} : memref<3x16x256xf32, #tpu.memory_space<vmem>>, vector<1x1x16xf32>,
      %get3A_861 = vector.shape_cast %get3A_860 : vector<1x1x16xf32> to vector<16xf32>
      %get3A_862 = arith.constant 2 : i32
      %get3A_863 = arith.index_cast %get3A_862 : i32 to index
      %get3A_864 = arith.index_cast %scan3A_752 : i32 to index
      %get3A_865 = arith.constant 144 : index
      %get3A_866 = tpu.vector_load %arg11[%get3A_863, %get3A_864, %get3A_865] {strides = array<i32>} : memref<3x16x256xf32, #tpu.memory_space<vmem>>, vector<1x1x16xf32>,
      %get3A_867 = vector.shape_cast %get3A_866 : vector<1x1x16xf32> to vector<16xf32>
      %abs3A_868 = math.absf %get3A_867 : vector<16xf32>
      %sub3A_869 = arith.subf %add3A_848, %get3A_861 : vector<16xf32>
      %abs3A_870 = math.absf %sub3A_869 : vector<16xf32>
      %sub3A_871 = arith.subf %abs3A_870, %abs3A_855 : vector<16xf32>
      %sub3A_872 = arith.subf %sub3A_871, %abs3A_868 : vector<16xf32>
      %max3A_873 = arith.constant 0.000000e+00 : f32
      %max3A_874 = vector.broadcast %max3A_873 : f32 to vector<16xf32>
      %max3A_875 = arith.maximumf %sub3A_872, %max3A_874 : vector<16xf32>
      %mul3A_876 = arith.mulf %max3A_875, %max3A_875 : vector<16xf32>
      %add3A_877 = arith.addf %add3A_793, %mul3A_876 : vector<16xf32>
      %get3A_878 = arith.constant 11 : i32
      %get3A_879 = arith.index_cast %get3A_878 : i32 to index
      %get3A_880 = arith.index_cast %scan3A_752 : i32 to index
      %get3A_881 = arith.constant 16 : index
      %get3A_882 = tpu.vector_load %arg9[%get3A_879, %get3A_880, %get3A_881] {strides = array<i32>} : memref<12x16x256xf32, #tpu.memory_space<vmem>>, vector<1x1x16xf32>,
      %get3A_883 = vector.shape_cast %get3A_882 : vector<1x1x16xf32> to vector<16xf32>
      %get3A_884 = arith.constant 3 : i32
      %get3A_885 = arith.index_cast %get3A_884 : i32 to index
      %get3A_886 = arith.index_cast %scan3A_752 : i32 to index
      %get3A_887 = arith.constant 16 : index
      %get3A_888 = tpu.vector_load %arg10[%get3A_885, %get3A_886, %get3A_887] {strides = array<i32>} : memref<5x16x128xf32, #tpu.memory_space<vmem>>, vector<1x1x16xf32>,
      %get3A_889 = vector.shape_cast %get3A_888 : vector<1x1x16xf32> to vector<16xf32>
      %add3A_890 = arith.addf %get3A_883, %get3A_889 : vector<16xf32>
      %get3A_891 = arith.constant 11 : i32
      %get3A_892 = arith.index_cast %get3A_891 : i32 to index
      %get3A_893 = arith.index_cast %scan3A_752 : i32 to index
      %get3A_894 = arith.constant 144 : index
      %get3A_895 = tpu.vector_load %arg9[%get3A_892, %get3A_893, %get3A_894] {strides = array<i32>} : memref<12x16x256xf32, #tpu.memory_space<vmem>>, vector<1x1x16xf32>,
      %get3A_896 = vector.shape_cast %get3A_895 : vector<1x1x16xf32> to vector<16xf32>
      %abs3A_897 = math.absf %get3A_896 : vector<16xf32>
      %get3A_898 = arith.constant 1 : i32
      %get3A_899 = arith.index_cast %get3A_898 : i32 to index
      %get3A_900 = arith.index_cast %scan3A_752 : i32 to index
      %get3A_901 = arith.constant 16 : index
      %get3A_902 = tpu.vector_load %arg12[%get3A_899, %get3A_900, %get3A_901] {strides = array<i32>} : memref<2x16x256xf32, #tpu.memory_space<vmem>>, vector<1x1x16xf32>,
      %get3A_903 = vector.shape_cast %get3A_902 : vector<1x1x16xf32> to vector<16xf32>
      %get3A_904 = arith.constant 1 : i32
      %get3A_905 = arith.index_cast %get3A_904 : i32 to index
      %get3A_906 = arith.index_cast %scan3A_752 : i32 to index
      %get3A_907 = arith.constant 144 : index
      %get3A_908 = tpu.vector_load %arg12[%get3A_905, %get3A_906, %get3A_907] {strides = array<i32>} : memref<2x16x256xf32, #tpu.memory_space<vmem>>, vector<1x1x16xf32>,
      %get3A_909 = vector.shape_cast %get3A_908 : vector<1x1x16xf32> to vector<16xf32>
      %abs3A_910 = math.absf %get3A_909 : vector<16xf32>
      %sub3A_911 = arith.subf %add3A_890, %get3A_903 : vector<16xf32>
      %abs3A_912 = math.absf %sub3A_911 : vector<16xf32>
      %sub3A_913 = arith.subf %abs3A_912, %abs3A_897 : vector<16xf32>
      %sub3A_914 = arith.subf %sub3A_913, %abs3A_910 : vector<16xf32>
      %max3A_915 = arith.constant 0.000000e+00 : f32
      %max3A_916 = vector.broadcast %max3A_915 : f32 to vector<16xf32>
      %max3A_917 = arith.maximumf %sub3A_914, %max3A_916 : vector<16xf32>
      %mul3A_918 = arith.mulf %max3A_917, %max3A_917 : vector<16xf32>
      %add3A_919 = arith.addf %add3A_835, %mul3A_918 : vector<16xf32>
      %get3A_920 = arith.constant 10 : i32
      %get3A_921 = arith.index_cast %get3A_920 : i32 to index
      %get3A_922 = arith.index_cast %scan3A_752 : i32 to index
      %get3A_923 = arith.constant 32 : index
      %get3A_924 = tpu.vector_load %arg9[%get3A_921, %get3A_922, %get3A_923] {strides = array<i32>} : memref<12x16x256xf32, #tpu.memory_space<vmem>>, vector<1x1x16xf32>,
      %get3A_925 = vector.shape_cast %get3A_924 : vector<1x1x16xf32> to vector<16xf32>
      %get3A_926 = arith.constant 4 : i32
      %get3A_927 = arith.index_cast %get3A_926 : i32 to index
      %get3A_928 = arith.index_cast %scan3A_752 : i32 to index
      %get3A_929 = arith.constant 32 : index
      %get3A_930 = tpu.vector_load %arg10[%get3A_927, %get3A_928, %get3A_929] {strides = array<i32>} : memref<5x16x128xf32, #tpu.memory_space<vmem>>, vector<1x1x16xf32>,
      %get3A_931 = vector.shape_cast %get3A_930 : vector<1x1x16xf32> to vector<16xf32>
      %add3A_932 = arith.addf %get3A_925, %get3A_931 : vector<16xf32>
      %get3A_933 = arith.constant 10 : i32
      %get3A_934 = arith.index_cast %get3A_933 : i32 to index
      %get3A_935 = arith.index_cast %scan3A_752 : i32 to index
      %get3A_936 = arith.constant 160 : index
      %get3A_937 = tpu.vector_load %arg9[%get3A_934, %get3A_935, %get3A_936] {strides = array<i32>} : memref<12x16x256xf32, #tpu.memory_space<vmem>>, vector<1x1x16xf32>,
      %get3A_938 = vector.shape_cast %get3A_937 : vector<1x1x16xf32> to vector<16xf32>
      %abs3A_939 = math.absf %get3A_938 : vector<16xf32>
      %get3A_940 = arith.constant 2 : i32
      %get3A_941 = arith.index_cast %get3A_940 : i32 to index
      %get3A_942 = arith.index_cast %scan3A_752 : i32 to index
      %get3A_943 = arith.constant 32 : index
      %get3A_944 = tpu.vector_load %arg11[%get3A_941, %get3A_942, %get3A_943] {strides = array<i32>} : memref<3x16x256xf32, #tpu.memory_space<vmem>>, vector<1x1x16xf32>,
      %get3A_945 = vector.shape_cast %get3A_944 : vector<1x1x16xf32> to vector<16xf32>
      %get3A_946 = arith.constant 2 : i32
      %get3A_947 = arith.index_cast %get3A_946 : i32 to index
      %get3A_948 = arith.index_cast %scan3A_752 : i32 to index
      %get3A_949 = arith.constant 160 : index
      %get3A_950 = tpu.vector_load %arg11[%get3A_947, %get3A_948, %get3A_949] {strides = array<i32>} : memref<3x16x256xf32, #tpu.memory_space<vmem>>, vector<1x1x16xf32>,
      %get3A_951 = vector.shape_cast %get3A_950 : vector<1x1x16xf32> to vector<16xf32>
      %abs3A_952 = math.absf %get3A_951 : vector<16xf32>
      %sub3A_953 = arith.subf %add3A_932, %get3A_945 : vector<16xf32>
      %abs3A_954 = math.absf %sub3A_953 : vector<16xf32>
      %sub3A_955 = arith.subf %abs3A_954, %abs3A_939 : vector<16xf32>
      %sub3A_956 = arith.subf %sub3A_955, %abs3A_952 : vector<16xf32>
      %max3A_957 = arith.constant 0.000000e+00 : f32
      %max3A_958 = vector.broadcast %max3A_957 : f32 to vector<16xf32>
      %max3A_959 = arith.maximumf %sub3A_956, %max3A_958 : vector<16xf32>
      %mul3A_960 = arith.mulf %max3A_959, %max3A_959 : vector<16xf32>
      %add3A_961 = arith.addf %add3A_877, %mul3A_960 : vector<16xf32>
      %get3A_962 = arith.constant 11 : i32
      %get3A_963 = arith.index_cast %get3A_962 : i32 to index
      %get3A_964 = arith.index_cast %scan3A_752 : i32 to index
      %get3A_965 = arith.constant 32 : index
      %get3A_966 = tpu.vector_load %arg9[%get3A_963, %get3A_964, %get3A_965] {strides = array<i32>} : memref<12x16x256xf32, #tpu.memory_space<vmem>>, vector<1x1x16xf32>,
      %get3A_967 = vector.shape_cast %get3A_966 : vector<1x1x16xf32> to vector<16xf32>
      %get3A_968 = arith.constant 3 : i32
      %get3A_969 = arith.index_cast %get3A_968 : i32 to index
      %get3A_970 = arith.index_cast %scan3A_752 : i32 to index
      %get3A_971 = arith.constant 32 : index
      %get3A_972 = tpu.vector_load %arg10[%get3A_969, %get3A_970, %get3A_971] {strides = array<i32>} : memref<5x16x128xf32, #tpu.memory_space<vmem>>, vector<1x1x16xf32>,
      %get3A_973 = vector.shape_cast %get3A_972 : vector<1x1x16xf32> to vector<16xf32>
      %add3A_974 = arith.addf %get3A_967, %get3A_973 : vector<16xf32>
      %get3A_975 = arith.constant 11 : i32
      %get3A_976 = arith.index_cast %get3A_975 : i32 to index
      %get3A_977 = arith.index_cast %scan3A_752 : i32 to index
      %get3A_978 = arith.constant 160 : index
      %get3A_979 = tpu.vector_load %arg9[%get3A_976, %get3A_977, %get3A_978] {strides = array<i32>} : memref<12x16x256xf32, #tpu.memory_space<vmem>>, vector<1x1x16xf32>,
      %get3A_980 = vector.shape_cast %get3A_979 : vector<1x1x16xf32> to vector<16xf32>
      %abs3A_981 = math.absf %get3A_980 : vector<16xf32>
      %get3A_982 = arith.constant 1 : i32
      %get3A_983 = arith.index_cast %get3A_982 : i32 to index
      %get3A_984 = arith.index_cast %scan3A_752 : i32 to index
      %get3A_985 = arith.constant 32 : index
      %get3A_986 = tpu.vector_load %arg12[%get3A_983, %get3A_984, %get3A_985] {strides = array<i32>} : memref<2x16x256xf32, #tpu.memory_space<vmem>>, vector<1x1x16xf32>,
      %get3A_987 = vector.shape_cast %get3A_986 : vector<1x1x16xf32> to vector<16xf32>
      %get3A_988 = arith.constant 1 : i32
      %get3A_989 = arith.index_cast %get3A_988 : i32 to index
      %get3A_990 = arith.index_cast %scan3A_752 : i32 to index
      %get3A_991 = arith.constant 160 : index
      %get3A_992 = tpu.vector_load %arg12[%get3A_989, %get3A_990, %get3A_991] {strides = array<i32>} : memref<2x16x256xf32, #tpu.memory_space<vmem>>, vector<1x1x16xf32>,
      %get3A_993 = vector.shape_cast %get3A_992 : vector<1x1x16xf32> to vector<16xf32>
      %abs3A_994 = math.absf %get3A_993 : vector<16xf32>
      %sub3A_995 = arith.subf %add3A_974, %get3A_987 : vector<16xf32>
      %abs3A_996 = math.absf %sub3A_995 : vector<16xf32>
      %sub3A_997 = arith.subf %abs3A_996, %abs3A_981 : vector<16xf32>
      %sub3A_998 = arith.subf %sub3A_997, %abs3A_994 : vector<16xf32>
      %max3A_999 = arith.constant 0.000000e+00 : f32
      %max3A_1000 = vector.broadcast %max3A_999 : f32 to vector<16xf32>
      %max3A_1001 = arith.maximumf %sub3A_998, %max3A_1000 : vector<16xf32>
      %mul3A_1002 = arith.mulf %max3A_1001, %max3A_1001 : vector<16xf32>
      %add3A_1003 = arith.addf %add3A_919, %mul3A_1002 : vector<16xf32>
      %get3A_1004 = arith.constant 10 : i32
      %get3A_1005 = arith.index_cast %get3A_1004 : i32 to index
      %get3A_1006 = arith.index_cast %scan3A_752 : i32 to index
      %get3A_1007 = arith.constant 48 : index
      %get3A_1008 = tpu.vector_load %arg9[%get3A_1005, %get3A_1006, %get3A_1007] {strides = array<i32>} : memref<12x16x256xf32, #tpu.memory_space<vmem>>, vector<1x1x16xf32>,
      %get3A_1009 = vector.shape_cast %get3A_1008 : vector<1x1x16xf32> to vector<16xf32>
      %get3A_1010 = arith.constant 4 : i32
      %get3A_1011 = arith.index_cast %get3A_1010 : i32 to index
      %get3A_1012 = arith.index_cast %scan3A_752 : i32 to index
      %get3A_1013 = arith.constant 48 : index
      %get3A_1014 = tpu.vector_load %arg10[%get3A_1011, %get3A_1012, %get3A_1013] {strides = array<i32>} : memref<5x16x128xf32, #tpu.memory_space<vmem>>, vector<1x1x16xf32>,
      %get3A_1015 = vector.shape_cast %get3A_1014 : vector<1x1x16xf32> to vector<16xf32>
      %add3A_1016 = arith.addf %get3A_1009, %get3A_1015 : vector<16xf32>
      %get3A_1017 = arith.constant 10 : i32
      %get3A_1018 = arith.index_cast %get3A_1017 : i32 to index
      %get3A_1019 = arith.index_cast %scan3A_752 : i32 to index
      %get3A_1020 = arith.constant 176 : index
      %get3A_1021 = tpu.vector_load %arg9[%get3A_1018, %get3A_1019, %get3A_1020] {strides = array<i32>} : memref<12x16x256xf32, #tpu.memory_space<vmem>>, vector<1x1x16xf32>,
      %get3A_1022 = vector.shape_cast %get3A_1021 : vector<1x1x16xf32> to vector<16xf32>
      %abs3A_1023 = math.absf %get3A_1022 : vector<16xf32>
      %get3A_1024 = arith.constant 2 : i32
      %get3A_1025 = arith.index_cast %get3A_1024 : i32 to index
      %get3A_1026 = arith.index_cast %scan3A_752 : i32 to index
      %get3A_1027 = arith.constant 48 : index
      %get3A_1028 = tpu.vector_load %arg11[%get3A_1025, %get3A_1026, %get3A_1027] {strides = array<i32>} : memref<3x16x256xf32, #tpu.memory_space<vmem>>, vector<1x1x16xf32>,
      %get3A_1029 = vector.shape_cast %get3A_1028 : vector<1x1x16xf32> to vector<16xf32>
      %get3A_1030 = arith.constant 2 : i32
      %get3A_1031 = arith.index_cast %get3A_1030 : i32 to index
      %get3A_1032 = arith.index_cast %scan3A_752 : i32 to index
      %get3A_1033 = arith.constant 176 : index
      %get3A_1034 = tpu.vector_load %arg11[%get3A_1031, %get3A_1032, %get3A_1033] {strides = array<i32>} : memref<3x16x256xf32, #tpu.memory_space<vmem>>, vector<1x1x16xf32>,
      %get3A_1035 = vector.shape_cast %get3A_1034 : vector<1x1x16xf32> to vector<16xf32>
      %abs3A_1036 = math.absf %get3A_1035 : vector<16xf32>
      %sub3A_1037 = arith.subf %add3A_1016, %get3A_1029 : vector<16xf32>
      %abs3A_1038 = math.absf %sub3A_1037 : vector<16xf32>
      %sub3A_1039 = arith.subf %abs3A_1038, %abs3A_1023 : vector<16xf32>
      %sub3A_1040 = arith.subf %sub3A_1039, %abs3A_1036 : vector<16xf32>
      %max3A_1041 = arith.constant 0.000000e+00 : f32
      %max3A_1042 = vector.broadcast %max3A_1041 : f32 to vector<16xf32>
      %max3A_1043 = arith.maximumf %sub3A_1040, %max3A_1042 : vector<16xf32>
      %mul3A_1044 = arith.mulf %max3A_1043, %max3A_1043 : vector<16xf32>
      %add3A_1045 = arith.addf %add3A_961, %mul3A_1044 : vector<16xf32>
      %get3A_1046 = arith.constant 11 : i32
      %get3A_1047 = arith.index_cast %get3A_1046 : i32 to index
      %get3A_1048 = arith.index_cast %scan3A_752 : i32 to index
      %get3A_1049 = arith.constant 48 : index
      %get3A_1050 = tpu.vector_load %arg9[%get3A_1047, %get3A_1048, %get3A_1049] {strides = array<i32>} : memref<12x16x256xf32, #tpu.memory_space<vmem>>, vector<1x1x16xf32>,
      %get3A_1051 = vector.shape_cast %get3A_1050 : vector<1x1x16xf32> to vector<16xf32>
      %get3A_1052 = arith.constant 3 : i32
      %get3A_1053 = arith.index_cast %get3A_1052 : i32 to index
      %get3A_1054 = arith.index_cast %scan3A_752 : i32 to index
      %get3A_1055 = arith.constant 48 : index
      %get3A_1056 = tpu.vector_load %arg10[%get3A_1053, %get3A_1054, %get3A_1055] {strides = array<i32>} : memref<5x16x128xf32, #tpu.memory_space<vmem>>, vector<1x1x16xf32>,
      %get3A_1057 = vector.shape_cast %get3A_1056 : vector<1x1x16xf32> to vector<16xf32>
      %add3A_1058 = arith.addf %get3A_1051, %get3A_1057 : vector<16xf32>
      %get3A_1059 = arith.constant 11 : i32
      %get3A_1060 = arith.index_cast %get3A_1059 : i32 to index
      %get3A_1061 = arith.index_cast %scan3A_752 : i32 to index
      %get3A_1062 = arith.constant 176 : index
      %get3A_1063 = tpu.vector_load %arg9[%get3A_1060, %get3A_1061, %get3A_1062] {strides = array<i32>} : memref<12x16x256xf32, #tpu.memory_space<vmem>>, vector<1x1x16xf32>,
      %get3A_1064 = vector.shape_cast %get3A_1063 : vector<1x1x16xf32> to vector<16xf32>
      %abs3A_1065 = math.absf %get3A_1064 : vector<16xf32>
      %get3A_1066 = arith.constant 1 : i32
      %get3A_1067 = arith.index_cast %get3A_1066 : i32 to index
      %get3A_1068 = arith.index_cast %scan3A_752 : i32 to index
      %get3A_1069 = arith.constant 48 : index
      %get3A_1070 = tpu.vector_load %arg12[%get3A_1067, %get3A_1068, %get3A_1069] {strides = array<i32>} : memref<2x16x256xf32, #tpu.memory_space<vmem>>, vector<1x1x16xf32>,
      %get3A_1071 = vector.shape_cast %get3A_1070 : vector<1x1x16xf32> to vector<16xf32>
      %get3A_1072 = arith.constant 1 : i32
      %get3A_1073 = arith.index_cast %get3A_1072 : i32 to index
      %get3A_1074 = arith.index_cast %scan3A_752 : i32 to index
      %get3A_1075 = arith.constant 176 : index
      %get3A_1076 = tpu.vector_load %arg12[%get3A_1073, %get3A_1074, %get3A_1075] {strides = array<i32>} : memref<2x16x256xf32, #tpu.memory_space<vmem>>, vector<1x1x16xf32>,
      %get3A_1077 = vector.shape_cast %get3A_1076 : vector<1x1x16xf32> to vector<16xf32>
      %abs3A_1078 = math.absf %get3A_1077 : vector<16xf32>
      %sub3A_1079 = arith.subf %add3A_1058, %get3A_1071 : vector<16xf32>
      %abs3A_1080 = math.absf %sub3A_1079 : vector<16xf32>
      %sub3A_1081 = arith.subf %abs3A_1080, %abs3A_1065 : vector<16xf32>
      %sub3A_1082 = arith.subf %sub3A_1081, %abs3A_1078 : vector<16xf32>
      %max3A_1083 = arith.constant 0.000000e+00 : f32
      %max3A_1084 = vector.broadcast %max3A_1083 : f32 to vector<16xf32>
      %max3A_1085 = arith.maximumf %sub3A_1082, %max3A_1084 : vector<16xf32>
      %mul3A_1086 = arith.mulf %max3A_1085, %max3A_1085 : vector<16xf32>
      %add3A_1087 = arith.addf %add3A_1003, %mul3A_1086 : vector<16xf32>
      %get3A_1088 = arith.constant 10 : i32
      %get3A_1089 = arith.index_cast %get3A_1088 : i32 to index
      %get3A_1090 = arith.index_cast %scan3A_752 : i32 to index
      %get3A_1091 = arith.constant 64 : index
      %get3A_1092 = tpu.vector_load %arg9[%get3A_1089, %get3A_1090, %get3A_1091] {strides = array<i32>} : memref<12x16x256xf32, #tpu.memory_space<vmem>>, vector<1x1x16xf32>,
      %get3A_1093 = vector.shape_cast %get3A_1092 : vector<1x1x16xf32> to vector<16xf32>
      %get3A_1094 = arith.constant 4 : i32
      %get3A_1095 = arith.index_cast %get3A_1094 : i32 to index
      %get3A_1096 = arith.index_cast %scan3A_752 : i32 to index
      %get3A_1097 = arith.constant 64 : index
      %get3A_1098 = tpu.vector_load %arg10[%get3A_1095, %get3A_1096, %get3A_1097] {strides = array<i32>} : memref<5x16x128xf32, #tpu.memory_space<vmem>>, vector<1x1x16xf32>,
      %get3A_1099 = vector.shape_cast %get3A_1098 : vector<1x1x16xf32> to vector<16xf32>
      %add3A_1100 = arith.addf %get3A_1093, %get3A_1099 : vector<16xf32>
      %get3A_1101 = arith.constant 10 : i32
      %get3A_1102 = arith.index_cast %get3A_1101 : i32 to index
      %get3A_1103 = arith.index_cast %scan3A_752 : i32 to index
      %get3A_1104 = arith.constant 192 : index
      %get3A_1105 = tpu.vector_load %arg9[%get3A_1102, %get3A_1103, %get3A_1104] {strides = array<i32>} : memref<12x16x256xf32, #tpu.memory_space<vmem>>, vector<1x1x16xf32>,
      %get3A_1106 = vector.shape_cast %get3A_1105 : vector<1x1x16xf32> to vector<16xf32>
      %abs3A_1107 = math.absf %get3A_1106 : vector<16xf32>
      %get3A_1108 = arith.constant 2 : i32
      %get3A_1109 = arith.index_cast %get3A_1108 : i32 to index
      %get3A_1110 = arith.index_cast %scan3A_752 : i32 to index
      %get3A_1111 = arith.constant 64 : index
      %get3A_1112 = tpu.vector_load %arg11[%get3A_1109, %get3A_1110, %get3A_1111] {strides = array<i32>} : memref<3x16x256xf32, #tpu.memory_space<vmem>>, vector<1x1x16xf32>,
      %get3A_1113 = vector.shape_cast %get3A_1112 : vector<1x1x16xf32> to vector<16xf32>
      %get3A_1114 = arith.constant 2 : i32
      %get3A_1115 = arith.index_cast %get3A_1114 : i32 to index
      %get3A_1116 = arith.index_cast %scan3A_752 : i32 to index
      %get3A_1117 = arith.constant 192 : index
      %get3A_1118 = tpu.vector_load %arg11[%get3A_1115, %get3A_1116, %get3A_1117] {strides = array<i32>} : memref<3x16x256xf32, #tpu.memory_space<vmem>>, vector<1x1x16xf32>,
      %get3A_1119 = vector.shape_cast %get3A_1118 : vector<1x1x16xf32> to vector<16xf32>
      %abs3A_1120 = math.absf %get3A_1119 : vector<16xf32>
      %sub3A_1121 = arith.subf %add3A_1100, %get3A_1113 : vector<16xf32>
      %abs3A_1122 = math.absf %sub3A_1121 : vector<16xf32>
      %sub3A_1123 = arith.subf %abs3A_1122, %abs3A_1107 : vector<16xf32>
      %sub3A_1124 = arith.subf %sub3A_1123, %abs3A_1120 : vector<16xf32>
      %max3A_1125 = arith.constant 0.000000e+00 : f32
      %max3A_1126 = vector.broadcast %max3A_1125 : f32 to vector<16xf32>
      %max3A_1127 = arith.maximumf %sub3A_1124, %max3A_1126 : vector<16xf32>
      %mul3A_1128 = arith.mulf %max3A_1127, %max3A_1127 : vector<16xf32>
      %add3A_1129 = arith.addf %add3A_1045, %mul3A_1128 : vector<16xf32>
      %get3A_1130 = arith.constant 11 : i32
      %get3A_1131 = arith.index_cast %get3A_1130 : i32 to index
      %get3A_1132 = arith.index_cast %scan3A_752 : i32 to index
      %get3A_1133 = arith.constant 64 : index
      %get3A_1134 = tpu.vector_load %arg9[%get3A_1131, %get3A_1132, %get3A_1133] {strides = array<i32>} : memref<12x16x256xf32, #tpu.memory_space<vmem>>, vector<1x1x16xf32>,
      %get3A_1135 = vector.shape_cast %get3A_1134 : vector<1x1x16xf32> to vector<16xf32>
      %get3A_1136 = arith.constant 3 : i32
      %get3A_1137 = arith.index_cast %get3A_1136 : i32 to index
      %get3A_1138 = arith.index_cast %scan3A_752 : i32 to index
      %get3A_1139 = arith.constant 64 : index
      %get3A_1140 = tpu.vector_load %arg10[%get3A_1137, %get3A_1138, %get3A_1139] {strides = array<i32>} : memref<5x16x128xf32, #tpu.memory_space<vmem>>, vector<1x1x16xf32>,
      %get3A_1141 = vector.shape_cast %get3A_1140 : vector<1x1x16xf32> to vector<16xf32>
      %add3A_1142 = arith.addf %get3A_1135, %get3A_1141 : vector<16xf32>
      %get3A_1143 = arith.constant 11 : i32
      %get3A_1144 = arith.index_cast %get3A_1143 : i32 to index
      %get3A_1145 = arith.index_cast %scan3A_752 : i32 to index
      %get3A_1146 = arith.constant 192 : index
      %get3A_1147 = tpu.vector_load %arg9[%get3A_1144, %get3A_1145, %get3A_1146] {strides = array<i32>} : memref<12x16x256xf32, #tpu.memory_space<vmem>>, vector<1x1x16xf32>,
      %get3A_1148 = vector.shape_cast %get3A_1147 : vector<1x1x16xf32> to vector<16xf32>
      %abs3A_1149 = math.absf %get3A_1148 : vector<16xf32>
      %get3A_1150 = arith.constant 1 : i32
      %get3A_1151 = arith.index_cast %get3A_1150 : i32 to index
      %get3A_1152 = arith.index_cast %scan3A_752 : i32 to index
      %get3A_1153 = arith.constant 64 : index
      %get3A_1154 = tpu.vector_load %arg12[%get3A_1151, %get3A_1152, %get3A_1153] {strides = array<i32>} : memref<2x16x256xf32, #tpu.memory_space<vmem>>, vector<1x1x16xf32>,
      %get3A_1155 = vector.shape_cast %get3A_1154 : vector<1x1x16xf32> to vector<16xf32>
      %get3A_1156 = arith.constant 1 : i32
      %get3A_1157 = arith.index_cast %get3A_1156 : i32 to index
      %get3A_1158 = arith.index_cast %scan3A_752 : i32 to index
      %get3A_1159 = arith.constant 192 : index
      %get3A_1160 = tpu.vector_load %arg12[%get3A_1157, %get3A_1158, %get3A_1159] {strides = array<i32>} : memref<2x16x256xf32, #tpu.memory_space<vmem>>, vector<1x1x16xf32>,
      %get3A_1161 = vector.shape_cast %get3A_1160 : vector<1x1x16xf32> to vector<16xf32>
      %abs3A_1162 = math.absf %get3A_1161 : vector<16xf32>
      %sub3A_1163 = arith.subf %add3A_1142, %get3A_1155 : vector<16xf32>
      %abs3A_1164 = math.absf %sub3A_1163 : vector<16xf32>
      %sub3A_1165 = arith.subf %abs3A_1164, %abs3A_1149 : vector<16xf32>
      %sub3A_1166 = arith.subf %sub3A_1165, %abs3A_1162 : vector<16xf32>
      %max3A_1167 = arith.constant 0.000000e+00 : f32
      %max3A_1168 = vector.broadcast %max3A_1167 : f32 to vector<16xf32>
      %max3A_1169 = arith.maximumf %sub3A_1166, %max3A_1168 : vector<16xf32>
      %mul3A_1170 = arith.mulf %max3A_1169, %max3A_1169 : vector<16xf32>
      %add3A_1171 = arith.addf %add3A_1087, %mul3A_1170 : vector<16xf32>
      %get3A_1172 = arith.constant 10 : i32
      %get3A_1173 = arith.index_cast %get3A_1172 : i32 to index
      %get3A_1174 = arith.index_cast %scan3A_752 : i32 to index
      %get3A_1175 = arith.constant 80 : index
      %get3A_1176 = tpu.vector_load %arg9[%get3A_1173, %get3A_1174, %get3A_1175] {strides = array<i32>} : memref<12x16x256xf32, #tpu.memory_space<vmem>>, vector<1x1x16xf32>,
      %get3A_1177 = vector.shape_cast %get3A_1176 : vector<1x1x16xf32> to vector<16xf32>
      %get3A_1178 = arith.constant 4 : i32
      %get3A_1179 = arith.index_cast %get3A_1178 : i32 to index
      %get3A_1180 = arith.index_cast %scan3A_752 : i32 to index
      %get3A_1181 = arith.constant 80 : index
      %get3A_1182 = tpu.vector_load %arg10[%get3A_1179, %get3A_1180, %get3A_1181] {strides = array<i32>} : memref<5x16x128xf32, #tpu.memory_space<vmem>>, vector<1x1x16xf32>,
      %get3A_1183 = vector.shape_cast %get3A_1182 : vector<1x1x16xf32> to vector<16xf32>
      %add3A_1184 = arith.addf %get3A_1177, %get3A_1183 : vector<16xf32>
      %get3A_1185 = arith.constant 10 : i32
      %get3A_1186 = arith.index_cast %get3A_1185 : i32 to index
      %get3A_1187 = arith.index_cast %scan3A_752 : i32 to index
      %get3A_1188 = arith.constant 208 : index
      %get3A_1189 = tpu.vector_load %arg9[%get3A_1186, %get3A_1187, %get3A_1188] {strides = array<i32>} : memref<12x16x256xf32, #tpu.memory_space<vmem>>, vector<1x1x16xf32>,
      %get3A_1190 = vector.shape_cast %get3A_1189 : vector<1x1x16xf32> to vector<16xf32>
      %abs3A_1191 = math.absf %get3A_1190 : vector<16xf32>
      %get3A_1192 = arith.constant 2 : i32
      %get3A_1193 = arith.index_cast %get3A_1192 : i32 to index
      %get3A_1194 = arith.index_cast %scan3A_752 : i32 to index
      %get3A_1195 = arith.constant 80 : index
      %get3A_1196 = tpu.vector_load %arg11[%get3A_1193, %get3A_1194, %get3A_1195] {strides = array<i32>} : memref<3x16x256xf32, #tpu.memory_space<vmem>>, vector<1x1x16xf32>,
      %get3A_1197 = vector.shape_cast %get3A_1196 : vector<1x1x16xf32> to vector<16xf32>
      %get3A_1198 = arith.constant 2 : i32
      %get3A_1199 = arith.index_cast %get3A_1198 : i32 to index
      %get3A_1200 = arith.index_cast %scan3A_752 : i32 to index
      %get3A_1201 = arith.constant 208 : index
      %get3A_1202 = tpu.vector_load %arg11[%get3A_1199, %get3A_1200, %get3A_1201] {strides = array<i32>} : memref<3x16x256xf32, #tpu.memory_space<vmem>>, vector<1x1x16xf32>,
      %get3A_1203 = vector.shape_cast %get3A_1202 : vector<1x1x16xf32> to vector<16xf32>
      %abs3A_1204 = math.absf %get3A_1203 : vector<16xf32>
      %sub3A_1205 = arith.subf %add3A_1184, %get3A_1197 : vector<16xf32>
      %abs3A_1206 = math.absf %sub3A_1205 : vector<16xf32>
      %sub3A_1207 = arith.subf %abs3A_1206, %abs3A_1191 : vector<16xf32>
      %sub3A_1208 = arith.subf %sub3A_1207, %abs3A_1204 : vector<16xf32>
      %max3A_1209 = arith.constant 0.000000e+00 : f32
      %max3A_1210 = vector.broadcast %max3A_1209 : f32 to vector<16xf32>
      %max3A_1211 = arith.maximumf %sub3A_1208, %max3A_1210 : vector<16xf32>
      %mul3A_1212 = arith.mulf %max3A_1211, %max3A_1211 : vector<16xf32>
      %add3A_1213 = arith.addf %add3A_1129, %mul3A_1212 : vector<16xf32>
      %get3A_1214 = arith.constant 11 : i32
      %get3A_1215 = arith.index_cast %get3A_1214 : i32 to index
      %get3A_1216 = arith.index_cast %scan3A_752 : i32 to index
      %get3A_1217 = arith.constant 80 : index
      %get3A_1218 = tpu.vector_load %arg9[%get3A_1215, %get3A_1216, %get3A_1217] {strides = array<i32>} : memref<12x16x256xf32, #tpu.memory_space<vmem>>, vector<1x1x16xf32>,
      %get3A_1219 = vector.shape_cast %get3A_1218 : vector<1x1x16xf32> to vector<16xf32>
      %get3A_1220 = arith.constant 3 : i32
      %get3A_1221 = arith.index_cast %get3A_1220 : i32 to index
      %get3A_1222 = arith.index_cast %scan3A_752 : i32 to index
      %get3A_1223 = arith.constant 80 : index
      %get3A_1224 = tpu.vector_load %arg10[%get3A_1221, %get3A_1222, %get3A_1223] {strides = array<i32>} : memref<5x16x128xf32, #tpu.memory_space<vmem>>, vector<1x1x16xf32>,
      %get3A_1225 = vector.shape_cast %get3A_1224 : vector<1x1x16xf32> to vector<16xf32>
      %add3A_1226 = arith.addf %get3A_1219, %get3A_1225 : vector<16xf32>
      %get3A_1227 = arith.constant 11 : i32
      %get3A_1228 = arith.index_cast %get3A_1227 : i32 to index
      %get3A_1229 = arith.index_cast %scan3A_752 : i32 to index
      %get3A_1230 = arith.constant 208 : index
      %get3A_1231 = tpu.vector_load %arg9[%get3A_1228, %get3A_1229, %get3A_1230] {strides = array<i32>} : memref<12x16x256xf32, #tpu.memory_space<vmem>>, vector<1x1x16xf32>,
      %get3A_1232 = vector.shape_cast %get3A_1231 : vector<1x1x16xf32> to vector<16xf32>
      %abs3A_1233 = math.absf %get3A_1232 : vector<16xf32>
      %get3A_1234 = arith.constant 1 : i32
      %get3A_1235 = arith.index_cast %get3A_1234 : i32 to index
      %get3A_1236 = arith.index_cast %scan3A_752 : i32 to index
      %get3A_1237 = arith.constant 80 : index
      %get3A_1238 = tpu.vector_load %arg12[%get3A_1235, %get3A_1236, %get3A_1237] {strides = array<i32>} : memref<2x16x256xf32, #tpu.memory_space<vmem>>, vector<1x1x16xf32>,
      %get3A_1239 = vector.shape_cast %get3A_1238 : vector<1x1x16xf32> to vector<16xf32>
      %get3A_1240 = arith.constant 1 : i32
      %get3A_1241 = arith.index_cast %get3A_1240 : i32 to index
      %get3A_1242 = arith.index_cast %scan3A_752 : i32 to index
      %get3A_1243 = arith.constant 208 : index
      %get3A_1244 = tpu.vector_load %arg12[%get3A_1241, %get3A_1242, %get3A_1243] {strides = array<i32>} : memref<2x16x256xf32, #tpu.memory_space<vmem>>, vector<1x1x16xf32>,
      %get3A_1245 = vector.shape_cast %get3A_1244 : vector<1x1x16xf32> to vector<16xf32>
      %abs3A_1246 = math.absf %get3A_1245 : vector<16xf32>
      %sub3A_1247 = arith.subf %add3A_1226, %get3A_1239 : vector<16xf32>
      %abs3A_1248 = math.absf %sub3A_1247 : vector<16xf32>
      %sub3A_1249 = arith.subf %abs3A_1248, %abs3A_1233 : vector<16xf32>
      %sub3A_1250 = arith.subf %sub3A_1249, %abs3A_1246 : vector<16xf32>
      %max3A_1251 = arith.constant 0.000000e+00 : f32
      %max3A_1252 = vector.broadcast %max3A_1251 : f32 to vector<16xf32>
      %max3A_1253 = arith.maximumf %sub3A_1250, %max3A_1252 : vector<16xf32>
      %mul3A_1254 = arith.mulf %max3A_1253, %max3A_1253 : vector<16xf32>
      %add3A_1255 = arith.addf %add3A_1171, %mul3A_1254 : vector<16xf32>
      %get3A_1256 = arith.constant 10 : i32
      %get3A_1257 = arith.index_cast %get3A_1256 : i32 to index
      %get3A_1258 = arith.index_cast %scan3A_752 : i32 to index
      %get3A_1259 = arith.constant 96 : index
      %get3A_1260 = tpu.vector_load %arg9[%get3A_1257, %get3A_1258, %get3A_1259] {strides = array<i32>} : memref<12x16x256xf32, #tpu.memory_space<vmem>>, vector<1x1x16xf32>,
      %get3A_1261 = vector.shape_cast %get3A_1260 : vector<1x1x16xf32> to vector<16xf32>
      %get3A_1262 = arith.constant 4 : i32
      %get3A_1263 = arith.index_cast %get3A_1262 : i32 to index
      %get3A_1264 = arith.index_cast %scan3A_752 : i32 to index
      %get3A_1265 = arith.constant 96 : index
      %get3A_1266 = tpu.vector_load %arg10[%get3A_1263, %get3A_1264, %get3A_1265] {strides = array<i32>} : memref<5x16x128xf32, #tpu.memory_space<vmem>>, vector<1x1x16xf32>,
      %get3A_1267 = vector.shape_cast %get3A_1266 : vector<1x1x16xf32> to vector<16xf32>
      %add3A_1268 = arith.addf %get3A_1261, %get3A_1267 : vector<16xf32>
      %get3A_1269 = arith.constant 10 : i32
      %get3A_1270 = arith.index_cast %get3A_1269 : i32 to index
      %get3A_1271 = arith.index_cast %scan3A_752 : i32 to index
      %get3A_1272 = arith.constant 224 : index
      %get3A_1273 = tpu.vector_load %arg9[%get3A_1270, %get3A_1271, %get3A_1272] {strides = array<i32>} : memref<12x16x256xf32, #tpu.memory_space<vmem>>, vector<1x1x16xf32>,
      %get3A_1274 = vector.shape_cast %get3A_1273 : vector<1x1x16xf32> to vector<16xf32>
      %abs3A_1275 = math.absf %get3A_1274 : vector<16xf32>
      %get3A_1276 = arith.constant 2 : i32
      %get3A_1277 = arith.index_cast %get3A_1276 : i32 to index
      %get3A_1278 = arith.index_cast %scan3A_752 : i32 to index
      %get3A_1279 = arith.constant 96 : index
      %get3A_1280 = tpu.vector_load %arg11[%get3A_1277, %get3A_1278, %get3A_1279] {strides = array<i32>} : memref<3x16x256xf32, #tpu.memory_space<vmem>>, vector<1x1x16xf32>,
      %get3A_1281 = vector.shape_cast %get3A_1280 : vector<1x1x16xf32> to vector<16xf32>
      %get3A_1282 = arith.constant 2 : i32
      %get3A_1283 = arith.index_cast %get3A_1282 : i32 to index
      %get3A_1284 = arith.index_cast %scan3A_752 : i32 to index
      %get3A_1285 = arith.constant 224 : index
      %get3A_1286 = tpu.vector_load %arg11[%get3A_1283, %get3A_1284, %get3A_1285] {strides = array<i32>} : memref<3x16x256xf32, #tpu.memory_space<vmem>>, vector<1x1x16xf32>,
      %get3A_1287 = vector.shape_cast %get3A_1286 : vector<1x1x16xf32> to vector<16xf32>
      %abs3A_1288 = math.absf %get3A_1287 : vector<16xf32>
      %sub3A_1289 = arith.subf %add3A_1268, %get3A_1281 : vector<16xf32>
      %abs3A_1290 = math.absf %sub3A_1289 : vector<16xf32>
      %sub3A_1291 = arith.subf %abs3A_1290, %abs3A_1275 : vector<16xf32>
      %sub3A_1292 = arith.subf %sub3A_1291, %abs3A_1288 : vector<16xf32>
      %max3A_1293 = arith.constant 0.000000e+00 : f32
      %max3A_1294 = vector.broadcast %max3A_1293 : f32 to vector<16xf32>
      %max3A_1295 = arith.maximumf %sub3A_1292, %max3A_1294 : vector<16xf32>
      %mul3A_1296 = arith.mulf %max3A_1295, %max3A_1295 : vector<16xf32>
      %add3A_1297 = arith.addf %add3A_1213, %mul3A_1296 : vector<16xf32>
      %get3A_1298 = arith.constant 11 : i32
      %get3A_1299 = arith.index_cast %get3A_1298 : i32 to index
      %get3A_1300 = arith.index_cast %scan3A_752 : i32 to index
      %get3A_1301 = arith.constant 96 : index
      %get3A_1302 = tpu.vector_load %arg9[%get3A_1299, %get3A_1300, %get3A_1301] {strides = array<i32>} : memref<12x16x256xf32, #tpu.memory_space<vmem>>, vector<1x1x16xf32>,
      %get3A_1303 = vector.shape_cast %get3A_1302 : vector<1x1x16xf32> to vector<16xf32>
      %get3A_1304 = arith.constant 3 : i32
      %get3A_1305 = arith.index_cast %get3A_1304 : i32 to index
      %get3A_1306 = arith.index_cast %scan3A_752 : i32 to index
      %get3A_1307 = arith.constant 96 : index
      %get3A_1308 = tpu.vector_load %arg10[%get3A_1305, %get3A_1306, %get3A_1307] {strides = array<i32>} : memref<5x16x128xf32, #tpu.memory_space<vmem>>, vector<1x1x16xf32>,
      %get3A_1309 = vector.shape_cast %get3A_1308 : vector<1x1x16xf32> to vector<16xf32>
      %add3A_1310 = arith.addf %get3A_1303, %get3A_1309 : vector<16xf32>
      %get3A_1311 = arith.constant 11 : i32
      %get3A_1312 = arith.index_cast %get3A_1311 : i32 to index
      %get3A_1313 = arith.index_cast %scan3A_752 : i32 to index
      %get3A_1314 = arith.constant 224 : index
      %get3A_1315 = tpu.vector_load %arg9[%get3A_1312, %get3A_1313, %get3A_1314] {strides = array<i32>} : memref<12x16x256xf32, #tpu.memory_space<vmem>>, vector<1x1x16xf32>,
      %get3A_1316 = vector.shape_cast %get3A_1315 : vector<1x1x16xf32> to vector<16xf32>
      %abs3A_1317 = math.absf %get3A_1316 : vector<16xf32>
      %get3A_1318 = arith.constant 1 : i32
      %get3A_1319 = arith.index_cast %get3A_1318 : i32 to index
      %get3A_1320 = arith.index_cast %scan3A_752 : i32 to index
      %get3A_1321 = arith.constant 96 : index
      %get3A_1322 = tpu.vector_load %arg12[%get3A_1319, %get3A_1320, %get3A_1321] {strides = array<i32>} : memref<2x16x256xf32, #tpu.memory_space<vmem>>, vector<1x1x16xf32>,
      %get3A_1323 = vector.shape_cast %get3A_1322 : vector<1x1x16xf32> to vector<16xf32>
      %get3A_1324 = arith.constant 1 : i32
      %get3A_1325 = arith.index_cast %get3A_1324 : i32 to index
      %get3A_1326 = arith.index_cast %scan3A_752 : i32 to index
      %get3A_1327 = arith.constant 224 : index
      %get3A_1328 = tpu.vector_load %arg12[%get3A_1325, %get3A_1326, %get3A_1327] {strides = array<i32>} : memref<2x16x256xf32, #tpu.memory_space<vmem>>, vector<1x1x16xf32>,
      %get3A_1329 = vector.shape_cast %get3A_1328 : vector<1x1x16xf32> to vector<16xf32>
      %abs3A_1330 = math.absf %get3A_1329 : vector<16xf32>
      %sub3A_1331 = arith.subf %add3A_1310, %get3A_1323 : vector<16xf32>
      %abs3A_1332 = math.absf %sub3A_1331 : vector<16xf32>
      %sub3A_1333 = arith.subf %abs3A_1332, %abs3A_1317 : vector<16xf32>
      %sub3A_1334 = arith.subf %sub3A_1333, %abs3A_1330 : vector<16xf32>
      %max3A_1335 = arith.constant 0.000000e+00 : f32
      %max3A_1336 = vector.broadcast %max3A_1335 : f32 to vector<16xf32>
      %max3A_1337 = arith.maximumf %sub3A_1334, %max3A_1336 : vector<16xf32>
      %mul3A_1338 = arith.mulf %max3A_1337, %max3A_1337 : vector<16xf32>
      %add3A_1339 = arith.addf %add3A_1255, %mul3A_1338 : vector<16xf32>
      %get3A_1340 = arith.constant 10 : i32
      %get3A_1341 = arith.index_cast %get3A_1340 : i32 to index
      %get3A_1342 = arith.index_cast %scan3A_752 : i32 to index
      %get3A_1343 = arith.constant 112 : index
      %get3A_1344 = tpu.vector_load %arg9[%get3A_1341, %get3A_1342, %get3A_1343] {strides = array<i32>} : memref<12x16x256xf32, #tpu.memory_space<vmem>>, vector<1x1x16xf32>,
      %get3A_1345 = vector.shape_cast %get3A_1344 : vector<1x1x16xf32> to vector<16xf32>
      %get3A_1346 = arith.constant 4 : i32
      %get3A_1347 = arith.index_cast %get3A_1346 : i32 to index
      %get3A_1348 = arith.index_cast %scan3A_752 : i32 to index
      %get3A_1349 = arith.constant 112 : index
      %get3A_1350 = tpu.vector_load %arg10[%get3A_1347, %get3A_1348, %get3A_1349] {strides = array<i32>} : memref<5x16x128xf32, #tpu.memory_space<vmem>>, vector<1x1x16xf32>,
      %get3A_1351 = vector.shape_cast %get3A_1350 : vector<1x1x16xf32> to vector<16xf32>
      %add3A_1352 = arith.addf %get3A_1345, %get3A_1351 : vector<16xf32>
      %get3A_1353 = arith.constant 10 : i32
      %get3A_1354 = arith.index_cast %get3A_1353 : i32 to index
      %get3A_1355 = arith.index_cast %scan3A_752 : i32 to index
      %get3A_1356 = arith.constant 240 : index
      %get3A_1357 = tpu.vector_load %arg9[%get3A_1354, %get3A_1355, %get3A_1356] {strides = array<i32>} : memref<12x16x256xf32, #tpu.memory_space<vmem>>, vector<1x1x16xf32>,
      %get3A_1358 = vector.shape_cast %get3A_1357 : vector<1x1x16xf32> to vector<16xf32>
      %abs3A_1359 = math.absf %get3A_1358 : vector<16xf32>
      %get3A_1360 = arith.constant 2 : i32
      %get3A_1361 = arith.index_cast %get3A_1360 : i32 to index
      %get3A_1362 = arith.index_cast %scan3A_752 : i32 to index
      %get3A_1363 = arith.constant 112 : index
      %get3A_1364 = tpu.vector_load %arg11[%get3A_1361, %get3A_1362, %get3A_1363] {strides = array<i32>} : memref<3x16x256xf32, #tpu.memory_space<vmem>>, vector<1x1x16xf32>,
      %get3A_1365 = vector.shape_cast %get3A_1364 : vector<1x1x16xf32> to vector<16xf32>
      %get3A_1366 = arith.constant 2 : i32
      %get3A_1367 = arith.index_cast %get3A_1366 : i32 to index
      %get3A_1368 = arith.index_cast %scan3A_752 : i32 to index
      %get3A_1369 = arith.constant 240 : index
      %get3A_1370 = tpu.vector_load %arg11[%get3A_1367, %get3A_1368, %get3A_1369] {strides = array<i32>} : memref<3x16x256xf32, #tpu.memory_space<vmem>>, vector<1x1x16xf32>,
      %get3A_1371 = vector.shape_cast %get3A_1370 : vector<1x1x16xf32> to vector<16xf32>
      %abs3A_1372 = math.absf %get3A_1371 : vector<16xf32>
      %sub3A_1373 = arith.subf %add3A_1352, %get3A_1365 : vector<16xf32>
      %abs3A_1374 = math.absf %sub3A_1373 : vector<16xf32>
      %sub3A_1375 = arith.subf %abs3A_1374, %abs3A_1359 : vector<16xf32>
      %sub3A_1376 = arith.subf %sub3A_1375, %abs3A_1372 : vector<16xf32>
      %max3A_1377 = arith.constant 0.000000e+00 : f32
      %max3A_1378 = vector.broadcast %max3A_1377 : f32 to vector<16xf32>
      %max3A_1379 = arith.maximumf %sub3A_1376, %max3A_1378 : vector<16xf32>
      %mul3A_1380 = arith.mulf %max3A_1379, %max3A_1379 : vector<16xf32>
      %add3A_1381 = arith.addf %add3A_1297, %mul3A_1380 : vector<16xf32>
      %get3A_1382 = arith.constant 11 : i32
      %get3A_1383 = arith.index_cast %get3A_1382 : i32 to index
      %get3A_1384 = arith.index_cast %scan3A_752 : i32 to index
      %get3A_1385 = arith.constant 112 : index
      %get3A_1386 = tpu.vector_load %arg9[%get3A_1383, %get3A_1384, %get3A_1385] {strides = array<i32>} : memref<12x16x256xf32, #tpu.memory_space<vmem>>, vector<1x1x16xf32>,
      %get3A_1387 = vector.shape_cast %get3A_1386 : vector<1x1x16xf32> to vector<16xf32>
      %get3A_1388 = arith.constant 3 : i32
      %get3A_1389 = arith.index_cast %get3A_1388 : i32 to index
      %get3A_1390 = arith.index_cast %scan3A_752 : i32 to index
      %get3A_1391 = arith.constant 112 : index
      %get3A_1392 = tpu.vector_load %arg10[%get3A_1389, %get3A_1390, %get3A_1391] {strides = array<i32>} : memref<5x16x128xf32, #tpu.memory_space<vmem>>, vector<1x1x16xf32>,
      %get3A_1393 = vector.shape_cast %get3A_1392 : vector<1x1x16xf32> to vector<16xf32>
      %add3A_1394 = arith.addf %get3A_1387, %get3A_1393 : vector<16xf32>
      %get3A_1395 = arith.constant 11 : i32
      %get3A_1396 = arith.index_cast %get3A_1395 : i32 to index
      %get3A_1397 = arith.index_cast %scan3A_752 : i32 to index
      %get3A_1398 = arith.constant 240 : index
      %get3A_1399 = tpu.vector_load %arg9[%get3A_1396, %get3A_1397, %get3A_1398] {strides = array<i32>} : memref<12x16x256xf32, #tpu.memory_space<vmem>>, vector<1x1x16xf32>,
      %get3A_1400 = vector.shape_cast %get3A_1399 : vector<1x1x16xf32> to vector<16xf32>
      %abs3A_1401 = math.absf %get3A_1400 : vector<16xf32>
      %get3A_1402 = arith.constant 1 : i32
      %get3A_1403 = arith.index_cast %get3A_1402 : i32 to index
      %get3A_1404 = arith.index_cast %scan3A_752 : i32 to index
      %get3A_1405 = arith.constant 112 : index
      %get3A_1406 = tpu.vector_load %arg12[%get3A_1403, %get3A_1404, %get3A_1405] {strides = array<i32>} : memref<2x16x256xf32, #tpu.memory_space<vmem>>, vector<1x1x16xf32>,
      %get3A_1407 = vector.shape_cast %get3A_1406 : vector<1x1x16xf32> to vector<16xf32>
      %get3A_1408 = arith.constant 1 : i32
      %get3A_1409 = arith.index_cast %get3A_1408 : i32 to index
      %get3A_1410 = arith.index_cast %scan3A_752 : i32 to index
      %get3A_1411 = arith.constant 240 : index
      %get3A_1412 = tpu.vector_load %arg12[%get3A_1409, %get3A_1410, %get3A_1411] {strides = array<i32>} : memref<2x16x256xf32, #tpu.memory_space<vmem>>, vector<1x1x16xf32>,
      %get3A_1413 = vector.shape_cast %get3A_1412 : vector<1x1x16xf32> to vector<16xf32>
      %abs3A_1414 = math.absf %get3A_1413 : vector<16xf32>
      %sub3A_1415 = arith.subf %add3A_1394, %get3A_1407 : vector<16xf32>
      %abs3A_1416 = math.absf %sub3A_1415 : vector<16xf32>
      %sub3A_1417 = arith.subf %abs3A_1416, %abs3A_1401 : vector<16xf32>
      %sub3A_1418 = arith.subf %sub3A_1417, %abs3A_1414 : vector<16xf32>
      %max3A_1419 = arith.constant 0.000000e+00 : f32
      %max3A_1420 = vector.broadcast %max3A_1419 : f32 to vector<16xf32>
      %max3A_1421 = arith.maximumf %sub3A_1418, %max3A_1420 : vector<16xf32>
      %mul3A_1422 = arith.mulf %max3A_1421, %max3A_1421 : vector<16xf32>
      %add3A_1423 = arith.addf %add3A_1339, %mul3A_1422 : vector<16xf32>
      %swap3A = arith.constant 7 : i32
      %swap3A_1424 = arith.index_cast %scan3A_752 : i32 to index
      %swap3A_1425 = arith.index_cast %swap3A : i32 to index
      %swap3A_1426 = arith.constant 0 : index
      %swap3A_1427 = tpu.vector_load %arg13[%swap3A_1424, %swap3A_1425, %swap3A_1426] {strides = array<i32>} : memref<16x9x16xf32, #tpu.memory_space<vmem>>, vector<1x1x16xf32>,
      %swap3A_1428 = vector.shape_cast %swap3A_1427 : vector<1x1x16xf32> to vector<16xf32>
      %swap3A_1429 = vector.shape_cast %add3A_1381 : vector<16xf32> to vector<1x1x16xf32>
      tpu.vector_store %arg13[%swap3A_1424, %swap3A_1425, %swap3A_1426], %swap3A_1429 {strides = array<i32>} : memref<16x9x16xf32, #tpu.memory_space<vmem>>, vector<1x1x16xf32>,
      %swap3A_1430 = arith.constant 8 : i32
      %swap3A_1431 = arith.index_cast %scan3A_752 : i32 to index
      %swap3A_1432 = arith.index_cast %swap3A_1430 : i32 to index
      %swap3A_1433 = arith.constant 0 : index
      %swap3A_1434 = tpu.vector_load %arg13[%swap3A_1431, %swap3A_1432, %swap3A_1433] {strides = array<i32>} : memref<16x9x16xf32, #tpu.memory_space<vmem>>, vector<1x1x16xf32>,
      %swap3A_1435 = vector.shape_cast %swap3A_1434 : vector<1x1x16xf32> to vector<16xf32>
      %swap3A_1436 = vector.shape_cast %add3A_1423 : vector<16xf32> to vector<1x1x16xf32>
      tpu.vector_store %arg13[%swap3A_1431, %swap3A_1432, %swap3A_1433], %swap3A_1436 {strides = array<i32>} : memref<16x9x16xf32, #tpu.memory_space<vmem>>, vector<1x1x16xf32>,
    }
    %scan3A_751 = arith.constant 16 : i32
    "tpu.trace_stop"() : () -> ()
    "tpu.trace_start"() <{level = 10 : i32, message = "outcopy"}> : () -> ()
    "tpu.region"() ({
      %run_scoped3A = tpu.sem_alloc : memref<!tpu.dma_semaphore, #tpu.memory_space<semaphore_mem>>
      %dma_start3A_752 = arith.constant 0 : i32
      %dma_start3A_753 = arith.constant 0 : i32
      %dma_start3A_754 = tpu.memref_slice %arg7[%mul3A_2, %dma_start3A_752, %dma_start3A_753] : memref<512x9x16xf32, #tpu.memory_space<hbm>> -> memref<16x9x16xf32, #tpu.memory_space<hbm>>
      %dma_start3A_755 = arith.constant 0 : i32
      %dma_start3A_756 = arith.constant 0 : i32
      %dma_start3A_757 = tpu.memref_slice %arg7[%mul3A_2, %dma_start3A_755, %dma_start3A_756] : memref<512x9x16xf32, #tpu.memory_space<hbm>> -> memref<16x9x16xf32, #tpu.memory_space<hbm>>
      tpu.enqueue_dma source(%arg13 : memref<16x9x16xf32, #tpu.memory_space<vmem>>) target(%dma_start3A_757 : memref<16x9x16xf32, #tpu.memory_space<hbm>>) target_semaphore(%run_scoped3A : memref<!tpu.dma_semaphore, #tpu.memory_space<semaphore_mem>>)
      %dma_wait3A_758 = arith.constant 0 : i32
      %dma_wait3A_759 = arith.constant 0 : i32
      %dma_wait3A_760 = tpu.memref_slice %arg7[%mul3A_2, %dma_wait3A_758, %dma_wait3A_759] : memref<512x9x16xf32, #tpu.memory_space<hbm>> -> memref<16x9x16xf32, #tpu.memory_space<hbm>>
      %dma_wait3A_761 = arith.constant 0 : i32
      %dma_wait3A_762 = arith.constant 0 : i32
      %dma_wait3A_763 = tpu.memref_slice %arg7[%mul3A_2, %dma_wait3A_761, %dma_wait3A_762] : memref<512x9x16xf32, #tpu.memory_space<hbm>> -> memref<16x9x16xf32, #tpu.memory_space<hbm>>
      tpu.wait_dma2 semaphore(%run_scoped3A : memref<!tpu.dma_semaphore, #tpu.memory_space<semaphore_mem>>) src(%arg13 : memref<16x9x16xf32, #tpu.memory_space<vmem>>) dst(%dma_wait3A_763 : memref<16x9x16xf32, #tpu.memory_space<hbm>>)
      tpu.yield
    }) : () -> ()
    "tpu.trace_stop"() : () -> ()
    return
  }
}

module attributes {stable_mosaic.version = 14 : i64} {
  func.func @_tc_body(%arg0: memref<512x144xf32, #tpu.memory_space<vmem>>, %arg1: memref<1000x128xf32, #tpu.memory_space<vmem>>, %arg2: memref<144x16xf32, #tpu.memory_space<vmem>>, %arg3: memref<1x1xf32, #tpu.memory_space<vmem>>) attributes {dimension_semantics = [], scalar_prefetch = 0 : i64, scratch_operands = 0 : i64, tpu.core_type = #tpu.core_type<tc>} {
    %get3A = arith.constant 0 : index
    %get3A_0 = arith.constant 0 : index
    %get3A_1 = vector.load %arg0[%get3A, %get3A_0] : memref<512x144xf32, #tpu.memory_space<vmem>>, vector<512x144xf32>
    %get3A_2 = arith.constant 0 : index
    %get3A_3 = arith.constant 0 : index
    %get3A_4 = vector.load %arg2[%get3A_2, %get3A_3] : memref<144x16xf32, #tpu.memory_space<vmem>>, vector<144x16xf32>
    %dot_general3A = arith.constant dense<0.000000e+00> : vector<512x16xf32>
    %dot_general3A_5 = tpu.matmul %get3A_1, %get3A_4, %dot_general3A {dimension_numbers = #tpu.dot_dimension_numbers<[1], [0], [0], [1], [0, 0, 1, 1], [], []>, transpose_lhs_hint = false} : vector<512x144xf32>, vector<144x16xf32>, vector<512x16xf32> -> vector<512x16xf32>
    %sqrt3A = math.sqrt %dot_general3A_5 : vector<512x16xf32>
    %slice3A = vector.extract_strided_slice %dot_general3A_5 {offsets = [0, 0], sizes = [512, 1], strides = [1, 1]} : vector<512x16xf32> to vector<512x1xf32>
    %slice3A_6 = vector.extract_strided_slice %dot_general3A_5 {offsets = [0, 1], sizes = [512, 1], strides = [1, 1]} : vector<512x16xf32> to vector<512x1xf32>
    %slice3A_7 = vector.extract_strided_slice %dot_general3A_5 {offsets = [0, 2], sizes = [512, 1], strides = [1, 1]} : vector<512x16xf32> to vector<512x1xf32>
    %slice3A_8 = vector.extract_strided_slice %sqrt3A {offsets = [0, 1], sizes = [512, 1], strides = [1, 1]} : vector<512x16xf32> to vector<512x1xf32>
    %slice3A_9 = vector.extract_strided_slice %sqrt3A {offsets = [0, 2], sizes = [512, 1], strides = [1, 1]} : vector<512x16xf32> to vector<512x1xf32>
    %slice3A_10 = vector.extract_strided_slice %dot_general3A_5 {offsets = [0, 3], sizes = [512, 1], strides = [1, 1]} : vector<512x16xf32> to vector<512x1xf32>
    %slice3A_11 = vector.extract_strided_slice %dot_general3A_5 {offsets = [0, 4], sizes = [512, 1], strides = [1, 1]} : vector<512x16xf32> to vector<512x1xf32>
    %add3A = arith.addf %slice3A_10, %slice3A_11 : vector<512x1xf32>
    %slice3A_12 = vector.extract_strided_slice %dot_general3A_5 {offsets = [0, 3], sizes = [512, 1], strides = [1, 1]} : vector<512x16xf32> to vector<512x1xf32>
    %slice3A_13 = vector.extract_strided_slice %dot_general3A_5 {offsets = [0, 4], sizes = [512, 1], strides = [1, 1]} : vector<512x16xf32> to vector<512x1xf32>
    %mul3A = arith.mulf %slice3A_12, %slice3A_13 : vector<512x1xf32>
    %sqrt3A_14 = math.sqrt %mul3A : vector<512x1xf32>
    %slice3A_15 = vector.extract_strided_slice %dot_general3A_5 {offsets = [0, 5], sizes = [512, 1], strides = [1, 1]} : vector<512x16xf32> to vector<512x1xf32>
    %slice3A_16 = vector.extract_strided_slice %sqrt3A {offsets = [0, 6], sizes = [512, 1], strides = [1, 1]} : vector<512x16xf32> to vector<512x1xf32>
    %sub3A = arith.constant 2.000000e+00 : f32
    %sub3A_17 = vector.broadcast %sub3A : f32 to vector<512x1xf32>
    %sub3A_18 = arith.subf %sub3A_17, %slice3A_16 : vector<512x1xf32>
    %integer_pow3A = arith.mulf %sub3A_18, %sub3A_18 : vector<512x1xf32>
    %slice3A_19 = vector.extract_strided_slice %sqrt3A {offsets = [0, 7], sizes = [512, 1], strides = [1, 1]} : vector<512x16xf32> to vector<512x1xf32>
    %sub3A_20 = arith.constant 2.000000e+00 : f32
    %sub3A_21 = vector.broadcast %sub3A_20 : f32 to vector<512x1xf32>
    %sub3A_22 = arith.subf %sub3A_21, %slice3A_19 : vector<512x1xf32>
    %integer_pow3A_23 = arith.mulf %sub3A_22, %sub3A_22 : vector<512x1xf32>
    %slice3A_24 = vector.extract_strided_slice %sqrt3A {offsets = [0, 8], sizes = [512, 1], strides = [1, 1]} : vector<512x16xf32> to vector<512x1xf32>
    %sub3A_25 = arith.constant 2.000000e+00 : f32
    %sub3A_26 = vector.broadcast %sub3A_25 : f32 to vector<512x1xf32>
    %sub3A_27 = arith.subf %sub3A_26, %slice3A_24 : vector<512x1xf32>
    %integer_pow3A_28 = arith.mulf %sub3A_27, %sub3A_27 : vector<512x1xf32>
    %broadcast_in_dim3A = arith.constant 0.000000e+00 : f32
    %broadcast_in_dim3A_29 = vector.broadcast %broadcast_in_dim3A : f32 to vector<512x5xf32>
    %concatenate3A = tpu.concatenate %slice3A, %slice3A_6, %slice3A_7, %slice3A_8, %slice3A_9, %add3A, %sqrt3A_14, %slice3A_15, %integer_pow3A, %integer_pow3A_23, %integer_pow3A_28, %broadcast_in_dim3A_29 in 1 : vector<512x1xf32>, vector<512x1xf32>, vector<512x1xf32>, vector<512x1xf32>, vector<512x1xf32>, vector<512x1xf32>, vector<512x1xf32>, vector<512x1xf32>, vector<512x1xf32>, vector<512x1xf32>, vector<512x1xf32>, vector<512x5xf32> -> vector<512x16xf32>
    %broadcast_in_dim3A_30 = arith.constant 1.000000e+00 : f32
    %broadcast_in_dim3A_31 = vector.broadcast %broadcast_in_dim3A_30 : f32 to vector<1x512xf32>
    %dot_general3A_32 = arith.constant dense<0.000000e+00> : vector<1x16xf32>
    %dot_general3A_33 = tpu.matmul %broadcast_in_dim3A_31, %concatenate3A, %dot_general3A_32 {dimension_numbers = #tpu.dot_dimension_numbers<[1], [0], [0], [1], [0, 0, 1, 1], [], []>, transpose_lhs_hint = false} : vector<1x512xf32>, vector<512x16xf32>, vector<1x16xf32> -> vector<1x16xf32>
    %div3A = arith.constant 5.120000e+02 : f32
    %div3A_34 = vector.broadcast %div3A : f32 to vector<1x16xf32>
    %div3A_35 = arith.divf %dot_general3A_33, %div3A_34 : vector<1x16xf32>
    %slice3A_36 = vector.extract_strided_slice %div3A_35 {offsets = [0, 0], sizes = [1, 1], strides = [1, 1]} : vector<1x16xf32> to vector<1x1xf32>
    %squeeze3A = vector.extract %slice3A_36[0, 0] : f32 from vector<1x1xf32>
    %slice3A_37 = vector.extract_strided_slice %div3A_35 {offsets = [0, 1], sizes = [1, 1], strides = [1, 1]} : vector<1x16xf32> to vector<1x1xf32>
    %squeeze3A_38 = vector.extract %slice3A_37[0, 0] : f32 from vector<1x1xf32>
    %slice3A_39 = vector.extract_strided_slice %div3A_35 {offsets = [0, 2], sizes = [1, 1], strides = [1, 1]} : vector<1x16xf32> to vector<1x1xf32>
    %squeeze3A_40 = vector.extract %slice3A_39[0, 0] : f32 from vector<1x1xf32>
    %add3A_41 = arith.addf %squeeze3A_38, %squeeze3A_40 : f32
    %slice3A_42 = vector.extract_strided_slice %div3A_35 {offsets = [0, 3], sizes = [1, 1], strides = [1, 1]} : vector<1x16xf32> to vector<1x1xf32>
    %squeeze3A_43 = vector.extract %slice3A_42[0, 0] : f32 from vector<1x1xf32>
    %mul3A_44 = arith.constant 2.000000e+00 : f32
    %mul3A_45 = arith.mulf %mul3A_44, %squeeze3A_43 : f32
    %slice3A_46 = vector.extract_strided_slice %div3A_35 {offsets = [0, 4], sizes = [1, 1], strides = [1, 1]} : vector<1x16xf32> to vector<1x1xf32>
    %squeeze3A_47 = vector.extract %slice3A_46[0, 0] : f32 from vector<1x1xf32>
    %mul3A_48 = arith.mulf %mul3A_45, %squeeze3A_47 : f32
    %add3A_49 = arith.addf %add3A_41, %mul3A_48 : f32
    %slice3A_50 = vector.extract_strided_slice %div3A_35 {offsets = [0, 5], sizes = [1, 1], strides = [1, 1]} : vector<1x16xf32> to vector<1x1xf32>
    %squeeze3A_51 = vector.extract %slice3A_50[0, 0] : f32 from vector<1x1xf32>
    %slice3A_52 = vector.extract_strided_slice %div3A_35 {offsets = [0, 6], sizes = [1, 1], strides = [1, 1]} : vector<1x16xf32> to vector<1x1xf32>
    %squeeze3A_53 = vector.extract %slice3A_52[0, 0] : f32 from vector<1x1xf32>
    %mul3A_54 = arith.constant 2.000000e+00 : f32
    %mul3A_55 = arith.mulf %mul3A_54, %squeeze3A_53 : f32
    %add3A_56 = arith.addf %squeeze3A_51, %mul3A_55 : f32
    %mul3A_57 = arith.constant 2.500000e-01 : f32
    %mul3A_58 = arith.mulf %mul3A_57, %add3A_56 : f32
    %slice3A_59 = vector.extract_strided_slice %div3A_35 {offsets = [0, 7], sizes = [1, 1], strides = [1, 1]} : vector<1x16xf32> to vector<1x1xf32>
    %squeeze3A_60 = vector.extract %slice3A_59[0, 0] : f32 from vector<1x1xf32>
    %slice3A_61 = vector.extract_strided_slice %div3A_35 {offsets = [0, 8], sizes = [1, 1], strides = [1, 1]} : vector<1x16xf32> to vector<1x1xf32>
    %squeeze3A_62 = vector.extract %slice3A_61[0, 0] : f32 from vector<1x1xf32>
    %slice3A_63 = vector.extract_strided_slice %div3A_35 {offsets = [0, 9], sizes = [1, 1], strides = [1, 1]} : vector<1x16xf32> to vector<1x1xf32>
    %squeeze3A_64 = vector.extract %slice3A_63[0, 0] : f32 from vector<1x1xf32>
    %slice3A_65 = vector.extract_strided_slice %div3A_35 {offsets = [0, 10], sizes = [1, 1], strides = [1, 1]} : vector<1x16xf32> to vector<1x1xf32>
    %squeeze3A_66 = vector.extract %slice3A_65[0, 0] : f32 from vector<1x1xf32>
    %add3A_67 = arith.addf %squeeze3A_64, %squeeze3A_66 : f32
    %get3A_68 = arith.constant 0 : index
    %get3A_69 = arith.constant 0 : index
    %get3A_70 = vector.load %arg1[%get3A_68, %get3A_69] : memref<1000x128xf32, #tpu.memory_space<vmem>>, vector<1000x128xf32>
    %mul3A_71 = arith.mulf %get3A_70, %get3A_70 : vector<1000x128xf32>
    %broadcast_in_dim3A_72 = arith.constant 1.000000e+00 : f32
    %broadcast_in_dim3A_73 = vector.broadcast %broadcast_in_dim3A_72 : f32 to vector<128x1xf32>
    %dot_general3A_74 = arith.constant dense<0.000000e+00> : vector<1000x1xf32>
    %dot_general3A_75 = tpu.matmul %mul3A_71, %broadcast_in_dim3A_73, %dot_general3A_74 {dimension_numbers = #tpu.dot_dimension_numbers<[1], [0], [0], [1], [0, 0, 1, 1], [], []>, transpose_lhs_hint = false} : vector<1000x128xf32>, vector<128x1xf32>, vector<1000x1xf32> -> vector<1000x1xf32>
    %sqrt3A_76 = math.sqrt %dot_general3A_75 : vector<1000x1xf32>
    %broadcast_in_dim3A_77 = arith.constant 1.000000e+00 : f32
    %broadcast_in_dim3A_78 = vector.broadcast %broadcast_in_dim3A_77 : f32 to vector<1x1000xf32>
    %dot_general3A_79 = arith.constant dense<0.000000e+00> : vector<1x1xf32>
    %dot_general3A_80 = tpu.matmul %broadcast_in_dim3A_78, %sqrt3A_76, %dot_general3A_79 {dimension_numbers = #tpu.dot_dimension_numbers<[1], [0], [0], [1], [0, 0, 1, 1], [], []>, transpose_lhs_hint = false} : vector<1x1000xf32>, vector<1000x1xf32>, vector<1x1xf32> -> vector<1x1xf32>
    %squeeze3A_81 = vector.extract %dot_general3A_80[0, 0] : f32 from vector<1x1xf32>
    %div3A_82 = arith.constant 1.000000e+03 : f32
    %div3A_83 = arith.divf %squeeze3A_81, %div3A_82 : f32
    %mul3A_84 = arith.constant 5.000000e-02 : f32
    %mul3A_85 = arith.mulf %mul3A_84, %div3A_83 : f32
    %add3A_86 = arith.addf %squeeze3A, %add3A_49 : f32
    %add3A_87 = arith.addf %add3A_86, %squeeze3A_62 : f32
    %add3A_88 = arith.addf %add3A_87, %mul3A_58 : f32
    %add3A_89 = arith.addf %add3A_88, %squeeze3A_60 : f32
    %add3A_90 = arith.addf %add3A_89, %add3A_67 : f32
    %add3A_91 = arith.addf %add3A_90, %mul3A_85 : f32
    %reshape3A = vector.broadcast %add3A_91 : f32 to vector<1x1xf32>
    %swap3A = arith.constant 0 : index
    %swap3A_92 = arith.constant 0 : index
    %swap3A_93 = vector.load %arg3[%swap3A, %swap3A_92] : memref<1x1xf32, #tpu.memory_space<vmem>>, vector<1x1xf32>
    tpu.vector_store %arg3[%swap3A, %swap3A_92], %reshape3A {strides = array<i32>} : memref<1x1xf32, #tpu.memory_space<vmem>>, vector<1x1xf32>,
    return
  }
}

</mosaic_0001>

<sc_bundles>
// kernel: kernel.4.cloned.1.call-start
scs
__scs_entry_jumppad:
0x0: {  	(pc) =	sbr.rel $0x88, $3  }
0x1: {  	(tag) =	ssettag $0x0;
	lr =	simm.s32 $0x1  }
0x2: {  	[smem:$0x3F97] =	sst lr;
	_ =	strace $0xD0000000  }
0x3: {  	_ = 	snop  }
0x4: {  	_ = 	snop  }
0x5: {  	_ = 	snop  }
0x6: {  	_ = 	snop  }
0x7: {  	_ = 	snop  }
__scs_overlays_trampoline_lowered:
0x8: {  	[smem:$0x3FA6] =	sst s0  }
0x9: {  	[smem:$0x3FA7] =	sst s1  }
0xa: {  	[smem:$0x3FA8] =	sst s2  }
0xb: {  	[smem:$0x3FA9] =	sst s3  }
0xc: {  	[smem:$0x3FAA] =	sst s4  }
0xd: {  	[smem:$0x3FAB] =	sst s5  }
0xe: {  	[smem:$0x3FAC] =	sst s6  }
0xf: {  	[smem:$0x3FAD] =	sst s7  }
0x10: {  	[smem:$0x3FAE] =	sst s8  }
0x11: {  	[smem:$0x3FAF] =	sst s9;
	s0 =	simm.s32 @!p0 $0x0  }
0x12: {  	s1 =	sld [smem:$0x3F95];
	s0 =	simm.s32 @p0 $0x1  }
0x13: {  	[smem:$0x3FB0] =	sst s0;
	s0 =	simm.s32 @!p1 $0x0  }
0x14: {  	s2 =	sld [smem:$0x3F94];
	s0 =	simm.s32 @p1 $0x1  }
0x15: {  	[smem:$0x3FB1] =	sst s0;
	s0 =	simm.s32 @!p2 $0x0  }
0x16: {  	s3 =	sld [smem:$0x3FDB];
	s0 =	simm.s32 @p2 $0x1  }
0x17: {  	s4 =	simm.s32 $0x1BF5;
	[smem:$0x3FB3] =	sst s0  }
0x18: {  	s0 =	sld [smem:$0x3F96];
	_ =	swait.ge [sflag:s4], $0x0  }
0x19: {  	s7 =	sld [smem:$0x3F97]  }
0x1a: {  	s8 =	sadd.s32 $0xFFFFE003, lr  }
0x1b: {  	s9 =	sadd.s32 $0xFFFFFEF7, lr;
	s5 =	simm.s32 $0xFFFFFFFF;
	p2 =	slt.u32 s8, $0xFFFFF086  }
0x1c: {  	p1 =	slt.u32 s9, $0xF7A;
	s5 =	simm.s32 @!p2 $0x0  }
0x1d: {  	s5 =	simm.s32 @p1 $0x1;
	p0 =	seq.s32 s7, s2  }
0x1e: {  	s7 =	smul.u32 @!p0 $0xF7A, s2;
	p2 =	seq.s32 @!p0 s5, $0x0  }
0x1f: {  	s9 =	smul.u32 $0xF7A, s1;
	s8 =	simm.s32 @!p0 $0x1BF5;
	p2 =	por !p2, p0  }
0x20: {  	[sflag:s8] =	ssyncset.s32 @!p0 $0xFFFFF086;
	s6 =	sadd.s32 @!p0 s3, s7;
	s7 =	simm.s32 @!p0 $0x108  }
0x21: {  	s3 =	sadd.s32 s3, s9;
	s6 =	sadd.s32 @!p0 $0x88, s6;
	s7 =	simm.s32 @p2 $0x1082  }
0x22: {  	[simem:s7], [sflag:s8] =	dma.local @!p0 [hbm:s6], $0xF7A  }
0x23: {  	s9 =	sor.u32 $0xD0000000, s2;
	s6 =	simm.s32 $0x108;
	_ =	swait.ge @!p0 [sflag:s8], $0x0  }
0x24: {  	s3 =	sadd.s32 $0x88, s3;
	s6 =	simm.s32 @!p1 $0x1082;
	[sflag:s4] =	ssyncset.s32 $0xFFFFF086  }
0x25: {  	[simem:s6], [sflag:s4] =	dma.local [hbm:s3], $0xF7A  }
0x26: {  	[smem:$0x3F97] =	sst s1;
	(tag) =	ssettag s2;
	_ =	strace s9  }
0x27: {  	s1 =	sld [smem:$0x3FA7]  }
0x28: {  	s2 =	sld [smem:$0x3FA8]  }
0x29: {  	s4 =	sld [smem:$0x3FAA]  }
0x2a: {  	p0 =	seq.s32 s5, $0x0;
	s5 =	sld [smem:$0x3FAB]  }
0x2b: {  	s6 =	sld [smem:$0x3FAC]  }
0x2c: {  	s7 =	sld [smem:$0x3FAD]  }
0x2d: {  	s3 =	simm.s32 $0x108;
	s8 =	sld [smem:$0x3FAE]  }
0x2e: {  	s3 =	simm.s32 @!p0 $0x1082;
	s9 =	sld [smem:$0x3FAF]  }
0x2f: {  	lr =	sadd.s32 s0, s3;
	s0 =	sld [smem:$0x3FA6]  }
0x30: {  	s3 =	sld [smem:$0x3FA9]  }
0x31: {  	[smem:$0x3FB2] =	sst s10  }
0x32: {  	s10 =	sld [smem:$0x3FB0];
	_ =	sdelay $0x3  }
0x33: {  	p0 =	seq.s32 s10, $0x1;
	s10 =	sld [smem:$0x3FB2];
	_ =	sdelay $0x3  }
0x34: {  	[smem:$0x3FB2] =	sst s10  }
0x35: {  	s10 =	sld [smem:$0x3FB1];
	_ =	sdelay $0x3  }
0x36: {  	p1 =	seq.s32 s10, $0x1;
	s10 =	sld [smem:$0x3FB2];
	_ =	sdelay $0x3  }
0x37: {  	[smem:$0x3FB2] =	sst s10  }
0x38: {  	s10 =	sld [smem:$0x3FB3]  }
0x39: {  	_ = 	snop;
	(pc) =	sbr.ind lr, $3  }
0x3a: {  	_ = 	snop  }
0x3b: {  	_ = 	snop  }
0x3c: {  	p2 =	seq.s32 s10, $0x1;
	s10 =	sld [smem:$0x3FB2]  }
0x3d: {  	_ =	shalt  }
0x3e: {  	_ =	shalt  }
0x3f: {  	_ =	shalt  }
0x40: {  	_ =	shalt  }
0x41: {  	_ =	shalt  }
0x42: {  	_ =	shalt  }
0x43: {  	_ =	shalt  }
0x44: {  	_ =	shalt  }
0x45: {  	_ =	shalt  }
0x46: {  	_ =	shalt  }
0x47: {  	_ =	shalt  }
0x48: {  	_ =	shalt  }
0x49: {  	_ =	shalt  }
0x4a: {  	_ =	shalt  }
0x4b: {  	_ =	shalt  }
0x4c: {  	_ =	shalt  }
0x4d: {  	_ =	shalt  }
0x4e: {  	_ =	shalt  }
0x4f: {  	_ =	shalt  }
0x50: {  	_ =	shalt  }
0x51: {  	_ =	shalt  }
0x52: {  	_ =	shalt  }
0x53: {  	_ =	shalt  }
0x54: {  	_ =	shalt  }
0x55: {  	_ =	shalt  }
0x56: {  	_ =	shalt  }
0x57: {  	_ =	shalt  }
0x58: {  	_ =	shalt  }
0x59: {  	_ =	shalt  }
0x5a: {  	_ =	shalt  }
0x5b: {  	_ =	shalt  }
0x5c: {  	_ =	shalt  }
0x5d: {  	_ =	shalt  }
0x5e: {  	_ =	shalt  }
0x5f: {  	_ =	shalt  }
0x60: {  	_ =	shalt  }
0x61: {  	_ =	shalt  }
0x62: {  	_ =	shalt  }
0x63: {  	_ =	shalt  }
0x64: {  	_ =	shalt  }
0x65: {  	_ =	shalt  }
0x66: {  	_ =	shalt  }
0x67: {  	_ =	shalt  }
0x68: {  	_ =	shalt  }
0x69: {  	_ =	shalt  }
0x6a: {  	_ =	shalt  }
0x6b: {  	_ =	shalt  }
0x6c: {  	_ =	shalt  }
0x6d: {  	_ =	shalt  }
0x6e: {  	_ =	shalt  }
0x6f: {  	_ =	shalt  }
0x70: {  	_ =	shalt  }
0x71: {  	_ =	shalt  }
0x72: {  	_ =	shalt  }
0x73: {  	_ =	shalt  }
0x74: {  	_ =	shalt  }
0x75: {  	_ =	shalt  }
0x76: {  	_ =	shalt  }
0x77: {  	_ =	shalt  }
0x78: {  	_ =	shalt  }
0x79: {  	_ =	shalt  }
0x7a: {  	_ =	shalt  }
0x7b: {  	_ =	shalt  }
0x7c: {  	_ =	shalt  }
0x7d: {  	_ =	shalt  }
0x7e: {  	_ =	shalt  }
0x7f: {  	_ =	shalt  }
0x80: {  	_ =	shalt  }
0x81: {  	_ =	shalt  }
0x82: {  	_ =	shalt  }
0x83: {  	_ =	shalt  }
0x84: {  	_ =	shalt  }
0x85: {  	_ =	shalt  }
0x86: {  	_ =	shalt  }
0x87: {  	_ =	shalt  }
.Lfunc_end0:
.L_simem_size_0:
called_computation_lowered:
.L_overlay_start_0:
0x88: {  	s2 =	sld [smem:$0x3FD9]  }
0x89: {  	s3 =	sld [smem:$0x3FFE];
	_ =	sdelay $0x1  }
0x8a: {  	s1 =	srdreg.scid  }
0x8b: {  	s0 =	sand.u32 $0x1, s1  }
0x8c: {  	s17 =	sshll.u32 s0, $0xA;
	s2 =	sadd.s32 s3, s2  }
0x8d: {  	s2 =	sadd.s32 s2, s17  }
0x8e: {  	[smem:$0x3FBE] =	sst s2  }
0x8f: {  	_ = 	snop  }
0x90: {  	s2 =	sld [smem:$0x3FC3]  }
0x91: {  	s18 =	sld [smem:$0x3FC2]  }
0x92: {  	s4 =	sld [smem:$0x3FC1]  }
0x93: {  	s5 =	sld [smem:$0x3FC0];
	(tm) =	ssettm $0x1  }
0x94: {  	s6 =	sld [smem:$0x3FFB];
	_ =	sdelay $0x3  }
0x95: {  	_ =	strace s6  }
0x96: {  	s6 =	sld [smem:$0x3FFC];
	_ =	sdelay $0x3  }
0x97: {  	_ =	strace s6  }
0x98: {  	s6 =	sld [smem:$0x3FFD];
	_ =	sdelay $0x3  }
0x99: {  	_ =	strace s6  }
0x9a: {  	_ =	strace $0x8FFFFFFF  }
0x9b: {  	s19 =	sld [smem:$0x3FDB];
	_ =	sdelay $0x1  }
0x9c: {  	s7 =	simm.s32 $_scs_section_size  }
0x9d: {  	s8 =	simm.s32 $_size__tile_overlayer_lowered;
	s9 =	simm.s32 $_tile_overlayer_lowered  }
0x9e: {  	s22 =	simm.s32 $0x1BFF;
	s21 =	sshll.u32 s9, $0x1;
	s6 =	sadd.s32 s7, s19  }
0x9f: {  	s10 =	simm.s32 $0x0;
	s20 =	sshll.u32 s8, $0x1;
	s8 =	sadd.s32 s21, s6  }
0xa0: {  	[timem:s10], [sflag:s22] =	dma.local [hbm:s8], s20  }
0xa1: {  	_ =	swait.ge [sflag:s22], s20  }
0xa2: {  	s7 =	ssub.s32 $0x0, s20;
	[sflag:s22] =	ssyncset.done $0x0  }
0xa3: {  	[sflag:s22] =	ssyncadd.s32 s7;
	_ =	sdelay $0x1  }
0xa4: {  	s23 =	simm.s32 $0x1B8B  }
0xa5: {  	_ =	swait.ge [sflag:s23], $0x1  }
0xa6: {  	[sflag:s23] =	ssyncset.done $0x0  }
0xa7: {  	s25 =	simm.s32 $0x1B8E;
	s24 =	sld [smem:$0x3FFE];
	[sflag:s23] =	ssyncadd.s32 $0xFFFFFFFF  }
0xa8: {  	s26 =	simm.s32 $execute0_lowered;
	[smem:$0x3FD2] =	sst s25  }
0xa9: {  	s8 =	sshll.u32 s26, $0x1;
	_ =	strace $0x80000046;
	[dreg:$0x1] =	wrdreg $0xFFFFFFFF  }
0xaa: {  	s28 =	simm.s32 $_size_execute0_lowered;
	s6 =	sadd.s32 s6, s8;
	[dreg:$0x0] =	wrdreg $0x0  }
0xab: {  	s8 =	sshll.u32 s28, $0x1;
	[dreg:$0x2] =	wrdreg s6  }
0xac: {  	[dreg:$0x3] =	wrdreg s8  }
0xad: {  	[dreg:$0x4] =	wrdreg $0xC0  }
0xae: {  	_ =	task [dreg:s10], $0x5FFFF  }
0xaf: {  	[dreg:$0x1] =	wrdreg $0xFFFFFFFF  }
0xb0: {  	[dreg:$0x0] =	wrdreg $0x60  }
0xb1: {  	[dreg:$0x2] =	wrdreg s24  }
0xb2: {  	[dreg:$0x3] =	wrdreg s2  }
0xb3: {  	[dreg:$0x4] =	wrdreg s18  }
0xb4: {  	[dreg:$0x5] =	wrdreg s4  }
0xb5: {  	[dreg:$0x6] =	wrdreg s5  }
0xb6: {  	[dreg:$0x7] =	wrdreg $0x9  }
0xb7: {  	_ =	task.clear_ibuf [dreg:s10], $0x8FFFF;
	_ =	strace $0x90000046  }
0xb8: {  	s29 =	simm.s32 $0x9;
	_ =	strace $0x8000004F  }
0xb9: {  	_ =	swait.ge [sflag:s29], $0x1  }
0xba: {  	[sflag:s29] =	ssyncadd.s32 $0xFFFFFFFF  }
0xbb: {  	_ =	strace $0x9000004F  }
0xbc: {  	_ =	sfence  }
0xbd: {  	s30 =	sld [smem:$0x0];
	_ =	sdelay $0x2  }
0xbe: {  	s31 =	sshll.u32 s1, $0xD;
	s1 =	sshrl.u32 s1, $0x2  }
0xbf: {  	s3 =	sand.u32 $0x4000, s31;
	s1 =	sadd.s32 s1, s30  }
0xc0: {  	s0 =	sor.u32 s3, s0;
	s1 =	sshll.u32 s1, $0x11  }
0xc1: {  	s0 =	sor.u32 s1, s0  }
0xc2: {  	s0 =	sadd.s32 $0x8F2B, s0  }
0xc3: {  	[sflag:s0] =	ssyncadd.remote.s32 $0x1  }
0xc4: {  	_ =	sfence.sel $0xFFFF  }
0xc5: {  	[dreg:$0x0] =	wrdreg $0xFFFFFFFF;
	(pc) =	sbr.abs _section_cstart, $3  }
0xc6: {  	[dreg:$0x1] =	wrdreg $0xFFFFFFFF  }
0xc7: {  	_ =	task.clear_ibuf [dreg:s10], $0x2FFFF;
	_ =	strace $0x9FFFFFFF  }
0xc8: {  	(tm) =	ssettm $0x7FFFFFFF  }
0xc9: {  	_ =	shalt  }
tec
execute0_lowered:
.L_overlay_start_1:
0x0: {  	(tag) =	ssettag $0x1  }
0x1: {  	s0 =	rddreg [dreg:$0x0]  }
0x2: {  	s1 =	rddreg [dreg:$0x1]  }
0x3: {  	s2 =	rddreg [dreg:$0x2]  }
0x4: {  	s4 =	rddreg [dreg:$0x3]  }
0x5: {  	s5 =	rddreg [dreg:$0x4];
	s3 =	srdreg.scid  }
0x6: {  	s7 =	stileid.u32;
	s6 =	simm.s32 $0x0;
	s11 =	simm.s32 $0x1000  }
0x7: {  	s12 =	simm.s32 $0x1;
	s26 =	simm.s32 $0x10;
	s16 =	simm.s32 $0x2  }
0x8: {  	s17 =	simm.s32 $0x3;
	s18 =	simm.s32 $0x4;
	s19 =	simm.s32 $0x5  }
0x9: {  	s20 =	simm.s32 $0x6;
	s21 =	simm.s32 $0x7;
	s24 =	simm.s32 $0x8  }
0xa: {  	s25 =	simm.s32 $0x0;
	s3 =	sand.u32 $0x1, s3;
	s7 =	sshll.u32 s7, $0x1  }
0xb: {  	[smem:$0x7FF] =	sst s6;
	s7 =	sor.u32 s3, s7;
	s3 =	ssub.s32 $0x2, s3  }
0xc: {  	v2 =	vlaneseq.u32;
	_ =	strace $0x80000047;
	s8 =	sshll.u32 s7, $0xC;
	s9 =	sshrl.u32 s3, $0x1  }
0xd: {  	vm0 =	vmmov $0xffff;
	v1 =	vshrl.u32 v2, $0x3;
	s7 =	sshll.u32 s7, $0x4;
	s8 =	sadd.s32 s8, s0;
	s3 =	ssub.s32 s3, s9  }
0xe: {  	v0 =	vand.u32 $0x7, v2;
	v2 =	vor.u32 $0x8, v2;
	v1 =	vmul.u32 $0x8, v1;
	s7 =	sadd.s32 s0, s7;
	s8 =	sadd.s32 $0x2000, s8;
	s9 =	smax.u32 s3, $0x1  }
.LBB2_1:
0xf: {  	s0 =	simm.s32 $0x80  }
0x10: {  	[tilespmem:s6], [sflag:$0x1] =	stream.strided.gather [hbm4b:s7+s0], $0x800, s11, s0, $0x38;
	[tilespmem:$0x1C000] =	vst v63  }
0x11: {  	_ =	swait.ge [sflag:s12], $0x800  }
0x12: {  	[sflag:s12] =	ssyncset.done $0x0  }
0x13: {  	[sflag:s12] =	ssyncadd.s32 $0xFFFFF800  }
0x14: {  	v3 =	vld [tilespmem:$0x0];
	_ =	sdelay $0x4  }
0x15: {  	v4 =	vshll.u32 v3, $0x1  }
0x16: {  	v3 =	vand.u32 $0x7, v3;
	v4 =	vand.u32 $0xFFFFFFF0, v4  }
0x17: {  	v3 =	vor.u32 v3, v4  }
0x18: {  	v4 =	vperm.xlane v3, v0;
	_ =	sdelay $0x1  }
0x19: {  	v3 =	vperm.xlane v3, v2;
	v4 =	vadd.s32 v1, v4;
	_ =	sdelay $0x1  }
0x1a: {  	v3 =	vadd.s32 v1, v3;
	_ =	sdelay $0x1  }
0x1b: {  	s3 =	simm.s32 $0x800  }
0x1c: {  	[tilespmem:s3], [sflag:$0x2] =	stream.indirect_vreg.gather [hbm4b:s1+s6], $0x80, v4, vm0, $0xb8;
	[tilespmem:$0x1C000] =	vst v63  }
0x1d: {  	_ = 	snop  }
0x1e: {  	[tilespmem:s11], [sflag:$0x2] =	stream.indirect_vreg.gather [hbm4b:s1+s6], $0x80, v3, vm0, $0xb8;
	[tilespmem:$0x1C000] =	vst v63  }
0x1f: {  	v3 =	vld [tilespmem:$0x80];
	_ =	sdelay $0x4  }
0x20: {  	v4 =	vshll.u32 v3, $0x1  }
0x21: {  	v3 =	vand.u32 $0x7, v3;
	v4 =	vand.u32 $0xFFFFFFF0, v4  }
0x22: {  	v3 =	vor.u32 v3, v4  }
0x23: {  	v4 =	vperm.xlane v3, v0;
	_ =	sdelay $0x1  }
0x24: {  	v3 =	vperm.xlane v3, v2;
	v4 =	vadd.s32 v1, v4;
	_ =	sdelay $0x1  }
0x25: {  	v3 =	vadd.s32 v1, v3;
	_ =	sdelay $0x1  }
0x26: {  	s10 =	simm.s32 $0x1800  }
0x27: {  	[tilespmem:s10], [sflag:$0x2] =	stream.indirect_vreg.gather [hbm4b:s1+s6], $0x80, v4, vm0, $0xb8;
	[tilespmem:$0x1C000] =	vst v63  }
0x28: {  	s13 =	simm.s32 $0x2000  }
0x29: {  	[tilespmem:s13], [sflag:$0x2] =	stream.indirect_vreg.gather [hbm4b:s1+s6], $0x80, v3, vm0, $0xb8;
	[tilespmem:$0x1C000] =	vst v63  }
0x2a: {  	v3 =	vld [tilespmem:$0x100];
	_ =	sdelay $0x4  }
0x2b: {  	v4 =	vshll.u32 v3, $0x1  }
0x2c: {  	v3 =	vand.u32 $0x7, v3;
	v4 =	vand.u32 $0xFFFFFFF0, v4  }
0x2d: {  	v3 =	vor.u32 v3, v4  }
0x2e: {  	v4 =	vperm.xlane v3, v0;
	_ =	sdelay $0x1  }
0x2f: {  	v3 =	vperm.xlane v3, v2;
	v4 =	vadd.s32 v1, v4;
	_ =	sdelay $0x1  }
0x30: {  	v3 =	vadd.s32 v1, v3;
	_ =	sdelay $0x1  }
0x31: {  	s14 =	simm.s32 $0x2800  }
0x32: {  	[tilespmem:s14], [sflag:$0x3] =	stream.indirect_vreg.gather [hbm4b:s1+s6], $0x80, v4, vm0, $0xb8;
	[tilespmem:$0x1C000] =	vst v63  }
0x33: {  	s15 =	simm.s32 $0x3000  }
0x34: {  	[tilespmem:s15], [sflag:$0x3] =	stream.indirect_vreg.gather [hbm4b:s1+s6], $0x80, v3, vm0, $0xb8;
	[tilespmem:$0x1C000] =	vst v63  }
0x35: {  	v3 =	vld [tilespmem:$0x180];
	_ =	sdelay $0x4  }
0x36: {  	v4 =	vshll.u32 v3, $0x1  }
0x37: {  	v3 =	vand.u32 $0x7, v3;
	v4 =	vand.u32 $0xFFFFFFF0, v4  }
0x38: {  	v3 =	vor.u32 v3, v4  }
0x39: {  	v4 =	vperm.xlane v3, v0;
	_ =	sdelay $0x1  }
0x3a: {  	v3 =	vperm.xlane v3, v2;
	v4 =	vadd.s32 v1, v4;
	_ =	sdelay $0x1  }
0x3b: {  	v3 =	vadd.s32 v1, v3;
	_ =	sdelay $0x1  }
0x3c: {  	s22 =	simm.s32 $0x3800  }
0x3d: {  	[tilespmem:s22], [sflag:$0x3] =	stream.indirect_vreg.gather [hbm4b:s1+s6], $0x80, v4, vm0, $0xb8;
	[tilespmem:$0x1C000] =	vst v63  }
0x3e: {  	s23 =	simm.s32 $0x4000  }
0x3f: {  	[tilespmem:s23], [sflag:$0x3] =	stream.indirect_vreg.gather [hbm4b:s1+s6], $0x80, v3, vm0, $0xb8;
	[tilespmem:$0x1C000] =	vst v63  }
0x40: {  	v3 =	vld [tilespmem:$0x200];
	_ =	sdelay $0x4  }
0x41: {  	v4 =	vshll.u32 v3, $0x1  }
0x42: {  	v3 =	vand.u32 $0x7, v3;
	v4 =	vand.u32 $0xFFFFFFF0, v4  }
0x43: {  	v3 =	vor.u32 v3, v4  }
0x44: {  	v4 =	vperm.xlane v3, v0;
	_ =	sdelay $0x1  }
0x45: {  	v3 =	vperm.xlane v3, v2;
	v4 =	vadd.s32 v1, v4;
	_ =	sdelay $0x1  }
0x46: {  	v3 =	vadd.s32 v1, v3;
	_ =	sdelay $0x1  }
0x47: {  	s28 =	simm.s32 $0x4800  }
0x48: {  	[tilespmem:s28], [sflag:$0x3] =	stream.indirect_vreg.gather [hbm4b:s1+s6], $0x80, v4, vm0, $0xb8;
	[tilespmem:$0x1C000] =	vst v63  }
0x49: {  	s29 =	simm.s32 $0x5000  }
0x4a: {  	[tilespmem:s29], [sflag:$0x3] =	stream.indirect_vreg.gather [hbm4b:s1+s6], $0x80, v3, vm0, $0xb8;
	[tilespmem:$0x1C000] =	vst v63  }
0x4b: {  	v3 =	vld [tilespmem:$0x280];
	_ =	sdelay $0x4  }
0x4c: {  	v4 =	vshll.u32 v3, $0x1  }
0x4d: {  	v3 =	vand.u32 $0x7, v3;
	v4 =	vand.u32 $0xFFFFFFF0, v4  }
0x4e: {  	v3 =	vor.u32 v3, v4  }
0x4f: {  	v4 =	vperm.xlane v3, v0;
	_ =	sdelay $0x1  }
0x50: {  	v3 =	vperm.xlane v3, v2;
	v4 =	vadd.s32 v1, v4;
	_ =	sdelay $0x1  }
0x51: {  	v3 =	vadd.s32 v1, v3;
	_ =	sdelay $0x1  }
0x52: {  	s30 =	simm.s32 $0x5800  }
0x53: {  	[tilespmem:s30], [sflag:$0x4] =	stream.indirect_vreg.gather [hbm4b:s1+s6], $0x80, v4, vm0, $0xb8;
	[tilespmem:$0x1C000] =	vst v63  }
0x54: {  	s31 =	simm.s32 $0x6000  }
0x55: {  	[tilespmem:s31], [sflag:$0x4] =	stream.indirect_vreg.gather [hbm4b:s1+s6], $0x80, v3, vm0, $0xb8;
	[tilespmem:$0x1C000] =	vst v63  }
0x56: {  	v3 =	vld [tilespmem:$0x380];
	_ =	sdelay $0x4  }
0x57: {  	v4 =	vshll.u32 v3, $0x1  }
0x58: {  	v3 =	vand.u32 $0x7, v3;
	v4 =	vand.u32 $0xFFFFFFF0, v4  }
0x59: {  	v3 =	vor.u32 v3, v4  }
0x5a: {  	v4 =	vperm.xlane v3, v0;
	_ =	sdelay $0x1  }
0x5b: {  	v3 =	vperm.xlane v3, v2;
	v4 =	vadd.s32 v1, v4;
	_ =	sdelay $0x1  }
0x5c: {  	v3 =	vadd.s32 v1, v3;
	_ =	sdelay $0x1  }
0x5d: {  	s3 =	simm.s32 $0x6800  }
0x5e: {  	[tilespmem:s3], [sflag:$0x4] =	stream.indirect_vreg.gather [hbm4b:s1+s6], $0x80, v4, vm0, $0xb8;
	[tilespmem:$0x1C000] =	vst v63  }
0x5f: {  	s10 =	simm.s32 $0x7000  }
0x60: {  	[tilespmem:s10], [sflag:$0x4] =	stream.indirect_vreg.gather [hbm4b:s1+s6], $0x80, v3, vm0, $0xb8;
	[tilespmem:$0x1C000] =	vst v63  }
0x61: {  	s13 =	simm.s32 $0x280;
	s3 =	simm.s32 $0xC800  }
0x62: {  	[tilespmem:s3], [sflag:$0x4] =	stream.indirect.gather [hbm4b:s2+s26], $0x80, s13, s26, $0xb8;
	[tilespmem:$0x1C000] =	vst v63  }
0x63: {  	s14 =	simm.s32 $0x380;
	s15 =	simm.s32 $0xD000  }
0x64: {  	[tilespmem:s15], [sflag:$0x4] =	stream.indirect.gather [hbm4b:s2+s26], $0x80, s14, s26, $0xb8;
	[tilespmem:$0x1C000] =	vst v63  }
0x65: {  	v3 =	vld [tilespmem:$0x300];
	_ =	sdelay $0x4  }
0x66: {  	v4 =	vshll.u32 v3, $0x1  }
0x67: {  	v3 =	vand.u32 $0x7, v3;
	v4 =	vand.u32 $0xFFFFFFF0, v4  }
0x68: {  	v3 =	vor.u32 v3, v4  }
0x69: {  	v4 =	vperm.xlane v3, v0;
	_ =	sdelay $0x1  }
0x6a: {  	v3 =	vperm.xlane v3, v2;
	v4 =	vadd.s32 v1, v4;
	_ =	sdelay $0x1  }
0x6b: {  	v3 =	vadd.s32 v1, v3;
	_ =	sdelay $0x1  }
0x6c: {  	s22 =	simm.s32 $0xF000  }
0x6d: {  	[tilespmem:s22], [sflag:$0x4] =	stream.indirect_vreg.gather [hbm4b:s4+s6], $0x80, v4, vm0, $0xb8;
	[tilespmem:$0x1C000] =	vst v63  }
0x6e: {  	s23 =	simm.s32 $0xF800  }
0x6f: {  	[tilespmem:s23], [sflag:$0x4] =	stream.indirect_vreg.gather [hbm4b:s4+s6], $0x80, v3, vm0, $0xb8;
	[tilespmem:$0x1C000] =	vst v63  }
0x70: {  	v3 =	vld [tilespmem:$0x300];
	_ =	sdelay $0x4  }
0x71: {  	v4 =	vshll.u32 v3, $0x1  }
0x72: {  	v3 =	vand.u32 $0x7, v3;
	v4 =	vand.u32 $0xFFFFFFF0, v4  }
0x73: {  	v3 =	vor.u32 v3, v4  }
0x74: {  	v4 =	vperm.xlane v3, v0;
	_ =	sdelay $0x1  }
0x75: {  	v3 =	vperm.xlane v3, v2;
	v4 =	vadd.s32 v1, v4;
	_ =	sdelay $0x1  }
0x76: {  	v3 =	vadd.s32 v1, v3;
	_ =	sdelay $0x1  }
0x77: {  	s28 =	simm.s32 $0x12000  }
0x78: {  	[tilespmem:s28], [sflag:$0x4] =	stream.indirect_vreg.gather [hbm4b:s5+s6], $0x80, v4, vm0, $0xb8;
	[tilespmem:$0x1C000] =	vst v63  }
0x79: {  	s29 =	simm.s32 $0x12800  }
0x7a: {  	[tilespmem:s29], [sflag:$0x4] =	stream.indirect_vreg.gather [hbm4b:s5+s6], $0x80, v3, vm0, $0xb8;
	[tilespmem:$0x1C000] =	vst v63  }
0x7b: {  	v3 =	vld [tilespmem:$0x500];
	_ =	sdelay $0x4  }
0x7c: {  	v4 =	vshll.u32 v3, $0x1  }
0x7d: {  	v3 =	vand.u32 $0x7, v3;
	v4 =	vand.u32 $0xFFFFFFF0, v4  }
0x7e: {  	v3 =	vor.u32 v3, v4  }
0x7f: {  	v4 =	vperm.xlane v3, v0;
	_ =	sdelay $0x1  }
0x80: {  	v3 =	vperm.xlane v3, v2;
	v4 =	vadd.s32 v1, v4;
	_ =	sdelay $0x1  }
0x81: {  	v3 =	vadd.s32 v1, v3;
	_ =	sdelay $0x1  }
0x82: {  	s30 =	simm.s32 $0x7800  }
0x83: {  	[tilespmem:s30], [sflag:$0x5] =	stream.indirect_vreg.gather [hbm4b:s1+s6], $0x80, v4, vm0, $0xb8;
	[tilespmem:$0x1C000] =	vst v63  }
0x84: {  	s31 =	simm.s32 $0x8000  }
0x85: {  	[tilespmem:s31], [sflag:$0x5] =	stream.indirect_vreg.gather [hbm4b:s1+s6], $0x80, v3, vm0, $0xb8;
	[tilespmem:$0x1C000] =	vst v63  }
0x86: {  	s10 =	simm.s32 $0xD800;
	s3 =	simm.s32 $0x480  }
0x87: {  	[tilespmem:s10], [sflag:$0x5] =	stream.indirect.gather [hbm4b:s2+s26], $0x80, s3, s26, $0xb8;
	[tilespmem:$0x1C000] =	vst v63  }
0x88: {  	v3 =	vld [tilespmem:$0x400];
	_ =	sdelay $0x4  }
0x89: {  	v4 =	vshll.u32 v3, $0x1  }
0x8a: {  	v3 =	vand.u32 $0x7, v3;
	v4 =	vand.u32 $0xFFFFFFF0, v4  }
0x8b: {  	v3 =	vor.u32 v3, v4  }
0x8c: {  	v4 =	vperm.xlane v3, v0;
	_ =	sdelay $0x1  }
0x8d: {  	v3 =	vperm.xlane v3, v2;
	v4 =	vadd.s32 v1, v4;
	_ =	sdelay $0x1  }
0x8e: {  	v3 =	vadd.s32 v1, v3;
	_ =	sdelay $0x1  }
0x8f: {  	s13 =	simm.s32 $0x10000  }
0x90: {  	[tilespmem:s13], [sflag:$0x5] =	stream.indirect_vreg.gather [hbm4b:s4+s6], $0x80, v4, vm0, $0xb8;
	[tilespmem:$0x1C000] =	vst v63  }
0x91: {  	s14 =	simm.s32 $0x10800  }
0x92: {  	[tilespmem:s14], [sflag:$0x5] =	stream.indirect_vreg.gather [hbm4b:s4+s6], $0x80, v3, vm0, $0xb8;
	[tilespmem:$0x1C000] =	vst v63  }
0x93: {  	v3 =	vld [tilespmem:$0x580];
	_ =	sdelay $0x4  }
0x94: {  	v4 =	vshll.u32 v3, $0x1  }
0x95: {  	v3 =	vand.u32 $0x7, v3;
	v4 =	vand.u32 $0xFFFFFFF0, v4  }
0x96: {  	v3 =	vor.u32 v3, v4  }
0x97: {  	v4 =	vperm.xlane v3, v0;
	_ =	sdelay $0x1  }
0x98: {  	v3 =	vperm.xlane v3, v2;
	v4 =	vadd.s32 v1, v4;
	_ =	sdelay $0x1  }
0x99: {  	v3 =	vadd.s32 v1, v3;
	_ =	sdelay $0x1  }
0x9a: {  	s15 =	simm.s32 $0x8800  }
0x9b: {  	[tilespmem:s15], [sflag:$0x6] =	stream.indirect_vreg.gather [hbm4b:s1+s6], $0x80, v4, vm0, $0xb8;
	[tilespmem:$0x1C000] =	vst v63  }
0x9c: {  	s22 =	simm.s32 $0x9000  }
0x9d: {  	[tilespmem:s22], [sflag:$0x6] =	stream.indirect_vreg.gather [hbm4b:s1+s6], $0x80, v3, vm0, $0xb8;
	[tilespmem:$0x1C000] =	vst v63  }
0x9e: {  	v3 =	vld [tilespmem:$0x600];
	_ =	sdelay $0x4  }
0x9f: {  	v4 =	vshll.u32 v3, $0x1  }
0xa0: {  	v3 =	vand.u32 $0x7, v3;
	v4 =	vand.u32 $0xFFFFFFF0, v4  }
0xa1: {  	v3 =	vor.u32 v3, v4  }
0xa2: {  	v4 =	vperm.xlane v3, v0;
	_ =	sdelay $0x1  }
0xa3: {  	v3 =	vperm.xlane v3, v2;
	v4 =	vadd.s32 v1, v4;
	_ =	sdelay $0x1  }
0xa4: {  	v3 =	vadd.s32 v1, v3;
	_ =	sdelay $0x1  }
0xa5: {  	s23 =	simm.s32 $0x9800  }
0xa6: {  	[tilespmem:s23], [sflag:$0x6] =	stream.indirect_vreg.gather [hbm4b:s1+s6], $0x80, v4, vm0, $0xb8;
	[tilespmem:$0x1C000] =	vst v63  }
0xa7: {  	s28 =	simm.s32 $0xA000  }
0xa8: {  	[tilespmem:s28], [sflag:$0x6] =	stream.indirect_vreg.gather [hbm4b:s1+s6], $0x80, v3, vm0, $0xb8;
	[tilespmem:$0x1C000] =	vst v63  }
0xa9: {  	v3 =	vld [tilespmem:$0x680];
	_ =	sdelay $0x4  }
0xaa: {  	v4 =	vshll.u32 v3, $0x1  }
0xab: {  	v3 =	vand.u32 $0x7, v3;
	v4 =	vand.u32 $0xFFFFFFF0, v4  }
0xac: {  	v3 =	vor.u32 v3, v4  }
0xad: {  	v4 =	vperm.xlane v3, v0;
	_ =	sdelay $0x1  }
0xae: {  	v3 =	vperm.xlane v3, v2;
	v4 =	vadd.s32 v1, v4;
	_ =	sdelay $0x1  }
0xaf: {  	v3 =	vadd.s32 v1, v3;
	_ =	sdelay $0x1  }
0xb0: {  	s29 =	simm.s32 $0xA800  }
0xb1: {  	[tilespmem:s29], [sflag:$0x7] =	stream.indirect_vreg.gather [hbm4b:s1+s6], $0x80, v4, vm0, $0xb8;
	[tilespmem:$0x1C000] =	vst v63  }
0xb2: {  	s30 =	simm.s32 $0xB000  }
0xb3: {  	[tilespmem:s30], [sflag:$0x7] =	stream.indirect_vreg.gather [hbm4b:s1+s6], $0x80, v3, vm0, $0xb8;
	[tilespmem:$0x1C000] =	vst v63  }
0xb4: {  	v3 =	vld [tilespmem:$0x780];
	_ =	sdelay $0x4  }
0xb5: {  	v4 =	vshll.u32 v3, $0x1  }
0xb6: {  	v3 =	vand.u32 $0x7, v3;
	v4 =	vand.u32 $0xFFFFFFF0, v4  }
0xb7: {  	v3 =	vor.u32 v3, v4  }
0xb8: {  	v4 =	vperm.xlane v3, v0;
	_ =	sdelay $0x1  }
0xb9: {  	v3 =	vperm.xlane v3, v2;
	v4 =	vadd.s32 v1, v4;
	_ =	sdelay $0x1  }
0xba: {  	v3 =	vadd.s32 v1, v3;
	_ =	sdelay $0x1  }
0xbb: {  	s31 =	simm.s32 $0xB800  }
0xbc: {  	[tilespmem:s31], [sflag:$0x7] =	stream.indirect_vreg.gather [hbm4b:s1+s6], $0x80, v4, vm0, $0xb8;
	[tilespmem:$0x1C000] =	vst v63  }
0xbd: {  	s3 =	simm.s32 $0xC000  }
0xbe: {  	[tilespmem:s3], [sflag:$0x7] =	stream.indirect_vreg.gather [hbm4b:s1+s6], $0x80, v3, vm0, $0xb8;
	[tilespmem:$0x1C000] =	vst v63  }
0xbf: {  	s10 =	simm.s32 $0x680;
	s13 =	simm.s32 $0xE000  }
0xc0: {  	[tilespmem:s13], [sflag:$0x7] =	stream.indirect.gather [hbm4b:s2+s26], $0x80, s10, s26, $0xb8;
	[tilespmem:$0x1C000] =	vst v63  }
0xc1: {  	s14 =	simm.s32 $0x780;
	s15 =	simm.s32 $0xE800  }
0xc2: {  	[tilespmem:s15], [sflag:$0x7] =	stream.indirect.gather [hbm4b:s2+s26], $0x80, s14, s26, $0xb8;
	[tilespmem:$0x1C000] =	vst v63  }
0xc3: {  	v3 =	vld [tilespmem:$0x700];
	_ =	sdelay $0x4  }
0xc4: {  	v4 =	vshll.u32 v3, $0x1  }
0xc5: {  	v3 =	vand.u32 $0x7, v3;
	v4 =	vand.u32 $0xFFFFFFF0, v4  }
0xc6: {  	v3 =	vor.u32 v3, v4  }
0xc7: {  	v4 =	vperm.xlane v3, v0;
	_ =	sdelay $0x1  }
0xc8: {  	v3 =	vperm.xlane v3, v2;
	v4 =	vadd.s32 v1, v4;
	_ =	sdelay $0x1  }
0xc9: {  	v3 =	vadd.s32 v1, v3;
	_ =	sdelay $0x1  }
0xca: {  	s22 =	simm.s32 $0x11000  }
0xcb: {  	[tilespmem:s22], [sflag:$0x7] =	stream.indirect_vreg.gather [hbm4b:s4+s6], $0x80, v4, vm0, $0xb8;
	[tilespmem:$0x1C000] =	vst v63  }
0xcc: {  	s23 =	simm.s32 $0x11800  }
0xcd: {  	[tilespmem:s23], [sflag:$0x7] =	stream.indirect_vreg.gather [hbm4b:s4+s6], $0x80, v3, vm0, $0xb8;
	[tilespmem:$0x1C000] =	vst v63  }
0xce: {  	v3 =	vld [tilespmem:$0x700];
	_ =	sdelay $0x4  }
0xcf: {  	v4 =	vshll.u32 v3, $0x1  }
0xd0: {  	v3 =	vand.u32 $0x7, v3;
	v4 =	vand.u32 $0xFFFFFFF0, v4  }
0xd1: {  	v3 =	vor.u32 v3, v4  }
0xd2: {  	v4 =	vperm.xlane v3, v0;
	_ =	sdelay $0x1  }
0xd3: {  	v3 =	vperm.xlane v3, v2;
	v4 =	vadd.s32 v1, v4;
	_ =	sdelay $0x1  }
0xd4: {  	v3 =	vadd.s32 v1, v3;
	_ =	sdelay $0x1  }
0xd5: {  	s28 =	simm.s32 $0x13000  }
0xd6: {  	[tilespmem:s28], [sflag:$0x7] =	stream.indirect_vreg.gather [hbm4b:s5+s6], $0x80, v4, vm0, $0xb8;
	[tilespmem:$0x1C000] =	vst v63  }
0xd7: {  	s29 =	simm.s32 $0x13800  }
0xd8: {  	[tilespmem:s29], [sflag:$0x7] =	stream.indirect_vreg.gather [hbm4b:s5+s6], $0x80, v3, vm0, $0xb8;
	[tilespmem:$0x1C000] =	vst v63  }
0xd9: {  	_ =	strace $0x80000048  }
0xda: {  	_ =	swait.ge [sflag:s16], $0x1000  }
0xdb: {  	[sflag:s16] =	ssyncset.done $0x0  }
0xdc: {  	[sflag:s16] =	ssyncadd.s32 $0xFFFFF000  }
0xdd: {  	s30 =	sand.u32 $0x800, s6;
	_ =	swait.ge [sflag:s16], $0x1000  }
0xde: {  	s31 =	sor.u32 s30, s6;
	[sflag:s16] =	ssyncset.done $0x0  }
0xdf: {  	s0 =	sor.u32 $0x1400, s31;
	[sflag:s16] =	ssyncadd.s32 $0xFFFFF000  }
0xe0: {  	s10 =	sand.u32 $0x380, s6;
	v3 =	vld [tilespmem:s0+$0x830]  }
0xe1: {  	s10 =	sor.u32 s10, s30;
	v4 =	vld [tilespmem:s0+$0x860]  }
0xe2: {  	v5 =	vld [tilespmem:s10+$0xC60]  }
0xe3: {  	v6 =	vld [tilespmem:s10+$0xC10]  }
0xe4: {  	v7 =	vld [tilespmem:s10+$0xC20]  }
0xe5: {  	v8 =	vld [tilespmem:s10+$0x1860]  }
0xe6: {  	v9 =	vld [tilespmem:s10+$0x860]  }
0xe7: {  	v10 =	vld [tilespmem:s10+$0xC40]  }
0xe8: {  	v11 =	vld [tilespmem:s10+$0x1840]  }
0xe9: {  	v12 =	vld [tilespmem:s10+$0x1830]  }
0xea: {  	v13 =	vld [tilespmem:s10+$0x840]  }
0xeb: {  	v14 =	vld [tilespmem:s10+$0x830]  }
0xec: {  	v15 =	vld [tilespmem:s10+$0x1800]  }
0xed: {  	v16 =	vld [tilespmem:s10+$0x1820]  }
0xee: {  	v18 =	vld [tilespmem:s10+$0xC30]  }
0xef: {  	v17 =	vld [tilespmem:s10+$0x1810]  }
0xf0: {  	v11 =	vsub.f32 v13, v11;
	v13 =	vld [tilespmem:s10+$0x820]  }
0xf1: {  	v12 =	vsub.f32 v14, v12;
	v14 =	vld [tilespmem:s10+$0x800]  }
0xf2: {  	v10 =	vand.u32 $0x7FFFFFFF, v10;
	v8 =	vsub.f32 v9, v8;
	v9 =	vld [tilespmem:s10+$0x810];
	v6 =	vand.u32 $0x7FFFFFFF, v6  }
0xf3: {  	v5 =	vand.u32 $0x7FFFFFFF, v5;
	v18 =	vand.u32 $0x7FFFFFFF, v18;
	v11 =	vand.u32 $0x7FFFFFFF, v11  }
0xf4: {  	v8 =	vand.u32 $0x7FFFFFFF, v8;
	v10 =	vadd.f32 v11, v10;
	v11 =	vand.u32 $0x7FFFFFFF, v12;
	v12 =	vld [tilespmem:s10+$0xC00]  }
0xf5: {  	v62 =	vld [tilespmem:s0+$0x800];
	v4 =	vand.u32 $0x7FFFFFFF, v4;
	v5 =	vadd.f32 v8, v5;
	v11 =	vadd.f32 v11, v18  }
0xf6: {  	v7 =	vand.u32 $0x7FFFFFFF, v7;
	v8 =	vsub.f32 v13, v16;
	v13 =	vld [tilespmem:s0+$0x840];
	v14 =	vsub.f32 v14, v15  }
0xf7: {  	v3 =	vand.u32 $0x7FFFFFFF, v3;
	v15 =	vld [tilespmem:s0+$0x810];
	v4 =	vsub.f32 v5, v4;
	v5 =	vsub.f32 v9, v17  }
0xf8: {  	v63 =	vld [tilespmem:s0+$0x820];
	v3 =	vsub.f32 v11, v3;
	v8 =	vand.u32 $0x7FFFFFFF, v8;
	v9 =	vand.u32 $0x7FFFFFFF, v14  }
0xf9: {  	v5 =	vand.u32 $0x7FFFFFFF, v5;
	v11 =	vadd.f32 v8, v7;
	v12 =	vand.u32 $0x7FFFFFFF, v12;
	v7 =	vld [tilespmem:s10+$0x1850]  }
0xfa: {  	v8 =	vmax.f32 v4, $0.0e+00;
	v4 =	vmax.f32 v3, $0.0e+00;
	v3 =	vadd.f32 v9, v12;
	v9 =	vld [tilespmem:s10+$0x850]  }
0xfb: {  	v6 =	vadd.f32 v5, v6;
	v5 =	vld [tilespmem:s0+$0x850];
	v12 =	vand.u32 $0x7FFFFFFF, v13;
	v13 =	vand.u32 $0x7FFFFFFF, v62  }
0xfc: {  	v14 =	vsub.f32 v10, v12;
	v16 =	vsub.f32 v3, v13;
	v12 =	vand.u32 $0x7FFFFFFF, v15;
	v10 =	vld [tilespmem:s10+$0xC50]  }
0xfd: {  	s3 =	simm.s32 $0x14000;
	v3 =	vmul.f32 v8, v8;
	v15 =	vand.u32 $0x7FFFFFFF, v63;
	v8 =	vld [tilespmem:s10+$0x1870];
	v13 =	vsub.f32 v6, v12  }
0xfe: {  	s13 =	simm.s32 $0x100;
	s14 =	simm.s32 $0x14000;
	s15 =	simm.s32 $0x0;
	v12 =	vsub.f32 v11, v15;
	v11 =	vld [tilespmem:s10+$0x870];
	v6 =	vmax.f32 v14, $0.0e+00;
	v14 =	vmax.f32 v16, $0.0e+00  }
.LBB2_2:
0xff: {  	p0 =	sne.s32 s13, $0xF00;
	v14 =	vmul.f32 v14, v14;
	v13 =	vmax.f32 v13, $0.0e+00;
	v7 =	vsub.f32 v9, v7;
	s14 =	sadd.s32 $0x800, s14;
	s15 =	sadd.s32 $0x80, s15  }
0x100: {  	v12 =	vmax.f32 v12, $0.0e+00;
	v9 =	vmul.f32 v13, v13;
	v13 =	vld [tilespmem:s10+$0xC70];
	s10 =	smov.u32 s13;
	s13 =	sadd.s32 $0x100, s13  }
0x101: {  	v12 =	vmul.f32 v12, v12;
	v10 =	vand.u32 $0x7FFFFFFF, v10;
	v7 =	vand.u32 $0x7FFFFFFF, v7  }
0x102: {  	v9 =	vadd.f32 v9, v14;
	v7 =	vadd.f32 v7, v10;
	v10 =	vld [tilespmem:s0+$0x870]  }
0x103: {  	v4 =	vmul.f32 v4, v4;
	v5 =	vand.u32 $0x7FFFFFFF, v5;
	v8 =	vsub.f32 v11, v8  }
0x104: {  	v9 =	vadd.f32 v12, v9;
	v5 =	vsub.f32 v7, v5  }
0x105: {  	v6 =	vmul.f32 v6, v6;
	v7 =	vand.u32 $0x7FFFFFFF, v13;
	v8 =	vand.u32 $0x7FFFFFFF, v8  }
0x106: {  	v4 =	vadd.f32 v4, v9;
	v5 =	vmax.f32 v5, $0.0e+00;
	v7 =	vadd.f32 v8, v7  }
0x107: {  	v5 =	vmul.f32 v5, v5;
	v8 =	vand.u32 $0x7FFFFFFF, v10  }
0x108: {  	v4 =	vadd.f32 v6, v4;
	v6 =	vsub.f32 v7, v8;
	_ =	sdelay $0x1  }
0x109: {  	v4 =	vadd.f32 v5, v4;
	v5 =	vmax.f32 v6, $0.0e+00  }
0x10a: {  	v5 =	vmul.f32 v5, v5  }
0x10b: {  	v3 =	vadd.f32 v3, v4;
	_ =	sdelay $0x1  }
0x10c: {  	v3 =	vadd.f32 v5, v3;
	_ =	sdelay $0x1  }
0x10d: {  	s10 =	sand.u32 $0x800, s10;
	[tilespmem:s3+$0x0] =	vst v3;
	s3 =	smov.u32 s14  }
0x10e: {  	s0 =	sor.u32 s10, s15  }
0x10f: {  	s0 =	sor.u32 $0x1400, s0  }
0x110: {  	s22 =	sand.u32 $0x380, s15;
	v3 =	vld [tilespmem:s0+$0x830]  }
0x111: {  	s10 =	sor.u32 s22, s10;
	v4 =	vld [tilespmem:s0+$0x860]  }
0x112: {  	v5 =	vld [tilespmem:s10+$0xC60]  }
0x113: {  	v6 =	vld [tilespmem:s10+$0xC10]  }
0x114: {  	v7 =	vld [tilespmem:s10+$0xC20]  }
0x115: {  	v8 =	vld [tilespmem:s10+$0x1860]  }
0x116: {  	v9 =	vld [tilespmem:s10+$0x860]  }
0x117: {  	v10 =	vld [tilespmem:s10+$0xC40]  }
0x118: {  	v11 =	vld [tilespmem:s10+$0x1840]  }
0x119: {  	v12 =	vld [tilespmem:s10+$0x1830]  }
0x11a: {  	v13 =	vld [tilespmem:s10+$0x840]  }
0x11b: {  	v14 =	vld [tilespmem:s10+$0x830]  }
0x11c: {  	v15 =	vld [tilespmem:s10+$0x1800]  }
0x11d: {  	v16 =	vld [tilespmem:s10+$0x1820]  }
0x11e: {  	v17 =	vld [tilespmem:s10+$0x1810]  }
0x11f: {  	v10 =	vand.u32 $0x7FFFFFFF, v10;
	v18 =	vld [tilespmem:s10+$0xC30];
	v11 =	vsub.f32 v13, v11  }
0x120: {  	v13 =	vld [tilespmem:s10+$0x820];
	v12 =	vsub.f32 v14, v12  }
0x121: {  	v6 =	vand.u32 $0x7FFFFFFF, v6;
	v8 =	vsub.f32 v9, v8;
	v14 =	vld [tilespmem:s10+$0x800];
	v11 =	vand.u32 $0x7FFFFFFF, v11  }
0x122: {  	v9 =	vld [tilespmem:s10+$0x810];
	v10 =	vadd.f32 v11, v10  }
0x123: {  	v5 =	vand.u32 $0x7FFFFFFF, v5;
	v8 =	vand.u32 $0x7FFFFFFF, v8;
	v12 =	vand.u32 $0x7FFFFFFF, v12;
	v11 =	vld [tilespmem:s0+$0x810]  }
0x124: {  	v4 =	vand.u32 $0x7FFFFFFF, v4;
	v5 =	vadd.f32 v8, v5;
	v19 =	vld [tilespmem:s10+$0xC00];
	v18 =	vand.u32 $0x7FFFFFFF, v18  }
0x125: {  	v7 =	vand.u32 $0x7FFFFFFF, v7;
	v8 =	vsub.f32 v13, v16;
	v12 =	vadd.f32 v12, v18;
	v13 =	vld [tilespmem:s0+$0x840]  }
0x126: {  	v3 =	vand.u32 $0x7FFFFFFF, v3;
	v4 =	vsub.f32 v5, v4;
	v16 =	vld [tilespmem:s0+$0x800];
	v14 =	vsub.f32 v14, v15  }
0x127: {  	v5 =	vsub.f32 v9, v17;
	v15 =	vld [tilespmem:s0+$0x820];
	v8 =	vand.u32 $0x7FFFFFFF, v8;
	v3 =	vsub.f32 v12, v3  }
0x128: {  	v12 =	vmax.f32 v4, $0.0e+00;
	v9 =	vand.u32 $0x7FFFFFFF, v14;
	v8 =	vadd.f32 v8, v7  }
0x129: {  	v14 =	vand.u32 $0x7FFFFFFF, v19;
	v4 =	vmax.f32 v3, $0.0e+00;
	v7 =	vld [tilespmem:s10+$0x1850];
	v3 =	vmul.f32 v12, v12  }
.Ltmp0:
0x12a: {  	v5 =	vand.u32 $0x7FFFFFFF, v5;
	v12 =	vadd.f32 v9, v14;
	v13 =	vand.u32 $0x7FFFFFFF, v13;
	v9 =	vld [tilespmem:s10+$0x850];
	(pc) =	sbr.rel @p0 .LBB2_2-.Ltmp0, $4  }
0x12b: {  	v6 =	vadd.f32 v5, v6;
	v14 =	vand.u32 $0x7FFFFFFF, v16;
	v16 =	vsub.f32 v10, v13;
	v5 =	vld [tilespmem:s0+$0x850]  }
0x12c: {  	v11 =	vand.u32 $0x7FFFFFFF, v11;
	v14 =	vsub.f32 v12, v14;
	v12 =	vand.u32 $0x7FFFFFFF, v15;
	v10 =	vld [tilespmem:s10+$0xC50]  }
0x12d: {  	v13 =	vsub.f32 v6, v11;
	v12 =	vsub.f32 v8, v12;
	v6 =	vmax.f32 v16, $0.0e+00;
	v8 =	vld [tilespmem:s10+$0x1870]  }
0x12e: {  	v14 =	vmax.f32 v14, $0.0e+00;
	v11 =	vld [tilespmem:s10+$0x870]  }
0x12f: {  	v14 =	vmul.f32 v14, v14;
	v13 =	vmax.f32 v13, $0.0e+00  }
0x130: {  	v7 =	vsub.f32 v9, v7;
	v12 =	vmax.f32 v12, $0.0e+00;
	v9 =	vmul.f32 v13, v13  }
0x131: {  	v13 =	vld [tilespmem:s10+$0xC70];
	v12 =	vmul.f32 v12, v12  }
0x132: {  	v10 =	vand.u32 $0x7FFFFFFF, v10;
	v7 =	vand.u32 $0x7FFFFFFF, v7;
	v9 =	vadd.f32 v9, v14  }
0x133: {  	v4 =	vmul.f32 v4, v4;
	v7 =	vadd.f32 v7, v10;
	v10 =	vld [tilespmem:s0+$0x870]  }
0x134: {  	v5 =	vand.u32 $0x7FFFFFFF, v5;
	v8 =	vsub.f32 v11, v8;
	v9 =	vadd.f32 v12, v9  }
0x135: {  	v6 =	vmul.f32 v6, v6;
	v5 =	vsub.f32 v7, v5  }
0x136: {  	v7 =	vand.u32 $0x7FFFFFFF, v13;
	v8 =	vand.u32 $0x7FFFFFFF, v8;
	v4 =	vadd.f32 v4, v9  }
0x137: {  	v5 =	vmax.f32 v5, $0.0e+00;
	v7 =	vadd.f32 v8, v7  }
0x138: {  	v5 =	vmul.f32 v5, v5;
	v8 =	vand.u32 $0x7FFFFFFF, v10;
	v4 =	vadd.f32 v6, v4  }
0x139: {  	v6 =	vsub.f32 v7, v8  }
0x13a: {  	v4 =	vadd.f32 v5, v4  }
0x13b: {  	v5 =	vmax.f32 v6, $0.0e+00  }
0x13c: {  	v5 =	vmul.f32 v5, v5;
	v3 =	vadd.f32 v3, v4;
	_ =	sdelay $0x1  }
0x13d: {  	v3 =	vadd.f32 v5, v3;
	_ =	sdelay $0x1  }
0x13e: {  	[tilespmem:s3+$0x0] =	vst v3  }
0x13f: {  	_ =	strace $0x90000048  }
0x140: {  	_ =	strace $0x80000049  }
0x141: {  	_ =	swait.ge [sflag:s17], $0x1000  }
0x142: {  	[sflag:s17] =	ssyncset.done $0x0  }
0x143: {  	[sflag:s17] =	ssyncadd.s32 $0xFFFFF000  }
0x144: {  	_ =	swait.ge [sflag:s17], $0x1000  }
0x145: {  	[sflag:s17] =	ssyncset.done $0x0  }
0x146: {  	[sflag:s17] =	ssyncadd.s32 $0xFFFFF000  }
0x147: {  	s29 =	simm.s32 $0x0;
	_ =	swait.ge [sflag:s17], $0x1000  }
0x148: {  	s22 =	sand.u32 $0x800, s29;
	s23 =	sand.u32 $0x380, s29;
	[sflag:s17] =	ssyncset.done $0x0  }
0x149: {  	s28 =	sor.u32 s23, s22;
	[sflag:s17] =	ssyncadd.s32 $0xFFFFF000  }
0x14a: {  	v4 =	vld [tilespmem:s28+$0x3810]  }
0x14b: {  	s31 =	sand.u32 $0xFFFFF800, s29;
	v7 =	vld [tilespmem:s28+$0x3870]  }
0x14c: {  	s0 =	sadd.s32 $0x0, s31;
	v5 =	vld [tilespmem:s28+$0x2800]  }
0x14d: {  	s14 =	sor.u32 $0x3400, s0;
	v8 =	vld [tilespmem:s28+$0x3800]  }
0x14e: {  	v3 =	vld [tilespmem:s14+$0x870]  }
0x14f: {  	s3 =	sor.u32 $0x2400, s0;
	v9 =	vld [tilespmem:s14+$0x810]  }
0x150: {  	v10 =	vld [tilespmem:s3+$0x800]  }
0x151: {  	v11 =	vld [tilespmem:s3+$0x810]  }
0x152: {  	v12 =	vld [tilespmem:s14+$0x800]  }
0x153: {  	v13 =	vld [tilespmem:s14+$0x820]  }
0x154: {  	v14 =	vld [tilespmem:s28+$0x2810]  }
0x155: {  	v9 =	vand.u32 $0x7FFFFFFF, v9  }
0x156: {  	v18 =	vld [tilespmem:s28+$0x3820];
	v10 =	vand.u32 $0x7FFFFFFF, v10;
	v16 =	vand.u32 $0x7FFFFFFF, v3;
	v15 =	vadd.f32 v9, v4  }
0x157: {  	v12 =	vand.u32 $0x7FFFFFFF, v12;
	v17 =	vadd.f32 v10, v5;
	v3 =	vadd.f32 v16, v7  }
0x158: {  	v11 =	vand.u32 $0x7FFFFFFF, v11;
	v5 =	vsub.f32 v5, v10;
	v19 =	vsub.f32 v8, v12  }
0x159: {  	v6 =	vld [tilespmem:s3+$0x820];
	v8 =	vadd.f32 v12, v8;
	v12 =	vand.u32 $0x7FFFFFFF, v13;
	v13 =	vsub.f32 v14, v11  }
0x15a: {  	s0 =	sor.u32 $0x4400, s0;
	v10 =	vld [tilespmem:s28+$0x2820];
	v11 =	vadd.f32 v11, v14;
	v4 =	vsub.f32 v4, v9  }
0x15b: {  	v20 =	vld [tilespmem:s0+$0x800];
	v5 =	vmax.f32 v5, v19;
	v8 =	vmin.f32 v17, v8;
	v17 =	vadd.f32 v12, v18  }
0x15c: {  	v23 =	vld [tilespmem:s14+$0x830];
	v11 =	vmin.f32 v11, v15;
	v12 =	vsub.f32 v18, v12;
	v9 =	vsub.f32 v8, v5  }
0x15d: {  	v15 =	vld [tilespmem:s0+$0x810];
	v4 =	vmax.f32 v13, v4;
	v19 =	vadd.f32 v8, v5;
	v8 =	vsub.f32 v5, v8  }
0x15e: {  	v6 =	vand.u32 $0x7FFFFFFF, v6;
	v13 =	vld [tilespmem:s28+$0x4810];
	v21 =	vadd.f32 v11, v4;
	v22 =	vsub.f32 v11, v4  }
0x15f: {  	v14 =	vld [tilespmem:s3+$0x830];
	v4 =	vsub.f32 v4, v11;
	v18 =	vadd.f32 v6, v10  }
0x160: {  	v5 =	vmul.f32 $5.000000000e-01, v9;
	v9 =	vld [tilespmem:s28+$0x4800];
	v8 =	vmax.f32 v8, $0.0e+00;
	v10 =	vsub.f32 v10, v6  }
0x161: {  	v11 =	vld [tilespmem:s28+$0x3830];
	v21 =	vmul.f32 $5.000000000e-01, v21;
	v6 =	vand.u32 $0x7FFFFFFF, v20;
	v8 =	vmul.f32 v8, v8  }
0x162: {  	v24 =	vand.u32 $0x7FFFFFFF, v15;
	v17 =	vmin.f32 v18, v17;
	v18 =	vmul.f32 $5.000000000e-01, v19  }
0x163: {  	v15 =	vld [tilespmem:s28+$0x2830];
	v13 =	vsub.f32 v21, v13;
	v12 =	vmax.f32 v10, v12;
	v10 =	vmax.f32 v4, $0.0e+00  }
0x164: {  	v4 =	vsub.f32 v7, v16;
	v19 =	vsub.f32 v12, v17;
	v7 =	vmul.f32 v10, v10  }
0x165: {  	v20 =	vld [tilespmem:s28+$0x3840];
	v16 =	vand.u32 $0x7FFFFFFF, v23;
	v9 =	vsub.f32 v18, v9;
	v18 =	vsub.f32 v17, v12  }
0x166: {  	v14 =	vand.u32 $0x7FFFFFFF, v14;
	v21 =	vld [tilespmem:s14+$0x840];
	v10 =	vadd.f32 v7, v8;
	v8 =	vadd.f32 v16, v11  }
0x167: {  	v22 =	vmul.f32 $5.000000000e-01, v22;
	v23 =	vld [tilespmem:s3+$0x840];
	v12 =	vadd.f32 v17, v12;
	v11 =	vsub.f32 v11, v16  }
0x168: {  	v25 =	vld [tilespmem:s28+$0x2840];
	v7 =	vand.u32 $0x7FFFFFFF, v13;
	v13 =	vsub.f32 v15, v14;
	v14 =	vadd.f32 v14, v15  }
0x169: {  	v15 =	vmax.f32 v19, $0.0e+00;
	v19 =	vadd.f32 v7, v22;
	v22 =	vld [tilespmem:s28+$0x4820];
	v26 =	vmul.f32 $5.000000000e-01, v18  }
0x16a: {  	v16 =	vld [tilespmem:s3+$0x850];
	v17 =	vmul.f32 v15, v15;
	v27 =	vmin.f32 v14, v8;
	v8 =	vmul.f32 $5.000000000e-01, v12  }
0x16b: {  	v15 =	vld [tilespmem:s28+$0x4830];
	v12 =	vand.u32 $0x7FFFFFFF, v21;
	v19 =	vsub.f32 v19, v24;
	v28 =	vmax.f32 v13, v11  }
0x16c: {  	v21 =	vld [tilespmem:s14+$0x850];
	v11 =	vand.u32 $0x7FFFFFFF, v23;
	v18 =	vadd.f32 v12, v20;
	v13 =	vadd.f32 v27, v28  }
0x16d: {  	v14 =	vld [tilespmem:s28+$0x3850];
	v12 =	vsub.f32 v20, v12;
	v29 =	vsub.f32 v25, v11  }
0x16e: {  	v20 =	vld [tilespmem:s0+$0x820];
	v23 =	vadd.f32 v11, v25;
	v24 =	vsub.f32 v8, v22  }
0x16f: {  	v7 =	vld [tilespmem:s0+$0x840];
	v11 =	vsub.f32 v28, v27;
	v25 =	vsub.f32 v27, v28;
	v19 =	vmax.f32 v19, $0.0e+00  }
0x170: {  	v8 =	vmul.f32 v19, v19;
	v22 =	vmul.f32 $5.000000000e-01, v13;
	v13 =	vld [tilespmem:s28+$0x2850];
	v19 =	vand.u32 $0x7FFFFFFF, v24  }
0x171: {  	s13 =	simm.s32 $0x100;
	s30 =	simm.s32 $0x14100;
	s10 =	simm.s32 $0x14100;
	v12 =	vmax.f32 v29, v12;
	v21 =	vand.u32 $0x7FFFFFFF, v21;
	v24 =	vadd.f32 v19, v26;
	v19 =	vld [tilespmem:s0+$0x830]  }
.LBB2_4:
0x172: {  	p0 =	sne.s32 s13, $0xF00;
	v10 =	vadd.f32 v17, v10;
	v15 =	vsub.f32 v22, v15;
	v17 =	vmin.f32 v23, v18;
	s29 =	sadd.s32 $0x80, s29;
	s10 =	sadd.s32 $0x800, s10  }
0x173: {  	v18 =	vand.u32 $0x7FFFFFFF, v20;
	v22 =	vsub.f32 v14, v21;
	s15 =	smov.u32 s13;
	s13 =	sadd.s32 $0x100, s13;
	v20 =	vmul.f32 $5.000000000e-01, v25  }
0x174: {  	v16 =	vand.u32 $0x7FFFFFFF, v16;
	v18 =	vsub.f32 v24, v18;
	v23 =	vsub.f32 v12, v17;
	v24 =	vld [tilespmem:s3+$0x860]  }
0x175: {  	v9 =	vand.u32 $0x7FFFFFFF, v9;
	v15 =	vand.u32 $0x7FFFFFFF, v15;
	v25 =	vsub.f32 v13, v16  }
0x176: {  	v14 =	vadd.f32 v21, v14;
	v5 =	vadd.f32 v9, v5;
	v23 =	vmax.f32 v23, $0.0e+00;
	v9 =	vld [tilespmem:s28+$0x4840]  }
0x177: {  	v7 =	vand.u32 $0x7FFFFFFF, v7;
	v21 =	vadd.f32 v17, v12;
	v19 =	vand.u32 $0x7FFFFFFF, v19;
	v26 =	vld [tilespmem:s28+$0x2860]  }
0x178: {  	v18 =	vmax.f32 v18, $0.0e+00;
	v15 =	vadd.f32 v15, v20;
	v20 =	vmax.f32 v25, v22;
	v22 =	vld [tilespmem:s14+$0x860]  }
0x179: {  	v5 =	vsub.f32 v5, v6;
	v6 =	vadd.f32 v16, v13;
	v13 =	vld [tilespmem:s28+$0x4850];
	v16 =	vand.u32 $0x7FFFFFFF, v24  }
0x17a: {  	v12 =	vsub.f32 v17, v12;
	v15 =	vsub.f32 v15, v19;
	v19 =	vmul.f32 $5.000000000e-01, v21  }
0x17b: {  	v11 =	vmax.f32 v11, $0.0e+00;
	v5 =	vmax.f32 v5, $0.0e+00;
	v6 =	vmin.f32 v6, v14;
	v14 =	vld [tilespmem:s28+$0x3860]  }
0x17c: {  	v17 =	vmul.f32 v18, v18;
	v18 =	vsub.f32 v20, v6;
	v21 =	vadd.f32 v16, v26;
	v24 =	vld [tilespmem:s3+$0x870]  }
0x17d: {  	v12 =	vmul.f32 $5.000000000e-01, v12;
	v25 =	vadd.f32 v6, v20;
	v22 =	vand.u32 $0x7FFFFFFF, v22;
	v27 =	vld [tilespmem:s28+$0x2870]  }
0x17e: {  	v9 =	vsub.f32 v19, v9;
	v19 =	vmul.f32 v23, v23;
	v16 =	vsub.f32 v26, v16  }
0x17f: {  	v11 =	vmul.f32 v11, v11;
	v5 =	vmul.f32 v5, v5;
	v6 =	vsub.f32 v6, v20  }
0x180: {  	v20 =	vmul.f32 $5.000000000e-01, v25;
	v18 =	vmax.f32 v18, $0.0e+00;
	v23 =	vadd.f32 v22, v14  }
0x181: {  	v5 =	vadd.f32 v8, v5;
	v8 =	vsub.f32 v14, v22;
	v14 =	vand.u32 $0x7FFFFFFF, v24  }
0x182: {  	v10 =	vadd.f32 v11, v10;
	v11 =	vmin.f32 v21, v23;
	v21 =	vsub.f32 v27, v14  }
0x183: {  	v13 =	vsub.f32 v20, v13;
	v8 =	vmax.f32 v16, v8;
	v14 =	vadd.f32 v14, v27;
	v16 =	vld [tilespmem:s0+$0x870]  }
0x184: {  	v18 =	vmul.f32 v18, v18;
	v9 =	vand.u32 $0x7FFFFFFF, v9;
	v20 =	vadd.f32 v11, v8;
	v22 =	vld [tilespmem:s28+$0x4860]  }
0x185: {  	v6 =	vmul.f32 $5.000000000e-01, v6;
	v10 =	vadd.f32 v19, v10;
	v23 =	vsub.f32 v11, v8;
	v19 =	vld [tilespmem:s0+$0x850]  }
0x186: {  	v9 =	vadd.f32 v9, v12;
	v4 =	vmax.f32 v21, v4;
	v3 =	vmin.f32 v14, v3  }
0x187: {  	v12 =	vand.u32 $0x7FFFFFFF, v13;
	v13 =	vmul.f32 $5.000000000e-01, v20;
	v14 =	vsub.f32 v4, v3  }
0x188: {  	v15 =	vmax.f32 v15, $0.0e+00;
	v5 =	vadd.f32 v17, v5;
	v7 =	vsub.f32 v9, v7  }
0x189: {  	v6 =	vadd.f32 v12, v6;
	v9 =	vsub.f32 v3, v4;
	v16 =	vand.u32 $0x7FFFFFFF, v16;
	v12 =	vld [tilespmem:s28+$0x4870]  }
0x18a: {  	v13 =	vsub.f32 v13, v22;
	v17 =	vand.u32 $0x7FFFFFFF, v19;
	v19 =	vmul.f32 $5.000000000e-01, v23;
	v20 =	vld [tilespmem:s0+$0x860]  }
0x18b: {  	v8 =	vsub.f32 v8, v11;
	v3 =	vadd.f32 v3, v4;
	v4 =	vmul.f32 $5.000000000e-01, v9  }
0x18c: {  	v9 =	vmul.f32 v15, v15;
	v6 =	vsub.f32 v6, v17;
	v11 =	vand.u32 $0x7FFFFFFF, v13  }
0x18d: {  	v8 =	vmax.f32 v8, $0.0e+00;
	v3 =	vmul.f32 $5.000000000e-01, v3;
	v13 =	vmax.f32 v14, $0.0e+00  }
0x18e: {  	v11 =	vadd.f32 v11, v19;
	v13 =	vmul.f32 v13, v13;
	v6 =	vmax.f32 v6, $0.0e+00  }
0x18f: {  	v7 =	vmax.f32 v7, $0.0e+00;
	v3 =	vsub.f32 v3, v12;
	v14 =	vand.u32 $0x7FFFFFFF, v20  }
0x190: {  	v10 =	vadd.f32 v18, v10;
	v8 =	vmul.f32 v8, v8;
	v11 =	vsub.f32 v11, v14  }
0x191: {  	v7 =	vmul.f32 v7, v7;
	v5 =	vadd.f32 v9, v5;
	v3 =	vand.u32 $0x7FFFFFFF, v3  }
0x192: {  	v8 =	vadd.f32 v8, v10;
	v3 =	vadd.f32 v3, v4;
	v9 =	vmax.f32 v11, $0.0e+00  }
0x193: {  	v4 =	vadd.f32 v7, v5;
	v5 =	vmul.f32 v6, v6;
	v6 =	vmul.f32 v9, v9  }
0x194: {  	v7 =	vadd.f32 v13, v8;
	v3 =	vsub.f32 v3, v16  }
0x195: {  	v4 =	vadd.f32 v5, v4  }
0x196: {  	v3 =	vmax.f32 v3, $0.0e+00;
	[tilespmem:s30+$0x0] =	vst v7  }
0x197: {  	v4 =	vadd.f32 v6, v4;
	v3 =	vmul.f32 v3, v3;
	_ =	sdelay $0x1  }
0x198: {  	v3 =	vadd.f32 v3, v4  }
0x199: {  	s3 =	sand.u32 $0x380, s29;
	s0 =	sand.u32 $0x800, s15  }
0x19a: {  	s28 =	sor.u32 s3, s0;
	[tilespmem:s30+$0xFFFFFF80] =	vst v3;
	s30 =	smov.u32 s10  }
0x19b: {  	s0 =	sand.u32 $0xFFFFF800, s15;
	v4 =	vld [tilespmem:s28+$0x3810]  }
0x19c: {  	s0 =	sadd.s32 s0, s29;
	v8 =	vld [tilespmem:s28+$0x3870]  }
0x19d: {  	s3 =	sor.u32 $0x2400, s0;
	s14 =	sor.u32 $0x3400, s0;
	s0 =	sor.u32 $0x4400, s0;
	v5 =	vld [tilespmem:s28+$0x2800]  }
0x19e: {  	v6 =	vld [tilespmem:s3+$0x820]  }
0x19f: {  	v7 =	vld [tilespmem:s28+$0x3800]  }
0x1a0: {  	v3 =	vld [tilespmem:s14+$0x870]  }
0x1a1: {  	v9 =	vld [tilespmem:s14+$0x810]  }
0x1a2: {  	v10 =	vld [tilespmem:s3+$0x800]  }
0x1a3: {  	v11 =	vld [tilespmem:s3+$0x810]  }
0x1a4: {  	v12 =	vld [tilespmem:s14+$0x800]  }
0x1a5: {  	v13 =	vld [tilespmem:s14+$0x820]  }
0x1a6: {  	v14 =	vld [tilespmem:s28+$0x2810];
	v9 =	vand.u32 $0x7FFFFFFF, v9  }
0x1a7: {  	v17 =	vand.u32 $0x7FFFFFFF, v3;
	v10 =	vand.u32 $0x7FFFFFFF, v10;
	v15 =	vadd.f32 v9, v4;
	v16 =	vld [tilespmem:s28+$0x2820]  }
0x1a8: {  	v3 =	vadd.f32 v17, v8;
	v18 =	vadd.f32 v10, v5;
	v11 =	vand.u32 $0x7FFFFFFF, v11;
	v19 =	vld [tilespmem:s28+$0x3820]  }
0x1a9: {  	v6 =	vand.u32 $0x7FFFFFFF, v6;
	v5 =	vsub.f32 v5, v10;
	v12 =	vand.u32 $0x7FFFFFFF, v12;
	v10 =	vld [tilespmem:s28+$0x4810]  }
0x1aa: {  	v20 =	vsub.f32 v7, v12;
	v7 =	vadd.f32 v12, v7;
	v12 =	vld [tilespmem:s28+$0x4800];
	v13 =	vand.u32 $0x7FFFFFFF, v13  }
0x1ab: {  	v21 =	vsub.f32 v14, v11;
	v11 =	vadd.f32 v11, v14;
	v14 =	vld [tilespmem:s3+$0x830]  }
0x1ac: {  	v4 =	vsub.f32 v4, v9;
	v5 =	vmax.f32 v5, v20;
	v18 =	vmin.f32 v18, v7;
	v7 =	vld [tilespmem:s0+$0x840]  }
0x1ad: {  	v9 =	vsub.f32 v18, v5;
	v11 =	vmin.f32 v11, v15;
	v15 =	vld [tilespmem:s0+$0x810];
	v20 =	vadd.f32 v13, v19  }
0x1ae: {  	v22 =	vadd.f32 v18, v5;
	v4 =	vmax.f32 v21, v4;
	v13 =	vsub.f32 v19, v13;
	v23 =	vld [tilespmem:s0+$0x800]  }
0x1af: {  	v18 =	vsub.f32 v5, v18;
	v19 =	vadd.f32 v6, v16  }
0x1b0: {  	v5 =	vmul.f32 $5.000000000e-01, v9;
	v9 =	vadd.f32 v11, v4;
	v14 =	vand.u32 $0x7FFFFFFF, v14  }
0x1b1: {  	v16 =	vsub.f32 v16, v6;
	v21 =	vsub.f32 v11, v4;
	v18 =	vmax.f32 v18, $0.0e+00;
	v24 =	vld [tilespmem:s14+$0x830]  }
0x1b2: {  	v18 =	vmul.f32 v18, v18;
	v9 =	vmul.f32 $5.000000000e-01, v9;
	v25 =	vand.u32 $0x7FFFFFFF, v15;
	v26 =	vld [tilespmem:s28+$0x2830]  }
0x1b3: {  	v4 =	vsub.f32 v4, v11;
	v11 =	vmin.f32 v19, v20;
	v6 =	vand.u32 $0x7FFFFFFF, v23;
	v19 =	vld [tilespmem:s28+$0x3830]  }
0x1b4: {  	v13 =	vmax.f32 v16, v13;
	v15 =	vmul.f32 $5.000000000e-01, v22;
	v9 =	vsub.f32 v9, v10  }
0x1b5: {  	v16 =	vsub.f32 v13, v11;
	v10 =	vmax.f32 v4, $0.0e+00;
	v4 =	vsub.f32 v8, v17;
	v22 =	vld [tilespmem:s28+$0x3840]  }
0x1b6: {  	v10 =	vmul.f32 v10, v10;
	v8 =	vand.u32 $0x7FFFFFFF, v9;
	v20 =	vand.u32 $0x7FFFFFFF, v24;
	v23 =	vld [tilespmem:s14+$0x840]  }
0x1b7: {  	v17 =	vsub.f32 v11, v13;
	v9 =	vsub.f32 v15, v12;
	v12 =	vmul.f32 $5.000000000e-01, v21;
	v21 =	vld [tilespmem:s3+$0x840]  }
0x1b8: {  	v16 =	vmax.f32 v16, $0.0e+00;
	v10 =	vadd.f32 v10, v18;
	v18 =	vadd.f32 v20, v19;
	v15 =	vld [tilespmem:s28+$0x4830]  }
0x1b9: {  	v24 =	vsub.f32 v26, v14;
	v14 =	vadd.f32 v14, v26;
	v26 =	vld [tilespmem:s28+$0x2840]  }
0x1ba: {  	v11 =	vadd.f32 v11, v13;
	v27 =	vmul.f32 $5.000000000e-01, v17;
	v8 =	vadd.f32 v8, v12;
	v12 =	vld [tilespmem:s28+$0x4820]  }
0x1bb: {  	v17 =	vmul.f32 v16, v16;
	v13 =	vsub.f32 v19, v20;
	v19 =	vmin.f32 v14, v18;
	v28 =	vld [tilespmem:s14+$0x850]  }
0x1bc: {  	v11 =	vmul.f32 $5.000000000e-01, v11;
	v23 =	vand.u32 $0x7FFFFFFF, v23;
	v21 =	vand.u32 $0x7FFFFFFF, v21;
	v16 =	vld [tilespmem:s3+$0x850]  }
0x1bd: {  	v8 =	vsub.f32 v8, v25;
	v25 =	vmax.f32 v24, v13;
	v18 =	vadd.f32 v23, v22;
	v14 =	vld [tilespmem:s28+$0x3850]  }
.Ltmp1:
0x1be: {  	v13 =	vadd.f32 v19, v25;
	v24 =	vsub.f32 v22, v23;
	v20 =	vld [tilespmem:s0+$0x820];
	(pc) =	sbr.rel @p0 .LBB2_4-.Ltmp1, $4  }
0x1bf: {  	v8 =	vmax.f32 v8, $0.0e+00;
	v11 =	vsub.f32 v11, v12;
	v12 =	vsub.f32 v26, v21  }
0x1c0: {  	v8 =	vmul.f32 v8, v8;
	v22 =	vmul.f32 $5.000000000e-01, v13;
	v23 =	vadd.f32 v21, v26;
	v13 =	vld [tilespmem:s28+$0x2850]  }
0x1c1: {  	v21 =	vand.u32 $0x7FFFFFFF, v11;
	v11 =	vsub.f32 v25, v19;
	v12 =	vmax.f32 v12, v24  }
0x1c2: {  	v25 =	vsub.f32 v19, v25;
	v24 =	vadd.f32 v21, v27;
	v19 =	vld [tilespmem:s0+$0x830];
	v21 =	vand.u32 $0x7FFFFFFF, v28  }
0x1c3: {  	v10 =	vadd.f32 v17, v10;
	v15 =	vsub.f32 v22, v15;
	v48 =	vmin.f32 v23, v18  }
0x1c4: {  	v49 =	vand.u32 $0x7FFFFFFF, v20;
	v51 =	vsub.f32 v14, v21;
	v16 =	vand.u32 $0x7FFFFFFF, v16  }
0x1c5: {  	v9 =	vand.u32 $0x7FFFFFFF, v9;
	v55 =	vadd.f32 v21, v14;
	v7 =	vand.u32 $0x7FFFFFFF, v7  }
0x1c6: {  	v52 =	vld [tilespmem:s3+$0x860];
	v11 =	vmax.f32 v11, $0.0e+00;
	v18 =	vsub.f32 v24, v49;
	v23 =	vsub.f32 v12, v48  }
0x1c7: {  	v57 =	vld [tilespmem:s28+$0x2860];
	v50 =	vmul.f32 $5.000000000e-01, v25;
	v5 =	vadd.f32 v9, v5;
	v56 =	vadd.f32 v48, v12  }
0x1c8: {  	v59 =	vld [tilespmem:s14+$0x860];
	v29 =	vsub.f32 v48, v12;
	v11 =	vmul.f32 v11, v11;
	v15 =	vand.u32 $0x7FFFFFFF, v15  }
0x1c9: {  	v60 =	vld [tilespmem:s28+$0x4840];
	v53 =	vsub.f32 v13, v16;
	v61 =	vadd.f32 v16, v13;
	v54 =	vmax.f32 v23, $0.0e+00  }
0x1ca: {  	v30 =	vld [tilespmem:s28+$0x3860];
	v18 =	vmax.f32 v18, $0.0e+00;
	v15 =	vadd.f32 v15, v50;
	v5 =	vsub.f32 v5, v6  }
0x1cb: {  	v34 =	vld [tilespmem:s3+$0x870];
	v63 =	vmul.f32 $5.000000000e-01, v56;
	v12 =	vmul.f32 $5.000000000e-01, v29;
	v10 =	vadd.f32 v11, v10  }
0x1cc: {  	v43 =	vld [tilespmem:s0+$0x870];
	v19 =	vand.u32 $0x7FFFFFFF, v19;
	v58 =	vmax.f32 v53, v51;
	v6 =	vmin.f32 v61, v55  }
0x1cd: {  	v26 =	vld [tilespmem:s28+$0x2870];
	v31 =	vmul.f32 v18, v18;
	v9 =	vmul.f32 v54, v54;
	v62 =	vand.u32 $0x7FFFFFFF, v52  }
0x1ce: {  	v45 =	vld [tilespmem:s0+$0x850];
	v15 =	vsub.f32 v15, v19;
	v5 =	vmax.f32 v5, $0.0e+00;
	v32 =	vsub.f32 v58, v6  }
0x1cf: {  	v35 =	vadd.f32 v6, v58;
	v22 =	vand.u32 $0x7FFFFFFF, v59;
	v16 =	vsub.f32 v63, v60  }
0x1d0: {  	v6 =	vsub.f32 v6, v58;
	v39 =	vand.u32 $0x7FFFFFFF, v34;
	v33 =	vadd.f32 v62, v57  }
0x1d1: {  	v55 =	vand.u32 $0x7FFFFFFF, v43;
	v13 =	vsub.f32 v57, v62;
	v37 =	vadd.f32 v22, v30  }
0x1d2: {  	v27 =	vld [tilespmem:s28+$0x4850];
	v5 =	vmul.f32 v5, v5;
	v38 =	vsub.f32 v30, v22;
	v41 =	vsub.f32 v26, v39  }
0x1d3: {  	v42 =	vadd.f32 v39, v26;
	v9 =	vadd.f32 v9, v10;
	v10 =	vand.u32 $0x7FFFFFFF, v45  }
0x1d4: {  	v36 =	vmul.f32 $5.000000000e-01, v35;
	v18 =	vmax.f32 v32, $0.0e+00;
	v16 =	vand.u32 $0x7FFFFFFF, v16  }
0x1d5: {  	v6 =	vmul.f32 $5.000000000e-01, v6;
	v52 =	vmax.f32 v15, $0.0e+00;
	v5 =	vadd.f32 v8, v5  }
0x1d6: {  	v54 =	vld [tilespmem:s0+$0x860];
	v40 =	vmin.f32 v33, v37;
	v8 =	vmax.f32 v13, v38;
	v18 =	vmul.f32 v18, v18  }
0x1d7: {  	v47 =	vld [tilespmem:s28+$0x4860];
	v12 =	vadd.f32 v16, v12;
	v4 =	vmax.f32 v41, v4;
	v20 =	vsub.f32 v36, v27  }
0x1d8: {  	v3 =	vmin.f32 v42, v3;
	v44 =	vadd.f32 v40, v8;
	v46 =	vsub.f32 v40, v8  }
0x1d9: {  	v51 =	vld [tilespmem:s28+$0x4870];
	v13 =	vmul.f32 v52, v52;
	v49 =	vsub.f32 v4, v3;
	v53 =	vsub.f32 v3, v4  }
0x1da: {  	v3 =	vadd.f32 v3, v4;
	v8 =	vsub.f32 v8, v40;
	v50 =	vmul.f32 $5.000000000e-01, v44  }
0x1db: {  	v59 =	vand.u32 $0x7FFFFFFF, v54;
	v5 =	vadd.f32 v31, v5;
	v7 =	vsub.f32 v12, v7  }
0x1dc: {  	v48 =	vand.u32 $0x7FFFFFFF, v20;
	v3 =	vmul.f32 $5.000000000e-01, v3;
	v17 =	vsub.f32 v50, v47  }
0x1dd: {  	v9 =	vadd.f32 v18, v9;
	v56 =	vmul.f32 $5.000000000e-01, v46;
	v6 =	vadd.f32 v48, v6  }
0x1de: {  	v57 =	vmul.f32 $5.000000000e-01, v53;
	v3 =	vsub.f32 v3, v51;
	v58 =	vand.u32 $0x7FFFFFFF, v17  }
0x1df: {  	v7 =	vmax.f32 v7, $0.0e+00;
	v6 =	vsub.f32 v6, v10;
	v10 =	vadd.f32 v58, v56  }
0x1e0: {  	v5 =	vadd.f32 v13, v5;
	v7 =	vmul.f32 v7, v7;
	v3 =	vand.u32 $0x7FFFFFFF, v3  }
0x1e1: {  	v6 =	vmax.f32 v6, $0.0e+00;
	v3 =	vadd.f32 v3, v57;
	v10 =	vsub.f32 v10, v59  }
0x1e2: {  	v8 =	vmax.f32 v8, $0.0e+00;
	v5 =	vadd.f32 v7, v5;
	v6 =	vmul.f32 v6, v6  }
0x1e3: {  	v60 =	vmul.f32 v8, v8;
	v3 =	vsub.f32 v3, v55;
	v61 =	vmax.f32 v10, $0.0e+00  }
0x1e4: {  	v62 =	vmax.f32 v49, $0.0e+00;
	v5 =	vadd.f32 v6, v5;
	v8 =	vmul.f32 v61, v61  }
0x1e5: {  	v4 =	vmul.f32 v62, v62;
	v63 =	vadd.f32 v60, v9;
	v3 =	vmax.f32 v3, $0.0e+00  }
0x1e6: {  	v3 =	vmul.f32 v3, v3;
	v5 =	vadd.f32 v8, v5  }
0x1e7: {  	v4 =	vadd.f32 v4, v63  }
0x1e8: {  	v3 =	vadd.f32 v3, v5  }
0x1e9: {  	[tilespmem:s30+$0x0] =	vst v4  }
0x1ea: {  	[tilespmem:s30+$0xFFFFFF80] =	vst v3  }
0x1eb: {  	_ =	strace $0x90000049  }
0x1ec: {  	_ =	strace $0x8000004A  }
0x1ed: {  	_ =	swait.ge [sflag:s18], $0x1000  }
0x1ee: {  	[sflag:s18] =	ssyncset.done $0x0  }
0x1ef: {  	[sflag:s18] =	ssyncadd.s32 $0xFFFFF000  }
0x1f0: {  	_ =	swait.ge [sflag:s18], $0x1000  }
0x1f1: {  	[sflag:s18] =	ssyncset.done $0x0  }
0x1f2: {  	[sflag:s18] =	ssyncadd.s32 $0xFFFFF000  }
0x1f3: {  	_ =	swait.ge [sflag:s18], $0x800  }
0x1f4: {  	[sflag:s18] =	ssyncset.done $0x0  }
0x1f5: {  	[sflag:s18] =	ssyncadd.s32 $0xFFFFF800  }
0x1f6: {  	_ =	swait.ge [sflag:s18], $0x800  }
0x1f7: {  	[sflag:s18] =	ssyncset.done $0x0  }
0x1f8: {  	[sflag:s18] =	ssyncadd.s32 $0xFFFFF800  }
0x1f9: {  	_ =	swait.ge [sflag:s18], $0x1000  }
0x1fa: {  	[sflag:s18] =	ssyncset.done $0x0  }
0x1fb: {  	[sflag:s18] =	ssyncadd.s32 $0xFFFFF000  }
0x1fc: {  	s3 =	simm.s32 $0xFFFFF800;
	_ =	swait.ge [sflag:s18], $0x1000  }
0x1fd: {  	s10 =	simm.s32 $0x0;
	s13 =	simm.s32 $0x0;
	[sflag:s18] =	ssyncset.done $0x0  }
0x1fe: {  	s14 =	simm.s32 $0x0;
	s0 =	simm.s32 $0x14200;
	[sflag:s18] =	ssyncadd.s32 $0xFFFFF000  }
.LBB2_6:
0x1ff: {  	s28 =	sshra.s32 s14, $0x2  }
0x200: {  	v4 =	vld [tilespmem:s28+$0xD000]  }
0x201: {  	v9 =	vld [tilespmem:s28+$0xC800]  }
0x202: {  	v14 =	vld [tilespmem:s28+$0xD010]  }
0x203: {  	v19 =	vld [tilespmem:s28+$0xC810]  }
0x204: {  	v24 =	vld [tilespmem:s28+$0xD020]  }
0x205: {  	v29 =	vld [tilespmem:s28+$0xC820]  }
0x206: {  	v34 =	vld [tilespmem:s28+$0xD030]  }
0x207: {  	v48 =	vld [tilespmem:s28+$0xC830]  }
0x208: {  	s15 =	sadd.s32 $0x800, s3;
	v55 =	vld [tilespmem:s28+$0xD040]  }
0x209: {  	s22 =	sand.u32 $0x800, s13;
	s23 =	sand.u32 $0xFFFFF800, s13;
	s15 =	sand.u32 $0x380, s15;
	v61 =	vld [tilespmem:s28+$0xC840]  }
0x20a: {  	s31 =	sadd.s32 s23, s10;
	v41 =	vld [tilespmem:s28+$0xD050];
	s15 =	sor.u32 s15, s22  }
0x20b: {  	s23 =	sor.u32 $0x5400, s31;
	v3 =	vld [tilespmem:s15+$0x5800]  }
0x20c: {  	v5 =	vld [tilespmem:s23+$0x800]  }
0x20d: {  	v6 =	vld [tilespmem:s15+$0xF000]  }
0x20e: {  	v7 =	vld [tilespmem:s15+$0xF400]  }
0x20f: {  	s22 =	sor.u32 $0x6400, s31;
	v8 =	vld [tilespmem:s15+$0x6800]  }
0x210: {  	v10 =	vld [tilespmem:s22+$0x800]  }
0x211: {  	v11 =	vld [tilespmem:s15+$0x12000]  }
0x212: {  	v12 =	vld [tilespmem:s15+$0x12400]  }
0x213: {  	v13 =	vld [tilespmem:s15+$0x5810]  }
0x214: {  	v15 =	vld [tilespmem:s23+$0x810]  }
0x215: {  	v16 =	vld [tilespmem:s15+$0xF010]  }
0x216: {  	v17 =	vld [tilespmem:s15+$0xF410]  }
0x217: {  	v18 =	vld [tilespmem:s15+$0x6810]  }
0x218: {  	v20 =	vld [tilespmem:s22+$0x810]  }
0x219: {  	v21 =	vld [tilespmem:s15+$0x12010]  }
0x21a: {  	v22 =	vld [tilespmem:s15+$0x12410]  }
0x21b: {  	v23 =	vld [tilespmem:s15+$0x5820]  }
0x21c: {  	v25 =	vld [tilespmem:s23+$0x820]  }
0x21d: {  	v26 =	vld [tilespmem:s15+$0xF020]  }
0x21e: {  	v27 =	vld [tilespmem:s15+$0xF420]  }
0x21f: {  	v28 =	vld [tilespmem:s15+$0x6820]  }
0x220: {  	v30 =	vld [tilespmem:s22+$0x820]  }
0x221: {  	v31 =	vld [tilespmem:s15+$0x12020]  }
0x222: {  	v32 =	vld [tilespmem:s15+$0x12420]  }
0x223: {  	v33 =	vld [tilespmem:s15+$0x5830]  }
0x224: {  	v35 =	vld [tilespmem:s23+$0x830]  }
0x225: {  	v44 =	vld [tilespmem:s15+$0xF030]  }
0x226: {  	v46 =	vld [tilespmem:s15+$0x6830]  }
0x227: {  	v50 =	vld [tilespmem:s15+$0x12030]  }
0x228: {  	v52 =	vld [tilespmem:s15+$0x5840];
	v3 =	vadd.f32 v4, v3  }
0x229: {  	v57 =	vld [tilespmem:s15+$0xF040];
	v13 =	vadd.f32 v14, v13;
	v45 =	vadd.f32 v9, v8;
	v5 =	vand.u32 $0x7FFFFFFF, v5  }
0x22a: {  	v59 =	vld [tilespmem:s15+$0x6840];
	v7 =	vand.u32 $0x7FFFFFFF, v7;
	v49 =	vand.u32 $0x7FFFFFFF, v15;
	v10 =	vand.u32 $0x7FFFFFFF, v10  }
0x22b: {  	v42 =	vld [tilespmem:s23+$0x850];
	v51 =	vand.u32 $0x7FFFFFFF, v17;
	v53 =	vand.u32 $0x7FFFFFFF, v12;
	v54 =	vadd.f32 v19, v18  }
0x22c: {  	v37 =	vld [tilespmem:s15+$0x12440];
	v56 =	vadd.f32 v24, v23;
	v20 =	vand.u32 $0x7FFFFFFF, v20;
	v58 =	vadd.f32 v29, v28  }
0x22d: {  	v63 =	vld [tilespmem:s15+$0x12040];
	v60 =	vand.u32 $0x7FFFFFFF, v22;
	v62 =	vand.u32 $0x7FFFFFFF, v25;
	v40 =	vadd.f32 v34, v33  }
0x22e: {  	v38 =	vld [tilespmem:s15+$0x5850];
	v36 =	vand.u32 $0x7FFFFFFF, v30;
	v8 =	vadd.f32 v48, v46;
	v3 =	vsub.f32 v3, v6  }
0x22f: {  	v43 =	vld [tilespmem:s15+$0xF050];
	v39 =	vand.u32 $0x7FFFFFFF, v32;
	v47 =	vsub.f32 v13, v16;
	v6 =	vsub.f32 v45, v11  }
0x230: {  	v14 =	vld [tilespmem:s15+$0xF430];
	v28 =	vand.u32 $0x7FFFFFFF, v42;
	v12 =	vsub.f32 v54, v21;
	v21 =	vsub.f32 v58, v31  }
0x231: {  	v17 =	vld [tilespmem:s23+$0x840];
	v30 =	vand.u32 $0x7FFFFFFF, v37;
	v4 =	vsub.f32 v40, v44;
	v8 =	vsub.f32 v8, v50  }
0x232: {  	v19 =	vld [tilespmem:s15+$0xF440];
	v3 =	vand.u32 $0x7FFFFFFF, v3;
	v9 =	vand.u32 $0x7FFFFFFF, v47;
	v6 =	vand.u32 $0x7FFFFFFF, v6  }
0x233: {  	v24 =	vld [tilespmem:s22+$0x840];
	v12 =	vand.u32 $0x7FFFFFFF, v12;
	v21 =	vand.u32 $0x7FFFFFFF, v21;
	v3 =	vadd.f32 v3, v5  }
0x234: {  	v46 =	vld [tilespmem:s15+$0xF450];
	v47 =	vand.u32 $0x7FFFFFFF, v35;
	v5 =	vadd.f32 v9, v49;
	v6 =	vadd.f32 v6, v10  }
0x235: {  	v11 =	vld [tilespmem:s22+$0x830];
	v4 =	vand.u32 $0x7FFFFFFF, v4;
	v12 =	vadd.f32 v12, v20;
	v21 =	vadd.f32 v21, v36  }
0x236: {  	v48 =	vld [tilespmem:s15+$0x6850];
	v31 =	vand.u32 $0x7FFFFFFF, v27;
	v4 =	vadd.f32 v4, v47;
	v10 =	vadd.f32 v55, v52  }
0x237: {  	v29 =	vld [tilespmem:s15+$0x6860];
	v8 =	vand.u32 $0x7FFFFFFF, v8;
	v3 =	vsub.f32 v3, v7;
	v5 =	vsub.f32 v5, v51  }
0x238: {  	v32 =	vld [tilespmem:s22+$0x860];
	v52 =	vand.u32 $0x7FFFFFFF, v14;
	v6 =	vsub.f32 v6, v53;
	v7 =	vsub.f32 v56, v26  }
0x239: {  	v50 =	vld [tilespmem:s28+$0xC850];
	v17 =	vand.u32 $0x7FFFFFFF, v17;
	v21 =	vsub.f32 v21, v39;
	v4 =	vsub.f32 v4, v52  }
0x23a: {  	v58 =	vld [tilespmem:s15+$0x5860];
	v11 =	vand.u32 $0x7FFFFFFF, v11;
	v55 =	vsub.f32 v10, v57;
	v57 =	vadd.f32 v61, v59  }
0x23b: {  	v9 =	vld [tilespmem:s15+$0x12430];
	v24 =	vand.u32 $0x7FFFFFFF, v24;
	v59 =	vadd.f32 v41, v38;
	v8 =	vadd.f32 v8, v11  }
0x23c: {  	v27 =	vld [tilespmem:s15+$0xF460];
	v3 =	vmax.f32 v3, $0.0e+00;
	v5 =	vmax.f32 v5, $0.0e+00;
	v7 =	vand.u32 $0x7FFFFFFF, v7  }
0x23d: {  	v40 =	vld [tilespmem:s28+$0xD070];
	v6 =	vmax.f32 v6, $0.0e+00;
	v45 =	vmax.f32 v21, $0.0e+00;
	v4 =	vmax.f32 v4, $0.0e+00  }
0x23e: {  	v51 =	vld [tilespmem:s22+$0x850];
	v13 =	vsub.f32 v59, v43;
	v21 =	vand.u32 $0x7FFFFFFF, v46;
	v3 =	vmul.f32 v3, v3  }
0x23f: {  	v56 =	vld [tilespmem:s15+$0x12450];
	v5 =	vmul.f32 v5, v5;
	v7 =	vadd.f32 v7, v62;
	v6 =	vmul.f32 v6, v6  }
0x240: {  	v53 =	vld [tilespmem:s15+$0x12050];
	v49 =	vmul.f32 v45, v45;
	v54 =	vand.u32 $0x7FFFFFFF, v9;
	v9 =	vand.u32 $0x7FFFFFFF, v55  }
0x241: {  	v61 =	vld [tilespmem:s23+$0x860];
	v62 =	vand.u32 $0x7FFFFFFF, v19;
	v4 =	vmul.f32 v4, v4;
	v9 =	vadd.f32 v9, v17  }
0x242: {  	v38 =	vld [tilespmem:s15+$0x5870];
	v13 =	vand.u32 $0x7FFFFFFF, v13;
	v3 =	vadd.f32 v5, v3;
	v5 =	vsub.f32 v12, v60  }
0x243: {  	v55 =	vld [tilespmem:s22+$0x870];
	v7 =	vsub.f32 v7, v31;
	v13 =	vadd.f32 v13, v28;
	v43 =	vand.u32 $0x7FFFFFFF, v51  }
0x244: {  	v60 =	vld [tilespmem:s28+$0xD060];
	v45 =	vand.u32 $0x7FFFFFFF, v56;
	v9 =	vsub.f32 v9, v62;
	v5 =	vmax.f32 v5, $0.0e+00  }
0x245: {  	v31 =	vld [tilespmem:s28+$0xC860];
	v7 =	vmax.f32 v7, $0.0e+00;
	v34 =	vsub.f32 v13, v21;
	v5 =	vmul.f32 v5, v5  }
0x246: {  	v36 =	vld [tilespmem:s15+$0x12460];
	v44 =	vmul.f32 v7, v7;
	v9 =	vmax.f32 v9, $0.0e+00;
	v7 =	vadd.f32 v50, v48  }
0x247: {  	v51 =	vld [tilespmem:s23+$0x870];
	v37 =	vmul.f32 v9, v9;
	v9 =	vadd.f32 v40, v38;
	v5 =	vadd.f32 v5, v6  }
0x248: {  	v42 =	vld [tilespmem:s15+$0x6870];
	v47 =	vand.u32 $0x7FFFFFFF, v61;
	v3 =	vadd.f32 v44, v3;
	v6 =	vsub.f32 v8, v54  }
0x249: {  	v35 =	vld [tilespmem:s15+$0x12060];
	v56 =	vand.u32 $0x7FFFFFFF, v32;
	v8 =	vsub.f32 v57, v63;
	v7 =	vsub.f32 v7, v53  }
0x24a: {  	v12 =	vand.u32 $0x7FFFFFFF, v55;
	v63 =	vld [tilespmem:s15+$0xF060];
	v39 =	vadd.f32 v60, v58;
	v48 =	vadd.f32 v31, v29  }
0x24b: {  	v44 =	vld [tilespmem:s28+$0xC870];
	v53 =	vand.u32 $0x7FFFFFFF, v27;
	v58 =	vand.u32 $0x7FFFFFFF, v36;
	v8 =	vand.u32 $0x7FFFFFFF, v8  }
0x24c: {  	v10 =	vand.u32 $0x7FFFFFFF, v51;
	v5 =	vadd.f32 v49, v5;
	v8 =	vadd.f32 v8, v24  }
0x24d: {  	v6 =	vmax.f32 v6, $0.0e+00;
	v3 =	vadd.f32 v4, v3;
	v7 =	vand.u32 $0x7FFFFFFF, v7;
	v49 =	vld [tilespmem:s15+$0x12070]  }
0x24e: {  	v46 =	vld [tilespmem:s15+$0xF070];
	v33 =	vmul.f32 v6, v6;
	v6 =	vmax.f32 v34, $0.0e+00;
	v8 =	vsub.f32 v8, v30  }
0x24f: {  	v54 =	vld [tilespmem:s15+$0xF470];
	v52 =	vsub.f32 v48, v35;
	v7 =	vadd.f32 v7, v43;
	v41 =	vmul.f32 v6, v6  }
0x250: {  	v11 =	vsub.f32 v39, v63;
	v6 =	vadd.f32 v44, v42;
	v8 =	vmax.f32 v8, $0.0e+00  }
0x251: {  	v3 =	vadd.f32 v37, v3;
	v4 =	vadd.f32 v33, v5;
	v8 =	vmul.f32 v8, v8  }
0x252: {  	v57 =	vld [tilespmem:s15+$0x12470];
	v5 =	vsub.f32 v7, v45;
	v11 =	vand.u32 $0x7FFFFFFF, v11;
	v6 =	vsub.f32 v6, v49  }
0x253: {  	v50 =	vadd.f32 v11, v47;
	v11 =	vand.u32 $0x7FFFFFFF, v52;
	v4 =	vadd.f32 v8, v4  }
0x254: {  	v59 =	vand.u32 $0x7FFFFFFF, v54;
	v8 =	vsub.f32 v9, v46;
	v9 =	vadd.f32 v11, v56  }
0x255: {  	v5 =	vmax.f32 v5, $0.0e+00;
	v6 =	vand.u32 $0x7FFFFFFF, v6;
	v7 =	vsub.f32 v50, v53  }
0x256: {  	v6 =	vadd.f32 v6, v12;
	v8 =	vand.u32 $0x7FFFFFFF, v8;
	v9 =	vsub.f32 v9, v58  }
0x257: {  	v60 =	vand.u32 $0x7FFFFFFF, v57;
	v5 =	vmul.f32 v5, v5;
	v8 =	vadd.f32 v8, v10  }
0x258: {  	v7 =	vmax.f32 v7, $0.0e+00;
	v6 =	vsub.f32 v6, v60;
	v9 =	vmax.f32 v9, $0.0e+00  }
0x259: {  	v4 =	vadd.f32 v5, v4;
	v8 =	vsub.f32 v8, v59;
	v61 =	vmul.f32 v9, v9  }
0x25a: {  	v3 =	vadd.f32 v41, v3;
	v7 =	vmul.f32 v7, v7;
	v6 =	vmax.f32 v6, $0.0e+00  }
0x25b: {  	p0 =	sne.s32 s14, $0x1E00;
	v63 =	vmul.f32 v6, v6;
	v8 =	vmax.f32 v8, $0.0e+00;
	v4 =	vadd.f32 v61, v4  }
.Ltmp2:
0x25c: {  	v3 =	vadd.f32 v7, v3;
	v62 =	vmul.f32 v8, v8;
	(pc) =	sbr.rel @p0 .LBB2_6-.Ltmp2, $4  }
0x25d: {  	v4 =	vadd.f32 v63, v4  }
0x25e: {  	v3 =	vadd.f32 v62, v3  }
0x25f: {  	s13 =	sadd.s32 $0x100, s13;
	s3 =	sadd.s32 $0x80, s3;
	[tilespmem:s0+$0x0] =	vst v4  }
0x260: {  	s14 =	sadd.s32 $0x200, s14;
	s10 =	sadd.s32 $0x80, s10;
	[tilespmem:s0+$0xFFFFFF80] =	vst v3;
	s0 =	sadd.s32 $0x800, s0  }
0x261: {  	_ =	strace $0x9000004A  }
0x262: {  	_ =	strace $0x8000004B  }
0x263: {  	_ =	swait.ge [sflag:s19], $0x1000  }
0x264: {  	[sflag:s19] =	ssyncset.done $0x0  }
0x265: {  	[sflag:s19] =	ssyncadd.s32 $0xFFFFF000  }
0x266: {  	_ =	swait.ge [sflag:s19], $0x800  }
0x267: {  	[sflag:s19] =	ssyncset.done $0x0  }
0x268: {  	[sflag:s19] =	ssyncadd.s32 $0xFFFFF800  }
0x269: {  	_ =	swait.ge [sflag:s19], $0x1000  }
0x26a: {  	[sflag:s19] =	ssyncset.done $0x0  }
0x26b: {  	s0 =	simm.s32 $0xD870;
	[sflag:s19] =	ssyncadd.s32 $0xFFFFF000  }
0x26c: {  	v4 =	vld [tilespmem:s0+$0x0]  }
0x26d: {  	v5 =	vld [tilespmem:s0+$0xFFFFFFE0]  }
0x26e: {  	v6 =	vld [tilespmem:s0+$0xFFFFFFB0]  }
0x26f: {  	s3 =	simm.s32 $0x0;
	v7 =	vld [tilespmem:s0+$0xFFFFFFD0]  }
0x270: {  	s10 =	sand.u32 $0xFFFFF800, s3;
	v8 =	vld [tilespmem:s0+$0xFFFFFFC0]  }
0x271: {  	s10 =	sadd.s32 $0x0, s10;
	v9 =	vld [tilespmem:s0+$0xFFFFFFA0]  }
0x272: {  	s13 =	sor.u32 $0x1400, s10;
	v10 =	vld [tilespmem:s0+$0xFFFFFF90]  }
0x273: {  	v12 =	vld [tilespmem:s13+$0xF000]  }
0x274: {  	s10 =	sor.u32 $0x7400, s10;
	v13 =	vld [tilespmem:s13+$0xF030]  }
0x275: {  	s14 =	sand.u32 $0x800, s3;
	s15 =	sand.u32 $0x380, s3;
	v14 =	vld [tilespmem:s10+$0x810]  }
0x276: {  	s14 =	sor.u32 s15, s14;
	v16 =	vld [tilespmem:s13+$0xF010]  }
0x277: {  	v17 =	vld [tilespmem:s14+$0x7800]  }
0x278: {  	v18 =	vld [tilespmem:s14+$0x7820]  }
0x279: {  	v19 =	vld [tilespmem:s14+$0x10020]  }
0x27a: {  	v20 =	vld [tilespmem:s14+$0x10000]  }
0x27b: {  	v21 =	vld [tilespmem:s14+$0x10010]  }
0x27c: {  	v22 =	vld [tilespmem:s14+$0x7810]  }
0x27d: {  	v23 =	vld [tilespmem:s13+$0xF020]  }
0x27e: {  	v24 =	vld [tilespmem:s14+$0x10030]  }
0x27f: {  	v45 =	vld [tilespmem:s14+$0x10040]  }
0x280: {  	v44 =	vld [tilespmem:s10+$0x800]  }
0x281: {  	v47 =	vld [tilespmem:s14+$0x10050]  }
0x282: {  	v55 =	vld [tilespmem:s14+$0x10070];
	v6 =	vsub.f32 v19, v6  }
0x283: {  	v15 =	vld [tilespmem:s10+$0x820];
	v10 =	vsub.f32 v20, v10;
	v9 =	vsub.f32 v21, v9;
	v12 =	vand.u32 $0x7FFFFFFF, v12  }
0x284: {  	v49 =	vld [tilespmem:s14+$0x7840];
	v16 =	vand.u32 $0x7FFFFFFF, v16;
	v8 =	vsub.f32 v24, v8;
	v7 =	vsub.f32 v45, v7  }
0x285: {  	v46 =	vld [tilespmem:s14+$0x7830];
	v48 =	vand.u32 $0x7FFFFFFF, v23;
	v10 =	vsub.f32 v10, v17;
	v9 =	vsub.f32 v9, v22  }
0x286: {  	v58 =	vld [tilespmem:s14+$0x7870];
	v19 =	vand.u32 $0x7FFFFFFF, v44;
	v5 =	vsub.f32 v47, v5;
	v6 =	vsub.f32 v6, v18  }
0x287: {  	v3 =	vld [tilespmem:s0+$0xFFFFFFF0];
	v4 =	vsub.f32 v55, v4;
	v10 =	vand.u32 $0x7FFFFFFF, v10;
	v9 =	vand.u32 $0x7FFFFFFF, v9  }
0x288: {  	v11 =	vld [tilespmem:s13+$0xF050];
	v6 =	vand.u32 $0x7FFFFFFF, v6;
	v10 =	vadd.f32 v10, v12;
	v9 =	vadd.f32 v9, v16  }
0x289: {  	v51 =	vld [tilespmem:s13+$0xF040];
	v14 =	vand.u32 $0x7FFFFFFF, v14;
	v7 =	vsub.f32 v7, v49;
	v6 =	vadd.f32 v6, v48  }
0x28a: {  	v52 =	vld [tilespmem:s10+$0x830];
	v15 =	vand.u32 $0x7FFFFFFF, v15;
	v10 =	vsub.f32 v10, v19;
	v9 =	vsub.f32 v9, v14  }
0x28b: {  	v54 =	vld [tilespmem:s14+$0x10060];
	v13 =	vand.u32 $0x7FFFFFFF, v13;
	v8 =	vsub.f32 v8, v46;
	v4 =	vsub.f32 v4, v58  }
0x28c: {  	v50 =	vld [tilespmem:s14+$0x7850];
	v6 =	vsub.f32 v6, v15;
	v10 =	vmax.f32 v10, $0.0e+00;
	v9 =	vmax.f32 v9, $0.0e+00  }
0x28d: {  	v53 =	vld [tilespmem:s10+$0x840];
	v7 =	vand.u32 $0x7FFFFFFF, v7;
	v10 =	vmul.f32 v10, v10;
	v9 =	vmul.f32 v9, v9  }
0x28e: {  	v56 =	vld [tilespmem:s14+$0x7860];
	v8 =	vand.u32 $0x7FFFFFFF, v8;
	v16 =	vand.u32 $0x7FFFFFFF, v51;
	v6 =	vmax.f32 v6, $0.0e+00  }
0x28f: {  	v8 =	vadd.f32 v8, v13;
	v6 =	vmul.f32 v6, v6;
	v9 =	vadd.f32 v9, v10;
	v10 =	vld [tilespmem:s13+$0xF060]  }
0x290: {  	v59 =	vld [tilespmem:s13+$0xF070];
	v57 =	vand.u32 $0x7FFFFFFF, v52;
	v7 =	vadd.f32 v7, v16;
	v15 =	vsub.f32 v54, v3  }
0x291: {  	v8 =	vsub.f32 v8, v57;
	v3 =	vadd.f32 v6, v9;
	v6 =	vld [tilespmem:s10+$0x850]  }
0x292: {  	v5 =	vsub.f32 v5, v50;
	v62 =	vand.u32 $0x7FFFFFFF, v4;
	v9 =	vand.u32 $0x7FFFFFFF, v53  }
0x293: {  	v4 =	vmax.f32 v8, $0.0e+00;
	v7 =	vsub.f32 v7, v9;
	v9 =	vand.u32 $0x7FFFFFFF, v11;
	v11 =	vld [tilespmem:s10+$0x870]  }
0x294: {  	v5 =	vand.u32 $0x7FFFFFFF, v5;
	v61 =	vand.u32 $0x7FFFFFFF, v10;
	v10 =	vmul.f32 v4, v4;
	v4 =	vld [tilespmem:s10+$0x860]  }
0x295: {  	v60 =	vsub.f32 v15, v56;
	v5 =	vadd.f32 v5, v9  }
0x296: {  	v63 =	vand.u32 $0x7FFFFFFF, v59;
	v7 =	vmax.f32 v7, $0.0e+00;
	v6 =	vand.u32 $0x7FFFFFFF, v6  }
0x297: {  	v9 =	vand.u32 $0x7FFFFFFF, v60;
	v7 =	vmul.f32 v7, v7;
	v5 =	vsub.f32 v5, v6  }
0x298: {  	s14 =	simm.s32 $0x100;
	s13 =	simm.s32 $0x14280;
	s10 =	simm.s32 $0x14280;
	v6 =	vadd.f32 v9, v61;
	v8 =	vand.u32 $0x7FFFFFFF, v11;
	v9 =	vadd.f32 v62, v63  }
.LBB2_8:
0x299: {  	v3 =	vadd.f32 v10, v3;
	v4 =	vand.u32 $0x7FFFFFFF, v4;
	s13 =	sadd.s32 $0x800, s13;
	s3 =	sadd.s32 $0x80, s3;
	s0 =	sadd.s32 $0x80, s0  }
0x29a: {  	p0 =	sne.s32 s14, $0xF00;
	v5 =	vmax.f32 v5, $0.0e+00;
	s23 =	smov.u32 s14;
	s14 =	sadd.s32 $0x100, s14;
	v4 =	vsub.f32 v6, v4;
	v6 =	vsub.f32 v9, v8  }
0x29b: {  	v5 =	vmul.f32 v5, v5;
	v3 =	vadd.f32 v7, v3  }
0x29c: {  	v4 =	vmax.f32 v4, $0.0e+00;
	v6 =	vmax.f32 v6, $0.0e+00  }
0x29d: {  	v3 =	vadd.f32 v5, v3;
	v4 =	vmul.f32 v4, v4;
	_ =	sdelay $0x1  }
0x29e: {  	v3 =	vadd.f32 v4, v3;
	v4 =	vmul.f32 v6, v6;
	_ =	sdelay $0x1  }
0x29f: {  	v3 =	vadd.f32 v4, v3;
	_ =	sdelay $0x1  }
0x2a0: {  	[tilespmem:s10+$0x0] =	vst v3;
	s10 =	smov.u32 s13;
	_ =	sdelay $0x2  }
0x2a1: {  	v4 =	vld [tilespmem:s0+$0x0]  }
0x2a2: {  	v3 =	vld [tilespmem:s0+$0xFFFFFFF0]  }
0x2a3: {  	v5 =	vld [tilespmem:s0+$0xFFFFFFE0]  }
0x2a4: {  	v6 =	vld [tilespmem:s0+$0xFFFFFFB0]  }
0x2a5: {  	v7 =	vld [tilespmem:s0+$0xFFFFFFD0]  }
0x2a6: {  	s15 =	sand.u32 $0xFFFFF800, s23;
	v8 =	vld [tilespmem:s0+$0xFFFFFFC0]  }
0x2a7: {  	s15 =	sadd.s32 s15, s3;
	v9 =	vld [tilespmem:s0+$0xFFFFFFA0]  }
0x2a8: {  	s22 =	sor.u32 $0x1400, s15;
	s15 =	sor.u32 $0x7400, s15;
	v10 =	vld [tilespmem:s0+$0xFFFFFF90]  }
0x2a9: {  	v11 =	vld [tilespmem:s22+$0xF050]  }
0x2aa: {  	v12 =	vld [tilespmem:s22+$0xF000]  }
0x2ab: {  	v13 =	vld [tilespmem:s22+$0xF030]  }
0x2ac: {  	v14 =	vld [tilespmem:s15+$0x810]  }
0x2ad: {  	s23 =	sand.u32 $0x800, s23;
	s28 =	sand.u32 $0x380, s3;
	v15 =	vld [tilespmem:s15+$0x820]  }
0x2ae: {  	s23 =	sor.u32 s28, s23;
	v16 =	vld [tilespmem:s22+$0xF010]  }
0x2af: {  	v17 =	vld [tilespmem:s23+$0x7800]  }
0x2b0: {  	v18 =	vld [tilespmem:s23+$0x7820]  }
0x2b1: {  	v19 =	vld [tilespmem:s23+$0x10020]  }
0x2b2: {  	v20 =	vld [tilespmem:s23+$0x10000]  }
0x2b3: {  	v21 =	vld [tilespmem:s23+$0x10010]  }
0x2b4: {  	v22 =	vld [tilespmem:s23+$0x7810]  }
0x2b5: {  	v23 =	vld [tilespmem:s22+$0xF020]  }
0x2b6: {  	v6 =	vsub.f32 v19, v6;
	v19 =	vld [tilespmem:s23+$0x10030]  }
0x2b7: {  	v10 =	vsub.f32 v20, v10;
	v20 =	vld [tilespmem:s15+$0x800]  }
0x2b8: {  	v15 =	vand.u32 $0x7FFFFFFF, v15;
	v9 =	vsub.f32 v21, v9;
	v6 =	vsub.f32 v6, v18;
	v18 =	vld [tilespmem:s23+$0x10040]  }
0x2b9: {  	v12 =	vand.u32 $0x7FFFFFFF, v12;
	v16 =	vand.u32 $0x7FFFFFFF, v16;
	v10 =	vsub.f32 v10, v17;
	v17 =	vld [tilespmem:s23+$0x7830]  }
0x2ba: {  	v9 =	vsub.f32 v9, v22;
	v21 =	vand.u32 $0x7FFFFFFF, v23;
	v6 =	vand.u32 $0x7FFFFFFF, v6;
	v22 =	vld [tilespmem:s23+$0x10050]  }
0x2bb: {  	v10 =	vand.u32 $0x7FFFFFFF, v10;
	v6 =	vadd.f32 v6, v21;
	v8 =	vsub.f32 v19, v8;
	v19 =	vld [tilespmem:s23+$0x7840]  }
0x2bc: {  	v10 =	vadd.f32 v10, v12;
	v12 =	vand.u32 $0x7FFFFFFF, v14;
	v9 =	vand.u32 $0x7FFFFFFF, v9;
	v14 =	vld [tilespmem:s23+$0x7850]  }
0x2bd: {  	v20 =	vand.u32 $0x7FFFFFFF, v20;
	v9 =	vadd.f32 v9, v16;
	v7 =	vsub.f32 v18, v7;
	v16 =	vld [tilespmem:s22+$0xF040]  }
0x2be: {  	v6 =	vsub.f32 v6, v15;
	v10 =	vsub.f32 v10, v20;
	v15 =	vld [tilespmem:s15+$0x830]  }
0x2bf: {  	v9 =	vsub.f32 v9, v12;
	v12 =	vld [tilespmem:s15+$0x840];
	v5 =	vsub.f32 v22, v5  }
0x2c0: {  	v13 =	vand.u32 $0x7FFFFFFF, v13;
	v10 =	vmax.f32 v10, $0.0e+00;
	v7 =	vsub.f32 v7, v19;
	v18 =	vld [tilespmem:s23+$0x10060]  }
0x2c1: {  	v6 =	vmax.f32 v6, $0.0e+00;
	v10 =	vmul.f32 v10, v10;
	v9 =	vmax.f32 v9, $0.0e+00;
	v19 =	vld [tilespmem:s23+$0x10070]  }
0x2c2: {  	v5 =	vsub.f32 v5, v14;
	v9 =	vmul.f32 v9, v9;
	v7 =	vand.u32 $0x7FFFFFFF, v7;
	v14 =	vld [tilespmem:s23+$0x7860]  }
0x2c3: {  	v8 =	vsub.f32 v8, v17;
	v16 =	vand.u32 $0x7FFFFFFF, v16;
	v15 =	vand.u32 $0x7FFFFFFF, v15;
	v17 =	vld [tilespmem:s23+$0x7870]  }
0x2c4: {  	v6 =	vmul.f32 v6, v6;
	v7 =	vadd.f32 v7, v16;
	v9 =	vadd.f32 v9, v10;
	v10 =	vld [tilespmem:s22+$0xF060]  }
0x2c5: {  	v8 =	vand.u32 $0x7FFFFFFF, v8;
	v5 =	vand.u32 $0x7FFFFFFF, v5;
	v16 =	vsub.f32 v18, v3;
	v18 =	vld [tilespmem:s22+$0xF070]  }
0x2c6: {  	v3 =	vadd.f32 v6, v9;
	v6 =	vld [tilespmem:s15+$0x850];
	v4 =	vsub.f32 v19, v4  }
0x2c7: {  	v8 =	vadd.f32 v8, v13;
	v9 =	vand.u32 $0x7FFFFFFF, v12;
	v12 =	vsub.f32 v16, v14  }
0x2c8: {  	v7 =	vsub.f32 v7, v9;
	v9 =	vand.u32 $0x7FFFFFFF, v11;
	v11 =	vld [tilespmem:s15+$0x870];
	v13 =	vsub.f32 v4, v17  }
.Ltmp3:
0x2c9: {  	v8 =	vsub.f32 v8, v15;
	v5 =	vadd.f32 v5, v9;
	v4 =	vld [tilespmem:s15+$0x860];
	v9 =	vand.u32 $0x7FFFFFFF, v12;
	(pc) =	sbr.rel @p0 .LBB2_8-.Ltmp3, $4  }
0x2ca: {  	v7 =	vmax.f32 v7, $0.0e+00;
	v12 =	vand.u32 $0x7FFFFFFF, v10;
	v13 =	vand.u32 $0x7FFFFFFF, v13  }
0x2cb: {  	v8 =	vmax.f32 v8, $0.0e+00;
	v14 =	vand.u32 $0x7FFFFFFF, v18;
	v6 =	vand.u32 $0x7FFFFFFF, v6  }
0x2cc: {  	v10 =	vmul.f32 v8, v8;
	v5 =	vsub.f32 v5, v6;
	v6 =	vadd.f32 v9, v12  }
0x2cd: {  	v7 =	vmul.f32 v7, v7;
	v9 =	vadd.f32 v13, v14;
	v8 =	vand.u32 $0x7FFFFFFF, v11  }
0x2ce: {  	v3 =	vadd.f32 v10, v3;
	v4 =	vand.u32 $0x7FFFFFFF, v4  }
0x2cf: {  	v5 =	vmax.f32 v5, $0.0e+00;
	v4 =	vsub.f32 v6, v4  }
0x2d0: {  	v5 =	vmul.f32 v5, v5;
	v3 =	vadd.f32 v7, v3  }
0x2d1: {  	v6 =	vsub.f32 v9, v8;
	v4 =	vmax.f32 v4, $0.0e+00  }
0x2d2: {  	v3 =	vadd.f32 v5, v3;
	v4 =	vmul.f32 v4, v4  }
0x2d3: {  	v5 =	vmax.f32 v6, $0.0e+00  }
0x2d4: {  	v3 =	vadd.f32 v4, v3;
	v4 =	vmul.f32 v5, v5;
	_ =	sdelay $0x1  }
0x2d5: {  	v3 =	vadd.f32 v4, v3;
	_ =	sdelay $0x1  }
0x2d6: {  	[tilespmem:s10+$0x0] =	vst v3  }
0x2d7: {  	_ =	strace $0x9000004B  }
0x2d8: {  	_ =	strace $0x8000004C  }
0x2d9: {  	_ =	swait.ge [sflag:s20], $0x1000  }
0x2da: {  	[sflag:s20] =	ssyncset.done $0x0  }
0x2db: {  	s13 =	simm.s32 $0x0;
	[sflag:s20] =	ssyncadd.s32 $0xFFFFF000  }
0x2dc: {  	s0 =	sand.u32 $0xFFFFF800, s13;
	_ =	swait.ge [sflag:s20], $0x1000  }
0x2dd: {  	s3 =	sadd.s32 $0x0, s0;
	[sflag:s20] =	ssyncset.done $0x0  }
0x2de: {  	s0 =	sor.u32 $0x9400, s3;
	[sflag:s20] =	ssyncadd.s32 $0xFFFFF000  }
0x2df: {  	s10 =	sor.u32 $0x8400, s3;
	v5 =	vld [tilespmem:s0+$0x810]  }
0x2e0: {  	v8 =	vld [tilespmem:s10+$0x800]  }
0x2e1: {  	v6 =	vld [tilespmem:s0+$0x830]  }
0x2e2: {  	v3 =	vld [tilespmem:s0+$0x850]  }
0x2e3: {  	s31 =	sand.u32 $0x800, s13;
	s14 =	sand.u32 $0x380, s13;
	v7 =	vld [tilespmem:s10+$0x820]  }
0x2e4: {  	s14 =	sor.u32 s14, s31;
	v4 =	vld [tilespmem:s10+$0x850]  }
0x2e5: {  	v9 =	vld [tilespmem:s14+$0x9850]  }
0x2e6: {  	v10 =	vld [tilespmem:s10+$0x810]  }
0x2e7: {  	v12 =	vld [tilespmem:s14+$0x8850]  }
0x2e8: {  	v17 =	vld [tilespmem:s14+$0x9830]  }
0x2e9: {  	v18 =	vld [tilespmem:s14+$0x8830]  }
0x2ea: {  	v11 =	vld [tilespmem:s14+$0x8800]  }
0x2eb: {  	v14 =	vld [tilespmem:s14+$0x8820]  }
0x2ec: {  	v13 =	vld [tilespmem:s14+$0x9810]  }
0x2ed: {  	v16 =	vld [tilespmem:s14+$0x9820];
	v12 =	vsub.f32 v12, v9  }
0x2ee: {  	v15 =	vld [tilespmem:s14+$0x8810]  }
0x2ef: {  	v4 =	vand.u32 $0x7FFFFFFF, v4;
	v9 =	vsub.f32 v18, v17;
	v17 =	vld [tilespmem:s14+$0x9800];
	v12 =	vand.u32 $0x7FFFFFFF, v12  }
0x2f0: {  	s15 =	simm.s32 $0x14300;
	s22 =	simm.s32 $0x100;
	s3 =	simm.s32 $0x14300;
	v3 =	vand.u32 $0x7FFFFFFF, v3;
	v6 =	vand.u32 $0x7FFFFFFF, v6;
	v4 =	vsub.f32 v12, v4;
	v12 =	vld [tilespmem:s0+$0x820]  }
.LBB2_10:
0x2f1: {  	p0 =	sne.s32 s22, $0xF00;
	v8 =	vand.u32 $0x7FFFFFFF, v8;
	v18 =	vld [tilespmem:s0+$0x800];
	s15 =	sadd.s32 $0x800, s15;
	s13 =	sadd.s32 $0x80, s13  }
0x2f2: {  	v10 =	vand.u32 $0x7FFFFFFF, v10;
	s23 =	smov.u32 s22;
	s22 =	sadd.s32 $0x100, s22;
	v14 =	vsub.f32 v14, v16;
	v16 =	vld [tilespmem:s10+$0x830]  }
0x2f3: {  	v13 =	vsub.f32 v15, v13;
	v15 =	vld [tilespmem:s14+$0x8840]  }
0x2f4: {  	v7 =	vand.u32 $0x7FFFFFFF, v7;
	v11 =	vsub.f32 v11, v17;
	v14 =	vand.u32 $0x7FFFFFFF, v14;
	v17 =	vld [tilespmem:s14+$0x9840]  }
0x2f5: {  	v5 =	vand.u32 $0x7FFFFFFF, v5;
	v13 =	vand.u32 $0x7FFFFFFF, v13;
	v7 =	vsub.f32 v14, v7;
	v14 =	vld [tilespmem:s10+$0x840]  }
0x2f6: {  	v12 =	vand.u32 $0x7FFFFFFF, v12;
	v11 =	vand.u32 $0x7FFFFFFF, v11;
	v10 =	vsub.f32 v13, v10;
	v13 =	vld [tilespmem:s14+$0x9860]  }
0x2f7: {  	v9 =	vand.u32 $0x7FFFFFFF, v9;
	v18 =	vand.u32 $0x7FFFFFFF, v18;
	v7 =	vsub.f32 v7, v12;
	v12 =	vld [tilespmem:s0+$0x840]  }
0x2f8: {  	v8 =	vsub.f32 v11, v8;
	v5 =	vsub.f32 v10, v5;
	v10 =	vand.u32 $0x7FFFFFFF, v16;
	v11 =	vld [tilespmem:s14+$0x8860]  }
0x2f9: {  	v7 =	vmax.f32 v7, $0.0e+00;
	v9 =	vsub.f32 v9, v10;
	v10 =	vsub.f32 v15, v17;
	v15 =	vld [tilespmem:s14+$0x9870]  }
0x2fa: {  	v8 =	vsub.f32 v8, v18;
	v5 =	vmax.f32 v5, $0.0e+00;
	v14 =	vand.u32 $0x7FFFFFFF, v14;
	v16 =	vld [tilespmem:s10+$0x860]  }
0x2fb: {  	v6 =	vsub.f32 v9, v6;
	v9 =	vand.u32 $0x7FFFFFFF, v10;
	v10 =	vld [tilespmem:s14+$0x8870]  }
0x2fc: {  	v8 =	vmax.f32 v8, $0.0e+00;
	v12 =	vand.u32 $0x7FFFFFFF, v12;
	v9 =	vsub.f32 v9, v14;
	v14 =	vld [tilespmem:s0+$0x860]  }
0x2fd: {  	v5 =	vmul.f32 v5, v5;
	v8 =	vmul.f32 v8, v8;
	v11 =	vsub.f32 v11, v13  }
0x2fe: {  	v7 =	vmul.f32 v7, v7;
	s14 =	sand.u32 $0xFFFFF800, s23;
	v6 =	vmax.f32 v6, $0.0e+00;
	v9 =	vsub.f32 v9, v12;
	v12 =	vld [tilespmem:s10+$0x870]  }
0x2ff: {  	s14 =	sadd.s32 s14, s13;
	v5 =	vadd.f32 v5, v8;
	v8 =	vand.u32 $0x7FFFFFFF, v16;
	v11 =	vand.u32 $0x7FFFFFFF, v11  }
0x300: {  	s10 =	sor.u32 $0x8400, s14;
	v9 =	vmax.f32 v9, $0.0e+00;
	v8 =	vsub.f32 v11, v8;
	v11 =	vld [tilespmem:s0+$0x870];
	s0 =	sor.u32 $0x9400, s14;
	v10 =	vsub.f32 v10, v15  }
0x301: {  	v6 =	vmul.f32 v6, v6;
	s14 =	sand.u32 $0x800, s23;
	s23 =	sand.u32 $0x380, s13;
	v5 =	vadd.f32 v7, v5;
	v7 =	vmul.f32 v9, v9  }
0x302: {  	v3 =	vsub.f32 v4, v3;
	s14 =	sor.u32 s23, s14;
	v4 =	vand.u32 $0x7FFFFFFF, v14;
	v9 =	vand.u32 $0x7FFFFFFF, v10  }
0x303: {  	v5 =	vadd.f32 v6, v5;
	v4 =	vsub.f32 v8, v4;
	v6 =	vand.u32 $0x7FFFFFFF, v12  }
0x304: {  	v3 =	vmax.f32 v3, $0.0e+00;
	v6 =	vsub.f32 v9, v6  }
0x305: {  	v3 =	vmul.f32 v3, v3;
	v5 =	vadd.f32 v7, v5;
	v7 =	vand.u32 $0x7FFFFFFF, v11  }
0x306: {  	v4 =	vmax.f32 v4, $0.0e+00;
	v6 =	vsub.f32 v6, v7  }
0x307: {  	v4 =	vmul.f32 v4, v4;
	v3 =	vadd.f32 v3, v5  }
0x308: {  	v5 =	vmax.f32 v6, $0.0e+00  }
0x309: {  	v3 =	vadd.f32 v4, v3;
	v4 =	vmul.f32 v5, v5;
	_ =	sdelay $0x1  }
0x30a: {  	v3 =	vadd.f32 v4, v3;
	_ =	sdelay $0x1  }
0x30b: {  	[tilespmem:s3+$0x0] =	vst v3;
	s3 =	smov.u32 s15  }
0x30c: {  	v5 =	vld [tilespmem:s0+$0x810]  }
0x30d: {  	v8 =	vld [tilespmem:s10+$0x800]  }
0x30e: {  	v6 =	vld [tilespmem:s0+$0x830]  }
0x30f: {  	v3 =	vld [tilespmem:s0+$0x850]  }
0x310: {  	v7 =	vld [tilespmem:s10+$0x820]  }
0x311: {  	v4 =	vld [tilespmem:s10+$0x850]  }
0x312: {  	v9 =	vld [tilespmem:s14+$0x9850]  }
0x313: {  	v10 =	vld [tilespmem:s10+$0x810]  }
0x314: {  	v12 =	vld [tilespmem:s14+$0x8850]  }
0x315: {  	v17 =	vld [tilespmem:s14+$0x9830]  }
0x316: {  	v18 =	vld [tilespmem:s14+$0x8830]  }
0x317: {  	v11 =	vld [tilespmem:s14+$0x8800]  }
0x318: {  	v14 =	vld [tilespmem:s14+$0x8820]  }
.Ltmp4:
0x319: {  	v4 =	vand.u32 $0x7FFFFFFF, v4;
	v13 =	vld [tilespmem:s14+$0x9810];
	v12 =	vsub.f32 v12, v9;
	(pc) =	sbr.rel @p0 .LBB2_10-.Ltmp4, $4  }
0x31a: {  	v16 =	vld [tilespmem:s14+$0x9820]  }
0x31b: {  	v3 =	vand.u32 $0x7FFFFFFF, v3;
	v15 =	vld [tilespmem:s14+$0x8810];
	v9 =	vsub.f32 v18, v17;
	v12 =	vand.u32 $0x7FFFFFFF, v12  }
0x31c: {  	v17 =	vld [tilespmem:s14+$0x9800];
	v4 =	vsub.f32 v12, v4  }
0x31d: {  	v6 =	vand.u32 $0x7FFFFFFF, v6;
	v12 =	vld [tilespmem:s0+$0x820]  }
0x31e: {  	v18 =	vld [tilespmem:s0+$0x800]  }
0x31f: {  	v19 =	vld [tilespmem:s10+$0x830]  }
0x320: {  	v8 =	vand.u32 $0x7FFFFFFF, v8;
	v14 =	vsub.f32 v14, v16;
	v16 =	vld [tilespmem:s14+$0x8840]  }
0x321: {  	v10 =	vand.u32 $0x7FFFFFFF, v10;
	v7 =	vand.u32 $0x7FFFFFFF, v7;
	v13 =	vsub.f32 v15, v13;
	v15 =	vld [tilespmem:s14+$0x9840]  }
0x322: {  	v5 =	vand.u32 $0x7FFFFFFF, v5;
	v11 =	vsub.f32 v11, v17;
	v14 =	vand.u32 $0x7FFFFFFF, v14;
	v17 =	vld [tilespmem:s10+$0x840]  }
0x323: {  	v13 =	vand.u32 $0x7FFFFFFF, v13;
	v7 =	vsub.f32 v14, v7;
	v14 =	vld [tilespmem:s14+$0x9860];
	v12 =	vand.u32 $0x7FFFFFFF, v12  }
0x324: {  	v11 =	vand.u32 $0x7FFFFFFF, v11;
	v10 =	vsub.f32 v13, v10;
	v13 =	vand.u32 $0x7FFFFFFF, v18;
	v18 =	vld [tilespmem:s0+$0x840]  }
0x325: {  	v9 =	vand.u32 $0x7FFFFFFF, v9;
	v7 =	vsub.f32 v7, v12;
	v8 =	vsub.f32 v11, v8;
	v11 =	vld [tilespmem:s14+$0x8860]  }
0x326: {  	v5 =	vsub.f32 v10, v5;
	v10 =	vand.u32 $0x7FFFFFFF, v19;
	v12 =	vsub.f32 v16, v15;
	v16 =	vld [tilespmem:s14+$0x8870]  }
0x327: {  	v7 =	vmax.f32 v7, $0.0e+00;
	v9 =	vsub.f32 v9, v10;
	v8 =	vsub.f32 v8, v13;
	v10 =	vld [tilespmem:s10+$0x860]  }
0x328: {  	v13 =	vld [tilespmem:s14+$0x9870];
	v15 =	vand.u32 $0x7FFFFFFF, v17;
	v5 =	vmax.f32 v5, $0.0e+00;
	v12 =	vand.u32 $0x7FFFFFFF, v12  }
0x329: {  	v8 =	vmax.f32 v8, $0.0e+00;
	v17 =	vand.u32 $0x7FFFFFFF, v18;
	v12 =	vsub.f32 v12, v15  }
0x32a: {  	v15 =	vld [tilespmem:s0+$0x860];
	v5 =	vmul.f32 v5, v5;
	v8 =	vmul.f32 v8, v8;
	v11 =	vsub.f32 v11, v14  }
0x32b: {  	v7 =	vmul.f32 v7, v7;
	v6 =	vsub.f32 v9, v6;
	v9 =	vsub.f32 v12, v17;
	v12 =	vld [tilespmem:s10+$0x870]  }
0x32c: {  	v5 =	vadd.f32 v5, v8;
	v8 =	vand.u32 $0x7FFFFFFF, v10;
	v10 =	vand.u32 $0x7FFFFFFF, v11  }
0x32d: {  	v6 =	vmax.f32 v6, $0.0e+00;
	v11 =	vsub.f32 v16, v13;
	v8 =	vsub.f32 v10, v8;
	v10 =	vld [tilespmem:s0+$0x870]  }
0x32e: {  	v6 =	vmul.f32 v6, v6;
	v9 =	vmax.f32 v9, $0.0e+00;
	v5 =	vadd.f32 v7, v5  }
0x32f: {  	v3 =	vsub.f32 v4, v3;
	v7 =	vmul.f32 v9, v9;
	v4 =	vand.u32 $0x7FFFFFFF, v15  }
0x330: {  	v9 =	vand.u32 $0x7FFFFFFF, v11;
	v5 =	vadd.f32 v6, v5;
	v6 =	vand.u32 $0x7FFFFFFF, v12  }
0x331: {  	v3 =	vmax.f32 v3, $0.0e+00;
	v4 =	vsub.f32 v8, v4;
	v6 =	vsub.f32 v9, v6  }
0x332: {  	v3 =	vmul.f32 v3, v3;
	v5 =	vadd.f32 v7, v5;
	v7 =	vand.u32 $0x7FFFFFFF, v10  }
0x333: {  	v4 =	vmax.f32 v4, $0.0e+00;
	v6 =	vsub.f32 v6, v7  }
0x334: {  	v4 =	vmul.f32 v4, v4;
	v3 =	vadd.f32 v3, v5  }
0x335: {  	v5 =	vmax.f32 v6, $0.0e+00  }
0x336: {  	v3 =	vadd.f32 v4, v3;
	v4 =	vmul.f32 v5, v5;
	_ =	sdelay $0x1  }
0x337: {  	v3 =	vadd.f32 v4, v3;
	_ =	sdelay $0x1  }
0x338: {  	[tilespmem:s3+$0x0] =	vst v3  }
0x339: {  	_ =	strace $0x9000004C  }
0x33a: {  	_ =	strace $0x8000004D  }
0x33b: {  	_ =	swait.ge [sflag:s21], $0x1000  }
0x33c: {  	[sflag:s21] =	ssyncset.done $0x0  }
0x33d: {  	[sflag:s21] =	ssyncadd.s32 $0xFFFFF000  }
0x33e: {  	_ =	swait.ge [sflag:s21], $0x1000  }
0x33f: {  	[sflag:s21] =	ssyncset.done $0x0  }
0x340: {  	[sflag:s21] =	ssyncadd.s32 $0xFFFFF000  }
0x341: {  	_ =	swait.ge [sflag:s21], $0x800  }
0x342: {  	[sflag:s21] =	ssyncset.done $0x0  }
0x343: {  	[sflag:s21] =	ssyncadd.s32 $0xFFFFF800  }
0x344: {  	_ =	swait.ge [sflag:s21], $0x800  }
0x345: {  	[sflag:s21] =	ssyncset.done $0x0  }
0x346: {  	[sflag:s21] =	ssyncadd.s32 $0xFFFFF800  }
0x347: {  	_ =	swait.ge [sflag:s21], $0x1000  }
0x348: {  	[sflag:s21] =	ssyncset.done $0x0  }
0x349: {  	[sflag:s21] =	ssyncadd.s32 $0xFFFFF000  }
0x34a: {  	_ =	swait.ge [sflag:s21], $0x1000  }
0x34b: {  	[sflag:s21] =	ssyncset.done $0x0  }
0x34c: {  	s28 =	simm.s32 $0xE870;
	[sflag:s21] =	ssyncadd.s32 $0xFFFFF000  }
0x34d: {  	v3 =	vld [tilespmem:s28+$0xFFFFF7F0]  }
0x34e: {  	v4 =	vld [tilespmem:s28+$0x0]  }
0x34f: {  	v5 =	vld [tilespmem:s28+$0xFFFFFFE0]  }
0x350: {  	v9 =	vld [tilespmem:s28+$0xFFFFFFD0]  }
0x351: {  	v8 =	vld [tilespmem:s28+$0xFFFFFFF0]  }
0x352: {  	v11 =	vld [tilespmem:s28+$0xFFFFFFC0]  }
0x353: {  	v10 =	vld [tilespmem:s28+$0xFFFFF7C0]  }
0x354: {  	v12 =	vld [tilespmem:s28+$0xFFFFFF90]  }
0x355: {  	v13 =	vld [tilespmem:s28+$0xFFFFFFB0]  }
0x356: {  	v14 =	vld [tilespmem:s28+$0xFFFFF790]  }
0x357: {  	s29 =	simm.s32 $0x0;
	v15 =	vld [tilespmem:s28+$0xFFFFFFA0]  }
0x358: {  	s15 =	sand.u32 $0xFFFFF800, s29;
	v16 =	vld [tilespmem:s28+$0xFFFFF7A0]  }
0x359: {  	s22 =	sadd.s32 $0x0, s15;
	v6 =	vld [tilespmem:s28+$0xFFFFF7D0]  }
0x35a: {  	s3 =	sor.u32 $0x2400, s22;
	v17 =	vld [tilespmem:s28+$0xFFFFF7B0]  }
0x35b: {  	s0 =	sor.u32 $0xB400, s22;
	v7 =	vld [tilespmem:s3+$0xF030]  }
0x35c: {  	v18 =	vld [tilespmem:s0+$0x840]  }
0x35d: {  	s30 =	sor.u32 $0x1400, s22;
	v19 =	vld [tilespmem:s3+$0xF010]  }
0x35e: {  	v28 =	vld [tilespmem:s30+$0x12030]  }
0x35f: {  	v20 =	vld [tilespmem:s3+$0xF000]  }
0x360: {  	v21 =	vld [tilespmem:s30+$0x12010]  }
0x361: {  	v22 =	vld [tilespmem:s0+$0x830]  }
0x362: {  	v23 =	vld [tilespmem:s0+$0x800]  }
0x363: {  	v24 =	vld [tilespmem:s30+$0x12040]  }
0x364: {  	v25 =	vld [tilespmem:s30+$0x12020]  }
0x365: {  	v26 =	vld [tilespmem:s0+$0x820]  }
0x366: {  	s10 =	sor.u32 $0xA400, s22;
	v27 =	vld [tilespmem:s0+$0x810]  }
0x367: {  	v29 =	vld [tilespmem:s10+$0x810]  }
0x368: {  	v30 =	vld [tilespmem:s3+$0xF020]  }
0x369: {  	v31 =	vld [tilespmem:s10+$0x860]  }
0x36a: {  	s13 =	sand.u32 $0x800, s29;
	s23 =	sand.u32 $0x380, s29;
	v32 =	vld [tilespmem:s10+$0x820]  }
0x36b: {  	s22 =	sor.u32 s23, s13;
	v33 =	vld [tilespmem:s10+$0x800]  }
0x36c: {  	v35 =	vld [tilespmem:s22+$0xB840]  }
0x36d: {  	v36 =	vld [tilespmem:s22+$0x13020]  }
0x36e: {  	v37 =	vld [tilespmem:s22+$0x13040]  }
0x36f: {  	v38 =	vld [tilespmem:s22+$0xB820]  }
0x370: {  	v40 =	vld [tilespmem:s22+$0x13010]  }
0x371: {  	v41 =	vld [tilespmem:s22+$0xB810]  }
0x372: {  	v43 =	vld [tilespmem:s22+$0xA820]  }
0x373: {  	v59 =	vld [tilespmem:s22+$0xB830];
	v35 =	vadd.f32 v6, v35  }
0x374: {  	v60 =	vld [tilespmem:s22+$0x11020];
	v7 =	vand.u32 $0x7FFFFFFF, v7;
	v6 =	vand.u32 $0x7FFFFFFF, v19;
	v58 =	vand.u32 $0x7FFFFFFF, v20  }
0x375: {  	v19 =	vld [tilespmem:s22+$0xA810];
	v23 =	vand.u32 $0x7FFFFFFF, v23;
	v42 =	vand.u32 $0x7FFFFFFF, v22;
	v21 =	vand.u32 $0x7FFFFFFF, v21  }
0x376: {  	v20 =	vld [tilespmem:s22+$0xB800];
	v18 =	vand.u32 $0x7FFFFFFF, v18;
	v30 =	vand.u32 $0x7FFFFFFF, v30;
	v17 =	vadd.f32 v17, v38  }
0x377: {  	v22 =	vld [tilespmem:s22+$0xA800];
	v33 =	vand.u32 $0x7FFFFFFF, v33;
	v16 =	vadd.f32 v16, v41;
	v35 =	vsub.f32 v35, v37  }
0x378: {  	v34 =	vld [tilespmem:s22+$0x11000];
	v31 =	vand.u32 $0x7FFFFFFF, v31;
	v13 =	vadd.f32 v13, v43;
	v17 =	vsub.f32 v17, v36  }
0x379: {  	v39 =	vld [tilespmem:s22+$0x11010];
	v26 =	vand.u32 $0x7FFFFFFF, v26;
	v16 =	vsub.f32 v16, v40;
	v35 =	vand.u32 $0x7FFFFFFF, v35  }
0x37a: {  	v62 =	vld [tilespmem:s22+$0x13000];
	v13 =	vsub.f32 v13, v60;
	v17 =	vand.u32 $0x7FFFFFFF, v17;
	v18 =	vsub.f32 v35, v18  }
0x37b: {  	v61 =	vld [tilespmem:s22+$0x13030];
	v16 =	vand.u32 $0x7FFFFFFF, v16;
	v15 =	vadd.f32 v15, v19;
	v14 =	vadd.f32 v14, v20  }
0x37c: {  	v63 =	vld [tilespmem:s22+$0x11060];
	v19 =	vand.u32 $0x7FFFFFFF, v27;
	v12 =	vadd.f32 v12, v22;
	v22 =	vadd.f32 v10, v59  }
0x37d: {  	v24 =	vand.u32 $0x7FFFFFFF, v24;
	v20 =	vld [tilespmem:s22+$0xA830];
	v17 =	vsub.f32 v17, v26;
	v19 =	vsub.f32 v16, v19  }
0x37e: {  	v29 =	vand.u32 $0x7FFFFFFF, v29;
	v10 =	vld [tilespmem:s22+$0x11050];
	v15 =	vsub.f32 v15, v39;
	v18 =	vsub.f32 v18, v24  }
0x37f: {  	v25 =	vand.u32 $0x7FFFFFFF, v25;
	v26 =	vld [tilespmem:s22+$0x11030];
	v12 =	vsub.f32 v12, v34;
	v14 =	vsub.f32 v14, v62  }
0x380: {  	v27 =	vand.u32 $0x7FFFFFFF, v32;
	v24 =	vld [tilespmem:s22+$0xA860];
	v17 =	vsub.f32 v17, v25;
	v22 =	vsub.f32 v22, v61  }
0x381: {  	v16 =	vld [tilespmem:s22+$0xB850];
	v19 =	vsub.f32 v19, v21;
	v15 =	vand.u32 $0x7FFFFFFF, v15;
	v14 =	vand.u32 $0x7FFFFFFF, v14  }
0x382: {  	v25 =	vld [tilespmem:s10+$0x830];
	v15 =	vsub.f32 v15, v29;
	v29 =	vand.u32 $0x7FFFFFFF, v13;
	v11 =	vadd.f32 v11, v20  }
0x383: {  	v13 =	vmax.f32 v18, $0.0e+00;
	v18 =	vand.u32 $0x7FFFFFFF, v12;
	v12 =	vld [tilespmem:s22+$0x13050];
	v20 =	vsub.f32 v29, v27  }
0x384: {  	v17 =	vmax.f32 v17, $0.0e+00;
	v27 =	vld [tilespmem:s22+$0xA840];
	v33 =	vsub.f32 v18, v33;
	v18 =	vsub.f32 v14, v23  }
0x385: {  	v23 =	vmax.f32 v19, $0.0e+00;
	v19 =	vld [tilespmem:s10+$0x840];
	v24 =	vadd.f32 v8, v24;
	v29 =	vsub.f32 v20, v30  }
0x386: {  	v8 =	vmul.f32 v17, v17;
	v26 =	vsub.f32 v11, v26;
	v30 =	vand.u32 $0x7FFFFFFF, v22;
	v20 =	vld [tilespmem:s22+$0x11040]  }
0x387: {  	v22 =	vld [tilespmem:s30+$0x12000];
	v32 =	vsub.f32 v24, v63;
	v24 =	vsub.f32 v30, v42;
	v21 =	vmax.f32 v29, $0.0e+00  }
0x388: {  	v14 =	vand.u32 $0x7FFFFFFF, v26;
	v29 =	vand.u32 $0x7FFFFFFF, v25;
	v11 =	vmul.f32 v21, v21;
	v21 =	vld [tilespmem:s28+$0xFFFFF7E0]  }
0x389: {  	s31 =	simm.s32 $0x14400;
	v17 =	vld [tilespmem:s22+$0xA850];
	v25 =	vadd.f32 v9, v27;
	v9 =	vand.u32 $0x7FFFFFFF, v32;
	v27 =	vsub.f32 v33, v58  }
0x38a: {  	s15 =	simm.s32 $0xE870;
	s14 =	simm.s32 $0x100;
	s13 =	simm.s32 $0x14400;
	v28 =	vand.u32 $0x7FFFFFFF, v28;
	v26 =	vsub.f32 v14, v29;
	v14 =	vld [tilespmem:s3+$0xF040];
	v9 =	vsub.f32 v9, v31  }
.LBB2_12:
0x38b: {  	v27 =	vmax.f32 v27, $0.0e+00;
	v24 =	vsub.f32 v24, v28;
	v20 =	vsub.f32 v25, v20;
	v25 =	vld [tilespmem:s10+$0x850];
	s13 =	sadd.s32 $0x800, s13;
	s29 =	sadd.s32 $0x80, s29;
	s28 =	sadd.s32 $0x80, s28  }
0x38c: {  	p0 =	sne.s32 s14, $0xF00;
	v23 =	vmul.f32 v23, v23;
	s23 =	smov.u32 s14;
	s14 =	sadd.s32 $0x100, s14;
	v22 =	vand.u32 $0x7FFFFFFF, v22;
	v7 =	vsub.f32 v26, v7;
	v26 =	vld [tilespmem:s22+$0xB860]  }
0x38d: {  	v6 =	vsub.f32 v15, v6;
	v15 =	vand.u32 $0x7FFFFFFF, v20;
	v16 =	vadd.f32 v21, v16;
	v20 =	vld [tilespmem:s22+$0xA870]  }
0x38e: {  	v5 =	vadd.f32 v5, v17;
	v18 =	vsub.f32 v18, v22;
	v7 =	vmax.f32 v7, $0.0e+00;
	v17 =	vld [tilespmem:s3+$0xF050]  }
0x38f: {  	v19 =	vand.u32 $0x7FFFFFFF, v19;
	v7 =	vmul.f32 v7, v7;
	v14 =	vand.u32 $0x7FFFFFFF, v14;
	v21 =	vld [tilespmem:s22+$0x13060]  }
0x390: {  	v22 =	vmul.f32 v27, v27;
	v6 =	vmax.f32 v6, $0.0e+00;
	v5 =	vsub.f32 v5, v10;
	v10 =	vld [tilespmem:s22+$0x11070]  }
0x391: {  	v24 =	vmax.f32 v24, $0.0e+00;
	v18 =	vmax.f32 v18, $0.0e+00;
	v15 =	vsub.f32 v15, v19;
	v19 =	vld [tilespmem:s3+$0xF060]  }
0x392: {  	v13 =	vmul.f32 v13, v13;
	v5 =	vand.u32 $0x7FFFFFFF, v5;
	v25 =	vand.u32 $0x7FFFFFFF, v25;
	v27 =	vld [tilespmem:s22+$0xB870]  }
0x393: {  	v6 =	vmul.f32 v6, v6;
	v14 =	vsub.f32 v15, v14;
	v5 =	vsub.f32 v5, v25;
	v15 =	vld [tilespmem:s15+$0xFFFFF800];
	s15 =	smov.u32 s28  }
0x394: {  	v12 =	vsub.f32 v16, v12;
	v4 =	vadd.f32 v4, v20;
	v17 =	vand.u32 $0x7FFFFFFF, v17  }
0x395: {  	v16 =	vmul.f32 v18, v18;
	v14 =	vmax.f32 v14, $0.0e+00;
	v5 =	vsub.f32 v5, v17;
	v17 =	vld [tilespmem:s0+$0x850]  }
0x396: {  	v12 =	vand.u32 $0x7FFFFFFF, v12;
	v4 =	vsub.f32 v4, v10;
	v18 =	vand.u32 $0x7FFFFFFF, v19;
	v10 =	vld [tilespmem:s22+$0x13070]  }
0x397: {  	v3 =	vadd.f32 v3, v26;
	v5 =	vmax.f32 v5, $0.0e+00;
	v9 =	vsub.f32 v9, v18;
	v18 =	vld [tilespmem:s0+$0x860]  }
0x398: {  	v6 =	vadd.f32 v6, v22;
	v5 =	vmul.f32 v5, v5;
	v19 =	vld [tilespmem:s10+$0x870];
	v15 =	vadd.f32 v15, v27  }
0x399: {  	v16 =	vadd.f32 v23, v16;
	v3 =	vsub.f32 v3, v21;
	v20 =	vld [tilespmem:s30+$0x12050];
	v9 =	vmax.f32 v9, $0.0e+00  }
0x39a: {  	v6 =	vadd.f32 v11, v6;
	v4 =	vand.u32 $0x7FFFFFFF, v4;
	v9 =	vmul.f32 v9, v9;
	v11 =	vld [tilespmem:s3+$0xF070]  }
0x39b: {  	v8 =	vadd.f32 v8, v16;
	v16 =	vmul.f32 v24, v24;
	v17 =	vand.u32 $0x7FFFFFFF, v17;
	v21 =	vld [tilespmem:s0+$0x870]  }
0x39c: {  	v3 =	vand.u32 $0x7FFFFFFF, v3;
	v10 =	vsub.f32 v15, v10;
	v18 =	vand.u32 $0x7FFFFFFF, v18;
	v22 =	vld [tilespmem:s30+$0x12060]  }
0x39d: {  	v8 =	vadd.f32 v16, v8;
	v12 =	vsub.f32 v12, v17;
	v15 =	vand.u32 $0x7FFFFFFF, v19;
	v16 =	vld [tilespmem:s30+$0x12070]  }
0x39e: {  	v3 =	vsub.f32 v3, v18;
	v17 =	vand.u32 $0x7FFFFFFF, v20;
	v4 =	vsub.f32 v4, v15  }
0x39f: {  	v6 =	vadd.f32 v7, v6;
	v7 =	vmul.f32 v14, v14;
	v10 =	vand.u32 $0x7FFFFFFF, v10  }
0x3a0: {  	v8 =	vadd.f32 v13, v8;
	v11 =	vand.u32 $0x7FFFFFFF, v11;
	v13 =	vand.u32 $0x7FFFFFFF, v21  }
0x3a1: {  	v12 =	vsub.f32 v12, v17;
	v14 =	vand.u32 $0x7FFFFFFF, v22;
	v10 =	vsub.f32 v10, v13  }
0x3a2: {  	v6 =	vadd.f32 v7, v6;
	v3 =	vsub.f32 v3, v14;
	v7 =	vand.u32 $0x7FFFFFFF, v16  }
0x3a3: {  	v4 =	vsub.f32 v4, v11;
	v12 =	vmax.f32 v12, $0.0e+00;
	v7 =	vsub.f32 v10, v7  }
0x3a4: {  	v5 =	vadd.f32 v5, v6;
	v6 =	vmul.f32 v12, v12;
	v3 =	vmax.f32 v3, $0.0e+00  }
0x3a5: {  	v4 =	vmax.f32 v4, $0.0e+00;
	v3 =	vmul.f32 v3, v3;
	v7 =	vmax.f32 v7, $0.0e+00  }
0x3a6: {  	v5 =	vadd.f32 v9, v5;
	v6 =	vadd.f32 v6, v8;
	v7 =	vmul.f32 v7, v7  }
0x3a7: {  	v4 =	vmul.f32 v4, v4  }
0x3a8: {  	v3 =	vadd.f32 v3, v6  }
0x3a9: {  	v4 =	vadd.f32 v4, v5  }
0x3aa: {  	v3 =	vadd.f32 v7, v3  }
0x3ab: {  	[tilespmem:s31+$0xFFFFFF80] =	vst v4  }
0x3ac: {  	[tilespmem:s31+$0x0] =	vst v3;
	s31 =	smov.u32 s13;
	_ =	sdelay $0x3  }
0x3ad: {  	v3 =	vld [tilespmem:s28+$0xFFFFF7F0]  }
0x3ae: {  	v4 =	vld [tilespmem:s28+$0x0]  }
0x3af: {  	v5 =	vld [tilespmem:s28+$0xFFFFFFE0]  }
0x3b0: {  	v9 =	vld [tilespmem:s28+$0xFFFFFFD0]  }
0x3b1: {  	v8 =	vld [tilespmem:s28+$0xFFFFFFF0]  }
0x3b2: {  	v11 =	vld [tilespmem:s28+$0xFFFFFFC0]  }
0x3b3: {  	v10 =	vld [tilespmem:s28+$0xFFFFF7C0]  }
0x3b4: {  	v12 =	vld [tilespmem:s28+$0xFFFFFF90]  }
0x3b5: {  	v13 =	vld [tilespmem:s28+$0xFFFFFFB0]  }
0x3b6: {  	v15 =	vld [tilespmem:s28+$0xFFFFF790]  }
0x3b7: {  	v16 =	vld [tilespmem:s28+$0xFFFFFFA0]  }
0x3b8: {  	s0 =	sand.u32 $0xFFFFF800, s23;
	v17 =	vld [tilespmem:s28+$0xFFFFF7A0]  }
0x3b9: {  	s10 =	sadd.s32 s0, s29;
	v18 =	vld [tilespmem:s28+$0xFFFFF7D0]  }
0x3ba: {  	s3 =	sor.u32 $0x2400, s10;
	s30 =	sor.u32 $0x1400, s10;
	v19 =	vld [tilespmem:s28+$0xFFFFF7B0]  }
0x3bb: {  	s0 =	sor.u32 $0xB400, s10;
	v6 =	vld [tilespmem:s3+$0xF030]  }
0x3bc: {  	s10 =	sor.u32 $0xA400, s10;
	v20 =	vld [tilespmem:s0+$0x840]  }
0x3bd: {  	v21 =	vld [tilespmem:s3+$0xF010]  }
0x3be: {  	v14 =	vld [tilespmem:s30+$0x12030]  }
0x3bf: {  	v22 =	vld [tilespmem:s3+$0xF000]  }
0x3c0: {  	v23 =	vld [tilespmem:s30+$0x12010];
	v7 =	vand.u32 $0x7FFFFFFF, v6  }
0x3c1: {  	v24 =	vld [tilespmem:s0+$0x830]  }
0x3c2: {  	v25 =	vld [tilespmem:s0+$0x800];
	v6 =	vand.u32 $0x7FFFFFFF, v21  }
0x3c3: {  	v21 =	vld [tilespmem:s30+$0x12040]  }
0x3c4: {  	v26 =	vld [tilespmem:s30+$0x12020]  }
0x3c5: {  	v27 =	vld [tilespmem:s0+$0x820]  }
0x3c6: {  	v28 =	vld [tilespmem:s0+$0x810]  }
0x3c7: {  	v29 =	vld [tilespmem:s10+$0x810]  }
0x3c8: {  	v30 =	vld [tilespmem:s3+$0xF020]  }
0x3c9: {  	v31 =	vld [tilespmem:s10+$0x860]  }
0x3ca: {  	s22 =	sand.u32 $0x800, s23;
	s23 =	sand.u32 $0x380, s29;
	v32 =	vld [tilespmem:s10+$0x820]  }
0x3cb: {  	s22 =	sor.u32 s23, s22;
	v33 =	vld [tilespmem:s10+$0x800]  }
0x3cc: {  	v34 =	vld [tilespmem:s22+$0x11000]  }
0x3cd: {  	v35 =	vld [tilespmem:s22+$0xB840]  }
0x3ce: {  	v36 =	vld [tilespmem:s22+$0x13020]  }
0x3cf: {  	v37 =	vld [tilespmem:s22+$0x13040]  }
0x3d0: {  	v38 =	vld [tilespmem:s22+$0xB820]  }
0x3d1: {  	v39 =	vld [tilespmem:s22+$0x11010]  }
0x3d2: {  	v40 =	vld [tilespmem:s22+$0x13010];
	v18 =	vadd.f32 v18, v35  }
0x3d3: {  	v35 =	vld [tilespmem:s22+$0xB810]  }
0x3d4: {  	v41 =	vld [tilespmem:s22+$0xA810];
	v18 =	vsub.f32 v18, v37  }
0x3d5: {  	v24 =	vand.u32 $0x7FFFFFFF, v24;
	v25 =	vand.u32 $0x7FFFFFFF, v25;
	v37 =	vand.u32 $0x7FFFFFFF, v22;
	v22 =	vld [tilespmem:s22+$0xB800]  }
0x3d6: {  	v20 =	vand.u32 $0x7FFFFFFF, v20;
	v23 =	vand.u32 $0x7FFFFFFF, v23;
	v42 =	vld [tilespmem:s22+$0xA800];
	v18 =	vand.u32 $0x7FFFFFFF, v18  }
0x3d7: {  	v30 =	vand.u32 $0x7FFFFFFF, v30;
	v19 =	vadd.f32 v19, v38;
	v43 =	vld [tilespmem:s22+$0xA820];
	v18 =	vsub.f32 v18, v20  }
0x3d8: {  	v31 =	vand.u32 $0x7FFFFFFF, v31;
	v33 =	vand.u32 $0x7FFFFFFF, v33;
	v17 =	vadd.f32 v17, v35;
	v20 =	vld [tilespmem:s22+$0xB830]  }
0x3d9: {  	v28 =	vand.u32 $0x7FFFFFFF, v28;
	v32 =	vand.u32 $0x7FFFFFFF, v32;
	v16 =	vadd.f32 v16, v41;
	v35 =	vld [tilespmem:s22+$0x11020]  }
0x3da: {  	v26 =	vand.u32 $0x7FFFFFFF, v26;
	v29 =	vand.u32 $0x7FFFFFFF, v29;
	v19 =	vsub.f32 v19, v36;
	v36 =	vld [tilespmem:s22+$0x13030]  }
0x3db: {  	v21 =	vand.u32 $0x7FFFFFFF, v21;
	v22 =	vadd.f32 v15, v22;
	v15 =	vsub.f32 v17, v40;
	v17 =	vld [tilespmem:s22+$0xA830]  }
0x3dc: {  	v19 =	vand.u32 $0x7FFFFFFF, v19;
	v16 =	vsub.f32 v16, v39;
	v38 =	vld [tilespmem:s22+$0x13000];
	v13 =	vadd.f32 v13, v43  }
0x3dd: {  	v12 =	vadd.f32 v12, v42;
	v39 =	vand.u32 $0x7FFFFFFF, v15;
	v20 =	vadd.f32 v10, v20;
	v10 =	vld [tilespmem:s22+$0x11050]  }
0x3de: {  	v18 =	vsub.f32 v18, v21;
	v15 =	vand.u32 $0x7FFFFFFF, v27;
	v13 =	vsub.f32 v13, v35;
	v21 =	vld [tilespmem:s22+$0xA860]  }
0x3df: {  	v12 =	vsub.f32 v12, v34;
	v16 =	vand.u32 $0x7FFFFFFF, v16;
	v19 =	vsub.f32 v19, v15;
	v27 =	vld [tilespmem:s22+$0x11030]  }
0x3e0: {  	v15 =	vsub.f32 v16, v29;
	v16 =	vand.u32 $0x7FFFFFFF, v13;
	v11 =	vadd.f32 v11, v17;
	v17 =	vld [tilespmem:s22+$0x11060]  }
0x3e1: {  	v19 =	vsub.f32 v19, v26;
	v13 =	vmax.f32 v18, $0.0e+00;
	v22 =	vsub.f32 v22, v38;
	v26 =	vld [tilespmem:s10+$0x830]  }
0x3e2: {  	v20 =	vsub.f32 v20, v36;
	v18 =	vand.u32 $0x7FFFFFFF, v12;
	v16 =	vsub.f32 v16, v32;
	v29 =	vld [tilespmem:s22+$0xA840]  }
0x3e3: {  	v28 =	vsub.f32 v39, v28;
	v19 =	vmax.f32 v19, $0.0e+00;
	v12 =	vld [tilespmem:s22+$0x13050];
	v21 =	vadd.f32 v8, v21  }
0x3e4: {  	v32 =	vand.u32 $0x7FFFFFFF, v22;
	v22 =	vsub.f32 v16, v30;
	v30 =	vand.u32 $0x7FFFFFFF, v20;
	v16 =	vld [tilespmem:s22+$0xB850]  }
0x3e5: {  	v23 =	vsub.f32 v28, v23;
	v8 =	vmul.f32 v19, v19;
	v20 =	vld [tilespmem:s22+$0x11040];
	v19 =	vsub.f32 v21, v17  }
.Ltmp5:
0x3e6: {  	v28 =	vsub.f32 v11, v27;
	v21 =	vmax.f32 v22, $0.0e+00;
	v26 =	vand.u32 $0x7FFFFFFF, v26;
	v17 =	vld [tilespmem:s22+$0xA850];
	(pc) =	sbr.rel @p0 .LBB2_12-.Ltmp5, $4  }
0x3e7: {  	v27 =	vsub.f32 v18, v33;
	v18 =	vsub.f32 v32, v25;
	v11 =	vmul.f32 v21, v21;
	v22 =	vld [tilespmem:s30+$0x12000]  }
0x3e8: {  	v24 =	vsub.f32 v30, v24;
	v25 =	vadd.f32 v9, v29;
	v9 =	vand.u32 $0x7FFFFFFF, v19;
	v21 =	vld [tilespmem:s28+$0xFFFFF7E0]  }
0x3e9: {  	v23 =	vmax.f32 v23, $0.0e+00;
	v27 =	vsub.f32 v27, v37;
	v28 =	vand.u32 $0x7FFFFFFF, v28;
	v19 =	vld [tilespmem:s10+$0x840]  }
0x3ea: {  	v26 =	vsub.f32 v28, v26;
	v28 =	vand.u32 $0x7FFFFFFF, v14;
	v9 =	vsub.f32 v9, v31;
	v14 =	vld [tilespmem:s3+$0xF040]  }
0x3eb: {  	v31 =	vld [tilespmem:s15+$0xFFFFF800]  }
0x3ec: {  	v32 =	vld [tilespmem:s10+$0x850]  }
0x3ed: {  	v34 =	vld [tilespmem:s22+$0xA870]  }
0x3ee: {  	v35 =	vld [tilespmem:s3+$0xF050]  }
0x3ef: {  	v37 =	vld [tilespmem:s22+$0x11070]  }
0x3f0: {  	v27 =	vmax.f32 v27, $0.0e+00;
	v24 =	vsub.f32 v24, v28;
	v20 =	vsub.f32 v25, v20;
	v39 =	vld [tilespmem:s3+$0xF060]  }
0x3f1: {  	v23 =	vmul.f32 v23, v23;
	v6 =	vsub.f32 v15, v6;
	v5 =	vadd.f32 v5, v17;
	v40 =	vld [tilespmem:s22+$0xB860]  }
0x3f2: {  	v13 =	vmul.f32 v13, v13;
	v41 =	vld [tilespmem:s22+$0xB870];
	v22 =	vand.u32 $0x7FFFFFFF, v22;
	v7 =	vsub.f32 v26, v7  }
0x3f3: {  	v42 =	vld [tilespmem:s22+$0x13060];
	v36 =	vmul.f32 v27, v27;
	v33 =	vand.u32 $0x7FFFFFFF, v20;
	v16 =	vadd.f32 v21, v16  }
0x3f4: {  	v45 =	vld [tilespmem:s0+$0x860];
	v18 =	vsub.f32 v18, v22;
	v6 =	vmax.f32 v6, $0.0e+00;
	v5 =	vsub.f32 v5, v10  }
0x3f5: {  	v46 =	vld [tilespmem:s10+$0x870];
	v38 =	vmax.f32 v24, $0.0e+00;
	v7 =	vmax.f32 v7, $0.0e+00;
	v6 =	vmul.f32 v6, v6  }
0x3f6: {  	v48 =	vld [tilespmem:s30+$0x12050];
	v19 =	vand.u32 $0x7FFFFFFF, v19;
	v51 =	vmul.f32 v38, v38;
	v7 =	vmul.f32 v7, v7  }
0x3f7: {  	v49 =	vld [tilespmem:s3+$0xF070];
	v14 =	vand.u32 $0x7FFFFFFF, v14;
	v18 =	vmax.f32 v18, $0.0e+00;
	v15 =	vsub.f32 v33, v19  }
0x3f8: {  	v52 =	vld [tilespmem:s30+$0x12060];
	v5 =	vand.u32 $0x7FFFFFFF, v5;
	v12 =	vsub.f32 v16, v12;
	v26 =	vand.u32 $0x7FFFFFFF, v32  }
0x3f9: {  	v54 =	vld [tilespmem:s30+$0x12070];
	v17 =	vand.u32 $0x7FFFFFFF, v35;
	v4 =	vadd.f32 v4, v34;
	v18 =	vmul.f32 v18, v18  }
0x3fa: {  	v43 =	vld [tilespmem:s22+$0x13070];
	v19 =	vand.u32 $0x7FFFFFFF, v39;
	v3 =	vadd.f32 v3, v40;
	v6 =	vadd.f32 v6, v36  }
0x3fb: {  	v50 =	vld [tilespmem:s0+$0x870];
	v47 =	vadd.f32 v31, v41;
	v10 =	vand.u32 $0x7FFFFFFF, v45;
	v53 =	vand.u32 $0x7FFFFFFF, v46  }
0x3fc: {  	v44 =	vld [tilespmem:s0+$0x850];
	v55 =	vand.u32 $0x7FFFFFFF, v48;
	v58 =	vand.u32 $0x7FFFFFFF, v49;
	v14 =	vsub.f32 v15, v14  }
0x3fd: {  	v59 =	vand.u32 $0x7FFFFFFF, v52;
	v5 =	vsub.f32 v5, v26;
	v9 =	vsub.f32 v9, v19  }
0x3fe: {  	v61 =	vand.u32 $0x7FFFFFFF, v54;
	v4 =	vsub.f32 v4, v37;
	v18 =	vadd.f32 v23, v18  }
0x3ff: {  	v12 =	vand.u32 $0x7FFFFFFF, v12;
	v3 =	vsub.f32 v3, v42;
	v6 =	vadd.f32 v11, v6  }
0x400: {  	v16 =	vsub.f32 v47, v43;
	v11 =	vand.u32 $0x7FFFFFFF, v50;
	v14 =	vmax.f32 v14, $0.0e+00  }
0x401: {  	v5 =	vsub.f32 v5, v17;
	v9 =	vmax.f32 v9, $0.0e+00;
	v17 =	vand.u32 $0x7FFFFFFF, v44  }
0x402: {  	v9 =	vmul.f32 v9, v9;
	v4 =	vand.u32 $0x7FFFFFFF, v4;
	v8 =	vadd.f32 v8, v18  }
0x403: {  	v3 =	vand.u32 $0x7FFFFFFF, v3;
	v12 =	vsub.f32 v12, v17;
	v6 =	vadd.f32 v7, v6  }
0x404: {  	v56 =	vmul.f32 v14, v14;
	v57 =	vand.u32 $0x7FFFFFFF, v16;
	v3 =	vsub.f32 v3, v10  }
0x405: {  	v5 =	vmax.f32 v5, $0.0e+00;
	v4 =	vsub.f32 v4, v53;
	v12 =	vsub.f32 v12, v55  }
0x406: {  	v10 =	vsub.f32 v57, v11;
	v5 =	vmul.f32 v5, v5;
	v8 =	vadd.f32 v51, v8  }
0x407: {  	v6 =	vadd.f32 v56, v6;
	v3 =	vsub.f32 v3, v59;
	v60 =	vmax.f32 v12, $0.0e+00  }
0x408: {  	v4 =	vsub.f32 v4, v58;
	v8 =	vadd.f32 v13, v8;
	v7 =	vmul.f32 v60, v60  }
0x409: {  	v10 =	vsub.f32 v10, v61;
	v5 =	vadd.f32 v5, v6;
	v3 =	vmax.f32 v3, $0.0e+00  }
0x40a: {  	v4 =	vmax.f32 v4, $0.0e+00;
	v3 =	vmul.f32 v3, v3;
	v62 =	vadd.f32 v7, v8  }
0x40b: {  	v63 =	vmax.f32 v10, $0.0e+00;
	v5 =	vadd.f32 v9, v5;
	v4 =	vmul.f32 v4, v4  }
0x40c: {  	v7 =	vmul.f32 v63, v63;
	v3 =	vadd.f32 v3, v62  }
0x40d: {  	v4 =	vadd.f32 v4, v5  }
0x40e: {  	v3 =	vadd.f32 v7, v3  }
0x40f: {  	[tilespmem:s31+$0xFFFFFF80] =	vst v4  }
0x410: {  	[tilespmem:s31+$0x0] =	vst v3  }
0x411: {  	_ =	strace $0x9000004D  }
0x412: {  	s3 =	simm.s32 $0x14000;
	_ =	strace $0x8000004E  }
0x413: {  	[hbm4b:s8+s6] =	stream.linear.scatter [tilespmem:s3], [sflag:$0x8], $0x480, $0x200038;
	[tilespmem:$0x1C000] =	vst v63  }
0x414: {  	s10 =	sadd.s32 $0x100, s8;
	s13 =	simm.s32 $0x14800  }
0x415: {  	[hbm4b:s10+s6] =	stream.linear.scatter [tilespmem:s13], [sflag:$0x8], $0x480, $0x200038;
	[tilespmem:$0x1C000] =	vst v63  }
0x416: {  	s14 =	sadd.s32 $0x200, s8;
	s15 =	simm.s32 $0x15000  }
0x417: {  	[hbm4b:s14+s6] =	stream.linear.scatter [tilespmem:s15], [sflag:$0x8], $0x480, $0x200038;
	[tilespmem:$0x1C000] =	vst v63  }
0x418: {  	s22 =	sadd.s32 $0x300, s8;
	s23 =	simm.s32 $0x15800  }
0x419: {  	[hbm4b:s22+s6] =	stream.linear.scatter [tilespmem:s23], [sflag:$0x8], $0x480, $0x200038;
	[tilespmem:$0x1C000] =	vst v63  }
0x41a: {  	s28 =	sadd.s32 $0x400, s8;
	s29 =	simm.s32 $0x16000  }
0x41b: {  	[hbm4b:s28+s6] =	stream.linear.scatter [tilespmem:s29], [sflag:$0x8], $0x480, $0x200038;
	[tilespmem:$0x1C000] =	vst v63  }
0x41c: {  	s30 =	sadd.s32 $0x500, s8;
	s31 =	simm.s32 $0x16800  }
0x41d: {  	[hbm4b:s30+s6] =	stream.linear.scatter [tilespmem:s31], [sflag:$0x8], $0x480, $0x200038;
	[tilespmem:$0x1C000] =	vst v63  }
0x41e: {  	s10 =	sadd.s32 $0x600, s8;
	s13 =	simm.s32 $0x17000  }
0x41f: {  	[hbm4b:s10+s6] =	stream.linear.scatter [tilespmem:s13], [sflag:$0x8], $0x480, $0x200038;
	[tilespmem:$0x1C000] =	vst v63  }
0x420: {  	s14 =	sadd.s32 $0x700, s8;
	s15 =	simm.s32 $0x17800  }
0x421: {  	[hbm4b:s14+s6] =	stream.linear.scatter [tilespmem:s15], [sflag:$0x8], $0x480, $0x200038;
	[tilespmem:$0x1C000] =	vst v63  }
0x422: {  	s22 =	sadd.s32 $0x800, s8;
	s23 =	simm.s32 $0x18000  }
0x423: {  	[hbm4b:s22+s6] =	stream.linear.scatter [tilespmem:s23], [sflag:$0x8], $0x480, $0x200038;
	[tilespmem:$0x1C000] =	vst v63  }
0x424: {  	s28 =	sadd.s32 $0x900, s8;
	s29 =	simm.s32 $0x18800  }
0x425: {  	[hbm4b:s28+s6] =	stream.linear.scatter [tilespmem:s29], [sflag:$0x8], $0x480, $0x200038;
	[tilespmem:$0x1C000] =	vst v63  }
0x426: {  	s30 =	sadd.s32 $0xA00, s8;
	s31 =	simm.s32 $0x19000  }
0x427: {  	[hbm4b:s30+s6] =	stream.linear.scatter [tilespmem:s31], [sflag:$0x8], $0x480, $0x200038;
	[tilespmem:$0x1C000] =	vst v63  }
0x428: {  	s10 =	sadd.s32 $0xB00, s8;
	s13 =	simm.s32 $0x19800  }
0x429: {  	[hbm4b:s10+s6] =	stream.linear.scatter [tilespmem:s13], [sflag:$0x8], $0x480, $0x200038;
	[tilespmem:$0x1C000] =	vst v63  }
0x42a: {  	s14 =	sadd.s32 $0xC00, s8;
	s15 =	simm.s32 $0x1A000  }
0x42b: {  	[hbm4b:s14+s6] =	stream.linear.scatter [tilespmem:s15], [sflag:$0x8], $0x480, $0x200038;
	[tilespmem:$0x1C000] =	vst v63  }
0x42c: {  	s22 =	sadd.s32 $0xD00, s8;
	s23 =	simm.s32 $0x1A800  }
0x42d: {  	[hbm4b:s22+s6] =	stream.linear.scatter [tilespmem:s23], [sflag:$0x8], $0x480, $0x200038;
	[tilespmem:$0x1C000] =	vst v63  }
0x42e: {  	s25 =	sadd.s32 $0x1, s25;
	s28 =	sadd.s32 $0xE00, s8;
	s29 =	simm.s32 $0x1B000  }
0x42f: {  	[hbm4b:s28+s6] =	stream.linear.scatter [tilespmem:s29], [sflag:$0x8], $0x480, $0x200038;
	[tilespmem:$0x1C000] =	vst v63  }
0x430: {  	p0 =	sne.s32 s25, s9;
	s30 =	sadd.s32 $0xF00, s8;
	s31 =	simm.s32 $0x1B800  }
0x431: {  	[hbm4b:s30+s6] =	stream.linear.scatter [tilespmem:s31], [sflag:$0x8], $0x480, $0x200038;
	[tilespmem:$0x1C000] =	vst v63  }
.Ltmp6:
0x432: {  	_ = 	snop;
	(pc) =	sbr.rel @p0 .LBB2_1-.Ltmp6, $4  }
0x433: {  	_ =	swait.ge [sflag:s24], $0x4800  }
0x434: {  	[sflag:s24] =	ssyncset.done $0x0  }
0x435: {  	[sflag:s24] =	ssyncadd.s32 $0xFFFFB800  }
0x436: {  	_ =	strace $0x9000004E  }
0x437: {  	_ =	sfence.sel $0x180000  }
0x438: {  	[bflag:$0x0] =	sbarrier.arrive $0xFFFF  }
0x439: {  	_ =	strace $0x90000047  }
0x43a: {  	s0 =	stileid.u32;
	[bflag:$0x2] =	sbarrier.arrive $0xFFFF  }
0x43b: {  	p0 =	sne.s32 s0, $0x0;
	s0 =	rddreg [dreg:$0x5]  }
0x43c: {  	s0 =	sadd.s32 @!p0 $0x100000, s0  }
0x43d: {  	[sflag:s0] =	ssyncadd.tile.s32 @!p0 $0x1;
	_ =	shalt  }
.Lfunc_end2:
_tile_overlayer_lowered:
.L_overlay_start_2:
0x43e: {  	(tag) =	ssettag $0x2  }
0x43f: {  	s0 =	rddreg [dreg:$0x0];
	s2 =	stileid.u32  }
0x440: {  	s1 =	rddreg [dreg:$0x1];
	p0 =	sne.s32 s2, $0x0  }
0x441: {  	s3 =	rddreg [dreg:$0x2];
	[bflag:$0x3] =	sbarrier.arrive $0xFFFF;
	s2 =	simm.s32 @!p0 $0x1C08  }
0x442: {  	[timem:s3], [sflag:s2] =	dma.local @!p0 [hbm:s0], s1  }
0x443: {  	s0 =	simm.s32 @!p0 $0x8  }
0x444: {  	_ =	swait.ge @!p0 [sflag:s0], s1  }
0x445: {  	s1 =	ssub.s32 @!p0 $0x0, s1;
	[sflag:s0] =	ssyncset.done @!p0 $0x0  }
0x446: {  	[sflag:s0] =	ssyncadd.s32 @!p0 s1  }
0x447: {  	[bflag:$0x3] =	sbarrier.arrive $0xFFFF  }
0x448: {  	_ =	shalt  }

</sc_bundles>
